<compile_context>
chip_gen: v7x
topology: tpu7x:2x2x1
jax: 0.10.2.dev20260603
libtpu: 0.0.44.dev20260713+nightly
codegen_flags: <defaults>
</compile_context>

<pallas_src>
import functools

import jax
import jax.numpy as jnp
from jax import lax
from jax.experimental import pallas as pl
from jax.experimental.pallas import tpu as pltpu
from jax.experimental.pallas import tpu_sc as plsc

_D_MODEL = 4096
_D_BOT = 256
_SEQ = 2048
_TILE = 256
_SPARSITY = 0.1
_N = _D_MODEL * _D_BOT
_J = int((1.0 - _SPARSITY) * _N)

_NTILES = 16
_CHUNK = _N // _NTILES
_NV = _CHUNK // 16
_UNROLL = 8


def _sc_select_body(ds_hbm, us_hbm, thr_hbm, xf, hist, tmp, tbuf, bbuf,
                    shist_all, sbox_b, sbox_r, dma_sem):
    c = lax.axis_index("c")
    s = lax.axis_index("s")
    off = s * _CHUNK

    @pl.when(c == 0)
    def _():
        pltpu.sync_copy(ds_hbm.at[pl.ds(off, _CHUNK)], xf)

    @pl.when(c == 1)
    def _():
        pltpu.sync_copy(us_hbm.at[pl.ds(off, _CHUNK)], xf)

    ones = jnp.ones((16,), jnp.int32)

    def run_phase(phase, pref, rank):
        @plsc.parallel_loop(0, 128, unroll=8)
        def _zero(i):
            hist[pl.ds(16 * i, 16)] = jnp.zeros((16,), jnp.int32)

        @plsc.parallel_loop(0, _NV, unroll=_UNROLL)
        def _scan(i):
            x = xf[pl.ds(16 * i, 16)]
            u = lax.bitcast_convert_type(jnp.abs(x), jnp.int32)
            if phase == 0:
                b = u >> 20
                plsc.addupdate_scatter(hist, [b], ones)
            elif phase == 1:
                b = (u >> 9) & 2047
                plsc.addupdate_scatter(hist, [b], ones,
                                       mask=(u >> 20) == pref)
            else:
                b = u & 511
                plsc.addupdate_scatter(hist, [b], ones,
                                       mask=(u >> 9) == pref)

        pltpu.sync_copy(hist, shist_all.at[s])
        plsc.subcore_barrier()

        nb = 2048 if phase < 2 else 512

        @pl.when(s == 0)
        def _merge():
            copies = [
                pltpu.async_copy(shist_all.at[t],
                                 tmp.at[pl.ds(2048 * t, 2048)], dma_sem)
                for t in range(_NTILES)
            ]
            for cp in copies:
                cp.wait()

            z = jnp.int32(0)

            @plsc.parallel_loop(0, nb // 16, unroll=4, carry=(z, z, z))
            def sbody(i, carry):
                csum, bstar, ce = carry
                acc = tmp[pl.ds(16 * i, 16)]
                for t in range(1, _NTILES):
                    acc = acc + tmp[pl.ds(2048 * t + 16 * i, 16)]
                vc = plsc.cumsum(acc) + csum
                pred = vc <= rank
                nlow = jnp.sum(pred.astype(jnp.int32))
                clow = jnp.sum(jnp.where(pred, acc, jnp.int32(0)))
                return (csum + jnp.sum(acc), bstar + nlow, ce + clow)

            _, bstar, ce = sbody
            tbuf[...] = jnp.zeros((16,), jnp.int32) + bstar
            bbuf[...] = jnp.zeros((16,), jnp.int32) + ce
            pltpu.sync_copy(tbuf, sbox_b)
            pltpu.sync_copy(bbuf, sbox_r)

        plsc.subcore_barrier()
        pltpu.sync_copy(sbox_b, tbuf)
        pltpu.sync_copy(sbox_r, bbuf)
        bstar_v = tbuf[...]
        rank_v = rank - bbuf[...]
        return bstar_v, rank_v

    b0, r1 = run_phase(0, jnp.int32(0), jnp.int32(_J))
    b1, r2 = run_phase(1, b0, r1)
    p01 = b0 * 2048 + b1
    b2, _ = run_phase(2, p01, r2)
    thr = (p01 << 9) | b2
    tbuf[...] = thr

    @pl.when(s == 0)
    def _():
        pltpu.sync_copy(tbuf, thr_hbm.at[c])


def _sc_select(ds_flat, us_flat):
    mesh = plsc.VectorSubcoreMesh(core_axis_name="c", subcore_axis_name="s")
    kfn = functools.partial(
        pl.kernel,
        mesh=mesh,
        out_type=jax.ShapeDtypeStruct((2, 16), jnp.int32),
        scratch_types=[
            pltpu.VMEM((_CHUNK,), jnp.float32),
            pltpu.VMEM((2048,), jnp.int32),
            pltpu.VMEM((2048 * _NTILES,), jnp.int32),
            pltpu.VMEM((16,), jnp.int32),
            pltpu.VMEM((16,), jnp.int32),
            pltpu.VMEM_SHARED((_NTILES, 2048), jnp.int32),
            pltpu.VMEM_SHARED((16,), jnp.int32),
            pltpu.VMEM_SHARED((16,), jnp.int32),
            pltpu.SemaphoreType.DMA,
        ],
        compiler_params=pltpu.CompilerParams(needs_layout_passes=False),
    )(_sc_select_body)
    return kfn(ds_flat, us_flat)


def _tc_mlp_kernel(thr_ref, z_ref, wd_ref, bd_ref, wu_ref, bu_ref, ds_ref,
                   us_ref, out_ref, wdm_ref, wum_ref):
    pid = pl.program_id(0)

    @pl.when(pid == 0)
    def _mask_weights():
        ud = lax.bitcast_convert_type(jnp.abs(ds_ref[...]), jnp.int32)
        uu = lax.bitcast_convert_type(jnp.abs(us_ref[...]), jnp.int32)
        wdm_ref[...] = wd_ref[...] * (ud >= thr_ref[0, 0]).astype(jnp.float32)
        wum_ref[...] = wu_ref[...] * (uu >= thr_ref[1, 0]).astype(jnp.float32)

    z = z_ref[...]
    h = lax.dot_general(z, wdm_ref[...], (((1,), (1,)), ((), ())),
                        preferred_element_type=jnp.float32)
    h = jax.nn.gelu(h + bd_ref[...])
    o = lax.dot_general(h, wum_ref[...], (((1,), (1,)), ((), ())),
                        preferred_element_type=jnp.float32)
    out_ref[...] = o + bu_ref[...] + z


@jax.jit
def kernel(inputs, W_down, b_down, W_up, b_up, down_scores, up_scores):
    z = inputs.reshape(_SEQ, _D_MODEL)
    bd = b_down.reshape(1, _D_BOT)
    bu = b_up.reshape(1, _D_MODEL)
    n_tiles = _SEQ // _TILE

    thr = _sc_select(down_scores.reshape(-1), up_scores.reshape(-1))

    out = pl.pallas_call(
        _tc_mlp_kernel,
        grid=(n_tiles,),
        in_specs=[
            pl.BlockSpec(memory_space=pltpu.MemorySpace.SMEM),
            pl.BlockSpec((_TILE, _D_MODEL), lambda i: (i, 0)),
            pl.BlockSpec((_D_BOT, _D_MODEL), lambda i: (0, 0)),
            pl.BlockSpec((1, _D_BOT), lambda i: (0, 0)),
            pl.BlockSpec((_D_MODEL, _D_BOT), lambda i: (0, 0)),
            pl.BlockSpec((1, _D_MODEL), lambda i: (0, 0)),
            pl.BlockSpec((_D_BOT, _D_MODEL), lambda i: (0, 0)),
            pl.BlockSpec((_D_MODEL, _D_BOT), lambda i: (0, 0)),
        ],
        out_specs=pl.BlockSpec((_TILE, _D_MODEL), lambda i: (i, 0)),
        out_shape=jax.ShapeDtypeStruct((_SEQ, _D_MODEL), jnp.float32),
        scratch_shapes=[
            pltpu.VMEM((_D_BOT, _D_MODEL), jnp.float32),
            pltpu.VMEM((_D_MODEL, _D_BOT), jnp.float32),
        ],
        compiler_params=pltpu.CompilerParams(
            dimension_semantics=("arbitrary",),
        ),
    )(thr, z, W_down, bd, W_up, bu, down_scores, up_scores)
    return out.reshape(inputs.shape)

# --- scband reference (transcript-rebuilt; emitter-appended) ---
"""Pipeline reference for scband-adapter-controller-74620761801352 (READ-ONLY COPY).

The authoritative reference and input builder live on the scoring server;
editing this copy changes nothing except your own understanding.
"""

import jax, jax.numpy as jnp
import numpy as np
import math

SPARSITY = 0.1
D_MODEL = 4096
D_BOTTLENECK = 256  # d_model / reduction_factor (16)


def get_subnet(scores, k):
    # Faithful port of GetSubnet.forward: sort |scores| flat, zero bottom (1-k) fraction,
    # set top k fraction to 1. Straight-through gradient handled in fwdbwd module.
    flat = scores.reshape(-1)
    n = flat.shape[0]
    j = int((1.0 - k) * n)
    idx = jnp.argsort(flat)
    out = jnp.empty_like(flat)
    out = out.at[idx[:j]].set(0.0)
    out = out.at[idx[j:]].set(1.0)
    return out.reshape(scores.shape)


def param_mask(param, k):
    # ParamMask.forward: GetSubnet.apply(param.abs(), sparsity)
    return get_subnet(jnp.abs(param), k)


def adapter_forward(z, W_down, b_down, W_up, b_up, down_mask, up_mask):
    # Adapter with masked down/up projection weights
    h = z @ (W_down * down_mask).T + b_down
    h = jax.nn.gelu(h)
    out = h @ (W_up * up_mask).T + b_up
    return out


def setup_inputs(seed: int = 0) -> dict:
    key = jax.random.key(seed)
    k0, k1, k2, k3, k4 = jax.random.split(key, 5)
    inputs = jax.random.normal(k0, (1, 2048, D_MODEL), dtype=jnp.float32)
    W_down = jax.random.normal(k1, (D_BOTTLENECK, D_MODEL), dtype=jnp.float32) * 0.02
    b_down = jnp.zeros((D_BOTTLENECK,), dtype=jnp.float32)
    W_up = jax.random.normal(k2, (D_MODEL, D_BOTTLENECK), dtype=jnp.float32) * 0.02
    b_up = jnp.zeros((D_MODEL,), dtype=jnp.float32)
    # kaiming_uniform_(a=sqrt(5)) style init for scores
    bound_down = 1.0 / math.sqrt(D_MODEL)
    bound_up = 1.0 / math.sqrt(D_BOTTLENECK)
    down_scores = jax.random.uniform(k3, (D_BOTTLENECK, D_MODEL), dtype=jnp.float32, minval=-bound_down, maxval=bound_down)
    up_scores = jax.random.uniform(k4, (D_MODEL, D_BOTTLENECK), dtype=jnp.float32, minval=-bound_up, maxval=bound_up)
    return {"inputs": inputs, "W_down": W_down, "b_down": b_down, "W_up": W_up, "b_up": b_up, "down_scores": down_scores, "up_scores": up_scores}


def reference(inputs, W_down, b_down, W_up, b_up, down_scores, up_scores):
    # AdapterController.forward with use_multilingual=False, mask_extreme_mode=False,
    # adapter_config_name != 'preiffer' (z = inputs), task='task1' -> 'common_adapter'
    down_mask = param_mask(down_scores, SPARSITY)
    up_mask = param_mask(up_scores, SPARSITY)
    out = adapter_forward(inputs, W_down, b_down, W_up, b_up, down_mask, up_mask)
    return out + inputs

if __name__ == "__main__":
    import jax
    _d = setup_inputs()
    print(jax.jit(kernel)(*tuple(_d.values())))

</pallas_src>

<mosaic_0001>
#map = affine_map<(d0, d1) -> (0)>
#map1 = affine_map<(d0, d1) -> (0, 0)>
module attributes {stable_mosaic.version = 14 : i64} {
  func.func @_sc_select_body(%arg0: i32, %arg1: i32, %arg2: memref<1048576xf32, #tpu.memory_space<hbm>>, %arg3: memref<1048576xf32, #tpu.memory_space<hbm>>, %arg4: memref<2x16xi32, #tpu.memory_space<hbm>>, %arg5: memref<65536xf32, #tpu.memory_space<vmem>>, %arg6: memref<2048xi32, #tpu.memory_space<vmem>>, %arg7: memref<32768xi32, #tpu.memory_space<vmem>>, %arg8: memref<16xi32, #tpu.memory_space<vmem>>, %arg9: memref<16xi32, #tpu.memory_space<vmem>>, %arg10: memref<16x2048xi32, #tpu.memory_space<vmem_shared>>, %arg11: memref<16xi32, #tpu.memory_space<vmem_shared>>, %arg12: memref<16xi32, #tpu.memory_space<vmem_shared>>, %arg13: memref<!tpu.dma_semaphore, #tpu.memory_space<semaphore_mem>>) attributes {dimension_semantics = [#tpu.dimension_semantics<core_parallel>, #tpu.dimension_semantics<subcore_parallel>], iteration_bounds = array<i64: 2, 16>, scalar_prefetch = 0 : i64, scratch_operands = 9 : i64, tpu.core_type = #tpu.core_type<sc_vector_subcore>, window_params = [{transform_indices = #map}, {transform_indices = #map}, {transform_indices = #map1}]} {
    %mul3A = arith.constant 65536 : i32
    %mul3A_0 = arith.muli %arg1, %mul3A : i32
    %eq3A = arith.constant 0 : i32
    %eq3A_1 = arith.cmpi eq, %arg0, %eq3A : i32
    %convert_element_type3A = arith.extui %eq3A_1 : i1 to i32
    %cond3A = arith.constant 0 : i32
    %cond3A_2 = arith.cmpi ne, %convert_element_type3A, %cond3A : i32
    scf.if %cond3A_2 {
      "tpu.region"() ({
        %run_scoped3A = tpu.sem_alloc : memref<!tpu.dma_semaphore, #tpu.memory_space<semaphore_mem>>
        %dma_start3A = tpu.memref_slice %arg2[%mul3A_0] : memref<1048576xf32, #tpu.memory_space<hbm>> -> memref<65536xf32, #tpu.memory_space<hbm>>
        %dma_start3A_73 = tpu.memref_slice %arg2[%mul3A_0] : memref<1048576xf32, #tpu.memory_space<hbm>> -> memref<65536xf32, #tpu.memory_space<hbm>>
        tpu.enqueue_dma source(%dma_start3A_73 : memref<65536xf32, #tpu.memory_space<hbm>>) target(%arg5 : memref<65536xf32, #tpu.memory_space<vmem>>) target_semaphore(%run_scoped3A : memref<!tpu.dma_semaphore, #tpu.memory_space<semaphore_mem>>)
        %dma_wait3A = tpu.memref_slice %arg2[%mul3A_0] : memref<1048576xf32, #tpu.memory_space<hbm>> -> memref<65536xf32, #tpu.memory_space<hbm>>
        %dma_wait3A_74 = tpu.memref_slice %arg2[%mul3A_0] : memref<1048576xf32, #tpu.memory_space<hbm>> -> memref<65536xf32, #tpu.memory_space<hbm>>
        tpu.wait_dma2 semaphore(%run_scoped3A : memref<!tpu.dma_semaphore, #tpu.memory_space<semaphore_mem>>) src(%dma_wait3A_74 : memref<65536xf32, #tpu.memory_space<hbm>>) dst(%arg5 : memref<65536xf32, #tpu.memory_space<vmem>>)
        tpu.yield
      }) : () -> ()
    } else {
    }
    %eq3A_3 = arith.constant 1 : i32
    %eq3A_4 = arith.cmpi eq, %arg0, %eq3A_3 : i32
    %convert_element_type3A_5 = arith.extui %eq3A_4 : i1 to i32
    %cond3A_6 = arith.constant 0 : i32
    %cond3A_7 = arith.cmpi ne, %convert_element_type3A_5, %cond3A_6 : i32
    scf.if %cond3A_7 {
      "tpu.region"() ({
        %run_scoped3A = tpu.sem_alloc : memref<!tpu.dma_semaphore, #tpu.memory_space<semaphore_mem>>
        %dma_start3A = tpu.memref_slice %arg3[%mul3A_0] : memref<1048576xf32, #tpu.memory_space<hbm>> -> memref<65536xf32, #tpu.memory_space<hbm>>
        %dma_start3A_73 = tpu.memref_slice %arg3[%mul3A_0] : memref<1048576xf32, #tpu.memory_space<hbm>> -> memref<65536xf32, #tpu.memory_space<hbm>>
        tpu.enqueue_dma source(%dma_start3A_73 : memref<65536xf32, #tpu.memory_space<hbm>>) target(%arg5 : memref<65536xf32, #tpu.memory_space<vmem>>) target_semaphore(%run_scoped3A : memref<!tpu.dma_semaphore, #tpu.memory_space<semaphore_mem>>)
        %dma_wait3A = tpu.memref_slice %arg3[%mul3A_0] : memref<1048576xf32, #tpu.memory_space<hbm>> -> memref<65536xf32, #tpu.memory_space<hbm>>
        %dma_wait3A_74 = tpu.memref_slice %arg3[%mul3A_0] : memref<1048576xf32, #tpu.memory_space<hbm>> -> memref<65536xf32, #tpu.memory_space<hbm>>
        tpu.wait_dma2 semaphore(%run_scoped3A : memref<!tpu.dma_semaphore, #tpu.memory_space<semaphore_mem>>) src(%dma_wait3A_74 : memref<65536xf32, #tpu.memory_space<hbm>>) dst(%arg5 : memref<65536xf32, #tpu.memory_space<vmem>>)
        tpu.yield
      }) : () -> ()
    } else {
    }
    %broadcast_in_dim3A = arith.constant 1 : i32
    %broadcast_in_dim3A_8 = vector.broadcast %broadcast_in_dim3A : i32 to vector<16xi32>
    %parallel_loop3A = arith.constant 0 : i32
    %parallel_loop3A_9 = arith.constant 128 : i32
    %parallel_loop3A_10 = arith.constant 1 : i32
    scf.for %parallel_loop3A_73 = %parallel_loop3A to %parallel_loop3A_9 step %parallel_loop3A_10  : i32 {
      %parallel_loop3A_74 = arith.constant 0 : i32
      %parallel_loop3A_75 = vector.broadcast %parallel_loop3A_74 : i32 to vector<16xi32>
      %parallel_loop3A_76 = arith.constant 16 : i32
      %parallel_loop3A_77 = arith.muli %parallel_loop3A_76, %parallel_loop3A_73 : i32
      %parallel_loop3A_78 = arith.index_cast %parallel_loop3A_77 : i32 to index
      %parallel_loop3A_79 = tpu.vector_load %arg6[%parallel_loop3A_78] {strides = array<i32>} : memref<2048xi32, #tpu.memory_space<vmem>>, vector<16xi32>,
      tpu.vector_store %arg6[%parallel_loop3A_78], %parallel_loop3A_75 {strides = array<i32>} : memref<2048xi32, #tpu.memory_space<vmem>>, vector<16xi32>,
    } {sc.loop_unroll_factor = 8 : i64, sc.parallel_access}
    %parallel_loop3A_11 = arith.constant 0 : i32
    %parallel_loop3A_12 = arith.constant 4096 : i32
    %parallel_loop3A_13 = arith.constant 1 : i32
    scf.for %parallel_loop3A_73 = %parallel_loop3A_11 to %parallel_loop3A_12 step %parallel_loop3A_13  : i32 {
      %parallel_loop3A_74 = arith.constant 16 : i32
      %parallel_loop3A_75 = arith.muli %parallel_loop3A_74, %parallel_loop3A_73 : i32
      %parallel_loop3A_76 = arith.index_cast %parallel_loop3A_75 : i32 to index
      %parallel_loop3A_77 = tpu.vector_load %arg5[%parallel_loop3A_76] {strides = array<i32>} : memref<65536xf32, #tpu.memory_space<vmem>>, vector<16xf32>,
      %parallel_loop3A_78 = math.absf %parallel_loop3A_77 : vector<16xf32>
      %parallel_loop3A_79 = tpu.bitcast %parallel_loop3A_78 : vector<16xf32> -> vector<16xi32>
      %parallel_loop3A_80 = arith.constant 20 : i32
      %parallel_loop3A_81 = vector.broadcast %parallel_loop3A_80 : i32 to vector<16xi32>
      %parallel_loop3A_82 = arith.shrsi %parallel_loop3A_79, %parallel_loop3A_81 : vector<16xi32>
      tpu.vector_store_idx %arg6[%parallel_loop3A_82], %broadcast_in_dim3A_8 {add = true} : memref<2048xi32, #tpu.memory_space<vmem>>[vector<16xi32>], vector<16xi32>,
    } {sc.loop_unroll_factor = 8 : i64, sc.parallel_access}
    "tpu.region"() ({
      %run_scoped3A = tpu.sem_alloc : memref<!tpu.dma_semaphore, #tpu.memory_space<semaphore_mem>>
      %dma_start3A = arith.constant 0 : i32
      %dma_start3A_73 = tpu.memref_slice %arg10[%arg1, %dma_start3A] : memref<16x2048xi32, #tpu.memory_space<vmem_shared>> -> memref<1x2048xi32, #tpu.memory_space<vmem_shared>>
      %dma_start3A_74 = tpu.memref_squeeze %dma_start3A_73 : memref<1x2048xi32, #tpu.memory_space<vmem_shared>> -> memref<2048xi32, #tpu.memory_space<vmem_shared>>
      %dma_start3A_75 = arith.constant 0 : i32
      %dma_start3A_76 = tpu.memref_slice %arg10[%arg1, %dma_start3A_75] : memref<16x2048xi32, #tpu.memory_space<vmem_shared>> -> memref<1x2048xi32, #tpu.memory_space<vmem_shared>>
      %dma_start3A_77 = tpu.memref_squeeze %dma_start3A_76 : memref<1x2048xi32, #tpu.memory_space<vmem_shared>> -> memref<2048xi32, #tpu.memory_space<vmem_shared>>
      tpu.enqueue_dma source(%arg6 : memref<2048xi32, #tpu.memory_space<vmem>>) target(%dma_start3A_77 : memref<2048xi32, #tpu.memory_space<vmem_shared>>) target_semaphore(%run_scoped3A : memref<!tpu.dma_semaphore, #tpu.memory_space<semaphore_mem>>)
      %dma_wait3A = arith.constant 0 : i32
      %dma_wait3A_78 = tpu.memref_slice %arg10[%arg1, %dma_wait3A] : memref<16x2048xi32, #tpu.memory_space<vmem_shared>> -> memref<1x2048xi32, #tpu.memory_space<vmem_shared>>
      %dma_wait3A_79 = tpu.memref_squeeze %dma_wait3A_78 : memref<1x2048xi32, #tpu.memory_space<vmem_shared>> -> memref<2048xi32, #tpu.memory_space<vmem_shared>>
      %dma_wait3A_80 = arith.constant 0 : i32
      %dma_wait3A_81 = tpu.memref_slice %arg10[%arg1, %dma_wait3A_80] : memref<16x2048xi32, #tpu.memory_space<vmem_shared>> -> memref<1x2048xi32, #tpu.memory_space<vmem_shared>>
      %dma_wait3A_82 = tpu.memref_squeeze %dma_wait3A_81 : memref<1x2048xi32, #tpu.memory_space<vmem_shared>> -> memref<2048xi32, #tpu.memory_space<vmem_shared>>
      tpu.wait_dma2 semaphore(%run_scoped3A : memref<!tpu.dma_semaphore, #tpu.memory_space<semaphore_mem>>) src(%arg6 : memref<2048xi32, #tpu.memory_space<vmem>>) dst(%dma_wait3A_82 : memref<2048xi32, #tpu.memory_space<vmem_shared>>)
      tpu.yield
    }) : () -> ()
    %barrier3A = arith.constant 0 : index
    tpu.barrier barrier_id(%barrier3A)
    %eq3A_14 = arith.constant 0 : i32
    %eq3A_15 = arith.cmpi eq, %arg1, %eq3A_14 : i32
    %convert_element_type3A_16 = arith.extui %eq3A_15 : i1 to i32
    %cond3A_17 = arith.constant 943718 : i32
    %cond3A_18 = arith.constant 0 : i32
    %cond3A_19 = arith.cmpi ne, %convert_element_type3A_16, %cond3A_18 : i32
    scf.if %cond3A_19 {
      %dma_start3A = arith.constant 0 : i32
      %dma_start3A_73 = arith.constant 0 : i32
      %dma_start3A_74 = tpu.memref_slice %arg7[%dma_start3A_73] : memref<32768xi32, #tpu.memory_space<vmem>> -> memref<2048xi32, #tpu.memory_space<vmem>>
      %dma_start3A_75 = arith.constant 0 : i32
      %dma_start3A_76 = tpu.memref_slice %arg10[%dma_start3A, %dma_start3A_75] : memref<16x2048xi32, #tpu.memory_space<vmem_shared>> -> memref<1x2048xi32, #tpu.memory_space<vmem_shared>>
      %dma_start3A_77 = tpu.memref_squeeze %dma_start3A_76 : memref<1x2048xi32, #tpu.memory_space<vmem_shared>> -> memref<2048xi32, #tpu.memory_space<vmem_shared>>
      %dma_start3A_78 = arith.constant 0 : i32
      %dma_start3A_79 = tpu.memref_slice %arg7[%dma_start3A_78] : memref<32768xi32, #tpu.memory_space<vmem>> -> memref<2048xi32, #tpu.memory_space<vmem>>
      %dma_start3A_80 = arith.constant 0 : i32
      %dma_start3A_81 = tpu.memref_slice %arg10[%dma_start3A, %dma_start3A_80] : memref<16x2048xi32, #tpu.memory_space<vmem_shared>> -> memref<1x2048xi32, #tpu.memory_space<vmem_shared>>
      %dma_start3A_82 = tpu.memref_squeeze %dma_start3A_81 : memref<1x2048xi32, #tpu.memory_space<vmem_shared>> -> memref<2048xi32, #tpu.memory_space<vmem_shared>>
      tpu.enqueue_dma source(%dma_start3A_82 : memref<2048xi32, #tpu.memory_space<vmem_shared>>) target(%dma_start3A_79 : memref<2048xi32, #tpu.memory_space<vmem>>) target_semaphore(%arg13 : memref<!tpu.dma_semaphore, #tpu.memory_space<semaphore_mem>>)
      %dma_start3A_83 = arith.constant 1 : i32
      %dma_start3A_84 = arith.constant 2048 : i32
      %dma_start3A_85 = tpu.memref_slice %arg7[%dma_start3A_84] : memref<32768xi32, #tpu.memory_space<vmem>> -> memref<2048xi32, #tpu.memory_space<vmem>>
      %dma_start3A_86 = arith.constant 0 : i32
      %dma_start3A_87 = tpu.memref_slice %arg10[%dma_start3A_83, %dma_start3A_86] : memref<16x2048xi32, #tpu.memory_space<vmem_shared>> -> memref<1x2048xi32, #tpu.memory_space<vmem_shared>>
      %dma_start3A_88 = tpu.memref_squeeze %dma_start3A_87 : memref<1x2048xi32, #tpu.memory_space<vmem_shared>> -> memref<2048xi32, #tpu.memory_space<vmem_shared>>
      %dma_start3A_89 = arith.constant 2048 : i32
      %dma_start3A_90 = tpu.memref_slice %arg7[%dma_start3A_89] : memref<32768xi32, #tpu.memory_space<vmem>> -> memref<2048xi32, #tpu.memory_space<vmem>>
      %dma_start3A_91 = arith.constant 0 : i32
      %dma_start3A_92 = tpu.memref_slice %arg10[%dma_start3A_83, %dma_start3A_91] : memref<16x2048xi32, #tpu.memory_space<vmem_shared>> -> memref<1x2048xi32, #tpu.memory_space<vmem_shared>>
      %dma_start3A_93 = tpu.memref_squeeze %dma_start3A_92 : memref<1x2048xi32, #tpu.memory_space<vmem_shared>> -> memref<2048xi32, #tpu.memory_space<vmem_shared>>
      tpu.enqueue_dma source(%dma_start3A_93 : memref<2048xi32, #tpu.memory_space<vmem_shared>>) target(%dma_start3A_90 : memref<2048xi32, #tpu.memory_space<vmem>>) target_semaphore(%arg13 : memref<!tpu.dma_semaphore, #tpu.memory_space<semaphore_mem>>)
      %dma_start3A_94 = arith.constant 2 : i32
      %dma_start3A_95 = arith.constant 4096 : i32
      %dma_start3A_96 = tpu.memref_slice %arg7[%dma_start3A_95] : memref<32768xi32, #tpu.memory_space<vmem>> -> memref<2048xi32, #tpu.memory_space<vmem>>
      %dma_start3A_97 = arith.constant 0 : i32
      %dma_start3A_98 = tpu.memref_slice %arg10[%dma_start3A_94, %dma_start3A_97] : memref<16x2048xi32, #tpu.memory_space<vmem_shared>> -> memref<1x2048xi32, #tpu.memory_space<vmem_shared>>
      %dma_start3A_99 = tpu.memref_squeeze %dma_start3A_98 : memref<1x2048xi32, #tpu.memory_space<vmem_shared>> -> memref<2048xi32, #tpu.memory_space<vmem_shared>>
      %dma_start3A_100 = arith.constant 4096 : i32
      %dma_start3A_101 = tpu.memref_slice %arg7[%dma_start3A_100] : memref<32768xi32, #tpu.memory_space<vmem>> -> memref<2048xi32, #tpu.memory_space<vmem>>
      %dma_start3A_102 = arith.constant 0 : i32
      %dma_start3A_103 = tpu.memref_slice %arg10[%dma_start3A_94, %dma_start3A_102] : memref<16x2048xi32, #tpu.memory_space<vmem_shared>> -> memref<1x2048xi32, #tpu.memory_space<vmem_shared>>
      %dma_start3A_104 = tpu.memref_squeeze %dma_start3A_103 : memref<1x2048xi32, #tpu.memory_space<vmem_shared>> -> memref<2048xi32, #tpu.memory_space<vmem_shared>>
      tpu.enqueue_dma source(%dma_start3A_104 : memref<2048xi32, #tpu.memory_space<vmem_shared>>) target(%dma_start3A_101 : memref<2048xi32, #tpu.memory_space<vmem>>) target_semaphore(%arg13 : memref<!tpu.dma_semaphore, #tpu.memory_space<semaphore_mem>>)
      %dma_start3A_105 = arith.constant 3 : i32
      %dma_start3A_106 = arith.constant 6144 : i32
      %dma_start3A_107 = tpu.memref_slice %arg7[%dma_start3A_106] : memref<32768xi32, #tpu.memory_space<vmem>> -> memref<2048xi32, #tpu.memory_space<vmem>>
      %dma_start3A_108 = arith.constant 0 : i32
      %dma_start3A_109 = tpu.memref_slice %arg10[%dma_start3A_105, %dma_start3A_108] : memref<16x2048xi32, #tpu.memory_space<vmem_shared>> -> memref<1x2048xi32, #tpu.memory_space<vmem_shared>>
      %dma_start3A_110 = tpu.memref_squeeze %dma_start3A_109 : memref<1x2048xi32, #tpu.memory_space<vmem_shared>> -> memref<2048xi32, #tpu.memory_space<vmem_shared>>
      %dma_start3A_111 = arith.constant 6144 : i32
      %dma_start3A_112 = tpu.memref_slice %arg7[%dma_start3A_111] : memref<32768xi32, #tpu.memory_space<vmem>> -> memref<2048xi32, #tpu.memory_space<vmem>>
      %dma_start3A_113 = arith.constant 0 : i32
      %dma_start3A_114 = tpu.memref_slice %arg10[%dma_start3A_105, %dma_start3A_113] : memref<16x2048xi32, #tpu.memory_space<vmem_shared>> -> memref<1x2048xi32, #tpu.memory_space<vmem_shared>>
      %dma_start3A_115 = tpu.memref_squeeze %dma_start3A_114 : memref<1x2048xi32, #tpu.memory_space<vmem_shared>> -> memref<2048xi32, #tpu.memory_space<vmem_shared>>
      tpu.enqueue_dma source(%dma_start3A_115 : memref<2048xi32, #tpu.memory_space<vmem_shared>>) target(%dma_start3A_112 : memref<2048xi32, #tpu.memory_space<vmem>>) target_semaphore(%arg13 : memref<!tpu.dma_semaphore, #tpu.memory_space<semaphore_mem>>)
      %dma_start3A_116 = arith.constant 4 : i32
      %dma_start3A_117 = arith.constant 8192 : i32
      %dma_start3A_118 = tpu.memref_slice %arg7[%dma_start3A_117] : memref<32768xi32, #tpu.memory_space<vmem>> -> memref<2048xi32, #tpu.memory_space<vmem>>
      %dma_start3A_119 = arith.constant 0 : i32
      %dma_start3A_120 = tpu.memref_slice %arg10[%dma_start3A_116, %dma_start3A_119] : memref<16x2048xi32, #tpu.memory_space<vmem_shared>> -> memref<1x2048xi32, #tpu.memory_space<vmem_shared>>
      %dma_start3A_121 = tpu.memref_squeeze %dma_start3A_120 : memref<1x2048xi32, #tpu.memory_space<vmem_shared>> -> memref<2048xi32, #tpu.memory_space<vmem_shared>>
      %dma_start3A_122 = arith.constant 8192 : i32
      %dma_start3A_123 = tpu.memref_slice %arg7[%dma_start3A_122] : memref<32768xi32, #tpu.memory_space<vmem>> -> memref<2048xi32, #tpu.memory_space<vmem>>
      %dma_start3A_124 = arith.constant 0 : i32
      %dma_start3A_125 = tpu.memref_slice %arg10[%dma_start3A_116, %dma_start3A_124] : memref<16x2048xi32, #tpu.memory_space<vmem_shared>> -> memref<1x2048xi32, #tpu.memory_space<vmem_shared>>
      %dma_start3A_126 = tpu.memref_squeeze %dma_start3A_125 : memref<1x2048xi32, #tpu.memory_space<vmem_shared>> -> memref<2048xi32, #tpu.memory_space<vmem_shared>>
      tpu.enqueue_dma source(%dma_start3A_126 : memref<2048xi32, #tpu.memory_space<vmem_shared>>) target(%dma_start3A_123 : memref<2048xi32, #tpu.memory_space<vmem>>) target_semaphore(%arg13 : memref<!tpu.dma_semaphore, #tpu.memory_space<semaphore_mem>>)
      %dma_start3A_127 = arith.constant 5 : i32
      %dma_start3A_128 = arith.constant 10240 : i32
      %dma_start3A_129 = tpu.memref_slice %arg7[%dma_start3A_128] : memref<32768xi32, #tpu.memory_space<vmem>> -> memref<2048xi32, #tpu.memory_space<vmem>>
      %dma_start3A_130 = arith.constant 0 : i32
      %dma_start3A_131 = tpu.memref_slice %arg10[%dma_start3A_127, %dma_start3A_130] : memref<16x2048xi32, #tpu.memory_space<vmem_shared>> -> memref<1x2048xi32, #tpu.memory_space<vmem_shared>>
      %dma_start3A_132 = tpu.memref_squeeze %dma_start3A_131 : memref<1x2048xi32, #tpu.memory_space<vmem_shared>> -> memref<2048xi32, #tpu.memory_space<vmem_shared>>
      %dma_start3A_133 = arith.constant 10240 : i32
      %dma_start3A_134 = tpu.memref_slice %arg7[%dma_start3A_133] : memref<32768xi32, #tpu.memory_space<vmem>> -> memref<2048xi32, #tpu.memory_space<vmem>>
      %dma_start3A_135 = arith.constant 0 : i32
      %dma_start3A_136 = tpu.memref_slice %arg10[%dma_start3A_127, %dma_start3A_135] : memref<16x2048xi32, #tpu.memory_space<vmem_shared>> -> memref<1x2048xi32, #tpu.memory_space<vmem_shared>>
      %dma_start3A_137 = tpu.memref_squeeze %dma_start3A_136 : memref<1x2048xi32, #tpu.memory_space<vmem_shared>> -> memref<2048xi32, #tpu.memory_space<vmem_shared>>
      tpu.enqueue_dma source(%dma_start3A_137 : memref<2048xi32, #tpu.memory_space<vmem_shared>>) target(%dma_start3A_134 : memref<2048xi32, #tpu.memory_space<vmem>>) target_semaphore(%arg13 : memref<!tpu.dma_semaphore, #tpu.memory_space<semaphore_mem>>)
      %dma_start3A_138 = arith.constant 6 : i32
      %dma_start3A_139 = arith.constant 12288 : i32
      %dma_start3A_140 = tpu.memref_slice %arg7[%dma_start3A_139] : memref<32768xi32, #tpu.memory_space<vmem>> -> memref<2048xi32, #tpu.memory_space<vmem>>
      %dma_start3A_141 = arith.constant 0 : i32
      %dma_start3A_142 = tpu.memref_slice %arg10[%dma_start3A_138, %dma_start3A_141] : memref<16x2048xi32, #tpu.memory_space<vmem_shared>> -> memref<1x2048xi32, #tpu.memory_space<vmem_shared>>
      %dma_start3A_143 = tpu.memref_squeeze %dma_start3A_142 : memref<1x2048xi32, #tpu.memory_space<vmem_shared>> -> memref<2048xi32, #tpu.memory_space<vmem_shared>>
      %dma_start3A_144 = arith.constant 12288 : i32
      %dma_start3A_145 = tpu.memref_slice %arg7[%dma_start3A_144] : memref<32768xi32, #tpu.memory_space<vmem>> -> memref<2048xi32, #tpu.memory_space<vmem>>
      %dma_start3A_146 = arith.constant 0 : i32
      %dma_start3A_147 = tpu.memref_slice %arg10[%dma_start3A_138, %dma_start3A_146] : memref<16x2048xi32, #tpu.memory_space<vmem_shared>> -> memref<1x2048xi32, #tpu.memory_space<vmem_shared>>
      %dma_start3A_148 = tpu.memref_squeeze %dma_start3A_147 : memref<1x2048xi32, #tpu.memory_space<vmem_shared>> -> memref<2048xi32, #tpu.memory_space<vmem_shared>>
      tpu.enqueue_dma source(%dma_start3A_148 : memref<2048xi32, #tpu.memory_space<vmem_shared>>) target(%dma_start3A_145 : memref<2048xi32, #tpu.memory_space<vmem>>) target_semaphore(%arg13 : memref<!tpu.dma_semaphore, #tpu.memory_space<semaphore_mem>>)
      %dma_start3A_149 = arith.constant 7 : i32
      %dma_start3A_150 = arith.constant 14336 : i32
      %dma_start3A_151 = tpu.memref_slice %arg7[%dma_start3A_150] : memref<32768xi32, #tpu.memory_space<vmem>> -> memref<2048xi32, #tpu.memory_space<vmem>>
      %dma_start3A_152 = arith.constant 0 : i32
      %dma_start3A_153 = tpu.memref_slice %arg10[%dma_start3A_149, %dma_start3A_152] : memref<16x2048xi32, #tpu.memory_space<vmem_shared>> -> memref<1x2048xi32, #tpu.memory_space<vmem_shared>>
      %dma_start3A_154 = tpu.memref_squeeze %dma_start3A_153 : memref<1x2048xi32, #tpu.memory_space<vmem_shared>> -> memref<2048xi32, #tpu.memory_space<vmem_shared>>
      %dma_start3A_155 = arith.constant 14336 : i32
      %dma_start3A_156 = tpu.memref_slice %arg7[%dma_start3A_155] : memref<32768xi32, #tpu.memory_space<vmem>> -> memref<2048xi32, #tpu.memory_space<vmem>>
      %dma_start3A_157 = arith.constant 0 : i32
      %dma_start3A_158 = tpu.memref_slice %arg10[%dma_start3A_149, %dma_start3A_157] : memref<16x2048xi32, #tpu.memory_space<vmem_shared>> -> memref<1x2048xi32, #tpu.memory_space<vmem_shared>>
      %dma_start3A_159 = tpu.memref_squeeze %dma_start3A_158 : memref<1x2048xi32, #tpu.memory_space<vmem_shared>> -> memref<2048xi32, #tpu.memory_space<vmem_shared>>
      tpu.enqueue_dma source(%dma_start3A_159 : memref<2048xi32, #tpu.memory_space<vmem_shared>>) target(%dma_start3A_156 : memref<2048xi32, #tpu.memory_space<vmem>>) target_semaphore(%arg13 : memref<!tpu.dma_semaphore, #tpu.memory_space<semaphore_mem>>)
      %dma_start3A_160 = arith.constant 8 : i32
      %dma_start3A_161 = arith.constant 16384 : i32
      %dma_start3A_162 = tpu.memref_slice %arg7[%dma_start3A_161] : memref<32768xi32, #tpu.memory_space<vmem>> -> memref<2048xi32, #tpu.memory_space<vmem>>
      %dma_start3A_163 = arith.constant 0 : i32
      %dma_start3A_164 = tpu.memref_slice %arg10[%dma_start3A_160, %dma_start3A_163] : memref<16x2048xi32, #tpu.memory_space<vmem_shared>> -> memref<1x2048xi32, #tpu.memory_space<vmem_shared>>
      %dma_start3A_165 = tpu.memref_squeeze %dma_start3A_164 : memref<1x2048xi32, #tpu.memory_space<vmem_shared>> -> memref<2048xi32, #tpu.memory_space<vmem_shared>>
      %dma_start3A_166 = arith.constant 16384 : i32
      %dma_start3A_167 = tpu.memref_slice %arg7[%dma_start3A_166] : memref<32768xi32, #tpu.memory_space<vmem>> -> memref<2048xi32, #tpu.memory_space<vmem>>
      %dma_start3A_168 = arith.constant 0 : i32
      %dma_start3A_169 = tpu.memref_slice %arg10[%dma_start3A_160, %dma_start3A_168] : memref<16x2048xi32, #tpu.memory_space<vmem_shared>> -> memref<1x2048xi32, #tpu.memory_space<vmem_shared>>
      %dma_start3A_170 = tpu.memref_squeeze %dma_start3A_169 : memref<1x2048xi32, #tpu.memory_space<vmem_shared>> -> memref<2048xi32, #tpu.memory_space<vmem_shared>>
      tpu.enqueue_dma source(%dma_start3A_170 : memref<2048xi32, #tpu.memory_space<vmem_shared>>) target(%dma_start3A_167 : memref<2048xi32, #tpu.memory_space<vmem>>) target_semaphore(%arg13 : memref<!tpu.dma_semaphore, #tpu.memory_space<semaphore_mem>>)
      %dma_start3A_171 = arith.constant 9 : i32
      %dma_start3A_172 = arith.constant 18432 : i32
      %dma_start3A_173 = tpu.memref_slice %arg7[%dma_start3A_172] : memref<32768xi32, #tpu.memory_space<vmem>> -> memref<2048xi32, #tpu.memory_space<vmem>>
      %dma_start3A_174 = arith.constant 0 : i32
      %dma_start3A_175 = tpu.memref_slice %arg10[%dma_start3A_171, %dma_start3A_174] : memref<16x2048xi32, #tpu.memory_space<vmem_shared>> -> memref<1x2048xi32, #tpu.memory_space<vmem_shared>>
      %dma_start3A_176 = tpu.memref_squeeze %dma_start3A_175 : memref<1x2048xi32, #tpu.memory_space<vmem_shared>> -> memref<2048xi32, #tpu.memory_space<vmem_shared>>
      %dma_start3A_177 = arith.constant 18432 : i32
      %dma_start3A_178 = tpu.memref_slice %arg7[%dma_start3A_177] : memref<32768xi32, #tpu.memory_space<vmem>> -> memref<2048xi32, #tpu.memory_space<vmem>>
      %dma_start3A_179 = arith.constant 0 : i32
      %dma_start3A_180 = tpu.memref_slice %arg10[%dma_start3A_171, %dma_start3A_179] : memref<16x2048xi32, #tpu.memory_space<vmem_shared>> -> memref<1x2048xi32, #tpu.memory_space<vmem_shared>>
      %dma_start3A_181 = tpu.memref_squeeze %dma_start3A_180 : memref<1x2048xi32, #tpu.memory_space<vmem_shared>> -> memref<2048xi32, #tpu.memory_space<vmem_shared>>
      tpu.enqueue_dma source(%dma_start3A_181 : memref<2048xi32, #tpu.memory_space<vmem_shared>>) target(%dma_start3A_178 : memref<2048xi32, #tpu.memory_space<vmem>>) target_semaphore(%arg13 : memref<!tpu.dma_semaphore, #tpu.memory_space<semaphore_mem>>)
      %dma_start3A_182 = arith.constant 10 : i32
      %dma_start3A_183 = arith.constant 20480 : i32
      %dma_start3A_184 = tpu.memref_slice %arg7[%dma_start3A_183] : memref<32768xi32, #tpu.memory_space<vmem>> -> memref<2048xi32, #tpu.memory_space<vmem>>
      %dma_start3A_185 = arith.constant 0 : i32
      %dma_start3A_186 = tpu.memref_slice %arg10[%dma_start3A_182, %dma_start3A_185] : memref<16x2048xi32, #tpu.memory_space<vmem_shared>> -> memref<1x2048xi32, #tpu.memory_space<vmem_shared>>
      %dma_start3A_187 = tpu.memref_squeeze %dma_start3A_186 : memref<1x2048xi32, #tpu.memory_space<vmem_shared>> -> memref<2048xi32, #tpu.memory_space<vmem_shared>>
      %dma_start3A_188 = arith.constant 20480 : i32
      %dma_start3A_189 = tpu.memref_slice %arg7[%dma_start3A_188] : memref<32768xi32, #tpu.memory_space<vmem>> -> memref<2048xi32, #tpu.memory_space<vmem>>
      %dma_start3A_190 = arith.constant 0 : i32
      %dma_start3A_191 = tpu.memref_slice %arg10[%dma_start3A_182, %dma_start3A_190] : memref<16x2048xi32, #tpu.memory_space<vmem_shared>> -> memref<1x2048xi32, #tpu.memory_space<vmem_shared>>
      %dma_start3A_192 = tpu.memref_squeeze %dma_start3A_191 : memref<1x2048xi32, #tpu.memory_space<vmem_shared>> -> memref<2048xi32, #tpu.memory_space<vmem_shared>>
      tpu.enqueue_dma source(%dma_start3A_192 : memref<2048xi32, #tpu.memory_space<vmem_shared>>) target(%dma_start3A_189 : memref<2048xi32, #tpu.memory_space<vmem>>) target_semaphore(%arg13 : memref<!tpu.dma_semaphore, #tpu.memory_space<semaphore_mem>>)
      %dma_start3A_193 = arith.constant 11 : i32
      %dma_start3A_194 = arith.constant 22528 : i32
      %dma_start3A_195 = tpu.memref_slice %arg7[%dma_start3A_194] : memref<32768xi32, #tpu.memory_space<vmem>> -> memref<2048xi32, #tpu.memory_space<vmem>>
      %dma_start3A_196 = arith.constant 0 : i32
      %dma_start3A_197 = tpu.memref_slice %arg10[%dma_start3A_193, %dma_start3A_196] : memref<16x2048xi32, #tpu.memory_space<vmem_shared>> -> memref<1x2048xi32, #tpu.memory_space<vmem_shared>>
      %dma_start3A_198 = tpu.memref_squeeze %dma_start3A_197 : memref<1x2048xi32, #tpu.memory_space<vmem_shared>> -> memref<2048xi32, #tpu.memory_space<vmem_shared>>
      %dma_start3A_199 = arith.constant 22528 : i32
      %dma_start3A_200 = tpu.memref_slice %arg7[%dma_start3A_199] : memref<32768xi32, #tpu.memory_space<vmem>> -> memref<2048xi32, #tpu.memory_space<vmem>>
      %dma_start3A_201 = arith.constant 0 : i32
      %dma_start3A_202 = tpu.memref_slice %arg10[%dma_start3A_193, %dma_start3A_201] : memref<16x2048xi32, #tpu.memory_space<vmem_shared>> -> memref<1x2048xi32, #tpu.memory_space<vmem_shared>>
      %dma_start3A_203 = tpu.memref_squeeze %dma_start3A_202 : memref<1x2048xi32, #tpu.memory_space<vmem_shared>> -> memref<2048xi32, #tpu.memory_space<vmem_shared>>
      tpu.enqueue_dma source(%dma_start3A_203 : memref<2048xi32, #tpu.memory_space<vmem_shared>>) target(%dma_start3A_200 : memref<2048xi32, #tpu.memory_space<vmem>>) target_semaphore(%arg13 : memref<!tpu.dma_semaphore, #tpu.memory_space<semaphore_mem>>)
      %dma_start3A_204 = arith.constant 12 : i32
      %dma_start3A_205 = arith.constant 24576 : i32
      %dma_start3A_206 = tpu.memref_slice %arg7[%dma_start3A_205] : memref<32768xi32, #tpu.memory_space<vmem>> -> memref<2048xi32, #tpu.memory_space<vmem>>
      %dma_start3A_207 = arith.constant 0 : i32
      %dma_start3A_208 = tpu.memref_slice %arg10[%dma_start3A_204, %dma_start3A_207] : memref<16x2048xi32, #tpu.memory_space<vmem_shared>> -> memref<1x2048xi32, #tpu.memory_space<vmem_shared>>
      %dma_start3A_209 = tpu.memref_squeeze %dma_start3A_208 : memref<1x2048xi32, #tpu.memory_space<vmem_shared>> -> memref<2048xi32, #tpu.memory_space<vmem_shared>>
      %dma_start3A_210 = arith.constant 24576 : i32
      %dma_start3A_211 = tpu.memref_slice %arg7[%dma_start3A_210] : memref<32768xi32, #tpu.memory_space<vmem>> -> memref<2048xi32, #tpu.memory_space<vmem>>
      %dma_start3A_212 = arith.constant 0 : i32
      %dma_start3A_213 = tpu.memref_slice %arg10[%dma_start3A_204, %dma_start3A_212] : memref<16x2048xi32, #tpu.memory_space<vmem_shared>> -> memref<1x2048xi32, #tpu.memory_space<vmem_shared>>
      %dma_start3A_214 = tpu.memref_squeeze %dma_start3A_213 : memref<1x2048xi32, #tpu.memory_space<vmem_shared>> -> memref<2048xi32, #tpu.memory_space<vmem_shared>>
      tpu.enqueue_dma source(%dma_start3A_214 : memref<2048xi32, #tpu.memory_space<vmem_shared>>) target(%dma_start3A_211 : memref<2048xi32, #tpu.memory_space<vmem>>) target_semaphore(%arg13 : memref<!tpu.dma_semaphore, #tpu.memory_space<semaphore_mem>>)
      %dma_start3A_215 = arith.constant 13 : i32
      %dma_start3A_216 = arith.constant 26624 : i32
      %dma_start3A_217 = tpu.memref_slice %arg7[%dma_start3A_216] : memref<32768xi32, #tpu.memory_space<vmem>> -> memref<2048xi32, #tpu.memory_space<vmem>>
      %dma_start3A_218 = arith.constant 0 : i32
      %dma_start3A_219 = tpu.memref_slice %arg10[%dma_start3A_215, %dma_start3A_218] : memref<16x2048xi32, #tpu.memory_space<vmem_shared>> -> memref<1x2048xi32, #tpu.memory_space<vmem_shared>>
      %dma_start3A_220 = tpu.memref_squeeze %dma_start3A_219 : memref<1x2048xi32, #tpu.memory_space<vmem_shared>> -> memref<2048xi32, #tpu.memory_space<vmem_shared>>
      %dma_start3A_221 = arith.constant 26624 : i32
      %dma_start3A_222 = tpu.memref_slice %arg7[%dma_start3A_221] : memref<32768xi32, #tpu.memory_space<vmem>> -> memref<2048xi32, #tpu.memory_space<vmem>>
      %dma_start3A_223 = arith.constant 0 : i32
      %dma_start3A_224 = tpu.memref_slice %arg10[%dma_start3A_215, %dma_start3A_223] : memref<16x2048xi32, #tpu.memory_space<vmem_shared>> -> memref<1x2048xi32, #tpu.memory_space<vmem_shared>>
      %dma_start3A_225 = tpu.memref_squeeze %dma_start3A_224 : memref<1x2048xi32, #tpu.memory_space<vmem_shared>> -> memref<2048xi32, #tpu.memory_space<vmem_shared>>
      tpu.enqueue_dma source(%dma_start3A_225 : memref<2048xi32, #tpu.memory_space<vmem_shared>>) target(%dma_start3A_222 : memref<2048xi32, #tpu.memory_space<vmem>>) target_semaphore(%arg13 : memref<!tpu.dma_semaphore, #tpu.memory_space<semaphore_mem>>)
      %dma_start3A_226 = arith.constant 14 : i32
      %dma_start3A_227 = arith.constant 28672 : i32
      %dma_start3A_228 = tpu.memref_slice %arg7[%dma_start3A_227] : memref<32768xi32, #tpu.memory_space<vmem>> -> memref<2048xi32, #tpu.memory_space<vmem>>
      %dma_start3A_229 = arith.constant 0 : i32
      %dma_start3A_230 = tpu.memref_slice %arg10[%dma_start3A_226, %dma_start3A_229] : memref<16x2048xi32, #tpu.memory_space<vmem_shared>> -> memref<1x2048xi32, #tpu.memory_space<vmem_shared>>
      %dma_start3A_231 = tpu.memref_squeeze %dma_start3A_230 : memref<1x2048xi32, #tpu.memory_space<vmem_shared>> -> memref<2048xi32, #tpu.memory_space<vmem_shared>>
      %dma_start3A_232 = arith.constant 28672 : i32
      %dma_start3A_233 = tpu.memref_slice %arg7[%dma_start3A_232] : memref<32768xi32, #tpu.memory_space<vmem>> -> memref<2048xi32, #tpu.memory_space<vmem>>
      %dma_start3A_234 = arith.constant 0 : i32
      %dma_start3A_235 = tpu.memref_slice %arg10[%dma_start3A_226, %dma_start3A_234] : memref<16x2048xi32, #tpu.memory_space<vmem_shared>> -> memref<1x2048xi32, #tpu.memory_space<vmem_shared>>
      %dma_start3A_236 = tpu.memref_squeeze %dma_start3A_235 : memref<1x2048xi32, #tpu.memory_space<vmem_shared>> -> memref<2048xi32, #tpu.memory_space<vmem_shared>>
      tpu.enqueue_dma source(%dma_start3A_236 : memref<2048xi32, #tpu.memory_space<vmem_shared>>) target(%dma_start3A_233 : memref<2048xi32, #tpu.memory_space<vmem>>) target_semaphore(%arg13 : memref<!tpu.dma_semaphore, #tpu.memory_space<semaphore_mem>>)
      %dma_start3A_237 = arith.constant 15 : i32
      %dma_start3A_238 = arith.constant 30720 : i32
      %dma_start3A_239 = tpu.memref_slice %arg7[%dma_start3A_238] : memref<32768xi32, #tpu.memory_space<vmem>> -> memref<2048xi32, #tpu.memory_space<vmem>>
      %dma_start3A_240 = arith.constant 0 : i32
      %dma_start3A_241 = tpu.memref_slice %arg10[%dma_start3A_237, %dma_start3A_240] : memref<16x2048xi32, #tpu.memory_space<vmem_shared>> -> memref<1x2048xi32, #tpu.memory_space<vmem_shared>>
      %dma_start3A_242 = tpu.memref_squeeze %dma_start3A_241 : memref<1x2048xi32, #tpu.memory_space<vmem_shared>> -> memref<2048xi32, #tpu.memory_space<vmem_shared>>
      %dma_start3A_243 = arith.constant 30720 : i32
      %dma_start3A_244 = tpu.memref_slice %arg7[%dma_start3A_243] : memref<32768xi32, #tpu.memory_space<vmem>> -> memref<2048xi32, #tpu.memory_space<vmem>>
      %dma_start3A_245 = arith.constant 0 : i32
      %dma_start3A_246 = tpu.memref_slice %arg10[%dma_start3A_237, %dma_start3A_245] : memref<16x2048xi32, #tpu.memory_space<vmem_shared>> -> memref<1x2048xi32, #tpu.memory_space<vmem_shared>>
      %dma_start3A_247 = tpu.memref_squeeze %dma_start3A_246 : memref<1x2048xi32, #tpu.memory_space<vmem_shared>> -> memref<2048xi32, #tpu.memory_space<vmem_shared>>
      tpu.enqueue_dma source(%dma_start3A_247 : memref<2048xi32, #tpu.memory_space<vmem_shared>>) target(%dma_start3A_244 : memref<2048xi32, #tpu.memory_space<vmem>>) target_semaphore(%arg13 : memref<!tpu.dma_semaphore, #tpu.memory_space<semaphore_mem>>)
      %dma_wait3A = arith.constant 0 : i32
      %dma_wait3A_248 = arith.constant 0 : i32
      %dma_wait3A_249 = tpu.memref_slice %arg7[%dma_wait3A_248] : memref<32768xi32, #tpu.memory_space<vmem>> -> memref<2048xi32, #tpu.memory_space<vmem>>
      %dma_wait3A_250 = arith.constant 0 : i32
      %dma_wait3A_251 = tpu.memref_slice %arg10[%dma_wait3A, %dma_wait3A_250] : memref<16x2048xi32, #tpu.memory_space<vmem_shared>> -> memref<1x2048xi32, #tpu.memory_space<vmem_shared>>
      %dma_wait3A_252 = tpu.memref_squeeze %dma_wait3A_251 : memref<1x2048xi32, #tpu.memory_space<vmem_shared>> -> memref<2048xi32, #tpu.memory_space<vmem_shared>>
      %dma_wait3A_253 = arith.constant 0 : i32
      %dma_wait3A_254 = tpu.memref_slice %arg7[%dma_wait3A_253] : memref<32768xi32, #tpu.memory_space<vmem>> -> memref<2048xi32, #tpu.memory_space<vmem>>
      %dma_wait3A_255 = arith.constant 0 : i32
      %dma_wait3A_256 = tpu.memref_slice %arg10[%dma_wait3A, %dma_wait3A_255] : memref<16x2048xi32, #tpu.memory_space<vmem_shared>> -> memref<1x2048xi32, #tpu.memory_space<vmem_shared>>
      %dma_wait3A_257 = tpu.memref_squeeze %dma_wait3A_256 : memref<1x2048xi32, #tpu.memory_space<vmem_shared>> -> memref<2048xi32, #tpu.memory_space<vmem_shared>>
      tpu.wait_dma2 semaphore(%arg13 : memref<!tpu.dma_semaphore, #tpu.memory_space<semaphore_mem>>) src(%dma_wait3A_257 : memref<2048xi32, #tpu.memory_space<vmem_shared>>) dst(%dma_wait3A_254 : memref<2048xi32, #tpu.memory_space<vmem>>)
      %dma_wait3A_258 = arith.constant 1 : i32
      %dma_wait3A_259 = arith.constant 2048 : i32
      %dma_wait3A_260 = tpu.memref_slice %arg7[%dma_wait3A_259] : memref<32768xi32, #tpu.memory_space<vmem>> -> memref<2048xi32, #tpu.memory_space<vmem>>
      %dma_wait3A_261 = arith.constant 0 : i32
      %dma_wait3A_262 = tpu.memref_slice %arg10[%dma_wait3A_258, %dma_wait3A_261] : memref<16x2048xi32, #tpu.memory_space<vmem_shared>> -> memref<1x2048xi32, #tpu.memory_space<vmem_shared>>
      %dma_wait3A_263 = tpu.memref_squeeze %dma_wait3A_262 : memref<1x2048xi32, #tpu.memory_space<vmem_shared>> -> memref<2048xi32, #tpu.memory_space<vmem_shared>>
      %dma_wait3A_264 = arith.constant 2048 : i32
      %dma_wait3A_265 = tpu.memref_slice %arg7[%dma_wait3A_264] : memref<32768xi32, #tpu.memory_space<vmem>> -> memref<2048xi32, #tpu.memory_space<vmem>>
      %dma_wait3A_266 = arith.constant 0 : i32
      %dma_wait3A_267 = tpu.memref_slice %arg10[%dma_wait3A_258, %dma_wait3A_266] : memref<16x2048xi32, #tpu.memory_space<vmem_shared>> -> memref<1x2048xi32, #tpu.memory_space<vmem_shared>>
      %dma_wait3A_268 = tpu.memref_squeeze %dma_wait3A_267 : memref<1x2048xi32, #tpu.memory_space<vmem_shared>> -> memref<2048xi32, #tpu.memory_space<vmem_shared>>
      tpu.wait_dma2 semaphore(%arg13 : memref<!tpu.dma_semaphore, #tpu.memory_space<semaphore_mem>>) src(%dma_wait3A_268 : memref<2048xi32, #tpu.memory_space<vmem_shared>>) dst(%dma_wait3A_265 : memref<2048xi32, #tpu.memory_space<vmem>>)
      %dma_wait3A_269 = arith.constant 2 : i32
      %dma_wait3A_270 = arith.constant 4096 : i32
      %dma_wait3A_271 = tpu.memref_slice %arg7[%dma_wait3A_270] : memref<32768xi32, #tpu.memory_space<vmem>> -> memref<2048xi32, #tpu.memory_space<vmem>>
      %dma_wait3A_272 = arith.constant 0 : i32
      %dma_wait3A_273 = tpu.memref_slice %arg10[%dma_wait3A_269, %dma_wait3A_272] : memref<16x2048xi32, #tpu.memory_space<vmem_shared>> -> memref<1x2048xi32, #tpu.memory_space<vmem_shared>>
      %dma_wait3A_274 = tpu.memref_squeeze %dma_wait3A_273 : memref<1x2048xi32, #tpu.memory_space<vmem_shared>> -> memref<2048xi32, #tpu.memory_space<vmem_shared>>
      %dma_wait3A_275 = arith.constant 4096 : i32
      %dma_wait3A_276 = tpu.memref_slice %arg7[%dma_wait3A_275] : memref<32768xi32, #tpu.memory_space<vmem>> -> memref<2048xi32, #tpu.memory_space<vmem>>
      %dma_wait3A_277 = arith.constant 0 : i32
      %dma_wait3A_278 = tpu.memref_slice %arg10[%dma_wait3A_269, %dma_wait3A_277] : memref<16x2048xi32, #tpu.memory_space<vmem_shared>> -> memref<1x2048xi32, #tpu.memory_space<vmem_shared>>
      %dma_wait3A_279 = tpu.memref_squeeze %dma_wait3A_278 : memref<1x2048xi32, #tpu.memory_space<vmem_shared>> -> memref<2048xi32, #tpu.memory_space<vmem_shared>>
      tpu.wait_dma2 semaphore(%arg13 : memref<!tpu.dma_semaphore, #tpu.memory_space<semaphore_mem>>) src(%dma_wait3A_279 : memref<2048xi32, #tpu.memory_space<vmem_shared>>) dst(%dma_wait3A_276 : memref<2048xi32, #tpu.memory_space<vmem>>)
      %dma_wait3A_280 = arith.constant 3 : i32
      %dma_wait3A_281 = arith.constant 6144 : i32
      %dma_wait3A_282 = tpu.memref_slice %arg7[%dma_wait3A_281] : memref<32768xi32, #tpu.memory_space<vmem>> -> memref<2048xi32, #tpu.memory_space<vmem>>
      %dma_wait3A_283 = arith.constant 0 : i32
      %dma_wait3A_284 = tpu.memref_slice %arg10[%dma_wait3A_280, %dma_wait3A_283] : memref<16x2048xi32, #tpu.memory_space<vmem_shared>> -> memref<1x2048xi32, #tpu.memory_space<vmem_shared>>
      %dma_wait3A_285 = tpu.memref_squeeze %dma_wait3A_284 : memref<1x2048xi32, #tpu.memory_space<vmem_shared>> -> memref<2048xi32, #tpu.memory_space<vmem_shared>>
      %dma_wait3A_286 = arith.constant 6144 : i32
      %dma_wait3A_287 = tpu.memref_slice %arg7[%dma_wait3A_286] : memref<32768xi32, #tpu.memory_space<vmem>> -> memref<2048xi32, #tpu.memory_space<vmem>>
      %dma_wait3A_288 = arith.constant 0 : i32
      %dma_wait3A_289 = tpu.memref_slice %arg10[%dma_wait3A_280, %dma_wait3A_288] : memref<16x2048xi32, #tpu.memory_space<vmem_shared>> -> memref<1x2048xi32, #tpu.memory_space<vmem_shared>>
      %dma_wait3A_290 = tpu.memref_squeeze %dma_wait3A_289 : memref<1x2048xi32, #tpu.memory_space<vmem_shared>> -> memref<2048xi32, #tpu.memory_space<vmem_shared>>
      tpu.wait_dma2 semaphore(%arg13 : memref<!tpu.dma_semaphore, #tpu.memory_space<semaphore_mem>>) src(%dma_wait3A_290 : memref<2048xi32, #tpu.memory_space<vmem_shared>>) dst(%dma_wait3A_287 : memref<2048xi32, #tpu.memory_space<vmem>>)
      %dma_wait3A_291 = arith.constant 4 : i32
      %dma_wait3A_292 = arith.constant 8192 : i32
      %dma_wait3A_293 = tpu.memref_slice %arg7[%dma_wait3A_292] : memref<32768xi32, #tpu.memory_space<vmem>> -> memref<2048xi32, #tpu.memory_space<vmem>>
      %dma_wait3A_294 = arith.constant 0 : i32
      %dma_wait3A_295 = tpu.memref_slice %arg10[%dma_wait3A_291, %dma_wait3A_294] : memref<16x2048xi32, #tpu.memory_space<vmem_shared>> -> memref<1x2048xi32, #tpu.memory_space<vmem_shared>>
      %dma_wait3A_296 = tpu.memref_squeeze %dma_wait3A_295 : memref<1x2048xi32, #tpu.memory_space<vmem_shared>> -> memref<2048xi32, #tpu.memory_space<vmem_shared>>
      %dma_wait3A_297 = arith.constant 8192 : i32
      %dma_wait3A_298 = tpu.memref_slice %arg7[%dma_wait3A_297] : memref<32768xi32, #tpu.memory_space<vmem>> -> memref<2048xi32, #tpu.memory_space<vmem>>
      %dma_wait3A_299 = arith.constant 0 : i32
      %dma_wait3A_300 = tpu.memref_slice %arg10[%dma_wait3A_291, %dma_wait3A_299] : memref<16x2048xi32, #tpu.memory_space<vmem_shared>> -> memref<1x2048xi32, #tpu.memory_space<vmem_shared>>
      %dma_wait3A_301 = tpu.memref_squeeze %dma_wait3A_300 : memref<1x2048xi32, #tpu.memory_space<vmem_shared>> -> memref<2048xi32, #tpu.memory_space<vmem_shared>>
      tpu.wait_dma2 semaphore(%arg13 : memref<!tpu.dma_semaphore, #tpu.memory_space<semaphore_mem>>) src(%dma_wait3A_301 : memref<2048xi32, #tpu.memory_space<vmem_shared>>) dst(%dma_wait3A_298 : memref<2048xi32, #tpu.memory_space<vmem>>)
      %dma_wait3A_302 = arith.constant 5 : i32
      %dma_wait3A_303 = arith.constant 10240 : i32
      %dma_wait3A_304 = tpu.memref_slice %arg7[%dma_wait3A_303] : memref<32768xi32, #tpu.memory_space<vmem>> -> memref<2048xi32, #tpu.memory_space<vmem>>
      %dma_wait3A_305 = arith.constant 0 : i32
      %dma_wait3A_306 = tpu.memref_slice %arg10[%dma_wait3A_302, %dma_wait3A_305] : memref<16x2048xi32, #tpu.memory_space<vmem_shared>> -> memref<1x2048xi32, #tpu.memory_space<vmem_shared>>
      %dma_wait3A_307 = tpu.memref_squeeze %dma_wait3A_306 : memref<1x2048xi32, #tpu.memory_space<vmem_shared>> -> memref<2048xi32, #tpu.memory_space<vmem_shared>>
      %dma_wait3A_308 = arith.constant 10240 : i32
      %dma_wait3A_309 = tpu.memref_slice %arg7[%dma_wait3A_308] : memref<32768xi32, #tpu.memory_space<vmem>> -> memref<2048xi32, #tpu.memory_space<vmem>>
      %dma_wait3A_310 = arith.constant 0 : i32
      %dma_wait3A_311 = tpu.memref_slice %arg10[%dma_wait3A_302, %dma_wait3A_310] : memref<16x2048xi32, #tpu.memory_space<vmem_shared>> -> memref<1x2048xi32, #tpu.memory_space<vmem_shared>>
      %dma_wait3A_312 = tpu.memref_squeeze %dma_wait3A_311 : memref<1x2048xi32, #tpu.memory_space<vmem_shared>> -> memref<2048xi32, #tpu.memory_space<vmem_shared>>
      tpu.wait_dma2 semaphore(%arg13 : memref<!tpu.dma_semaphore, #tpu.memory_space<semaphore_mem>>) src(%dma_wait3A_312 : memref<2048xi32, #tpu.memory_space<vmem_shared>>) dst(%dma_wait3A_309 : memref<2048xi32, #tpu.memory_space<vmem>>)
      %dma_wait3A_313 = arith.constant 6 : i32
      %dma_wait3A_314 = arith.constant 12288 : i32
      %dma_wait3A_315 = tpu.memref_slice %arg7[%dma_wait3A_314] : memref<32768xi32, #tpu.memory_space<vmem>> -> memref<2048xi32, #tpu.memory_space<vmem>>
      %dma_wait3A_316 = arith.constant 0 : i32
      %dma_wait3A_317 = tpu.memref_slice %arg10[%dma_wait3A_313, %dma_wait3A_316] : memref<16x2048xi32, #tpu.memory_space<vmem_shared>> -> memref<1x2048xi32, #tpu.memory_space<vmem_shared>>
      %dma_wait3A_318 = tpu.memref_squeeze %dma_wait3A_317 : memref<1x2048xi32, #tpu.memory_space<vmem_shared>> -> memref<2048xi32, #tpu.memory_space<vmem_shared>>
      %dma_wait3A_319 = arith.constant 12288 : i32
      %dma_wait3A_320 = tpu.memref_slice %arg7[%dma_wait3A_319] : memref<32768xi32, #tpu.memory_space<vmem>> -> memref<2048xi32, #tpu.memory_space<vmem>>
      %dma_wait3A_321 = arith.constant 0 : i32
      %dma_wait3A_322 = tpu.memref_slice %arg10[%dma_wait3A_313, %dma_wait3A_321] : memref<16x2048xi32, #tpu.memory_space<vmem_shared>> -> memref<1x2048xi32, #tpu.memory_space<vmem_shared>>
      %dma_wait3A_323 = tpu.memref_squeeze %dma_wait3A_322 : memref<1x2048xi32, #tpu.memory_space<vmem_shared>> -> memref<2048xi32, #tpu.memory_space<vmem_shared>>
      tpu.wait_dma2 semaphore(%arg13 : memref<!tpu.dma_semaphore, #tpu.memory_space<semaphore_mem>>) src(%dma_wait3A_323 : memref<2048xi32, #tpu.memory_space<vmem_shared>>) dst(%dma_wait3A_320 : memref<2048xi32, #tpu.memory_space<vmem>>)
      %dma_wait3A_324 = arith.constant 7 : i32
      %dma_wait3A_325 = arith.constant 14336 : i32
      %dma_wait3A_326 = tpu.memref_slice %arg7[%dma_wait3A_325] : memref<32768xi32, #tpu.memory_space<vmem>> -> memref<2048xi32, #tpu.memory_space<vmem>>
      %dma_wait3A_327 = arith.constant 0 : i32
      %dma_wait3A_328 = tpu.memref_slice %arg10[%dma_wait3A_324, %dma_wait3A_327] : memref<16x2048xi32, #tpu.memory_space<vmem_shared>> -> memref<1x2048xi32, #tpu.memory_space<vmem_shared>>
      %dma_wait3A_329 = tpu.memref_squeeze %dma_wait3A_328 : memref<1x2048xi32, #tpu.memory_space<vmem_shared>> -> memref<2048xi32, #tpu.memory_space<vmem_shared>>
      %dma_wait3A_330 = arith.constant 14336 : i32
      %dma_wait3A_331 = tpu.memref_slice %arg7[%dma_wait3A_330] : memref<32768xi32, #tpu.memory_space<vmem>> -> memref<2048xi32, #tpu.memory_space<vmem>>
      %dma_wait3A_332 = arith.constant 0 : i32
      %dma_wait3A_333 = tpu.memref_slice %arg10[%dma_wait3A_324, %dma_wait3A_332] : memref<16x2048xi32, #tpu.memory_space<vmem_shared>> -> memref<1x2048xi32, #tpu.memory_space<vmem_shared>>
      %dma_wait3A_334 = tpu.memref_squeeze %dma_wait3A_333 : memref<1x2048xi32, #tpu.memory_space<vmem_shared>> -> memref<2048xi32, #tpu.memory_space<vmem_shared>>
      tpu.wait_dma2 semaphore(%arg13 : memref<!tpu.dma_semaphore, #tpu.memory_space<semaphore_mem>>) src(%dma_wait3A_334 : memref<2048xi32, #tpu.memory_space<vmem_shared>>) dst(%dma_wait3A_331 : memref<2048xi32, #tpu.memory_space<vmem>>)
      %dma_wait3A_335 = arith.constant 8 : i32
      %dma_wait3A_336 = arith.constant 16384 : i32
      %dma_wait3A_337 = tpu.memref_slice %arg7[%dma_wait3A_336] : memref<32768xi32, #tpu.memory_space<vmem>> -> memref<2048xi32, #tpu.memory_space<vmem>>
      %dma_wait3A_338 = arith.constant 0 : i32
      %dma_wait3A_339 = tpu.memref_slice %arg10[%dma_wait3A_335, %dma_wait3A_338] : memref<16x2048xi32, #tpu.memory_space<vmem_shared>> -> memref<1x2048xi32, #tpu.memory_space<vmem_shared>>
      %dma_wait3A_340 = tpu.memref_squeeze %dma_wait3A_339 : memref<1x2048xi32, #tpu.memory_space<vmem_shared>> -> memref<2048xi32, #tpu.memory_space<vmem_shared>>
      %dma_wait3A_341 = arith.constant 16384 : i32
      %dma_wait3A_342 = tpu.memref_slice %arg7[%dma_wait3A_341] : memref<32768xi32, #tpu.memory_space<vmem>> -> memref<2048xi32, #tpu.memory_space<vmem>>
      %dma_wait3A_343 = arith.constant 0 : i32
      %dma_wait3A_344 = tpu.memref_slice %arg10[%dma_wait3A_335, %dma_wait3A_343] : memref<16x2048xi32, #tpu.memory_space<vmem_shared>> -> memref<1x2048xi32, #tpu.memory_space<vmem_shared>>
      %dma_wait3A_345 = tpu.memref_squeeze %dma_wait3A_344 : memref<1x2048xi32, #tpu.memory_space<vmem_shared>> -> memref<2048xi32, #tpu.memory_space<vmem_shared>>
      tpu.wait_dma2 semaphore(%arg13 : memref<!tpu.dma_semaphore, #tpu.memory_space<semaphore_mem>>) src(%dma_wait3A_345 : memref<2048xi32, #tpu.memory_space<vmem_shared>>) dst(%dma_wait3A_342 : memref<2048xi32, #tpu.memory_space<vmem>>)
      %dma_wait3A_346 = arith.constant 9 : i32
      %dma_wait3A_347 = arith.constant 18432 : i32
      %dma_wait3A_348 = tpu.memref_slice %arg7[%dma_wait3A_347] : memref<32768xi32, #tpu.memory_space<vmem>> -> memref<2048xi32, #tpu.memory_space<vmem>>
      %dma_wait3A_349 = arith.constant 0 : i32
      %dma_wait3A_350 = tpu.memref_slice %arg10[%dma_wait3A_346, %dma_wait3A_349] : memref<16x2048xi32, #tpu.memory_space<vmem_shared>> -> memref<1x2048xi32, #tpu.memory_space<vmem_shared>>
      %dma_wait3A_351 = tpu.memref_squeeze %dma_wait3A_350 : memref<1x2048xi32, #tpu.memory_space<vmem_shared>> -> memref<2048xi32, #tpu.memory_space<vmem_shared>>
      %dma_wait3A_352 = arith.constant 18432 : i32
      %dma_wait3A_353 = tpu.memref_slice %arg7[%dma_wait3A_352] : memref<32768xi32, #tpu.memory_space<vmem>> -> memref<2048xi32, #tpu.memory_space<vmem>>
      %dma_wait3A_354 = arith.constant 0 : i32
      %dma_wait3A_355 = tpu.memref_slice %arg10[%dma_wait3A_346, %dma_wait3A_354] : memref<16x2048xi32, #tpu.memory_space<vmem_shared>> -> memref<1x2048xi32, #tpu.memory_space<vmem_shared>>
      %dma_wait3A_356 = tpu.memref_squeeze %dma_wait3A_355 : memref<1x2048xi32, #tpu.memory_space<vmem_shared>> -> memref<2048xi32, #tpu.memory_space<vmem_shared>>
      tpu.wait_dma2 semaphore(%arg13 : memref<!tpu.dma_semaphore, #tpu.memory_space<semaphore_mem>>) src(%dma_wait3A_356 : memref<2048xi32, #tpu.memory_space<vmem_shared>>) dst(%dma_wait3A_353 : memref<2048xi32, #tpu.memory_space<vmem>>)
      %dma_wait3A_357 = arith.constant 10 : i32
      %dma_wait3A_358 = arith.constant 20480 : i32
      %dma_wait3A_359 = tpu.memref_slice %arg7[%dma_wait3A_358] : memref<32768xi32, #tpu.memory_space<vmem>> -> memref<2048xi32, #tpu.memory_space<vmem>>
      %dma_wait3A_360 = arith.constant 0 : i32
      %dma_wait3A_361 = tpu.memref_slice %arg10[%dma_wait3A_357, %dma_wait3A_360] : memref<16x2048xi32, #tpu.memory_space<vmem_shared>> -> memref<1x2048xi32, #tpu.memory_space<vmem_shared>>
      %dma_wait3A_362 = tpu.memref_squeeze %dma_wait3A_361 : memref<1x2048xi32, #tpu.memory_space<vmem_shared>> -> memref<2048xi32, #tpu.memory_space<vmem_shared>>
      %dma_wait3A_363 = arith.constant 20480 : i32
      %dma_wait3A_364 = tpu.memref_slice %arg7[%dma_wait3A_363] : memref<32768xi32, #tpu.memory_space<vmem>> -> memref<2048xi32, #tpu.memory_space<vmem>>
      %dma_wait3A_365 = arith.constant 0 : i32
      %dma_wait3A_366 = tpu.memref_slice %arg10[%dma_wait3A_357, %dma_wait3A_365] : memref<16x2048xi32, #tpu.memory_space<vmem_shared>> -> memref<1x2048xi32, #tpu.memory_space<vmem_shared>>
      %dma_wait3A_367 = tpu.memref_squeeze %dma_wait3A_366 : memref<1x2048xi32, #tpu.memory_space<vmem_shared>> -> memref<2048xi32, #tpu.memory_space<vmem_shared>>
      tpu.wait_dma2 semaphore(%arg13 : memref<!tpu.dma_semaphore, #tpu.memory_space<semaphore_mem>>) src(%dma_wait3A_367 : memref<2048xi32, #tpu.memory_space<vmem_shared>>) dst(%dma_wait3A_364 : memref<2048xi32, #tpu.memory_space<vmem>>)
      %dma_wait3A_368 = arith.constant 11 : i32
      %dma_wait3A_369 = arith.constant 22528 : i32
      %dma_wait3A_370 = tpu.memref_slice %arg7[%dma_wait3A_369] : memref<32768xi32, #tpu.memory_space<vmem>> -> memref<2048xi32, #tpu.memory_space<vmem>>
      %dma_wait3A_371 = arith.constant 0 : i32
      %dma_wait3A_372 = tpu.memref_slice %arg10[%dma_wait3A_368, %dma_wait3A_371] : memref<16x2048xi32, #tpu.memory_space<vmem_shared>> -> memref<1x2048xi32, #tpu.memory_space<vmem_shared>>
      %dma_wait3A_373 = tpu.memref_squeeze %dma_wait3A_372 : memref<1x2048xi32, #tpu.memory_space<vmem_shared>> -> memref<2048xi32, #tpu.memory_space<vmem_shared>>
      %dma_wait3A_374 = arith.constant 22528 : i32
      %dma_wait3A_375 = tpu.memref_slice %arg7[%dma_wait3A_374] : memref<32768xi32, #tpu.memory_space<vmem>> -> memref<2048xi32, #tpu.memory_space<vmem>>
      %dma_wait3A_376 = arith.constant 0 : i32
      %dma_wait3A_377 = tpu.memref_slice %arg10[%dma_wait3A_368, %dma_wait3A_376] : memref<16x2048xi32, #tpu.memory_space<vmem_shared>> -> memref<1x2048xi32, #tpu.memory_space<vmem_shared>>
      %dma_wait3A_378 = tpu.memref_squeeze %dma_wait3A_377 : memref<1x2048xi32, #tpu.memory_space<vmem_shared>> -> memref<2048xi32, #tpu.memory_space<vmem_shared>>
      tpu.wait_dma2 semaphore(%arg13 : memref<!tpu.dma_semaphore, #tpu.memory_space<semaphore_mem>>) src(%dma_wait3A_378 : memref<2048xi32, #tpu.memory_space<vmem_shared>>) dst(%dma_wait3A_375 : memref<2048xi32, #tpu.memory_space<vmem>>)
      %dma_wait3A_379 = arith.constant 12 : i32
      %dma_wait3A_380 = arith.constant 24576 : i32
      %dma_wait3A_381 = tpu.memref_slice %arg7[%dma_wait3A_380] : memref<32768xi32, #tpu.memory_space<vmem>> -> memref<2048xi32, #tpu.memory_space<vmem>>
      %dma_wait3A_382 = arith.constant 0 : i32
      %dma_wait3A_383 = tpu.memref_slice %arg10[%dma_wait3A_379, %dma_wait3A_382] : memref<16x2048xi32, #tpu.memory_space<vmem_shared>> -> memref<1x2048xi32, #tpu.memory_space<vmem_shared>>
      %dma_wait3A_384 = tpu.memref_squeeze %dma_wait3A_383 : memref<1x2048xi32, #tpu.memory_space<vmem_shared>> -> memref<2048xi32, #tpu.memory_space<vmem_shared>>
      %dma_wait3A_385 = arith.constant 24576 : i32
      %dma_wait3A_386 = tpu.memref_slice %arg7[%dma_wait3A_385] : memref<32768xi32, #tpu.memory_space<vmem>> -> memref<2048xi32, #tpu.memory_space<vmem>>
      %dma_wait3A_387 = arith.constant 0 : i32
      %dma_wait3A_388 = tpu.memref_slice %arg10[%dma_wait3A_379, %dma_wait3A_387] : memref<16x2048xi32, #tpu.memory_space<vmem_shared>> -> memref<1x2048xi32, #tpu.memory_space<vmem_shared>>
      %dma_wait3A_389 = tpu.memref_squeeze %dma_wait3A_388 : memref<1x2048xi32, #tpu.memory_space<vmem_shared>> -> memref<2048xi32, #tpu.memory_space<vmem_shared>>
      tpu.wait_dma2 semaphore(%arg13 : memref<!tpu.dma_semaphore, #tpu.memory_space<semaphore_mem>>) src(%dma_wait3A_389 : memref<2048xi32, #tpu.memory_space<vmem_shared>>) dst(%dma_wait3A_386 : memref<2048xi32, #tpu.memory_space<vmem>>)
      %dma_wait3A_390 = arith.constant 13 : i32
      %dma_wait3A_391 = arith.constant 26624 : i32
      %dma_wait3A_392 = tpu.memref_slice %arg7[%dma_wait3A_391] : memref<32768xi32, #tpu.memory_space<vmem>> -> memref<2048xi32, #tpu.memory_space<vmem>>
      %dma_wait3A_393 = arith.constant 0 : i32
      %dma_wait3A_394 = tpu.memref_slice %arg10[%dma_wait3A_390, %dma_wait3A_393] : memref<16x2048xi32, #tpu.memory_space<vmem_shared>> -> memref<1x2048xi32, #tpu.memory_space<vmem_shared>>
      %dma_wait3A_395 = tpu.memref_squeeze %dma_wait3A_394 : memref<1x2048xi32, #tpu.memory_space<vmem_shared>> -> memref<2048xi32, #tpu.memory_space<vmem_shared>>
      %dma_wait3A_396 = arith.constant 26624 : i32
      %dma_wait3A_397 = tpu.memref_slice %arg7[%dma_wait3A_396] : memref<32768xi32, #tpu.memory_space<vmem>> -> memref<2048xi32, #tpu.memory_space<vmem>>
      %dma_wait3A_398 = arith.constant 0 : i32
      %dma_wait3A_399 = tpu.memref_slice %arg10[%dma_wait3A_390, %dma_wait3A_398] : memref<16x2048xi32, #tpu.memory_space<vmem_shared>> -> memref<1x2048xi32, #tpu.memory_space<vmem_shared>>
      %dma_wait3A_400 = tpu.memref_squeeze %dma_wait3A_399 : memref<1x2048xi32, #tpu.memory_space<vmem_shared>> -> memref<2048xi32, #tpu.memory_space<vmem_shared>>
      tpu.wait_dma2 semaphore(%arg13 : memref<!tpu.dma_semaphore, #tpu.memory_space<semaphore_mem>>) src(%dma_wait3A_400 : memref<2048xi32, #tpu.memory_space<vmem_shared>>) dst(%dma_wait3A_397 : memref<2048xi32, #tpu.memory_space<vmem>>)
      %dma_wait3A_401 = arith.constant 14 : i32
      %dma_wait3A_402 = arith.constant 28672 : i32
      %dma_wait3A_403 = tpu.memref_slice %arg7[%dma_wait3A_402] : memref<32768xi32, #tpu.memory_space<vmem>> -> memref<2048xi32, #tpu.memory_space<vmem>>
      %dma_wait3A_404 = arith.constant 0 : i32
      %dma_wait3A_405 = tpu.memref_slice %arg10[%dma_wait3A_401, %dma_wait3A_404] : memref<16x2048xi32, #tpu.memory_space<vmem_shared>> -> memref<1x2048xi32, #tpu.memory_space<vmem_shared>>
      %dma_wait3A_406 = tpu.memref_squeeze %dma_wait3A_405 : memref<1x2048xi32, #tpu.memory_space<vmem_shared>> -> memref<2048xi32, #tpu.memory_space<vmem_shared>>
      %dma_wait3A_407 = arith.constant 28672 : i32
      %dma_wait3A_408 = tpu.memref_slice %arg7[%dma_wait3A_407] : memref<32768xi32, #tpu.memory_space<vmem>> -> memref<2048xi32, #tpu.memory_space<vmem>>
      %dma_wait3A_409 = arith.constant 0 : i32
      %dma_wait3A_410 = tpu.memref_slice %arg10[%dma_wait3A_401, %dma_wait3A_409] : memref<16x2048xi32, #tpu.memory_space<vmem_shared>> -> memref<1x2048xi32, #tpu.memory_space<vmem_shared>>
      %dma_wait3A_411 = tpu.memref_squeeze %dma_wait3A_410 : memref<1x2048xi32, #tpu.memory_space<vmem_shared>> -> memref<2048xi32, #tpu.memory_space<vmem_shared>>
      tpu.wait_dma2 semaphore(%arg13 : memref<!tpu.dma_semaphore, #tpu.memory_space<semaphore_mem>>) src(%dma_wait3A_411 : memref<2048xi32, #tpu.memory_space<vmem_shared>>) dst(%dma_wait3A_408 : memref<2048xi32, #tpu.memory_space<vmem>>)
      %dma_wait3A_412 = arith.constant 15 : i32
      %dma_wait3A_413 = arith.constant 30720 : i32
      %dma_wait3A_414 = tpu.memref_slice %arg7[%dma_wait3A_413] : memref<32768xi32, #tpu.memory_space<vmem>> -> memref<2048xi32, #tpu.memory_space<vmem>>
      %dma_wait3A_415 = arith.constant 0 : i32
      %dma_wait3A_416 = tpu.memref_slice %arg10[%dma_wait3A_412, %dma_wait3A_415] : memref<16x2048xi32, #tpu.memory_space<vmem_shared>> -> memref<1x2048xi32, #tpu.memory_space<vmem_shared>>
      %dma_wait3A_417 = tpu.memref_squeeze %dma_wait3A_416 : memref<1x2048xi32, #tpu.memory_space<vmem_shared>> -> memref<2048xi32, #tpu.memory_space<vmem_shared>>
      %dma_wait3A_418 = arith.constant 30720 : i32
      %dma_wait3A_419 = tpu.memref_slice %arg7[%dma_wait3A_418] : memref<32768xi32, #tpu.memory_space<vmem>> -> memref<2048xi32, #tpu.memory_space<vmem>>
      %dma_wait3A_420 = arith.constant 0 : i32
      %dma_wait3A_421 = tpu.memref_slice %arg10[%dma_wait3A_412, %dma_wait3A_420] : memref<16x2048xi32, #tpu.memory_space<vmem_shared>> -> memref<1x2048xi32, #tpu.memory_space<vmem_shared>>
      %dma_wait3A_422 = tpu.memref_squeeze %dma_wait3A_421 : memref<1x2048xi32, #tpu.memory_space<vmem_shared>> -> memref<2048xi32, #tpu.memory_space<vmem_shared>>
      tpu.wait_dma2 semaphore(%arg13 : memref<!tpu.dma_semaphore, #tpu.memory_space<semaphore_mem>>) src(%dma_wait3A_422 : memref<2048xi32, #tpu.memory_space<vmem_shared>>) dst(%dma_wait3A_419 : memref<2048xi32, #tpu.memory_space<vmem>>)
      %parallel_loop3A_423 = arith.constant 0 : i32
      %parallel_loop3A_424 = arith.constant 128 : i32
      %parallel_loop3A_425 = arith.constant 1 : i32
      %parallel_loop3A_426 = arith.constant 0 : i32
      %parallel_loop3A_427 = arith.constant 0 : i32
      %parallel_loop3A_428 = arith.constant 0 : i32
      %parallel_loop3A_429:3 = scf.for %parallel_loop3A_442 = %parallel_loop3A_423 to %parallel_loop3A_424 step %parallel_loop3A_425 iter_args(%parallel_loop3A_443 = %parallel_loop3A_426, %parallel_loop3A_444 = %parallel_loop3A_427, %parallel_loop3A_445 = %parallel_loop3A_428) -> (i32, i32, i32)  : i32 {
        %parallel_loop3A_446 = arith.constant 16 : i32
        %parallel_loop3A_447 = arith.muli %parallel_loop3A_446, %parallel_loop3A_442 : i32
        %parallel_loop3A_448 = arith.index_cast %parallel_loop3A_447 : i32 to index
        %parallel_loop3A_449 = tpu.vector_load %arg7[%parallel_loop3A_448] {strides = array<i32>} : memref<32768xi32, #tpu.memory_space<vmem>>, vector<16xi32>,
        %parallel_loop3A_450 = arith.constant 16 : i32
        %parallel_loop3A_451 = arith.muli %parallel_loop3A_450, %parallel_loop3A_442 : i32
        %parallel_loop3A_452 = arith.constant 2048 : i32
        %parallel_loop3A_453 = arith.addi %parallel_loop3A_452, %parallel_loop3A_451 : i32
        %parallel_loop3A_454 = arith.index_cast %parallel_loop3A_453 : i32 to index
        %parallel_loop3A_455 = tpu.vector_load %arg7[%parallel_loop3A_454] {strides = array<i32>} : memref<32768xi32, #tpu.memory_space<vmem>>, vector<16xi32>,
        %parallel_loop3A_456 = arith.addi %parallel_loop3A_449, %parallel_loop3A_455 : vector<16xi32>
        %parallel_loop3A_457 = arith.constant 16 : i32
        %parallel_loop3A_458 = arith.muli %parallel_loop3A_457, %parallel_loop3A_442 : i32
        %parallel_loop3A_459 = arith.constant 4096 : i32
        %parallel_loop3A_460 = arith.addi %parallel_loop3A_459, %parallel_loop3A_458 : i32
        %parallel_loop3A_461 = arith.index_cast %parallel_loop3A_460 : i32 to index
        %parallel_loop3A_462 = tpu.vector_load %arg7[%parallel_loop3A_461] {strides = array<i32>} : memref<32768xi32, #tpu.memory_space<vmem>>, vector<16xi32>,
        %parallel_loop3A_463 = arith.addi %parallel_loop3A_456, %parallel_loop3A_462 : vector<16xi32>
        %parallel_loop3A_464 = arith.constant 16 : i32
        %parallel_loop3A_465 = arith.muli %parallel_loop3A_464, %parallel_loop3A_442 : i32
        %parallel_loop3A_466 = arith.constant 6144 : i32
        %parallel_loop3A_467 = arith.addi %parallel_loop3A_466, %parallel_loop3A_465 : i32
        %parallel_loop3A_468 = arith.index_cast %parallel_loop3A_467 : i32 to index
        %parallel_loop3A_469 = tpu.vector_load %arg7[%parallel_loop3A_468] {strides = array<i32>} : memref<32768xi32, #tpu.memory_space<vmem>>, vector<16xi32>,
        %parallel_loop3A_470 = arith.addi %parallel_loop3A_463, %parallel_loop3A_469 : vector<16xi32>
        %parallel_loop3A_471 = arith.constant 16 : i32
        %parallel_loop3A_472 = arith.muli %parallel_loop3A_471, %parallel_loop3A_442 : i32
        %parallel_loop3A_473 = arith.constant 8192 : i32
        %parallel_loop3A_474 = arith.addi %parallel_loop3A_473, %parallel_loop3A_472 : i32
        %parallel_loop3A_475 = arith.index_cast %parallel_loop3A_474 : i32 to index
        %parallel_loop3A_476 = tpu.vector_load %arg7[%parallel_loop3A_475] {strides = array<i32>} : memref<32768xi32, #tpu.memory_space<vmem>>, vector<16xi32>,
        %parallel_loop3A_477 = arith.addi %parallel_loop3A_470, %parallel_loop3A_476 : vector<16xi32>
        %parallel_loop3A_478 = arith.constant 16 : i32
        %parallel_loop3A_479 = arith.muli %parallel_loop3A_478, %parallel_loop3A_442 : i32
        %parallel_loop3A_480 = arith.constant 10240 : i32
        %parallel_loop3A_481 = arith.addi %parallel_loop3A_480, %parallel_loop3A_479 : i32
        %parallel_loop3A_482 = arith.index_cast %parallel_loop3A_481 : i32 to index
        %parallel_loop3A_483 = tpu.vector_load %arg7[%parallel_loop3A_482] {strides = array<i32>} : memref<32768xi32, #tpu.memory_space<vmem>>, vector<16xi32>,
        %parallel_loop3A_484 = arith.addi %parallel_loop3A_477, %parallel_loop3A_483 : vector<16xi32>
        %parallel_loop3A_485 = arith.constant 16 : i32
        %parallel_loop3A_486 = arith.muli %parallel_loop3A_485, %parallel_loop3A_442 : i32
        %parallel_loop3A_487 = arith.constant 12288 : i32
        %parallel_loop3A_488 = arith.addi %parallel_loop3A_487, %parallel_loop3A_486 : i32
        %parallel_loop3A_489 = arith.index_cast %parallel_loop3A_488 : i32 to index
        %parallel_loop3A_490 = tpu.vector_load %arg7[%parallel_loop3A_489] {strides = array<i32>} : memref<32768xi32, #tpu.memory_space<vmem>>, vector<16xi32>,
        %parallel_loop3A_491 = arith.addi %parallel_loop3A_484, %parallel_loop3A_490 : vector<16xi32>
        %parallel_loop3A_492 = arith.constant 16 : i32
        %parallel_loop3A_493 = arith.muli %parallel_loop3A_492, %parallel_loop3A_442 : i32
        %parallel_loop3A_494 = arith.constant 14336 : i32
        %parallel_loop3A_495 = arith.addi %parallel_loop3A_494, %parallel_loop3A_493 : i32
        %parallel_loop3A_496 = arith.index_cast %parallel_loop3A_495 : i32 to index
        %parallel_loop3A_497 = tpu.vector_load %arg7[%parallel_loop3A_496] {strides = array<i32>} : memref<32768xi32, #tpu.memory_space<vmem>>, vector<16xi32>,
        %parallel_loop3A_498 = arith.addi %parallel_loop3A_491, %parallel_loop3A_497 : vector<16xi32>
        %parallel_loop3A_499 = arith.constant 16 : i32
        %parallel_loop3A_500 = arith.muli %parallel_loop3A_499, %parallel_loop3A_442 : i32
        %parallel_loop3A_501 = arith.constant 16384 : i32
        %parallel_loop3A_502 = arith.addi %parallel_loop3A_501, %parallel_loop3A_500 : i32
        %parallel_loop3A_503 = arith.index_cast %parallel_loop3A_502 : i32 to index
        %parallel_loop3A_504 = tpu.vector_load %arg7[%parallel_loop3A_503] {strides = array<i32>} : memref<32768xi32, #tpu.memory_space<vmem>>, vector<16xi32>,
        %parallel_loop3A_505 = arith.addi %parallel_loop3A_498, %parallel_loop3A_504 : vector<16xi32>
        %parallel_loop3A_506 = arith.constant 16 : i32
        %parallel_loop3A_507 = arith.muli %parallel_loop3A_506, %parallel_loop3A_442 : i32
        %parallel_loop3A_508 = arith.constant 18432 : i32
        %parallel_loop3A_509 = arith.addi %parallel_loop3A_508, %parallel_loop3A_507 : i32
        %parallel_loop3A_510 = arith.index_cast %parallel_loop3A_509 : i32 to index
        %parallel_loop3A_511 = tpu.vector_load %arg7[%parallel_loop3A_510] {strides = array<i32>} : memref<32768xi32, #tpu.memory_space<vmem>>, vector<16xi32>,
        %parallel_loop3A_512 = arith.addi %parallel_loop3A_505, %parallel_loop3A_511 : vector<16xi32>
        %parallel_loop3A_513 = arith.constant 16 : i32
        %parallel_loop3A_514 = arith.muli %parallel_loop3A_513, %parallel_loop3A_442 : i32
        %parallel_loop3A_515 = arith.constant 20480 : i32
        %parallel_loop3A_516 = arith.addi %parallel_loop3A_515, %parallel_loop3A_514 : i32
        %parallel_loop3A_517 = arith.index_cast %parallel_loop3A_516 : i32 to index
        %parallel_loop3A_518 = tpu.vector_load %arg7[%parallel_loop3A_517] {strides = array<i32>} : memref<32768xi32, #tpu.memory_space<vmem>>, vector<16xi32>,
        %parallel_loop3A_519 = arith.addi %parallel_loop3A_512, %parallel_loop3A_518 : vector<16xi32>
        %parallel_loop3A_520 = arith.constant 16 : i32
        %parallel_loop3A_521 = arith.muli %parallel_loop3A_520, %parallel_loop3A_442 : i32
        %parallel_loop3A_522 = arith.constant 22528 : i32
        %parallel_loop3A_523 = arith.addi %parallel_loop3A_522, %parallel_loop3A_521 : i32
        %parallel_loop3A_524 = arith.index_cast %parallel_loop3A_523 : i32 to index
        %parallel_loop3A_525 = tpu.vector_load %arg7[%parallel_loop3A_524] {strides = array<i32>} : memref<32768xi32, #tpu.memory_space<vmem>>, vector<16xi32>,
        %parallel_loop3A_526 = arith.addi %parallel_loop3A_519, %parallel_loop3A_525 : vector<16xi32>
        %parallel_loop3A_527 = arith.constant 16 : i32
        %parallel_loop3A_528 = arith.muli %parallel_loop3A_527, %parallel_loop3A_442 : i32
        %parallel_loop3A_529 = arith.constant 24576 : i32
        %parallel_loop3A_530 = arith.addi %parallel_loop3A_529, %parallel_loop3A_528 : i32
        %parallel_loop3A_531 = arith.index_cast %parallel_loop3A_530 : i32 to index
        %parallel_loop3A_532 = tpu.vector_load %arg7[%parallel_loop3A_531] {strides = array<i32>} : memref<32768xi32, #tpu.memory_space<vmem>>, vector<16xi32>,
        %parallel_loop3A_533 = arith.addi %parallel_loop3A_526, %parallel_loop3A_532 : vector<16xi32>
        %parallel_loop3A_534 = arith.constant 16 : i32
        %parallel_loop3A_535 = arith.muli %parallel_loop3A_534, %parallel_loop3A_442 : i32
        %parallel_loop3A_536 = arith.constant 26624 : i32
        %parallel_loop3A_537 = arith.addi %parallel_loop3A_536, %parallel_loop3A_535 : i32
        %parallel_loop3A_538 = arith.index_cast %parallel_loop3A_537 : i32 to index
        %parallel_loop3A_539 = tpu.vector_load %arg7[%parallel_loop3A_538] {strides = array<i32>} : memref<32768xi32, #tpu.memory_space<vmem>>, vector<16xi32>,
        %parallel_loop3A_540 = arith.addi %parallel_loop3A_533, %parallel_loop3A_539 : vector<16xi32>
        %parallel_loop3A_541 = arith.constant 16 : i32
        %parallel_loop3A_542 = arith.muli %parallel_loop3A_541, %parallel_loop3A_442 : i32
        %parallel_loop3A_543 = arith.constant 28672 : i32
        %parallel_loop3A_544 = arith.addi %parallel_loop3A_543, %parallel_loop3A_542 : i32
        %parallel_loop3A_545 = arith.index_cast %parallel_loop3A_544 : i32 to index
        %parallel_loop3A_546 = tpu.vector_load %arg7[%parallel_loop3A_545] {strides = array<i32>} : memref<32768xi32, #tpu.memory_space<vmem>>, vector<16xi32>,
        %parallel_loop3A_547 = arith.addi %parallel_loop3A_540, %parallel_loop3A_546 : vector<16xi32>
        %parallel_loop3A_548 = arith.constant 16 : i32
        %parallel_loop3A_549 = arith.muli %parallel_loop3A_548, %parallel_loop3A_442 : i32
        %parallel_loop3A_550 = arith.constant 30720 : i32
        %parallel_loop3A_551 = arith.addi %parallel_loop3A_550, %parallel_loop3A_549 : i32
        %parallel_loop3A_552 = arith.index_cast %parallel_loop3A_551 : i32 to index
        %parallel_loop3A_553 = tpu.vector_load %arg7[%parallel_loop3A_552] {strides = array<i32>} : memref<32768xi32, #tpu.memory_space<vmem>>, vector<16xi32>,
        %parallel_loop3A_554 = arith.addi %parallel_loop3A_547, %parallel_loop3A_553 : vector<16xi32>
        %parallel_loop3A_555 = arith.constant true
        %parallel_loop3A_556 = vector.broadcast %parallel_loop3A_555 : i1 to vector<16xi1>
        %parallel_loop3A_557 = tpu.scan <sum>, %parallel_loop3A_554 masked %parallel_loop3A_556 : vector<16xi32>, vector<16xi1> -> vector<16xi32>
        %parallel_loop3A_558 = vector.broadcast %parallel_loop3A_443 : i32 to vector<16xi32>
        %parallel_loop3A_559 = arith.addi %parallel_loop3A_557, %parallel_loop3A_558 : vector<16xi32>
        %parallel_loop3A_560 = vector.broadcast %cond3A_17 : i32 to vector<16xi32>
        %parallel_loop3A_561 = arith.cmpi sle, %parallel_loop3A_559, %parallel_loop3A_560 : vector<16xi32>
        %parallel_loop3A_562 = arith.extui %parallel_loop3A_561 : vector<16xi1> to vector<16xi32>
        %parallel_loop3A_563 = arith.constant true
        %parallel_loop3A_564 = vector.broadcast %parallel_loop3A_563 : i1 to vector<16xi1>
        %parallel_loop3A_565 = tpu.scan <sum>, %parallel_loop3A_562 masked %parallel_loop3A_564 : vector<16xi32>, vector<16xi1> -> vector<16xi32>
        %parallel_loop3A_566 = vector.extract %parallel_loop3A_565[15] : i32 from vector<16xi32>
        %parallel_loop3A_567 = arith.constant 0 : i32
        %parallel_loop3A_568 = vector.broadcast %parallel_loop3A_567 : i32 to vector<16xi32>
        %parallel_loop3A_569 = arith.select %parallel_loop3A_561, %parallel_loop3A_554, %parallel_loop3A_568 : vector<16xi1>, vector<16xi32>
        %parallel_loop3A_570 = arith.constant true
        %parallel_loop3A_571 = vector.broadcast %parallel_loop3A_570 : i1 to vector<16xi1>
        %parallel_loop3A_572 = tpu.scan <sum>, %parallel_loop3A_569 masked %parallel_loop3A_571 : vector<16xi32>, vector<16xi1> -> vector<16xi32>
        %parallel_loop3A_573 = vector.extract %parallel_loop3A_572[15] : i32 from vector<16xi32>
        %parallel_loop3A_574 = arith.constant true
        %parallel_loop3A_575 = vector.broadcast %parallel_loop3A_574 : i1 to vector<16xi1>
        %parallel_loop3A_576 = tpu.scan <sum>, %parallel_loop3A_554 masked %parallel_loop3A_575 : vector<16xi32>, vector<16xi1> -> vector<16xi32>
        %parallel_loop3A_577 = vector.extract %parallel_loop3A_576[15] : i32 from vector<16xi32>
        %parallel_loop3A_578 = arith.addi %parallel_loop3A_443, %parallel_loop3A_577 : i32
        %parallel_loop3A_579 = arith.addi %parallel_loop3A_444, %parallel_loop3A_566 : i32
        %parallel_loop3A_580 = arith.addi %parallel_loop3A_445, %parallel_loop3A_573 : i32
        scf.yield %parallel_loop3A_578, %parallel_loop3A_579, %parallel_loop3A_580 : i32, i32, i32
      } {sc.loop_unroll_factor = 4 : i64, sc.parallel_access}
      %broadcast_in_dim3A_430 = arith.constant 0 : i32
      %broadcast_in_dim3A_431 = vector.broadcast %broadcast_in_dim3A_430 : i32 to vector<16xi32>
      %add3A_432 = vector.broadcast %parallel_loop3A_429#1 : i32 to vector<16xi32>
      %add3A_433 = arith.addi %broadcast_in_dim3A_431, %add3A_432 : vector<16xi32>
      %swap3A_434 = arith.constant 0 : index
      %swap3A_435 = tpu.vector_load %arg8[%swap3A_434] {strides = array<i32>} : memref<16xi32, #tpu.memory_space<vmem>>, vector<16xi32>,
      tpu.vector_store %arg8[%swap3A_434], %add3A_433 {strides = array<i32>} : memref<16xi32, #tpu.memory_space<vmem>>, vector<16xi32>,
      %broadcast_in_dim3A_436 = arith.constant 0 : i32
      %broadcast_in_dim3A_437 = vector.broadcast %broadcast_in_dim3A_436 : i32 to vector<16xi32>
      %add3A_438 = vector.broadcast %parallel_loop3A_429#2 : i32 to vector<16xi32>
      %add3A_439 = arith.addi %broadcast_in_dim3A_437, %add3A_438 : vector<16xi32>
      %swap3A_440 = arith.constant 0 : index
      %swap3A_441 = tpu.vector_load %arg9[%swap3A_440] {strides = array<i32>} : memref<16xi32, #tpu.memory_space<vmem>>, vector<16xi32>,
      tpu.vector_store %arg9[%swap3A_440], %add3A_439 {strides = array<i32>} : memref<16xi32, #tpu.memory_space<vmem>>, vector<16xi32>,
      "tpu.region"() ({
        %run_scoped3A = tpu.sem_alloc : memref<!tpu.dma_semaphore, #tpu.memory_space<semaphore_mem>>
        tpu.enqueue_dma source(%arg8 : memref<16xi32, #tpu.memory_space<vmem>>) target(%arg11 : memref<16xi32, #tpu.memory_space<vmem_shared>>) target_semaphore(%run_scoped3A : memref<!tpu.dma_semaphore, #tpu.memory_space<semaphore_mem>>)
        tpu.wait_dma2 semaphore(%run_scoped3A : memref<!tpu.dma_semaphore, #tpu.memory_space<semaphore_mem>>) src(%arg8 : memref<16xi32, #tpu.memory_space<vmem>>) dst(%arg11 : memref<16xi32, #tpu.memory_space<vmem_shared>>)
        tpu.yield
      }) : () -> ()
      "tpu.region"() ({
        %run_scoped3A = tpu.sem_alloc : memref<!tpu.dma_semaphore, #tpu.memory_space<semaphore_mem>>
        tpu.enqueue_dma source(%arg9 : memref<16xi32, #tpu.memory_space<vmem>>) target(%arg12 : memref<16xi32, #tpu.memory_space<vmem_shared>>) target_semaphore(%run_scoped3A : memref<!tpu.dma_semaphore, #tpu.memory_space<semaphore_mem>>)
        tpu.wait_dma2 semaphore(%run_scoped3A : memref<!tpu.dma_semaphore, #tpu.memory_space<semaphore_mem>>) src(%arg9 : memref<16xi32, #tpu.memory_space<vmem>>) dst(%arg12 : memref<16xi32, #tpu.memory_space<vmem_shared>>)
        tpu.yield
      }) : () -> ()
    } else {
    }
    %barrier3A_20 = arith.constant 0 : index
    tpu.barrier barrier_id(%barrier3A_20)
    "tpu.region"() ({
      %run_scoped3A = tpu.sem_alloc : memref<!tpu.dma_semaphore, #tpu.memory_space<semaphore_mem>>
      tpu.enqueue_dma source(%arg11 : memref<16xi32, #tpu.memory_space<vmem_shared>>) target(%arg8 : memref<16xi32, #tpu.memory_space<vmem>>) target_semaphore(%run_scoped3A : memref<!tpu.dma_semaphore, #tpu.memory_space<semaphore_mem>>)
      tpu.wait_dma2 semaphore(%run_scoped3A : memref<!tpu.dma_semaphore, #tpu.memory_space<semaphore_mem>>) src(%arg11 : memref<16xi32, #tpu.memory_space<vmem_shared>>) dst(%arg8 : memref<16xi32, #tpu.memory_space<vmem>>)
      tpu.yield
    }) : () -> ()
    "tpu.region"() ({
      %run_scoped3A = tpu.sem_alloc : memref<!tpu.dma_semaphore, #tpu.memory_space<semaphore_mem>>
      tpu.enqueue_dma source(%arg12 : memref<16xi32, #tpu.memory_space<vmem_shared>>) target(%arg9 : memref<16xi32, #tpu.memory_space<vmem>>) target_semaphore(%run_scoped3A : memref<!tpu.dma_semaphore, #tpu.memory_space<semaphore_mem>>)
      tpu.wait_dma2 semaphore(%run_scoped3A : memref<!tpu.dma_semaphore, #tpu.memory_space<semaphore_mem>>) src(%arg12 : memref<16xi32, #tpu.memory_space<vmem_shared>>) dst(%arg9 : memref<16xi32, #tpu.memory_space<vmem>>)
      tpu.yield
    }) : () -> ()
    %get3A = arith.constant 0 : index
    %get3A_21 = tpu.vector_load %arg8[%get3A] {strides = array<i32>} : memref<16xi32, #tpu.memory_space<vmem>>, vector<16xi32>,
    %get3A_22 = arith.constant 0 : index
    %get3A_23 = tpu.vector_load %arg9[%get3A_22] {strides = array<i32>} : memref<16xi32, #tpu.memory_space<vmem>>, vector<16xi32>,
    %sub3A = arith.constant 943718 : i32
    %sub3A_24 = vector.broadcast %sub3A : i32 to vector<16xi32>
    %sub3A_25 = arith.subi %sub3A_24, %get3A_23 : vector<16xi32>
    %parallel_loop3A_26 = arith.constant 0 : i32
    %parallel_loop3A_27 = arith.constant 128 : i32
    %parallel_loop3A_28 = arith.constant 1 : i32
    scf.for %parallel_loop3A_73 = %parallel_loop3A_26 to %parallel_loop3A_27 step %parallel_loop3A_28  : i32 {
      %parallel_loop3A_74 = arith.constant 0 : i32
      %parallel_loop3A_75 = vector.broadcast %parallel_loop3A_74 : i32 to vector<16xi32>
      %parallel_loop3A_76 = arith.constant 16 : i32
      %parallel_loop3A_77 = arith.muli %parallel_loop3A_76, %parallel_loop3A_73 : i32
      %parallel_loop3A_78 = arith.index_cast %parallel_loop3A_77 : i32 to index
      %parallel_loop3A_79 = tpu.vector_load %arg6[%parallel_loop3A_78] {strides = array<i32>} : memref<2048xi32, #tpu.memory_space<vmem>>, vector<16xi32>,
      tpu.vector_store %arg6[%parallel_loop3A_78], %parallel_loop3A_75 {strides = array<i32>} : memref<2048xi32, #tpu.memory_space<vmem>>, vector<16xi32>,
    } {sc.loop_unroll_factor = 8 : i64, sc.parallel_access}
    %parallel_loop3A_29 = arith.constant 0 : i32
    %parallel_loop3A_30 = arith.constant 4096 : i32
    %parallel_loop3A_31 = arith.constant 1 : i32
    scf.for %parallel_loop3A_73 = %parallel_loop3A_29 to %parallel_loop3A_30 step %parallel_loop3A_31  : i32 {
      %parallel_loop3A_74 = arith.constant 16 : i32
      %parallel_loop3A_75 = arith.muli %parallel_loop3A_74, %parallel_loop3A_73 : i32
      %parallel_loop3A_76 = arith.index_cast %parallel_loop3A_75 : i32 to index
      %parallel_loop3A_77 = tpu.vector_load %arg5[%parallel_loop3A_76] {strides = array<i32>} : memref<65536xf32, #tpu.memory_space<vmem>>, vector<16xf32>,
      %parallel_loop3A_78 = math.absf %parallel_loop3A_77 : vector<16xf32>
      %parallel_loop3A_79 = tpu.bitcast %parallel_loop3A_78 : vector<16xf32> -> vector<16xi32>
      %parallel_loop3A_80 = arith.constant 9 : i32
      %parallel_loop3A_81 = vector.broadcast %parallel_loop3A_80 : i32 to vector<16xi32>
      %parallel_loop3A_82 = arith.shrsi %parallel_loop3A_79, %parallel_loop3A_81 : vector<16xi32>
      %parallel_loop3A_83 = arith.constant 2047 : i32
      %parallel_loop3A_84 = vector.broadcast %parallel_loop3A_83 : i32 to vector<16xi32>
      %parallel_loop3A_85 = arith.andi %parallel_loop3A_82, %parallel_loop3A_84 : vector<16xi32>
      %parallel_loop3A_86 = arith.constant 20 : i32
      %parallel_loop3A_87 = vector.broadcast %parallel_loop3A_86 : i32 to vector<16xi32>
      %parallel_loop3A_88 = arith.shrsi %parallel_loop3A_79, %parallel_loop3A_87 : vector<16xi32>
      %parallel_loop3A_89 = arith.cmpi eq, %parallel_loop3A_88, %get3A_21 : vector<16xi32>
      tpu.vector_store_idx %arg6[%parallel_loop3A_85], %broadcast_in_dim3A_8 masked %parallel_loop3A_89 {add = true} : memref<2048xi32, #tpu.memory_space<vmem>>[vector<16xi32>], vector<16xi32>, vector<16xi1>
    } {sc.loop_unroll_factor = 8 : i64, sc.parallel_access}
    "tpu.region"() ({
      %run_scoped3A = tpu.sem_alloc : memref<!tpu.dma_semaphore, #tpu.memory_space<semaphore_mem>>
      %dma_start3A = arith.constant 0 : i32
      %dma_start3A_73 = tpu.memref_slice %arg10[%arg1, %dma_start3A] : memref<16x2048xi32, #tpu.memory_space<vmem_shared>> -> memref<1x2048xi32, #tpu.memory_space<vmem_shared>>
      %dma_start3A_74 = tpu.memref_squeeze %dma_start3A_73 : memref<1x2048xi32, #tpu.memory_space<vmem_shared>> -> memref<2048xi32, #tpu.memory_space<vmem_shared>>
      %dma_start3A_75 = arith.constant 0 : i32
      %dma_start3A_76 = tpu.memref_slice %arg10[%arg1, %dma_start3A_75] : memref<16x2048xi32, #tpu.memory_space<vmem_shared>> -> memref<1x2048xi32, #tpu.memory_space<vmem_shared>>
      %dma_start3A_77 = tpu.memref_squeeze %dma_start3A_76 : memref<1x2048xi32, #tpu.memory_space<vmem_shared>> -> memref<2048xi32, #tpu.memory_space<vmem_shared>>
      tpu.enqueue_dma source(%arg6 : memref<2048xi32, #tpu.memory_space<vmem>>) target(%dma_start3A_77 : memref<2048xi32, #tpu.memory_space<vmem_shared>>) target_semaphore(%run_scoped3A : memref<!tpu.dma_semaphore, #tpu.memory_space<semaphore_mem>>)
      %dma_wait3A = arith.constant 0 : i32
      %dma_wait3A_78 = tpu.memref_slice %arg10[%arg1, %dma_wait3A] : memref<16x2048xi32, #tpu.memory_space<vmem_shared>> -> memref<1x2048xi32, #tpu.memory_space<vmem_shared>>
      %dma_wait3A_79 = tpu.memref_squeeze %dma_wait3A_78 : memref<1x2048xi32, #tpu.memory_space<vmem_shared>> -> memref<2048xi32, #tpu.memory_space<vmem_shared>>
      %dma_wait3A_80 = arith.constant 0 : i32
      %dma_wait3A_81 = tpu.memref_slice %arg10[%arg1, %dma_wait3A_80] : memref<16x2048xi32, #tpu.memory_space<vmem_shared>> -> memref<1x2048xi32, #tpu.memory_space<vmem_shared>>
      %dma_wait3A_82 = tpu.memref_squeeze %dma_wait3A_81 : memref<1x2048xi32, #tpu.memory_space<vmem_shared>> -> memref<2048xi32, #tpu.memory_space<vmem_shared>>
      tpu.wait_dma2 semaphore(%run_scoped3A : memref<!tpu.dma_semaphore, #tpu.memory_space<semaphore_mem>>) src(%arg6 : memref<2048xi32, #tpu.memory_space<vmem>>) dst(%dma_wait3A_82 : memref<2048xi32, #tpu.memory_space<vmem_shared>>)
      tpu.yield
    }) : () -> ()
    %barrier3A_32 = arith.constant 0 : index
    tpu.barrier barrier_id(%barrier3A_32)
    %eq3A_33 = arith.constant 0 : i32
    %eq3A_34 = arith.cmpi eq, %arg1, %eq3A_33 : i32
    %convert_element_type3A_35 = arith.extui %eq3A_34 : i1 to i32
    %cond3A_36 = arith.constant 0 : i32
    %cond3A_37 = arith.cmpi ne, %convert_element_type3A_35, %cond3A_36 : i32
    scf.if %cond3A_37 {
      %dma_start3A = arith.constant 0 : i32
      %dma_start3A_73 = arith.constant 0 : i32
      %dma_start3A_74 = tpu.memref_slice %arg7[%dma_start3A_73] : memref<32768xi32, #tpu.memory_space<vmem>> -> memref<2048xi32, #tpu.memory_space<vmem>>
      %dma_start3A_75 = arith.constant 0 : i32
      %dma_start3A_76 = tpu.memref_slice %arg10[%dma_start3A, %dma_start3A_75] : memref<16x2048xi32, #tpu.memory_space<vmem_shared>> -> memref<1x2048xi32, #tpu.memory_space<vmem_shared>>
      %dma_start3A_77 = tpu.memref_squeeze %dma_start3A_76 : memref<1x2048xi32, #tpu.memory_space<vmem_shared>> -> memref<2048xi32, #tpu.memory_space<vmem_shared>>
      %dma_start3A_78 = arith.constant 0 : i32
      %dma_start3A_79 = tpu.memref_slice %arg7[%dma_start3A_78] : memref<32768xi32, #tpu.memory_space<vmem>> -> memref<2048xi32, #tpu.memory_space<vmem>>
      %dma_start3A_80 = arith.constant 0 : i32
      %dma_start3A_81 = tpu.memref_slice %arg10[%dma_start3A, %dma_start3A_80] : memref<16x2048xi32, #tpu.memory_space<vmem_shared>> -> memref<1x2048xi32, #tpu.memory_space<vmem_shared>>
      %dma_start3A_82 = tpu.memref_squeeze %dma_start3A_81 : memref<1x2048xi32, #tpu.memory_space<vmem_shared>> -> memref<2048xi32, #tpu.memory_space<vmem_shared>>
      tpu.enqueue_dma source(%dma_start3A_82 : memref<2048xi32, #tpu.memory_space<vmem_shared>>) target(%dma_start3A_79 : memref<2048xi32, #tpu.memory_space<vmem>>) target_semaphore(%arg13 : memref<!tpu.dma_semaphore, #tpu.memory_space<semaphore_mem>>)
      %dma_start3A_83 = arith.constant 1 : i32
      %dma_start3A_84 = arith.constant 2048 : i32
      %dma_start3A_85 = tpu.memref_slice %arg7[%dma_start3A_84] : memref<32768xi32, #tpu.memory_space<vmem>> -> memref<2048xi32, #tpu.memory_space<vmem>>
      %dma_start3A_86 = arith.constant 0 : i32
      %dma_start3A_87 = tpu.memref_slice %arg10[%dma_start3A_83, %dma_start3A_86] : memref<16x2048xi32, #tpu.memory_space<vmem_shared>> -> memref<1x2048xi32, #tpu.memory_space<vmem_shared>>
      %dma_start3A_88 = tpu.memref_squeeze %dma_start3A_87 : memref<1x2048xi32, #tpu.memory_space<vmem_shared>> -> memref<2048xi32, #tpu.memory_space<vmem_shared>>
      %dma_start3A_89 = arith.constant 2048 : i32
      %dma_start3A_90 = tpu.memref_slice %arg7[%dma_start3A_89] : memref<32768xi32, #tpu.memory_space<vmem>> -> memref<2048xi32, #tpu.memory_space<vmem>>
      %dma_start3A_91 = arith.constant 0 : i32
      %dma_start3A_92 = tpu.memref_slice %arg10[%dma_start3A_83, %dma_start3A_91] : memref<16x2048xi32, #tpu.memory_space<vmem_shared>> -> memref<1x2048xi32, #tpu.memory_space<vmem_shared>>
      %dma_start3A_93 = tpu.memref_squeeze %dma_start3A_92 : memref<1x2048xi32, #tpu.memory_space<vmem_shared>> -> memref<2048xi32, #tpu.memory_space<vmem_shared>>
      tpu.enqueue_dma source(%dma_start3A_93 : memref<2048xi32, #tpu.memory_space<vmem_shared>>) target(%dma_start3A_90 : memref<2048xi32, #tpu.memory_space<vmem>>) target_semaphore(%arg13 : memref<!tpu.dma_semaphore, #tpu.memory_space<semaphore_mem>>)
      %dma_start3A_94 = arith.constant 2 : i32
      %dma_start3A_95 = arith.constant 4096 : i32
      %dma_start3A_96 = tpu.memref_slice %arg7[%dma_start3A_95] : memref<32768xi32, #tpu.memory_space<vmem>> -> memref<2048xi32, #tpu.memory_space<vmem>>
      %dma_start3A_97 = arith.constant 0 : i32
      %dma_start3A_98 = tpu.memref_slice %arg10[%dma_start3A_94, %dma_start3A_97] : memref<16x2048xi32, #tpu.memory_space<vmem_shared>> -> memref<1x2048xi32, #tpu.memory_space<vmem_shared>>
      %dma_start3A_99 = tpu.memref_squeeze %dma_start3A_98 : memref<1x2048xi32, #tpu.memory_space<vmem_shared>> -> memref<2048xi32, #tpu.memory_space<vmem_shared>>
      %dma_start3A_100 = arith.constant 4096 : i32
      %dma_start3A_101 = tpu.memref_slice %arg7[%dma_start3A_100] : memref<32768xi32, #tpu.memory_space<vmem>> -> memref<2048xi32, #tpu.memory_space<vmem>>
      %dma_start3A_102 = arith.constant 0 : i32
      %dma_start3A_103 = tpu.memref_slice %arg10[%dma_start3A_94, %dma_start3A_102] : memref<16x2048xi32, #tpu.memory_space<vmem_shared>> -> memref<1x2048xi32, #tpu.memory_space<vmem_shared>>
      %dma_start3A_104 = tpu.memref_squeeze %dma_start3A_103 : memref<1x2048xi32, #tpu.memory_space<vmem_shared>> -> memref<2048xi32, #tpu.memory_space<vmem_shared>>
      tpu.enqueue_dma source(%dma_start3A_104 : memref<2048xi32, #tpu.memory_space<vmem_shared>>) target(%dma_start3A_101 : memref<2048xi32, #tpu.memory_space<vmem>>) target_semaphore(%arg13 : memref<!tpu.dma_semaphore, #tpu.memory_space<semaphore_mem>>)
      %dma_start3A_105 = arith.constant 3 : i32
      %dma_start3A_106 = arith.constant 6144 : i32
      %dma_start3A_107 = tpu.memref_slice %arg7[%dma_start3A_106] : memref<32768xi32, #tpu.memory_space<vmem>> -> memref<2048xi32, #tpu.memory_space<vmem>>
      %dma_start3A_108 = arith.constant 0 : i32
      %dma_start3A_109 = tpu.memref_slice %arg10[%dma_start3A_105, %dma_start3A_108] : memref<16x2048xi32, #tpu.memory_space<vmem_shared>> -> memref<1x2048xi32, #tpu.memory_space<vmem_shared>>
      %dma_start3A_110 = tpu.memref_squeeze %dma_start3A_109 : memref<1x2048xi32, #tpu.memory_space<vmem_shared>> -> memref<2048xi32, #tpu.memory_space<vmem_shared>>
      %dma_start3A_111 = arith.constant 6144 : i32
      %dma_start3A_112 = tpu.memref_slice %arg7[%dma_start3A_111] : memref<32768xi32, #tpu.memory_space<vmem>> -> memref<2048xi32, #tpu.memory_space<vmem>>
      %dma_start3A_113 = arith.constant 0 : i32
      %dma_start3A_114 = tpu.memref_slice %arg10[%dma_start3A_105, %dma_start3A_113] : memref<16x2048xi32, #tpu.memory_space<vmem_shared>> -> memref<1x2048xi32, #tpu.memory_space<vmem_shared>>
      %dma_start3A_115 = tpu.memref_squeeze %dma_start3A_114 : memref<1x2048xi32, #tpu.memory_space<vmem_shared>> -> memref<2048xi32, #tpu.memory_space<vmem_shared>>
      tpu.enqueue_dma source(%dma_start3A_115 : memref<2048xi32, #tpu.memory_space<vmem_shared>>) target(%dma_start3A_112 : memref<2048xi32, #tpu.memory_space<vmem>>) target_semaphore(%arg13 : memref<!tpu.dma_semaphore, #tpu.memory_space<semaphore_mem>>)
      %dma_start3A_116 = arith.constant 4 : i32
      %dma_start3A_117 = arith.constant 8192 : i32
      %dma_start3A_118 = tpu.memref_slice %arg7[%dma_start3A_117] : memref<32768xi32, #tpu.memory_space<vmem>> -> memref<2048xi32, #tpu.memory_space<vmem>>
      %dma_start3A_119 = arith.constant 0 : i32
      %dma_start3A_120 = tpu.memref_slice %arg10[%dma_start3A_116, %dma_start3A_119] : memref<16x2048xi32, #tpu.memory_space<vmem_shared>> -> memref<1x2048xi32, #tpu.memory_space<vmem_shared>>
      %dma_start3A_121 = tpu.memref_squeeze %dma_start3A_120 : memref<1x2048xi32, #tpu.memory_space<vmem_shared>> -> memref<2048xi32, #tpu.memory_space<vmem_shared>>
      %dma_start3A_122 = arith.constant 8192 : i32
      %dma_start3A_123 = tpu.memref_slice %arg7[%dma_start3A_122] : memref<32768xi32, #tpu.memory_space<vmem>> -> memref<2048xi32, #tpu.memory_space<vmem>>
      %dma_start3A_124 = arith.constant 0 : i32
      %dma_start3A_125 = tpu.memref_slice %arg10[%dma_start3A_116, %dma_start3A_124] : memref<16x2048xi32, #tpu.memory_space<vmem_shared>> -> memref<1x2048xi32, #tpu.memory_space<vmem_shared>>
      %dma_start3A_126 = tpu.memref_squeeze %dma_start3A_125 : memref<1x2048xi32, #tpu.memory_space<vmem_shared>> -> memref<2048xi32, #tpu.memory_space<vmem_shared>>
      tpu.enqueue_dma source(%dma_start3A_126 : memref<2048xi32, #tpu.memory_space<vmem_shared>>) target(%dma_start3A_123 : memref<2048xi32, #tpu.memory_space<vmem>>) target_semaphore(%arg13 : memref<!tpu.dma_semaphore, #tpu.memory_space<semaphore_mem>>)
      %dma_start3A_127 = arith.constant 5 : i32
      %dma_start3A_128 = arith.constant 10240 : i32
      %dma_start3A_129 = tpu.memref_slice %arg7[%dma_start3A_128] : memref<32768xi32, #tpu.memory_space<vmem>> -> memref<2048xi32, #tpu.memory_space<vmem>>
      %dma_start3A_130 = arith.constant 0 : i32
      %dma_start3A_131 = tpu.memref_slice %arg10[%dma_start3A_127, %dma_start3A_130] : memref<16x2048xi32, #tpu.memory_space<vmem_shared>> -> memref<1x2048xi32, #tpu.memory_space<vmem_shared>>
      %dma_start3A_132 = tpu.memref_squeeze %dma_start3A_131 : memref<1x2048xi32, #tpu.memory_space<vmem_shared>> -> memref<2048xi32, #tpu.memory_space<vmem_shared>>
      %dma_start3A_133 = arith.constant 10240 : i32
      %dma_start3A_134 = tpu.memref_slice %arg7[%dma_start3A_133] : memref<32768xi32, #tpu.memory_space<vmem>> -> memref<2048xi32, #tpu.memory_space<vmem>>
      %dma_start3A_135 = arith.constant 0 : i32
      %dma_start3A_136 = tpu.memref_slice %arg10[%dma_start3A_127, %dma_start3A_135] : memref<16x2048xi32, #tpu.memory_space<vmem_shared>> -> memref<1x2048xi32, #tpu.memory_space<vmem_shared>>
      %dma_start3A_137 = tpu.memref_squeeze %dma_start3A_136 : memref<1x2048xi32, #tpu.memory_space<vmem_shared>> -> memref<2048xi32, #tpu.memory_space<vmem_shared>>
      tpu.enqueue_dma source(%dma_start3A_137 : memref<2048xi32, #tpu.memory_space<vmem_shared>>) target(%dma_start3A_134 : memref<2048xi32, #tpu.memory_space<vmem>>) target_semaphore(%arg13 : memref<!tpu.dma_semaphore, #tpu.memory_space<semaphore_mem>>)
      %dma_start3A_138 = arith.constant 6 : i32
      %dma_start3A_139 = arith.constant 12288 : i32
      %dma_start3A_140 = tpu.memref_slice %arg7[%dma_start3A_139] : memref<32768xi32, #tpu.memory_space<vmem>> -> memref<2048xi32, #tpu.memory_space<vmem>>
      %dma_start3A_141 = arith.constant 0 : i32
      %dma_start3A_142 = tpu.memref_slice %arg10[%dma_start3A_138, %dma_start3A_141] : memref<16x2048xi32, #tpu.memory_space<vmem_shared>> -> memref<1x2048xi32, #tpu.memory_space<vmem_shared>>
      %dma_start3A_143 = tpu.memref_squeeze %dma_start3A_142 : memref<1x2048xi32, #tpu.memory_space<vmem_shared>> -> memref<2048xi32, #tpu.memory_space<vmem_shared>>
      %dma_start3A_144 = arith.constant 12288 : i32
      %dma_start3A_145 = tpu.memref_slice %arg7[%dma_start3A_144] : memref<32768xi32, #tpu.memory_space<vmem>> -> memref<2048xi32, #tpu.memory_space<vmem>>
      %dma_start3A_146 = arith.constant 0 : i32
      %dma_start3A_147 = tpu.memref_slice %arg10[%dma_start3A_138, %dma_start3A_146] : memref<16x2048xi32, #tpu.memory_space<vmem_shared>> -> memref<1x2048xi32, #tpu.memory_space<vmem_shared>>
      %dma_start3A_148 = tpu.memref_squeeze %dma_start3A_147 : memref<1x2048xi32, #tpu.memory_space<vmem_shared>> -> memref<2048xi32, #tpu.memory_space<vmem_shared>>
      tpu.enqueue_dma source(%dma_start3A_148 : memref<2048xi32, #tpu.memory_space<vmem_shared>>) target(%dma_start3A_145 : memref<2048xi32, #tpu.memory_space<vmem>>) target_semaphore(%arg13 : memref<!tpu.dma_semaphore, #tpu.memory_space<semaphore_mem>>)
      %dma_start3A_149 = arith.constant 7 : i32
      %dma_start3A_150 = arith.constant 14336 : i32
      %dma_start3A_151 = tpu.memref_slice %arg7[%dma_start3A_150] : memref<32768xi32, #tpu.memory_space<vmem>> -> memref<2048xi32, #tpu.memory_space<vmem>>
      %dma_start3A_152 = arith.constant 0 : i32
      %dma_start3A_153 = tpu.memref_slice %arg10[%dma_start3A_149, %dma_start3A_152] : memref<16x2048xi32, #tpu.memory_space<vmem_shared>> -> memref<1x2048xi32, #tpu.memory_space<vmem_shared>>
      %dma_start3A_154 = tpu.memref_squeeze %dma_start3A_153 : memref<1x2048xi32, #tpu.memory_space<vmem_shared>> -> memref<2048xi32, #tpu.memory_space<vmem_shared>>
      %dma_start3A_155 = arith.constant 14336 : i32
      %dma_start3A_156 = tpu.memref_slice %arg7[%dma_start3A_155] : memref<32768xi32, #tpu.memory_space<vmem>> -> memref<2048xi32, #tpu.memory_space<vmem>>
      %dma_start3A_157 = arith.constant 0 : i32
      %dma_start3A_158 = tpu.memref_slice %arg10[%dma_start3A_149, %dma_start3A_157] : memref<16x2048xi32, #tpu.memory_space<vmem_shared>> -> memref<1x2048xi32, #tpu.memory_space<vmem_shared>>
      %dma_start3A_159 = tpu.memref_squeeze %dma_start3A_158 : memref<1x2048xi32, #tpu.memory_space<vmem_shared>> -> memref<2048xi32, #tpu.memory_space<vmem_shared>>
      tpu.enqueue_dma source(%dma_start3A_159 : memref<2048xi32, #tpu.memory_space<vmem_shared>>) target(%dma_start3A_156 : memref<2048xi32, #tpu.memory_space<vmem>>) target_semaphore(%arg13 : memref<!tpu.dma_semaphore, #tpu.memory_space<semaphore_mem>>)
      %dma_start3A_160 = arith.constant 8 : i32
      %dma_start3A_161 = arith.constant 16384 : i32
      %dma_start3A_162 = tpu.memref_slice %arg7[%dma_start3A_161] : memref<32768xi32, #tpu.memory_space<vmem>> -> memref<2048xi32, #tpu.memory_space<vmem>>
      %dma_start3A_163 = arith.constant 0 : i32
      %dma_start3A_164 = tpu.memref_slice %arg10[%dma_start3A_160, %dma_start3A_163] : memref<16x2048xi32, #tpu.memory_space<vmem_shared>> -> memref<1x2048xi32, #tpu.memory_space<vmem_shared>>
      %dma_start3A_165 = tpu.memref_squeeze %dma_start3A_164 : memref<1x2048xi32, #tpu.memory_space<vmem_shared>> -> memref<2048xi32, #tpu.memory_space<vmem_shared>>
      %dma_start3A_166 = arith.constant 16384 : i32
      %dma_start3A_167 = tpu.memref_slice %arg7[%dma_start3A_166] : memref<32768xi32, #tpu.memory_space<vmem>> -> memref<2048xi32, #tpu.memory_space<vmem>>
      %dma_start3A_168 = arith.constant 0 : i32
      %dma_start3A_169 = tpu.memref_slice %arg10[%dma_start3A_160, %dma_start3A_168] : memref<16x2048xi32, #tpu.memory_space<vmem_shared>> -> memref<1x2048xi32, #tpu.memory_space<vmem_shared>>
      %dma_start3A_170 = tpu.memref_squeeze %dma_start3A_169 : memref<1x2048xi32, #tpu.memory_space<vmem_shared>> -> memref<2048xi32, #tpu.memory_space<vmem_shared>>
      tpu.enqueue_dma source(%dma_start3A_170 : memref<2048xi32, #tpu.memory_space<vmem_shared>>) target(%dma_start3A_167 : memref<2048xi32, #tpu.memory_space<vmem>>) target_semaphore(%arg13 : memref<!tpu.dma_semaphore, #tpu.memory_space<semaphore_mem>>)
      %dma_start3A_171 = arith.constant 9 : i32
      %dma_start3A_172 = arith.constant 18432 : i32
      %dma_start3A_173 = tpu.memref_slice %arg7[%dma_start3A_172] : memref<32768xi32, #tpu.memory_space<vmem>> -> memref<2048xi32, #tpu.memory_space<vmem>>
      %dma_start3A_174 = arith.constant 0 : i32
      %dma_start3A_175 = tpu.memref_slice %arg10[%dma_start3A_171, %dma_start3A_174] : memref<16x2048xi32, #tpu.memory_space<vmem_shared>> -> memref<1x2048xi32, #tpu.memory_space<vmem_shared>>
      %dma_start3A_176 = tpu.memref_squeeze %dma_start3A_175 : memref<1x2048xi32, #tpu.memory_space<vmem_shared>> -> memref<2048xi32, #tpu.memory_space<vmem_shared>>
      %dma_start3A_177 = arith.constant 18432 : i32
      %dma_start3A_178 = tpu.memref_slice %arg7[%dma_start3A_177] : memref<32768xi32, #tpu.memory_space<vmem>> -> memref<2048xi32, #tpu.memory_space<vmem>>
      %dma_start3A_179 = arith.constant 0 : i32
      %dma_start3A_180 = tpu.memref_slice %arg10[%dma_start3A_171, %dma_start3A_179] : memref<16x2048xi32, #tpu.memory_space<vmem_shared>> -> memref<1x2048xi32, #tpu.memory_space<vmem_shared>>
      %dma_start3A_181 = tpu.memref_squeeze %dma_start3A_180 : memref<1x2048xi32, #tpu.memory_space<vmem_shared>> -> memref<2048xi32, #tpu.memory_space<vmem_shared>>
      tpu.enqueue_dma source(%dma_start3A_181 : memref<2048xi32, #tpu.memory_space<vmem_shared>>) target(%dma_start3A_178 : memref<2048xi32, #tpu.memory_space<vmem>>) target_semaphore(%arg13 : memref<!tpu.dma_semaphore, #tpu.memory_space<semaphore_mem>>)
      %dma_start3A_182 = arith.constant 10 : i32
      %dma_start3A_183 = arith.constant 20480 : i32
      %dma_start3A_184 = tpu.memref_slice %arg7[%dma_start3A_183] : memref<32768xi32, #tpu.memory_space<vmem>> -> memref<2048xi32, #tpu.memory_space<vmem>>
      %dma_start3A_185 = arith.constant 0 : i32
      %dma_start3A_186 = tpu.memref_slice %arg10[%dma_start3A_182, %dma_start3A_185] : memref<16x2048xi32, #tpu.memory_space<vmem_shared>> -> memref<1x2048xi32, #tpu.memory_space<vmem_shared>>
      %dma_start3A_187 = tpu.memref_squeeze %dma_start3A_186 : memref<1x2048xi32, #tpu.memory_space<vmem_shared>> -> memref<2048xi32, #tpu.memory_space<vmem_shared>>
      %dma_start3A_188 = arith.constant 20480 : i32
      %dma_start3A_189 = tpu.memref_slice %arg7[%dma_start3A_188] : memref<32768xi32, #tpu.memory_space<vmem>> -> memref<2048xi32, #tpu.memory_space<vmem>>
      %dma_start3A_190 = arith.constant 0 : i32
      %dma_start3A_191 = tpu.memref_slice %arg10[%dma_start3A_182, %dma_start3A_190] : memref<16x2048xi32, #tpu.memory_space<vmem_shared>> -> memref<1x2048xi32, #tpu.memory_space<vmem_shared>>
      %dma_start3A_192 = tpu.memref_squeeze %dma_start3A_191 : memref<1x2048xi32, #tpu.memory_space<vmem_shared>> -> memref<2048xi32, #tpu.memory_space<vmem_shared>>
      tpu.enqueue_dma source(%dma_start3A_192 : memref<2048xi32, #tpu.memory_space<vmem_shared>>) target(%dma_start3A_189 : memref<2048xi32, #tpu.memory_space<vmem>>) target_semaphore(%arg13 : memref<!tpu.dma_semaphore, #tpu.memory_space<semaphore_mem>>)
      %dma_start3A_193 = arith.constant 11 : i32
      %dma_start3A_194 = arith.constant 22528 : i32
      %dma_start3A_195 = tpu.memref_slice %arg7[%dma_start3A_194] : memref<32768xi32, #tpu.memory_space<vmem>> -> memref<2048xi32, #tpu.memory_space<vmem>>
      %dma_start3A_196 = arith.constant 0 : i32
      %dma_start3A_197 = tpu.memref_slice %arg10[%dma_start3A_193, %dma_start3A_196] : memref<16x2048xi32, #tpu.memory_space<vmem_shared>> -> memref<1x2048xi32, #tpu.memory_space<vmem_shared>>
      %dma_start3A_198 = tpu.memref_squeeze %dma_start3A_197 : memref<1x2048xi32, #tpu.memory_space<vmem_shared>> -> memref<2048xi32, #tpu.memory_space<vmem_shared>>
      %dma_start3A_199 = arith.constant 22528 : i32
      %dma_start3A_200 = tpu.memref_slice %arg7[%dma_start3A_199] : memref<32768xi32, #tpu.memory_space<vmem>> -> memref<2048xi32, #tpu.memory_space<vmem>>
      %dma_start3A_201 = arith.constant 0 : i32
      %dma_start3A_202 = tpu.memref_slice %arg10[%dma_start3A_193, %dma_start3A_201] : memref<16x2048xi32, #tpu.memory_space<vmem_shared>> -> memref<1x2048xi32, #tpu.memory_space<vmem_shared>>
      %dma_start3A_203 = tpu.memref_squeeze %dma_start3A_202 : memref<1x2048xi32, #tpu.memory_space<vmem_shared>> -> memref<2048xi32, #tpu.memory_space<vmem_shared>>
      tpu.enqueue_dma source(%dma_start3A_203 : memref<2048xi32, #tpu.memory_space<vmem_shared>>) target(%dma_start3A_200 : memref<2048xi32, #tpu.memory_space<vmem>>) target_semaphore(%arg13 : memref<!tpu.dma_semaphore, #tpu.memory_space<semaphore_mem>>)
      %dma_start3A_204 = arith.constant 12 : i32
      %dma_start3A_205 = arith.constant 24576 : i32
      %dma_start3A_206 = tpu.memref_slice %arg7[%dma_start3A_205] : memref<32768xi32, #tpu.memory_space<vmem>> -> memref<2048xi32, #tpu.memory_space<vmem>>
      %dma_start3A_207 = arith.constant 0 : i32
      %dma_start3A_208 = tpu.memref_slice %arg10[%dma_start3A_204, %dma_start3A_207] : memref<16x2048xi32, #tpu.memory_space<vmem_shared>> -> memref<1x2048xi32, #tpu.memory_space<vmem_shared>>
      %dma_start3A_209 = tpu.memref_squeeze %dma_start3A_208 : memref<1x2048xi32, #tpu.memory_space<vmem_shared>> -> memref<2048xi32, #tpu.memory_space<vmem_shared>>
      %dma_start3A_210 = arith.constant 24576 : i32
      %dma_start3A_211 = tpu.memref_slice %arg7[%dma_start3A_210] : memref<32768xi32, #tpu.memory_space<vmem>> -> memref<2048xi32, #tpu.memory_space<vmem>>
      %dma_start3A_212 = arith.constant 0 : i32
      %dma_start3A_213 = tpu.memref_slice %arg10[%dma_start3A_204, %dma_start3A_212] : memref<16x2048xi32, #tpu.memory_space<vmem_shared>> -> memref<1x2048xi32, #tpu.memory_space<vmem_shared>>
      %dma_start3A_214 = tpu.memref_squeeze %dma_start3A_213 : memref<1x2048xi32, #tpu.memory_space<vmem_shared>> -> memref<2048xi32, #tpu.memory_space<vmem_shared>>
      tpu.enqueue_dma source(%dma_start3A_214 : memref<2048xi32, #tpu.memory_space<vmem_shared>>) target(%dma_start3A_211 : memref<2048xi32, #tpu.memory_space<vmem>>) target_semaphore(%arg13 : memref<!tpu.dma_semaphore, #tpu.memory_space<semaphore_mem>>)
      %dma_start3A_215 = arith.constant 13 : i32
      %dma_start3A_216 = arith.constant 26624 : i32
      %dma_start3A_217 = tpu.memref_slice %arg7[%dma_start3A_216] : memref<32768xi32, #tpu.memory_space<vmem>> -> memref<2048xi32, #tpu.memory_space<vmem>>
      %dma_start3A_218 = arith.constant 0 : i32
      %dma_start3A_219 = tpu.memref_slice %arg10[%dma_start3A_215, %dma_start3A_218] : memref<16x2048xi32, #tpu.memory_space<vmem_shared>> -> memref<1x2048xi32, #tpu.memory_space<vmem_shared>>
      %dma_start3A_220 = tpu.memref_squeeze %dma_start3A_219 : memref<1x2048xi32, #tpu.memory_space<vmem_shared>> -> memref<2048xi32, #tpu.memory_space<vmem_shared>>
      %dma_start3A_221 = arith.constant 26624 : i32
      %dma_start3A_222 = tpu.memref_slice %arg7[%dma_start3A_221] : memref<32768xi32, #tpu.memory_space<vmem>> -> memref<2048xi32, #tpu.memory_space<vmem>>
      %dma_start3A_223 = arith.constant 0 : i32
      %dma_start3A_224 = tpu.memref_slice %arg10[%dma_start3A_215, %dma_start3A_223] : memref<16x2048xi32, #tpu.memory_space<vmem_shared>> -> memref<1x2048xi32, #tpu.memory_space<vmem_shared>>
      %dma_start3A_225 = tpu.memref_squeeze %dma_start3A_224 : memref<1x2048xi32, #tpu.memory_space<vmem_shared>> -> memref<2048xi32, #tpu.memory_space<vmem_shared>>
      tpu.enqueue_dma source(%dma_start3A_225 : memref<2048xi32, #tpu.memory_space<vmem_shared>>) target(%dma_start3A_222 : memref<2048xi32, #tpu.memory_space<vmem>>) target_semaphore(%arg13 : memref<!tpu.dma_semaphore, #tpu.memory_space<semaphore_mem>>)
      %dma_start3A_226 = arith.constant 14 : i32
      %dma_start3A_227 = arith.constant 28672 : i32
      %dma_start3A_228 = tpu.memref_slice %arg7[%dma_start3A_227] : memref<32768xi32, #tpu.memory_space<vmem>> -> memref<2048xi32, #tpu.memory_space<vmem>>
      %dma_start3A_229 = arith.constant 0 : i32
      %dma_start3A_230 = tpu.memref_slice %arg10[%dma_start3A_226, %dma_start3A_229] : memref<16x2048xi32, #tpu.memory_space<vmem_shared>> -> memref<1x2048xi32, #tpu.memory_space<vmem_shared>>
      %dma_start3A_231 = tpu.memref_squeeze %dma_start3A_230 : memref<1x2048xi32, #tpu.memory_space<vmem_shared>> -> memref<2048xi32, #tpu.memory_space<vmem_shared>>
      %dma_start3A_232 = arith.constant 28672 : i32
      %dma_start3A_233 = tpu.memref_slice %arg7[%dma_start3A_232] : memref<32768xi32, #tpu.memory_space<vmem>> -> memref<2048xi32, #tpu.memory_space<vmem>>
      %dma_start3A_234 = arith.constant 0 : i32
      %dma_start3A_235 = tpu.memref_slice %arg10[%dma_start3A_226, %dma_start3A_234] : memref<16x2048xi32, #tpu.memory_space<vmem_shared>> -> memref<1x2048xi32, #tpu.memory_space<vmem_shared>>
      %dma_start3A_236 = tpu.memref_squeeze %dma_start3A_235 : memref<1x2048xi32, #tpu.memory_space<vmem_shared>> -> memref<2048xi32, #tpu.memory_space<vmem_shared>>
      tpu.enqueue_dma source(%dma_start3A_236 : memref<2048xi32, #tpu.memory_space<vmem_shared>>) target(%dma_start3A_233 : memref<2048xi32, #tpu.memory_space<vmem>>) target_semaphore(%arg13 : memref<!tpu.dma_semaphore, #tpu.memory_space<semaphore_mem>>)
      %dma_start3A_237 = arith.constant 15 : i32
      %dma_start3A_238 = arith.constant 30720 : i32
      %dma_start3A_239 = tpu.memref_slice %arg7[%dma_start3A_238] : memref<32768xi32, #tpu.memory_space<vmem>> -> memref<2048xi32, #tpu.memory_space<vmem>>
      %dma_start3A_240 = arith.constant 0 : i32
      %dma_start3A_241 = tpu.memref_slice %arg10[%dma_start3A_237, %dma_start3A_240] : memref<16x2048xi32, #tpu.memory_space<vmem_shared>> -> memref<1x2048xi32, #tpu.memory_space<vmem_shared>>
      %dma_start3A_242 = tpu.memref_squeeze %dma_start3A_241 : memref<1x2048xi32, #tpu.memory_space<vmem_shared>> -> memref<2048xi32, #tpu.memory_space<vmem_shared>>
      %dma_start3A_243 = arith.constant 30720 : i32
      %dma_start3A_244 = tpu.memref_slice %arg7[%dma_start3A_243] : memref<32768xi32, #tpu.memory_space<vmem>> -> memref<2048xi32, #tpu.memory_space<vmem>>
      %dma_start3A_245 = arith.constant 0 : i32
      %dma_start3A_246 = tpu.memref_slice %arg10[%dma_start3A_237, %dma_start3A_245] : memref<16x2048xi32, #tpu.memory_space<vmem_shared>> -> memref<1x2048xi32, #tpu.memory_space<vmem_shared>>
      %dma_start3A_247 = tpu.memref_squeeze %dma_start3A_246 : memref<1x2048xi32, #tpu.memory_space<vmem_shared>> -> memref<2048xi32, #tpu.memory_space<vmem_shared>>
      tpu.enqueue_dma source(%dma_start3A_247 : memref<2048xi32, #tpu.memory_space<vmem_shared>>) target(%dma_start3A_244 : memref<2048xi32, #tpu.memory_space<vmem>>) target_semaphore(%arg13 : memref<!tpu.dma_semaphore, #tpu.memory_space<semaphore_mem>>)
      %dma_wait3A = arith.constant 0 : i32
      %dma_wait3A_248 = arith.constant 0 : i32
      %dma_wait3A_249 = tpu.memref_slice %arg7[%dma_wait3A_248] : memref<32768xi32, #tpu.memory_space<vmem>> -> memref<2048xi32, #tpu.memory_space<vmem>>
      %dma_wait3A_250 = arith.constant 0 : i32
      %dma_wait3A_251 = tpu.memref_slice %arg10[%dma_wait3A, %dma_wait3A_250] : memref<16x2048xi32, #tpu.memory_space<vmem_shared>> -> memref<1x2048xi32, #tpu.memory_space<vmem_shared>>
      %dma_wait3A_252 = tpu.memref_squeeze %dma_wait3A_251 : memref<1x2048xi32, #tpu.memory_space<vmem_shared>> -> memref<2048xi32, #tpu.memory_space<vmem_shared>>
      %dma_wait3A_253 = arith.constant 0 : i32
      %dma_wait3A_254 = tpu.memref_slice %arg7[%dma_wait3A_253] : memref<32768xi32, #tpu.memory_space<vmem>> -> memref<2048xi32, #tpu.memory_space<vmem>>
      %dma_wait3A_255 = arith.constant 0 : i32
      %dma_wait3A_256 = tpu.memref_slice %arg10[%dma_wait3A, %dma_wait3A_255] : memref<16x2048xi32, #tpu.memory_space<vmem_shared>> -> memref<1x2048xi32, #tpu.memory_space<vmem_shared>>
      %dma_wait3A_257 = tpu.memref_squeeze %dma_wait3A_256 : memref<1x2048xi32, #tpu.memory_space<vmem_shared>> -> memref<2048xi32, #tpu.memory_space<vmem_shared>>
      tpu.wait_dma2 semaphore(%arg13 : memref<!tpu.dma_semaphore, #tpu.memory_space<semaphore_mem>>) src(%dma_wait3A_257 : memref<2048xi32, #tpu.memory_space<vmem_shared>>) dst(%dma_wait3A_254 : memref<2048xi32, #tpu.memory_space<vmem>>)
      %dma_wait3A_258 = arith.constant 1 : i32
      %dma_wait3A_259 = arith.constant 2048 : i32
      %dma_wait3A_260 = tpu.memref_slice %arg7[%dma_wait3A_259] : memref<32768xi32, #tpu.memory_space<vmem>> -> memref<2048xi32, #tpu.memory_space<vmem>>
      %dma_wait3A_261 = arith.constant 0 : i32
      %dma_wait3A_262 = tpu.memref_slice %arg10[%dma_wait3A_258, %dma_wait3A_261] : memref<16x2048xi32, #tpu.memory_space<vmem_shared>> -> memref<1x2048xi32, #tpu.memory_space<vmem_shared>>
      %dma_wait3A_263 = tpu.memref_squeeze %dma_wait3A_262 : memref<1x2048xi32, #tpu.memory_space<vmem_shared>> -> memref<2048xi32, #tpu.memory_space<vmem_shared>>
      %dma_wait3A_264 = arith.constant 2048 : i32
      %dma_wait3A_265 = tpu.memref_slice %arg7[%dma_wait3A_264] : memref<32768xi32, #tpu.memory_space<vmem>> -> memref<2048xi32, #tpu.memory_space<vmem>>
      %dma_wait3A_266 = arith.constant 0 : i32
      %dma_wait3A_267 = tpu.memref_slice %arg10[%dma_wait3A_258, %dma_wait3A_266] : memref<16x2048xi32, #tpu.memory_space<vmem_shared>> -> memref<1x2048xi32, #tpu.memory_space<vmem_shared>>
      %dma_wait3A_268 = tpu.memref_squeeze %dma_wait3A_267 : memref<1x2048xi32, #tpu.memory_space<vmem_shared>> -> memref<2048xi32, #tpu.memory_space<vmem_shared>>
      tpu.wait_dma2 semaphore(%arg13 : memref<!tpu.dma_semaphore, #tpu.memory_space<semaphore_mem>>) src(%dma_wait3A_268 : memref<2048xi32, #tpu.memory_space<vmem_shared>>) dst(%dma_wait3A_265 : memref<2048xi32, #tpu.memory_space<vmem>>)
      %dma_wait3A_269 = arith.constant 2 : i32
      %dma_wait3A_270 = arith.constant 4096 : i32
      %dma_wait3A_271 = tpu.memref_slice %arg7[%dma_wait3A_270] : memref<32768xi32, #tpu.memory_space<vmem>> -> memref<2048xi32, #tpu.memory_space<vmem>>
      %dma_wait3A_272 = arith.constant 0 : i32
      %dma_wait3A_273 = tpu.memref_slice %arg10[%dma_wait3A_269, %dma_wait3A_272] : memref<16x2048xi32, #tpu.memory_space<vmem_shared>> -> memref<1x2048xi32, #tpu.memory_space<vmem_shared>>
      %dma_wait3A_274 = tpu.memref_squeeze %dma_wait3A_273 : memref<1x2048xi32, #tpu.memory_space<vmem_shared>> -> memref<2048xi32, #tpu.memory_space<vmem_shared>>
      %dma_wait3A_275 = arith.constant 4096 : i32
      %dma_wait3A_276 = tpu.memref_slice %arg7[%dma_wait3A_275] : memref<32768xi32, #tpu.memory_space<vmem>> -> memref<2048xi32, #tpu.memory_space<vmem>>
      %dma_wait3A_277 = arith.constant 0 : i32
      %dma_wait3A_278 = tpu.memref_slice %arg10[%dma_wait3A_269, %dma_wait3A_277] : memref<16x2048xi32, #tpu.memory_space<vmem_shared>> -> memref<1x2048xi32, #tpu.memory_space<vmem_shared>>
      %dma_wait3A_279 = tpu.memref_squeeze %dma_wait3A_278 : memref<1x2048xi32, #tpu.memory_space<vmem_shared>> -> memref<2048xi32, #tpu.memory_space<vmem_shared>>
      tpu.wait_dma2 semaphore(%arg13 : memref<!tpu.dma_semaphore, #tpu.memory_space<semaphore_mem>>) src(%dma_wait3A_279 : memref<2048xi32, #tpu.memory_space<vmem_shared>>) dst(%dma_wait3A_276 : memref<2048xi32, #tpu.memory_space<vmem>>)
      %dma_wait3A_280 = arith.constant 3 : i32
      %dma_wait3A_281 = arith.constant 6144 : i32
      %dma_wait3A_282 = tpu.memref_slice %arg7[%dma_wait3A_281] : memref<32768xi32, #tpu.memory_space<vmem>> -> memref<2048xi32, #tpu.memory_space<vmem>>
      %dma_wait3A_283 = arith.constant 0 : i32
      %dma_wait3A_284 = tpu.memref_slice %arg10[%dma_wait3A_280, %dma_wait3A_283] : memref<16x2048xi32, #tpu.memory_space<vmem_shared>> -> memref<1x2048xi32, #tpu.memory_space<vmem_shared>>
      %dma_wait3A_285 = tpu.memref_squeeze %dma_wait3A_284 : memref<1x2048xi32, #tpu.memory_space<vmem_shared>> -> memref<2048xi32, #tpu.memory_space<vmem_shared>>
      %dma_wait3A_286 = arith.constant 6144 : i32
      %dma_wait3A_287 = tpu.memref_slice %arg7[%dma_wait3A_286] : memref<32768xi32, #tpu.memory_space<vmem>> -> memref<2048xi32, #tpu.memory_space<vmem>>
      %dma_wait3A_288 = arith.constant 0 : i32
      %dma_wait3A_289 = tpu.memref_slice %arg10[%dma_wait3A_280, %dma_wait3A_288] : memref<16x2048xi32, #tpu.memory_space<vmem_shared>> -> memref<1x2048xi32, #tpu.memory_space<vmem_shared>>
      %dma_wait3A_290 = tpu.memref_squeeze %dma_wait3A_289 : memref<1x2048xi32, #tpu.memory_space<vmem_shared>> -> memref<2048xi32, #tpu.memory_space<vmem_shared>>
      tpu.wait_dma2 semaphore(%arg13 : memref<!tpu.dma_semaphore, #tpu.memory_space<semaphore_mem>>) src(%dma_wait3A_290 : memref<2048xi32, #tpu.memory_space<vmem_shared>>) dst(%dma_wait3A_287 : memref<2048xi32, #tpu.memory_space<vmem>>)
      %dma_wait3A_291 = arith.constant 4 : i32
      %dma_wait3A_292 = arith.constant 8192 : i32
      %dma_wait3A_293 = tpu.memref_slice %arg7[%dma_wait3A_292] : memref<32768xi32, #tpu.memory_space<vmem>> -> memref<2048xi32, #tpu.memory_space<vmem>>
      %dma_wait3A_294 = arith.constant 0 : i32
      %dma_wait3A_295 = tpu.memref_slice %arg10[%dma_wait3A_291, %dma_wait3A_294] : memref<16x2048xi32, #tpu.memory_space<vmem_shared>> -> memref<1x2048xi32, #tpu.memory_space<vmem_shared>>
      %dma_wait3A_296 = tpu.memref_squeeze %dma_wait3A_295 : memref<1x2048xi32, #tpu.memory_space<vmem_shared>> -> memref<2048xi32, #tpu.memory_space<vmem_shared>>
      %dma_wait3A_297 = arith.constant 8192 : i32
      %dma_wait3A_298 = tpu.memref_slice %arg7[%dma_wait3A_297] : memref<32768xi32, #tpu.memory_space<vmem>> -> memref<2048xi32, #tpu.memory_space<vmem>>
      %dma_wait3A_299 = arith.constant 0 : i32
      %dma_wait3A_300 = tpu.memref_slice %arg10[%dma_wait3A_291, %dma_wait3A_299] : memref<16x2048xi32, #tpu.memory_space<vmem_shared>> -> memref<1x2048xi32, #tpu.memory_space<vmem_shared>>
      %dma_wait3A_301 = tpu.memref_squeeze %dma_wait3A_300 : memref<1x2048xi32, #tpu.memory_space<vmem_shared>> -> memref<2048xi32, #tpu.memory_space<vmem_shared>>
      tpu.wait_dma2 semaphore(%arg13 : memref<!tpu.dma_semaphore, #tpu.memory_space<semaphore_mem>>) src(%dma_wait3A_301 : memref<2048xi32, #tpu.memory_space<vmem_shared>>) dst(%dma_wait3A_298 : memref<2048xi32, #tpu.memory_space<vmem>>)
      %dma_wait3A_302 = arith.constant 5 : i32
      %dma_wait3A_303 = arith.constant 10240 : i32
      %dma_wait3A_304 = tpu.memref_slice %arg7[%dma_wait3A_303] : memref<32768xi32, #tpu.memory_space<vmem>> -> memref<2048xi32, #tpu.memory_space<vmem>>
      %dma_wait3A_305 = arith.constant 0 : i32
      %dma_wait3A_306 = tpu.memref_slice %arg10[%dma_wait3A_302, %dma_wait3A_305] : memref<16x2048xi32, #tpu.memory_space<vmem_shared>> -> memref<1x2048xi32, #tpu.memory_space<vmem_shared>>
      %dma_wait3A_307 = tpu.memref_squeeze %dma_wait3A_306 : memref<1x2048xi32, #tpu.memory_space<vmem_shared>> -> memref<2048xi32, #tpu.memory_space<vmem_shared>>
      %dma_wait3A_308 = arith.constant 10240 : i32
      %dma_wait3A_309 = tpu.memref_slice %arg7[%dma_wait3A_308] : memref<32768xi32, #tpu.memory_space<vmem>> -> memref<2048xi32, #tpu.memory_space<vmem>>
      %dma_wait3A_310 = arith.constant 0 : i32
      %dma_wait3A_311 = tpu.memref_slice %arg10[%dma_wait3A_302, %dma_wait3A_310] : memref<16x2048xi32, #tpu.memory_space<vmem_shared>> -> memref<1x2048xi32, #tpu.memory_space<vmem_shared>>
      %dma_wait3A_312 = tpu.memref_squeeze %dma_wait3A_311 : memref<1x2048xi32, #tpu.memory_space<vmem_shared>> -> memref<2048xi32, #tpu.memory_space<vmem_shared>>
      tpu.wait_dma2 semaphore(%arg13 : memref<!tpu.dma_semaphore, #tpu.memory_space<semaphore_mem>>) src(%dma_wait3A_312 : memref<2048xi32, #tpu.memory_space<vmem_shared>>) dst(%dma_wait3A_309 : memref<2048xi32, #tpu.memory_space<vmem>>)
      %dma_wait3A_313 = arith.constant 6 : i32
      %dma_wait3A_314 = arith.constant 12288 : i32
      %dma_wait3A_315 = tpu.memref_slice %arg7[%dma_wait3A_314] : memref<32768xi32, #tpu.memory_space<vmem>> -> memref<2048xi32, #tpu.memory_space<vmem>>
      %dma_wait3A_316 = arith.constant 0 : i32
      %dma_wait3A_317 = tpu.memref_slice %arg10[%dma_wait3A_313, %dma_wait3A_316] : memref<16x2048xi32, #tpu.memory_space<vmem_shared>> -> memref<1x2048xi32, #tpu.memory_space<vmem_shared>>
      %dma_wait3A_318 = tpu.memref_squeeze %dma_wait3A_317 : memref<1x2048xi32, #tpu.memory_space<vmem_shared>> -> memref<2048xi32, #tpu.memory_space<vmem_shared>>
      %dma_wait3A_319 = arith.constant 12288 : i32
      %dma_wait3A_320 = tpu.memref_slice %arg7[%dma_wait3A_319] : memref<32768xi32, #tpu.memory_space<vmem>> -> memref<2048xi32, #tpu.memory_space<vmem>>
      %dma_wait3A_321 = arith.constant 0 : i32
      %dma_wait3A_322 = tpu.memref_slice %arg10[%dma_wait3A_313, %dma_wait3A_321] : memref<16x2048xi32, #tpu.memory_space<vmem_shared>> -> memref<1x2048xi32, #tpu.memory_space<vmem_shared>>
      %dma_wait3A_323 = tpu.memref_squeeze %dma_wait3A_322 : memref<1x2048xi32, #tpu.memory_space<vmem_shared>> -> memref<2048xi32, #tpu.memory_space<vmem_shared>>
      tpu.wait_dma2 semaphore(%arg13 : memref<!tpu.dma_semaphore, #tpu.memory_space<semaphore_mem>>) src(%dma_wait3A_323 : memref<2048xi32, #tpu.memory_space<vmem_shared>>) dst(%dma_wait3A_320 : memref<2048xi32, #tpu.memory_space<vmem>>)
      %dma_wait3A_324 = arith.constant 7 : i32
      %dma_wait3A_325 = arith.constant 14336 : i32
      %dma_wait3A_326 = tpu.memref_slice %arg7[%dma_wait3A_325] : memref<32768xi32, #tpu.memory_space<vmem>> -> memref<2048xi32, #tpu.memory_space<vmem>>
      %dma_wait3A_327 = arith.constant 0 : i32
      %dma_wait3A_328 = tpu.memref_slice %arg10[%dma_wait3A_324, %dma_wait3A_327] : memref<16x2048xi32, #tpu.memory_space<vmem_shared>> -> memref<1x2048xi32, #tpu.memory_space<vmem_shared>>
      %dma_wait3A_329 = tpu.memref_squeeze %dma_wait3A_328 : memref<1x2048xi32, #tpu.memory_space<vmem_shared>> -> memref<2048xi32, #tpu.memory_space<vmem_shared>>
      %dma_wait3A_330 = arith.constant 14336 : i32
      %dma_wait3A_331 = tpu.memref_slice %arg7[%dma_wait3A_330] : memref<32768xi32, #tpu.memory_space<vmem>> -> memref<2048xi32, #tpu.memory_space<vmem>>
      %dma_wait3A_332 = arith.constant 0 : i32
      %dma_wait3A_333 = tpu.memref_slice %arg10[%dma_wait3A_324, %dma_wait3A_332] : memref<16x2048xi32, #tpu.memory_space<vmem_shared>> -> memref<1x2048xi32, #tpu.memory_space<vmem_shared>>
      %dma_wait3A_334 = tpu.memref_squeeze %dma_wait3A_333 : memref<1x2048xi32, #tpu.memory_space<vmem_shared>> -> memref<2048xi32, #tpu.memory_space<vmem_shared>>
      tpu.wait_dma2 semaphore(%arg13 : memref<!tpu.dma_semaphore, #tpu.memory_space<semaphore_mem>>) src(%dma_wait3A_334 : memref<2048xi32, #tpu.memory_space<vmem_shared>>) dst(%dma_wait3A_331 : memref<2048xi32, #tpu.memory_space<vmem>>)
      %dma_wait3A_335 = arith.constant 8 : i32
      %dma_wait3A_336 = arith.constant 16384 : i32
      %dma_wait3A_337 = tpu.memref_slice %arg7[%dma_wait3A_336] : memref<32768xi32, #tpu.memory_space<vmem>> -> memref<2048xi32, #tpu.memory_space<vmem>>
      %dma_wait3A_338 = arith.constant 0 : i32
      %dma_wait3A_339 = tpu.memref_slice %arg10[%dma_wait3A_335, %dma_wait3A_338] : memref<16x2048xi32, #tpu.memory_space<vmem_shared>> -> memref<1x2048xi32, #tpu.memory_space<vmem_shared>>
      %dma_wait3A_340 = tpu.memref_squeeze %dma_wait3A_339 : memref<1x2048xi32, #tpu.memory_space<vmem_shared>> -> memref<2048xi32, #tpu.memory_space<vmem_shared>>
      %dma_wait3A_341 = arith.constant 16384 : i32
      %dma_wait3A_342 = tpu.memref_slice %arg7[%dma_wait3A_341] : memref<32768xi32, #tpu.memory_space<vmem>> -> memref<2048xi32, #tpu.memory_space<vmem>>
      %dma_wait3A_343 = arith.constant 0 : i32
      %dma_wait3A_344 = tpu.memref_slice %arg10[%dma_wait3A_335, %dma_wait3A_343] : memref<16x2048xi32, #tpu.memory_space<vmem_shared>> -> memref<1x2048xi32, #tpu.memory_space<vmem_shared>>
      %dma_wait3A_345 = tpu.memref_squeeze %dma_wait3A_344 : memref<1x2048xi32, #tpu.memory_space<vmem_shared>> -> memref<2048xi32, #tpu.memory_space<vmem_shared>>
      tpu.wait_dma2 semaphore(%arg13 : memref<!tpu.dma_semaphore, #tpu.memory_space<semaphore_mem>>) src(%dma_wait3A_345 : memref<2048xi32, #tpu.memory_space<vmem_shared>>) dst(%dma_wait3A_342 : memref<2048xi32, #tpu.memory_space<vmem>>)
      %dma_wait3A_346 = arith.constant 9 : i32
      %dma_wait3A_347 = arith.constant 18432 : i32
      %dma_wait3A_348 = tpu.memref_slice %arg7[%dma_wait3A_347] : memref<32768xi32, #tpu.memory_space<vmem>> -> memref<2048xi32, #tpu.memory_space<vmem>>
      %dma_wait3A_349 = arith.constant 0 : i32
      %dma_wait3A_350 = tpu.memref_slice %arg10[%dma_wait3A_346, %dma_wait3A_349] : memref<16x2048xi32, #tpu.memory_space<vmem_shared>> -> memref<1x2048xi32, #tpu.memory_space<vmem_shared>>
      %dma_wait3A_351 = tpu.memref_squeeze %dma_wait3A_350 : memref<1x2048xi32, #tpu.memory_space<vmem_shared>> -> memref<2048xi32, #tpu.memory_space<vmem_shared>>
      %dma_wait3A_352 = arith.constant 18432 : i32
      %dma_wait3A_353 = tpu.memref_slice %arg7[%dma_wait3A_352] : memref<32768xi32, #tpu.memory_space<vmem>> -> memref<2048xi32, #tpu.memory_space<vmem>>
      %dma_wait3A_354 = arith.constant 0 : i32
      %dma_wait3A_355 = tpu.memref_slice %arg10[%dma_wait3A_346, %dma_wait3A_354] : memref<16x2048xi32, #tpu.memory_space<vmem_shared>> -> memref<1x2048xi32, #tpu.memory_space<vmem_shared>>
      %dma_wait3A_356 = tpu.memref_squeeze %dma_wait3A_355 : memref<1x2048xi32, #tpu.memory_space<vmem_shared>> -> memref<2048xi32, #tpu.memory_space<vmem_shared>>
      tpu.wait_dma2 semaphore(%arg13 : memref<!tpu.dma_semaphore, #tpu.memory_space<semaphore_mem>>) src(%dma_wait3A_356 : memref<2048xi32, #tpu.memory_space<vmem_shared>>) dst(%dma_wait3A_353 : memref<2048xi32, #tpu.memory_space<vmem>>)
      %dma_wait3A_357 = arith.constant 10 : i32
      %dma_wait3A_358 = arith.constant 20480 : i32
      %dma_wait3A_359 = tpu.memref_slice %arg7[%dma_wait3A_358] : memref<32768xi32, #tpu.memory_space<vmem>> -> memref<2048xi32, #tpu.memory_space<vmem>>
      %dma_wait3A_360 = arith.constant 0 : i32
      %dma_wait3A_361 = tpu.memref_slice %arg10[%dma_wait3A_357, %dma_wait3A_360] : memref<16x2048xi32, #tpu.memory_space<vmem_shared>> -> memref<1x2048xi32, #tpu.memory_space<vmem_shared>>
      %dma_wait3A_362 = tpu.memref_squeeze %dma_wait3A_361 : memref<1x2048xi32, #tpu.memory_space<vmem_shared>> -> memref<2048xi32, #tpu.memory_space<vmem_shared>>
      %dma_wait3A_363 = arith.constant 20480 : i32
      %dma_wait3A_364 = tpu.memref_slice %arg7[%dma_wait3A_363] : memref<32768xi32, #tpu.memory_space<vmem>> -> memref<2048xi32, #tpu.memory_space<vmem>>
      %dma_wait3A_365 = arith.constant 0 : i32
      %dma_wait3A_366 = tpu.memref_slice %arg10[%dma_wait3A_357, %dma_wait3A_365] : memref<16x2048xi32, #tpu.memory_space<vmem_shared>> -> memref<1x2048xi32, #tpu.memory_space<vmem_shared>>
      %dma_wait3A_367 = tpu.memref_squeeze %dma_wait3A_366 : memref<1x2048xi32, #tpu.memory_space<vmem_shared>> -> memref<2048xi32, #tpu.memory_space<vmem_shared>>
      tpu.wait_dma2 semaphore(%arg13 : memref<!tpu.dma_semaphore, #tpu.memory_space<semaphore_mem>>) src(%dma_wait3A_367 : memref<2048xi32, #tpu.memory_space<vmem_shared>>) dst(%dma_wait3A_364 : memref<2048xi32, #tpu.memory_space<vmem>>)
      %dma_wait3A_368 = arith.constant 11 : i32
      %dma_wait3A_369 = arith.constant 22528 : i32
      %dma_wait3A_370 = tpu.memref_slice %arg7[%dma_wait3A_369] : memref<32768xi32, #tpu.memory_space<vmem>> -> memref<2048xi32, #tpu.memory_space<vmem>>
      %dma_wait3A_371 = arith.constant 0 : i32
      %dma_wait3A_372 = tpu.memref_slice %arg10[%dma_wait3A_368, %dma_wait3A_371] : memref<16x2048xi32, #tpu.memory_space<vmem_shared>> -> memref<1x2048xi32, #tpu.memory_space<vmem_shared>>
      %dma_wait3A_373 = tpu.memref_squeeze %dma_wait3A_372 : memref<1x2048xi32, #tpu.memory_space<vmem_shared>> -> memref<2048xi32, #tpu.memory_space<vmem_shared>>
      %dma_wait3A_374 = arith.constant 22528 : i32
      %dma_wait3A_375 = tpu.memref_slice %arg7[%dma_wait3A_374] : memref<32768xi32, #tpu.memory_space<vmem>> -> memref<2048xi32, #tpu.memory_space<vmem>>
      %dma_wait3A_376 = arith.constant 0 : i32
      %dma_wait3A_377 = tpu.memref_slice %arg10[%dma_wait3A_368, %dma_wait3A_376] : memref<16x2048xi32, #tpu.memory_space<vmem_shared>> -> memref<1x2048xi32, #tpu.memory_space<vmem_shared>>
      %dma_wait3A_378 = tpu.memref_squeeze %dma_wait3A_377 : memref<1x2048xi32, #tpu.memory_space<vmem_shared>> -> memref<2048xi32, #tpu.memory_space<vmem_shared>>
      tpu.wait_dma2 semaphore(%arg13 : memref<!tpu.dma_semaphore, #tpu.memory_space<semaphore_mem>>) src(%dma_wait3A_378 : memref<2048xi32, #tpu.memory_space<vmem_shared>>) dst(%dma_wait3A_375 : memref<2048xi32, #tpu.memory_space<vmem>>)
      %dma_wait3A_379 = arith.constant 12 : i32
      %dma_wait3A_380 = arith.constant 24576 : i32
      %dma_wait3A_381 = tpu.memref_slice %arg7[%dma_wait3A_380] : memref<32768xi32, #tpu.memory_space<vmem>> -> memref<2048xi32, #tpu.memory_space<vmem>>
      %dma_wait3A_382 = arith.constant 0 : i32
      %dma_wait3A_383 = tpu.memref_slice %arg10[%dma_wait3A_379, %dma_wait3A_382] : memref<16x2048xi32, #tpu.memory_space<vmem_shared>> -> memref<1x2048xi32, #tpu.memory_space<vmem_shared>>
      %dma_wait3A_384 = tpu.memref_squeeze %dma_wait3A_383 : memref<1x2048xi32, #tpu.memory_space<vmem_shared>> -> memref<2048xi32, #tpu.memory_space<vmem_shared>>
      %dma_wait3A_385 = arith.constant 24576 : i32
      %dma_wait3A_386 = tpu.memref_slice %arg7[%dma_wait3A_385] : memref<32768xi32, #tpu.memory_space<vmem>> -> memref<2048xi32, #tpu.memory_space<vmem>>
      %dma_wait3A_387 = arith.constant 0 : i32
      %dma_wait3A_388 = tpu.memref_slice %arg10[%dma_wait3A_379, %dma_wait3A_387] : memref<16x2048xi32, #tpu.memory_space<vmem_shared>> -> memref<1x2048xi32, #tpu.memory_space<vmem_shared>>
      %dma_wait3A_389 = tpu.memref_squeeze %dma_wait3A_388 : memref<1x2048xi32, #tpu.memory_space<vmem_shared>> -> memref<2048xi32, #tpu.memory_space<vmem_shared>>
      tpu.wait_dma2 semaphore(%arg13 : memref<!tpu.dma_semaphore, #tpu.memory_space<semaphore_mem>>) src(%dma_wait3A_389 : memref<2048xi32, #tpu.memory_space<vmem_shared>>) dst(%dma_wait3A_386 : memref<2048xi32, #tpu.memory_space<vmem>>)
      %dma_wait3A_390 = arith.constant 13 : i32
      %dma_wait3A_391 = arith.constant 26624 : i32
      %dma_wait3A_392 = tpu.memref_slice %arg7[%dma_wait3A_391] : memref<32768xi32, #tpu.memory_space<vmem>> -> memref<2048xi32, #tpu.memory_space<vmem>>
      %dma_wait3A_393 = arith.constant 0 : i32
      %dma_wait3A_394 = tpu.memref_slice %arg10[%dma_wait3A_390, %dma_wait3A_393] : memref<16x2048xi32, #tpu.memory_space<vmem_shared>> -> memref<1x2048xi32, #tpu.memory_space<vmem_shared>>
      %dma_wait3A_395 = tpu.memref_squeeze %dma_wait3A_394 : memref<1x2048xi32, #tpu.memory_space<vmem_shared>> -> memref<2048xi32, #tpu.memory_space<vmem_shared>>
      %dma_wait3A_396 = arith.constant 26624 : i32
      %dma_wait3A_397 = tpu.memref_slice %arg7[%dma_wait3A_396] : memref<32768xi32, #tpu.memory_space<vmem>> -> memref<2048xi32, #tpu.memory_space<vmem>>
      %dma_wait3A_398 = arith.constant 0 : i32
      %dma_wait3A_399 = tpu.memref_slice %arg10[%dma_wait3A_390, %dma_wait3A_398] : memref<16x2048xi32, #tpu.memory_space<vmem_shared>> -> memref<1x2048xi32, #tpu.memory_space<vmem_shared>>
      %dma_wait3A_400 = tpu.memref_squeeze %dma_wait3A_399 : memref<1x2048xi32, #tpu.memory_space<vmem_shared>> -> memref<2048xi32, #tpu.memory_space<vmem_shared>>
      tpu.wait_dma2 semaphore(%arg13 : memref<!tpu.dma_semaphore, #tpu.memory_space<semaphore_mem>>) src(%dma_wait3A_400 : memref<2048xi32, #tpu.memory_space<vmem_shared>>) dst(%dma_wait3A_397 : memref<2048xi32, #tpu.memory_space<vmem>>)
      %dma_wait3A_401 = arith.constant 14 : i32
      %dma_wait3A_402 = arith.constant 28672 : i32
      %dma_wait3A_403 = tpu.memref_slice %arg7[%dma_wait3A_402] : memref<32768xi32, #tpu.memory_space<vmem>> -> memref<2048xi32, #tpu.memory_space<vmem>>
      %dma_wait3A_404 = arith.constant 0 : i32
      %dma_wait3A_405 = tpu.memref_slice %arg10[%dma_wait3A_401, %dma_wait3A_404] : memref<16x2048xi32, #tpu.memory_space<vmem_shared>> -> memref<1x2048xi32, #tpu.memory_space<vmem_shared>>
      %dma_wait3A_406 = tpu.memref_squeeze %dma_wait3A_405 : memref<1x2048xi32, #tpu.memory_space<vmem_shared>> -> memref<2048xi32, #tpu.memory_space<vmem_shared>>
      %dma_wait3A_407 = arith.constant 28672 : i32
      %dma_wait3A_408 = tpu.memref_slice %arg7[%dma_wait3A_407] : memref<32768xi32, #tpu.memory_space<vmem>> -> memref<2048xi32, #tpu.memory_space<vmem>>
      %dma_wait3A_409 = arith.constant 0 : i32
      %dma_wait3A_410 = tpu.memref_slice %arg10[%dma_wait3A_401, %dma_wait3A_409] : memref<16x2048xi32, #tpu.memory_space<vmem_shared>> -> memref<1x2048xi32, #tpu.memory_space<vmem_shared>>
      %dma_wait3A_411 = tpu.memref_squeeze %dma_wait3A_410 : memref<1x2048xi32, #tpu.memory_space<vmem_shared>> -> memref<2048xi32, #tpu.memory_space<vmem_shared>>
      tpu.wait_dma2 semaphore(%arg13 : memref<!tpu.dma_semaphore, #tpu.memory_space<semaphore_mem>>) src(%dma_wait3A_411 : memref<2048xi32, #tpu.memory_space<vmem_shared>>) dst(%dma_wait3A_408 : memref<2048xi32, #tpu.memory_space<vmem>>)
      %dma_wait3A_412 = arith.constant 15 : i32
      %dma_wait3A_413 = arith.constant 30720 : i32
      %dma_wait3A_414 = tpu.memref_slice %arg7[%dma_wait3A_413] : memref<32768xi32, #tpu.memory_space<vmem>> -> memref<2048xi32, #tpu.memory_space<vmem>>
      %dma_wait3A_415 = arith.constant 0 : i32
      %dma_wait3A_416 = tpu.memref_slice %arg10[%dma_wait3A_412, %dma_wait3A_415] : memref<16x2048xi32, #tpu.memory_space<vmem_shared>> -> memref<1x2048xi32, #tpu.memory_space<vmem_shared>>
      %dma_wait3A_417 = tpu.memref_squeeze %dma_wait3A_416 : memref<1x2048xi32, #tpu.memory_space<vmem_shared>> -> memref<2048xi32, #tpu.memory_space<vmem_shared>>
      %dma_wait3A_418 = arith.constant 30720 : i32
      %dma_wait3A_419 = tpu.memref_slice %arg7[%dma_wait3A_418] : memref<32768xi32, #tpu.memory_space<vmem>> -> memref<2048xi32, #tpu.memory_space<vmem>>
      %dma_wait3A_420 = arith.constant 0 : i32
      %dma_wait3A_421 = tpu.memref_slice %arg10[%dma_wait3A_412, %dma_wait3A_420] : memref<16x2048xi32, #tpu.memory_space<vmem_shared>> -> memref<1x2048xi32, #tpu.memory_space<vmem_shared>>
      %dma_wait3A_422 = tpu.memref_squeeze %dma_wait3A_421 : memref<1x2048xi32, #tpu.memory_space<vmem_shared>> -> memref<2048xi32, #tpu.memory_space<vmem_shared>>
      tpu.wait_dma2 semaphore(%arg13 : memref<!tpu.dma_semaphore, #tpu.memory_space<semaphore_mem>>) src(%dma_wait3A_422 : memref<2048xi32, #tpu.memory_space<vmem_shared>>) dst(%dma_wait3A_419 : memref<2048xi32, #tpu.memory_space<vmem>>)
      %parallel_loop3A_423 = arith.constant 0 : i32
      %parallel_loop3A_424 = arith.constant 128 : i32
      %parallel_loop3A_425 = arith.constant 1 : i32
      %parallel_loop3A_426 = arith.constant 0 : i32
      %parallel_loop3A_427 = arith.constant 0 : i32
      %parallel_loop3A_428 = arith.constant 0 : i32
      %parallel_loop3A_429:3 = scf.for %parallel_loop3A_442 = %parallel_loop3A_423 to %parallel_loop3A_424 step %parallel_loop3A_425 iter_args(%parallel_loop3A_443 = %parallel_loop3A_426, %parallel_loop3A_444 = %parallel_loop3A_427, %parallel_loop3A_445 = %parallel_loop3A_428) -> (i32, i32, i32)  : i32 {
        %parallel_loop3A_446 = arith.constant 16 : i32
        %parallel_loop3A_447 = arith.muli %parallel_loop3A_446, %parallel_loop3A_442 : i32
        %parallel_loop3A_448 = arith.index_cast %parallel_loop3A_447 : i32 to index
        %parallel_loop3A_449 = tpu.vector_load %arg7[%parallel_loop3A_448] {strides = array<i32>} : memref<32768xi32, #tpu.memory_space<vmem>>, vector<16xi32>,
        %parallel_loop3A_450 = arith.constant 16 : i32
        %parallel_loop3A_451 = arith.muli %parallel_loop3A_450, %parallel_loop3A_442 : i32
        %parallel_loop3A_452 = arith.constant 2048 : i32
        %parallel_loop3A_453 = arith.addi %parallel_loop3A_452, %parallel_loop3A_451 : i32
        %parallel_loop3A_454 = arith.index_cast %parallel_loop3A_453 : i32 to index
        %parallel_loop3A_455 = tpu.vector_load %arg7[%parallel_loop3A_454] {strides = array<i32>} : memref<32768xi32, #tpu.memory_space<vmem>>, vector<16xi32>,
        %parallel_loop3A_456 = arith.addi %parallel_loop3A_449, %parallel_loop3A_455 : vector<16xi32>
        %parallel_loop3A_457 = arith.constant 16 : i32
        %parallel_loop3A_458 = arith.muli %parallel_loop3A_457, %parallel_loop3A_442 : i32
        %parallel_loop3A_459 = arith.constant 4096 : i32
        %parallel_loop3A_460 = arith.addi %parallel_loop3A_459, %parallel_loop3A_458 : i32
        %parallel_loop3A_461 = arith.index_cast %parallel_loop3A_460 : i32 to index
        %parallel_loop3A_462 = tpu.vector_load %arg7[%parallel_loop3A_461] {strides = array<i32>} : memref<32768xi32, #tpu.memory_space<vmem>>, vector<16xi32>,
        %parallel_loop3A_463 = arith.addi %parallel_loop3A_456, %parallel_loop3A_462 : vector<16xi32>
        %parallel_loop3A_464 = arith.constant 16 : i32
        %parallel_loop3A_465 = arith.muli %parallel_loop3A_464, %parallel_loop3A_442 : i32
        %parallel_loop3A_466 = arith.constant 6144 : i32
        %parallel_loop3A_467 = arith.addi %parallel_loop3A_466, %parallel_loop3A_465 : i32
        %parallel_loop3A_468 = arith.index_cast %parallel_loop3A_467 : i32 to index
        %parallel_loop3A_469 = tpu.vector_load %arg7[%parallel_loop3A_468] {strides = array<i32>} : memref<32768xi32, #tpu.memory_space<vmem>>, vector<16xi32>,
        %parallel_loop3A_470 = arith.addi %parallel_loop3A_463, %parallel_loop3A_469 : vector<16xi32>
        %parallel_loop3A_471 = arith.constant 16 : i32
        %parallel_loop3A_472 = arith.muli %parallel_loop3A_471, %parallel_loop3A_442 : i32
        %parallel_loop3A_473 = arith.constant 8192 : i32
        %parallel_loop3A_474 = arith.addi %parallel_loop3A_473, %parallel_loop3A_472 : i32
        %parallel_loop3A_475 = arith.index_cast %parallel_loop3A_474 : i32 to index
        %parallel_loop3A_476 = tpu.vector_load %arg7[%parallel_loop3A_475] {strides = array<i32>} : memref<32768xi32, #tpu.memory_space<vmem>>, vector<16xi32>,
        %parallel_loop3A_477 = arith.addi %parallel_loop3A_470, %parallel_loop3A_476 : vector<16xi32>
        %parallel_loop3A_478 = arith.constant 16 : i32
        %parallel_loop3A_479 = arith.muli %parallel_loop3A_478, %parallel_loop3A_442 : i32
        %parallel_loop3A_480 = arith.constant 10240 : i32
        %parallel_loop3A_481 = arith.addi %parallel_loop3A_480, %parallel_loop3A_479 : i32
        %parallel_loop3A_482 = arith.index_cast %parallel_loop3A_481 : i32 to index
        %parallel_loop3A_483 = tpu.vector_load %arg7[%parallel_loop3A_482] {strides = array<i32>} : memref<32768xi32, #tpu.memory_space<vmem>>, vector<16xi32>,
        %parallel_loop3A_484 = arith.addi %parallel_loop3A_477, %parallel_loop3A_483 : vector<16xi32>
        %parallel_loop3A_485 = arith.constant 16 : i32
        %parallel_loop3A_486 = arith.muli %parallel_loop3A_485, %parallel_loop3A_442 : i32
        %parallel_loop3A_487 = arith.constant 12288 : i32
        %parallel_loop3A_488 = arith.addi %parallel_loop3A_487, %parallel_loop3A_486 : i32
        %parallel_loop3A_489 = arith.index_cast %parallel_loop3A_488 : i32 to index
        %parallel_loop3A_490 = tpu.vector_load %arg7[%parallel_loop3A_489] {strides = array<i32>} : memref<32768xi32, #tpu.memory_space<vmem>>, vector<16xi32>,
        %parallel_loop3A_491 = arith.addi %parallel_loop3A_484, %parallel_loop3A_490 : vector<16xi32>
        %parallel_loop3A_492 = arith.constant 16 : i32
        %parallel_loop3A_493 = arith.muli %parallel_loop3A_492, %parallel_loop3A_442 : i32
        %parallel_loop3A_494 = arith.constant 14336 : i32
        %parallel_loop3A_495 = arith.addi %parallel_loop3A_494, %parallel_loop3A_493 : i32
        %parallel_loop3A_496 = arith.index_cast %parallel_loop3A_495 : i32 to index
        %parallel_loop3A_497 = tpu.vector_load %arg7[%parallel_loop3A_496] {strides = array<i32>} : memref<32768xi32, #tpu.memory_space<vmem>>, vector<16xi32>,
        %parallel_loop3A_498 = arith.addi %parallel_loop3A_491, %parallel_loop3A_497 : vector<16xi32>
        %parallel_loop3A_499 = arith.constant 16 : i32
        %parallel_loop3A_500 = arith.muli %parallel_loop3A_499, %parallel_loop3A_442 : i32
        %parallel_loop3A_501 = arith.constant 16384 : i32
        %parallel_loop3A_502 = arith.addi %parallel_loop3A_501, %parallel_loop3A_500 : i32
        %parallel_loop3A_503 = arith.index_cast %parallel_loop3A_502 : i32 to index
        %parallel_loop3A_504 = tpu.vector_load %arg7[%parallel_loop3A_503] {strides = array<i32>} : memref<32768xi32, #tpu.memory_space<vmem>>, vector<16xi32>,
        %parallel_loop3A_505 = arith.addi %parallel_loop3A_498, %parallel_loop3A_504 : vector<16xi32>
        %parallel_loop3A_506 = arith.constant 16 : i32
        %parallel_loop3A_507 = arith.muli %parallel_loop3A_506, %parallel_loop3A_442 : i32
        %parallel_loop3A_508 = arith.constant 18432 : i32
        %parallel_loop3A_509 = arith.addi %parallel_loop3A_508, %parallel_loop3A_507 : i32
        %parallel_loop3A_510 = arith.index_cast %parallel_loop3A_509 : i32 to index
        %parallel_loop3A_511 = tpu.vector_load %arg7[%parallel_loop3A_510] {strides = array<i32>} : memref<32768xi32, #tpu.memory_space<vmem>>, vector<16xi32>,
        %parallel_loop3A_512 = arith.addi %parallel_loop3A_505, %parallel_loop3A_511 : vector<16xi32>
        %parallel_loop3A_513 = arith.constant 16 : i32
        %parallel_loop3A_514 = arith.muli %parallel_loop3A_513, %parallel_loop3A_442 : i32
        %parallel_loop3A_515 = arith.constant 20480 : i32
        %parallel_loop3A_516 = arith.addi %parallel_loop3A_515, %parallel_loop3A_514 : i32
        %parallel_loop3A_517 = arith.index_cast %parallel_loop3A_516 : i32 to index
        %parallel_loop3A_518 = tpu.vector_load %arg7[%parallel_loop3A_517] {strides = array<i32>} : memref<32768xi32, #tpu.memory_space<vmem>>, vector<16xi32>,
        %parallel_loop3A_519 = arith.addi %parallel_loop3A_512, %parallel_loop3A_518 : vector<16xi32>
        %parallel_loop3A_520 = arith.constant 16 : i32
        %parallel_loop3A_521 = arith.muli %parallel_loop3A_520, %parallel_loop3A_442 : i32
        %parallel_loop3A_522 = arith.constant 22528 : i32
        %parallel_loop3A_523 = arith.addi %parallel_loop3A_522, %parallel_loop3A_521 : i32
        %parallel_loop3A_524 = arith.index_cast %parallel_loop3A_523 : i32 to index
        %parallel_loop3A_525 = tpu.vector_load %arg7[%parallel_loop3A_524] {strides = array<i32>} : memref<32768xi32, #tpu.memory_space<vmem>>, vector<16xi32>,
        %parallel_loop3A_526 = arith.addi %parallel_loop3A_519, %parallel_loop3A_525 : vector<16xi32>
        %parallel_loop3A_527 = arith.constant 16 : i32
        %parallel_loop3A_528 = arith.muli %parallel_loop3A_527, %parallel_loop3A_442 : i32
        %parallel_loop3A_529 = arith.constant 24576 : i32
        %parallel_loop3A_530 = arith.addi %parallel_loop3A_529, %parallel_loop3A_528 : i32
        %parallel_loop3A_531 = arith.index_cast %parallel_loop3A_530 : i32 to index
        %parallel_loop3A_532 = tpu.vector_load %arg7[%parallel_loop3A_531] {strides = array<i32>} : memref<32768xi32, #tpu.memory_space<vmem>>, vector<16xi32>,
        %parallel_loop3A_533 = arith.addi %parallel_loop3A_526, %parallel_loop3A_532 : vector<16xi32>
        %parallel_loop3A_534 = arith.constant 16 : i32
        %parallel_loop3A_535 = arith.muli %parallel_loop3A_534, %parallel_loop3A_442 : i32
        %parallel_loop3A_536 = arith.constant 26624 : i32
        %parallel_loop3A_537 = arith.addi %parallel_loop3A_536, %parallel_loop3A_535 : i32
        %parallel_loop3A_538 = arith.index_cast %parallel_loop3A_537 : i32 to index
        %parallel_loop3A_539 = tpu.vector_load %arg7[%parallel_loop3A_538] {strides = array<i32>} : memref<32768xi32, #tpu.memory_space<vmem>>, vector<16xi32>,
        %parallel_loop3A_540 = arith.addi %parallel_loop3A_533, %parallel_loop3A_539 : vector<16xi32>
        %parallel_loop3A_541 = arith.constant 16 : i32
        %parallel_loop3A_542 = arith.muli %parallel_loop3A_541, %parallel_loop3A_442 : i32
        %parallel_loop3A_543 = arith.constant 28672 : i32
        %parallel_loop3A_544 = arith.addi %parallel_loop3A_543, %parallel_loop3A_542 : i32
        %parallel_loop3A_545 = arith.index_cast %parallel_loop3A_544 : i32 to index
        %parallel_loop3A_546 = tpu.vector_load %arg7[%parallel_loop3A_545] {strides = array<i32>} : memref<32768xi32, #tpu.memory_space<vmem>>, vector<16xi32>,
        %parallel_loop3A_547 = arith.addi %parallel_loop3A_540, %parallel_loop3A_546 : vector<16xi32>
        %parallel_loop3A_548 = arith.constant 16 : i32
        %parallel_loop3A_549 = arith.muli %parallel_loop3A_548, %parallel_loop3A_442 : i32
        %parallel_loop3A_550 = arith.constant 30720 : i32
        %parallel_loop3A_551 = arith.addi %parallel_loop3A_550, %parallel_loop3A_549 : i32
        %parallel_loop3A_552 = arith.index_cast %parallel_loop3A_551 : i32 to index
        %parallel_loop3A_553 = tpu.vector_load %arg7[%parallel_loop3A_552] {strides = array<i32>} : memref<32768xi32, #tpu.memory_space<vmem>>, vector<16xi32>,
        %parallel_loop3A_554 = arith.addi %parallel_loop3A_547, %parallel_loop3A_553 : vector<16xi32>
        %parallel_loop3A_555 = arith.constant true
        %parallel_loop3A_556 = vector.broadcast %parallel_loop3A_555 : i1 to vector<16xi1>
        %parallel_loop3A_557 = tpu.scan <sum>, %parallel_loop3A_554 masked %parallel_loop3A_556 : vector<16xi32>, vector<16xi1> -> vector<16xi32>
        %parallel_loop3A_558 = vector.broadcast %parallel_loop3A_443 : i32 to vector<16xi32>
        %parallel_loop3A_559 = arith.addi %parallel_loop3A_557, %parallel_loop3A_558 : vector<16xi32>
        %parallel_loop3A_560 = arith.cmpi sle, %parallel_loop3A_559, %sub3A_25 : vector<16xi32>
        %parallel_loop3A_561 = arith.extui %parallel_loop3A_560 : vector<16xi1> to vector<16xi32>
        %parallel_loop3A_562 = arith.constant true
        %parallel_loop3A_563 = vector.broadcast %parallel_loop3A_562 : i1 to vector<16xi1>
        %parallel_loop3A_564 = tpu.scan <sum>, %parallel_loop3A_561 masked %parallel_loop3A_563 : vector<16xi32>, vector<16xi1> -> vector<16xi32>
        %parallel_loop3A_565 = vector.extract %parallel_loop3A_564[15] : i32 from vector<16xi32>
        %parallel_loop3A_566 = arith.constant 0 : i32
        %parallel_loop3A_567 = vector.broadcast %parallel_loop3A_566 : i32 to vector<16xi32>
        %parallel_loop3A_568 = arith.select %parallel_loop3A_560, %parallel_loop3A_554, %parallel_loop3A_567 : vector<16xi1>, vector<16xi32>
        %parallel_loop3A_569 = arith.constant true
        %parallel_loop3A_570 = vector.broadcast %parallel_loop3A_569 : i1 to vector<16xi1>
        %parallel_loop3A_571 = tpu.scan <sum>, %parallel_loop3A_568 masked %parallel_loop3A_570 : vector<16xi32>, vector<16xi1> -> vector<16xi32>
        %parallel_loop3A_572 = vector.extract %parallel_loop3A_571[15] : i32 from vector<16xi32>
        %parallel_loop3A_573 = arith.constant true
        %parallel_loop3A_574 = vector.broadcast %parallel_loop3A_573 : i1 to vector<16xi1>
        %parallel_loop3A_575 = tpu.scan <sum>, %parallel_loop3A_554 masked %parallel_loop3A_574 : vector<16xi32>, vector<16xi1> -> vector<16xi32>
        %parallel_loop3A_576 = vector.extract %parallel_loop3A_575[15] : i32 from vector<16xi32>
        %parallel_loop3A_577 = arith.addi %parallel_loop3A_443, %parallel_loop3A_576 : i32
        %parallel_loop3A_578 = arith.addi %parallel_loop3A_444, %parallel_loop3A_565 : i32
        %parallel_loop3A_579 = arith.addi %parallel_loop3A_445, %parallel_loop3A_572 : i32
        scf.yield %parallel_loop3A_577, %parallel_loop3A_578, %parallel_loop3A_579 : i32, i32, i32
      } {sc.loop_unroll_factor = 4 : i64, sc.parallel_access}
      %broadcast_in_dim3A_430 = arith.constant 0 : i32
      %broadcast_in_dim3A_431 = vector.broadcast %broadcast_in_dim3A_430 : i32 to vector<16xi32>
      %add3A_432 = vector.broadcast %parallel_loop3A_429#1 : i32 to vector<16xi32>
      %add3A_433 = arith.addi %broadcast_in_dim3A_431, %add3A_432 : vector<16xi32>
      %swap3A_434 = arith.constant 0 : index
      %swap3A_435 = tpu.vector_load %arg8[%swap3A_434] {strides = array<i32>} : memref<16xi32, #tpu.memory_space<vmem>>, vector<16xi32>,
      tpu.vector_store %arg8[%swap3A_434], %add3A_433 {strides = array<i32>} : memref<16xi32, #tpu.memory_space<vmem>>, vector<16xi32>,
      %broadcast_in_dim3A_436 = arith.constant 0 : i32
      %broadcast_in_dim3A_437 = vector.broadcast %broadcast_in_dim3A_436 : i32 to vector<16xi32>
      %add3A_438 = vector.broadcast %parallel_loop3A_429#2 : i32 to vector<16xi32>
      %add3A_439 = arith.addi %broadcast_in_dim3A_437, %add3A_438 : vector<16xi32>
      %swap3A_440 = arith.constant 0 : index
      %swap3A_441 = tpu.vector_load %arg9[%swap3A_440] {strides = array<i32>} : memref<16xi32, #tpu.memory_space<vmem>>, vector<16xi32>,
      tpu.vector_store %arg9[%swap3A_440], %add3A_439 {strides = array<i32>} : memref<16xi32, #tpu.memory_space<vmem>>, vector<16xi32>,
      "tpu.region"() ({
        %run_scoped3A = tpu.sem_alloc : memref<!tpu.dma_semaphore, #tpu.memory_space<semaphore_mem>>
        tpu.enqueue_dma source(%arg8 : memref<16xi32, #tpu.memory_space<vmem>>) target(%arg11 : memref<16xi32, #tpu.memory_space<vmem_shared>>) target_semaphore(%run_scoped3A : memref<!tpu.dma_semaphore, #tpu.memory_space<semaphore_mem>>)
        tpu.wait_dma2 semaphore(%run_scoped3A : memref<!tpu.dma_semaphore, #tpu.memory_space<semaphore_mem>>) src(%arg8 : memref<16xi32, #tpu.memory_space<vmem>>) dst(%arg11 : memref<16xi32, #tpu.memory_space<vmem_shared>>)
        tpu.yield
      }) : () -> ()
      "tpu.region"() ({
        %run_scoped3A = tpu.sem_alloc : memref<!tpu.dma_semaphore, #tpu.memory_space<semaphore_mem>>
        tpu.enqueue_dma source(%arg9 : memref<16xi32, #tpu.memory_space<vmem>>) target(%arg12 : memref<16xi32, #tpu.memory_space<vmem_shared>>) target_semaphore(%run_scoped3A : memref<!tpu.dma_semaphore, #tpu.memory_space<semaphore_mem>>)
        tpu.wait_dma2 semaphore(%run_scoped3A : memref<!tpu.dma_semaphore, #tpu.memory_space<semaphore_mem>>) src(%arg9 : memref<16xi32, #tpu.memory_space<vmem>>) dst(%arg12 : memref<16xi32, #tpu.memory_space<vmem_shared>>)
        tpu.yield
      }) : () -> ()
    } else {
    }
    %barrier3A_38 = arith.constant 0 : index
    tpu.barrier barrier_id(%barrier3A_38)
    "tpu.region"() ({
      %run_scoped3A = tpu.sem_alloc : memref<!tpu.dma_semaphore, #tpu.memory_space<semaphore_mem>>
      tpu.enqueue_dma source(%arg11 : memref<16xi32, #tpu.memory_space<vmem_shared>>) target(%arg8 : memref<16xi32, #tpu.memory_space<vmem>>) target_semaphore(%run_scoped3A : memref<!tpu.dma_semaphore, #tpu.memory_space<semaphore_mem>>)
      tpu.wait_dma2 semaphore(%run_scoped3A : memref<!tpu.dma_semaphore, #tpu.memory_space<semaphore_mem>>) src(%arg11 : memref<16xi32, #tpu.memory_space<vmem_shared>>) dst(%arg8 : memref<16xi32, #tpu.memory_space<vmem>>)
      tpu.yield
    }) : () -> ()
    "tpu.region"() ({
      %run_scoped3A = tpu.sem_alloc : memref<!tpu.dma_semaphore, #tpu.memory_space<semaphore_mem>>
      tpu.enqueue_dma source(%arg12 : memref<16xi32, #tpu.memory_space<vmem_shared>>) target(%arg9 : memref<16xi32, #tpu.memory_space<vmem>>) target_semaphore(%run_scoped3A : memref<!tpu.dma_semaphore, #tpu.memory_space<semaphore_mem>>)
      tpu.wait_dma2 semaphore(%run_scoped3A : memref<!tpu.dma_semaphore, #tpu.memory_space<semaphore_mem>>) src(%arg12 : memref<16xi32, #tpu.memory_space<vmem_shared>>) dst(%arg9 : memref<16xi32, #tpu.memory_space<vmem>>)
      tpu.yield
    }) : () -> ()
    %get3A_39 = arith.constant 0 : index
    %get3A_40 = tpu.vector_load %arg8[%get3A_39] {strides = array<i32>} : memref<16xi32, #tpu.memory_space<vmem>>, vector<16xi32>,
    %get3A_41 = arith.constant 0 : index
    %get3A_42 = tpu.vector_load %arg9[%get3A_41] {strides = array<i32>} : memref<16xi32, #tpu.memory_space<vmem>>, vector<16xi32>,
    %sub3A_43 = arith.subi %sub3A_25, %get3A_42 : vector<16xi32>
    %mul3A_44 = arith.constant 2048 : i32
    %mul3A_45 = vector.broadcast %mul3A_44 : i32 to vector<16xi32>
    %mul3A_46 = arith.muli %get3A_21, %mul3A_45 : vector<16xi32>
    %add3A = arith.addi %mul3A_46, %get3A_40 : vector<16xi32>
    %parallel_loop3A_47 = arith.constant 0 : i32
    %parallel_loop3A_48 = arith.constant 128 : i32
    %parallel_loop3A_49 = arith.constant 1 : i32
    scf.for %parallel_loop3A_73 = %parallel_loop3A_47 to %parallel_loop3A_48 step %parallel_loop3A_49  : i32 {
      %parallel_loop3A_74 = arith.constant 0 : i32
      %parallel_loop3A_75 = vector.broadcast %parallel_loop3A_74 : i32 to vector<16xi32>
      %parallel_loop3A_76 = arith.constant 16 : i32
      %parallel_loop3A_77 = arith.muli %parallel_loop3A_76, %parallel_loop3A_73 : i32
      %parallel_loop3A_78 = arith.index_cast %parallel_loop3A_77 : i32 to index
      %parallel_loop3A_79 = tpu.vector_load %arg6[%parallel_loop3A_78] {strides = array<i32>} : memref<2048xi32, #tpu.memory_space<vmem>>, vector<16xi32>,
      tpu.vector_store %arg6[%parallel_loop3A_78], %parallel_loop3A_75 {strides = array<i32>} : memref<2048xi32, #tpu.memory_space<vmem>>, vector<16xi32>,
    } {sc.loop_unroll_factor = 8 : i64, sc.parallel_access}
    %parallel_loop3A_50 = arith.constant 0 : i32
    %parallel_loop3A_51 = arith.constant 4096 : i32
    %parallel_loop3A_52 = arith.constant 1 : i32
    scf.for %parallel_loop3A_73 = %parallel_loop3A_50 to %parallel_loop3A_51 step %parallel_loop3A_52  : i32 {
      %parallel_loop3A_74 = arith.constant 16 : i32
      %parallel_loop3A_75 = arith.muli %parallel_loop3A_74, %parallel_loop3A_73 : i32
      %parallel_loop3A_76 = arith.index_cast %parallel_loop3A_75 : i32 to index
      %parallel_loop3A_77 = tpu.vector_load %arg5[%parallel_loop3A_76] {strides = array<i32>} : memref<65536xf32, #tpu.memory_space<vmem>>, vector<16xf32>,
      %parallel_loop3A_78 = math.absf %parallel_loop3A_77 : vector<16xf32>
      %parallel_loop3A_79 = tpu.bitcast %parallel_loop3A_78 : vector<16xf32> -> vector<16xi32>
      %parallel_loop3A_80 = arith.constant 511 : i32
      %parallel_loop3A_81 = vector.broadcast %parallel_loop3A_80 : i32 to vector<16xi32>
      %parallel_loop3A_82 = arith.andi %parallel_loop3A_79, %parallel_loop3A_81 : vector<16xi32>
      %parallel_loop3A_83 = arith.constant 9 : i32
      %parallel_loop3A_84 = vector.broadcast %parallel_loop3A_83 : i32 to vector<16xi32>
      %parallel_loop3A_85 = arith.shrsi %parallel_loop3A_79, %parallel_loop3A_84 : vector<16xi32>
      %parallel_loop3A_86 = arith.cmpi eq, %parallel_loop3A_85, %add3A : vector<16xi32>
      tpu.vector_store_idx %arg6[%parallel_loop3A_82], %broadcast_in_dim3A_8 masked %parallel_loop3A_86 {add = true} : memref<2048xi32, #tpu.memory_space<vmem>>[vector<16xi32>], vector<16xi32>, vector<16xi1>
    } {sc.loop_unroll_factor = 8 : i64, sc.parallel_access}
    "tpu.region"() ({
      %run_scoped3A = tpu.sem_alloc : memref<!tpu.dma_semaphore, #tpu.memory_space<semaphore_mem>>
      %dma_start3A = arith.constant 0 : i32
      %dma_start3A_73 = tpu.memref_slice %arg10[%arg1, %dma_start3A] : memref<16x2048xi32, #tpu.memory_space<vmem_shared>> -> memref<1x2048xi32, #tpu.memory_space<vmem_shared>>
      %dma_start3A_74 = tpu.memref_squeeze %dma_start3A_73 : memref<1x2048xi32, #tpu.memory_space<vmem_shared>> -> memref<2048xi32, #tpu.memory_space<vmem_shared>>
      %dma_start3A_75 = arith.constant 0 : i32
      %dma_start3A_76 = tpu.memref_slice %arg10[%arg1, %dma_start3A_75] : memref<16x2048xi32, #tpu.memory_space<vmem_shared>> -> memref<1x2048xi32, #tpu.memory_space<vmem_shared>>
      %dma_start3A_77 = tpu.memref_squeeze %dma_start3A_76 : memref<1x2048xi32, #tpu.memory_space<vmem_shared>> -> memref<2048xi32, #tpu.memory_space<vmem_shared>>
      tpu.enqueue_dma source(%arg6 : memref<2048xi32, #tpu.memory_space<vmem>>) target(%dma_start3A_77 : memref<2048xi32, #tpu.memory_space<vmem_shared>>) target_semaphore(%run_scoped3A : memref<!tpu.dma_semaphore, #tpu.memory_space<semaphore_mem>>)
      %dma_wait3A = arith.constant 0 : i32
      %dma_wait3A_78 = tpu.memref_slice %arg10[%arg1, %dma_wait3A] : memref<16x2048xi32, #tpu.memory_space<vmem_shared>> -> memref<1x2048xi32, #tpu.memory_space<vmem_shared>>
      %dma_wait3A_79 = tpu.memref_squeeze %dma_wait3A_78 : memref<1x2048xi32, #tpu.memory_space<vmem_shared>> -> memref<2048xi32, #tpu.memory_space<vmem_shared>>
      %dma_wait3A_80 = arith.constant 0 : i32
      %dma_wait3A_81 = tpu.memref_slice %arg10[%arg1, %dma_wait3A_80] : memref<16x2048xi32, #tpu.memory_space<vmem_shared>> -> memref<1x2048xi32, #tpu.memory_space<vmem_shared>>
      %dma_wait3A_82 = tpu.memref_squeeze %dma_wait3A_81 : memref<1x2048xi32, #tpu.memory_space<vmem_shared>> -> memref<2048xi32, #tpu.memory_space<vmem_shared>>
      tpu.wait_dma2 semaphore(%run_scoped3A : memref<!tpu.dma_semaphore, #tpu.memory_space<semaphore_mem>>) src(%arg6 : memref<2048xi32, #tpu.memory_space<vmem>>) dst(%dma_wait3A_82 : memref<2048xi32, #tpu.memory_space<vmem_shared>>)
      tpu.yield
    }) : () -> ()
    %barrier3A_53 = arith.constant 0 : index
    tpu.barrier barrier_id(%barrier3A_53)
    %eq3A_54 = arith.constant 0 : i32
    %eq3A_55 = arith.cmpi eq, %arg1, %eq3A_54 : i32
    %convert_element_type3A_56 = arith.extui %eq3A_55 : i1 to i32
    %cond3A_57 = arith.constant 0 : i32
    %cond3A_58 = arith.cmpi ne, %convert_element_type3A_56, %cond3A_57 : i32
    scf.if %cond3A_58 {
      %dma_start3A = arith.constant 0 : i32
      %dma_start3A_73 = arith.constant 0 : i32
      %dma_start3A_74 = tpu.memref_slice %arg7[%dma_start3A_73] : memref<32768xi32, #tpu.memory_space<vmem>> -> memref<2048xi32, #tpu.memory_space<vmem>>
      %dma_start3A_75 = arith.constant 0 : i32
      %dma_start3A_76 = tpu.memref_slice %arg10[%dma_start3A, %dma_start3A_75] : memref<16x2048xi32, #tpu.memory_space<vmem_shared>> -> memref<1x2048xi32, #tpu.memory_space<vmem_shared>>
      %dma_start3A_77 = tpu.memref_squeeze %dma_start3A_76 : memref<1x2048xi32, #tpu.memory_space<vmem_shared>> -> memref<2048xi32, #tpu.memory_space<vmem_shared>>
      %dma_start3A_78 = arith.constant 0 : i32
      %dma_start3A_79 = tpu.memref_slice %arg7[%dma_start3A_78] : memref<32768xi32, #tpu.memory_space<vmem>> -> memref<2048xi32, #tpu.memory_space<vmem>>
      %dma_start3A_80 = arith.constant 0 : i32
      %dma_start3A_81 = tpu.memref_slice %arg10[%dma_start3A, %dma_start3A_80] : memref<16x2048xi32, #tpu.memory_space<vmem_shared>> -> memref<1x2048xi32, #tpu.memory_space<vmem_shared>>
      %dma_start3A_82 = tpu.memref_squeeze %dma_start3A_81 : memref<1x2048xi32, #tpu.memory_space<vmem_shared>> -> memref<2048xi32, #tpu.memory_space<vmem_shared>>
      tpu.enqueue_dma source(%dma_start3A_82 : memref<2048xi32, #tpu.memory_space<vmem_shared>>) target(%dma_start3A_79 : memref<2048xi32, #tpu.memory_space<vmem>>) target_semaphore(%arg13 : memref<!tpu.dma_semaphore, #tpu.memory_space<semaphore_mem>>)
      %dma_start3A_83 = arith.constant 1 : i32
      %dma_start3A_84 = arith.constant 2048 : i32
      %dma_start3A_85 = tpu.memref_slice %arg7[%dma_start3A_84] : memref<32768xi32, #tpu.memory_space<vmem>> -> memref<2048xi32, #tpu.memory_space<vmem>>
      %dma_start3A_86 = arith.constant 0 : i32
      %dma_start3A_87 = tpu.memref_slice %arg10[%dma_start3A_83, %dma_start3A_86] : memref<16x2048xi32, #tpu.memory_space<vmem_shared>> -> memref<1x2048xi32, #tpu.memory_space<vmem_shared>>
      %dma_start3A_88 = tpu.memref_squeeze %dma_start3A_87 : memref<1x2048xi32, #tpu.memory_space<vmem_shared>> -> memref<2048xi32, #tpu.memory_space<vmem_shared>>
      %dma_start3A_89 = arith.constant 2048 : i32
      %dma_start3A_90 = tpu.memref_slice %arg7[%dma_start3A_89] : memref<32768xi32, #tpu.memory_space<vmem>> -> memref<2048xi32, #tpu.memory_space<vmem>>
      %dma_start3A_91 = arith.constant 0 : i32
      %dma_start3A_92 = tpu.memref_slice %arg10[%dma_start3A_83, %dma_start3A_91] : memref<16x2048xi32, #tpu.memory_space<vmem_shared>> -> memref<1x2048xi32, #tpu.memory_space<vmem_shared>>
      %dma_start3A_93 = tpu.memref_squeeze %dma_start3A_92 : memref<1x2048xi32, #tpu.memory_space<vmem_shared>> -> memref<2048xi32, #tpu.memory_space<vmem_shared>>
      tpu.enqueue_dma source(%dma_start3A_93 : memref<2048xi32, #tpu.memory_space<vmem_shared>>) target(%dma_start3A_90 : memref<2048xi32, #tpu.memory_space<vmem>>) target_semaphore(%arg13 : memref<!tpu.dma_semaphore, #tpu.memory_space<semaphore_mem>>)
      %dma_start3A_94 = arith.constant 2 : i32
      %dma_start3A_95 = arith.constant 4096 : i32
      %dma_start3A_96 = tpu.memref_slice %arg7[%dma_start3A_95] : memref<32768xi32, #tpu.memory_space<vmem>> -> memref<2048xi32, #tpu.memory_space<vmem>>
      %dma_start3A_97 = arith.constant 0 : i32
      %dma_start3A_98 = tpu.memref_slice %arg10[%dma_start3A_94, %dma_start3A_97] : memref<16x2048xi32, #tpu.memory_space<vmem_shared>> -> memref<1x2048xi32, #tpu.memory_space<vmem_shared>>
      %dma_start3A_99 = tpu.memref_squeeze %dma_start3A_98 : memref<1x2048xi32, #tpu.memory_space<vmem_shared>> -> memref<2048xi32, #tpu.memory_space<vmem_shared>>
      %dma_start3A_100 = arith.constant 4096 : i32
      %dma_start3A_101 = tpu.memref_slice %arg7[%dma_start3A_100] : memref<32768xi32, #tpu.memory_space<vmem>> -> memref<2048xi32, #tpu.memory_space<vmem>>
      %dma_start3A_102 = arith.constant 0 : i32
      %dma_start3A_103 = tpu.memref_slice %arg10[%dma_start3A_94, %dma_start3A_102] : memref<16x2048xi32, #tpu.memory_space<vmem_shared>> -> memref<1x2048xi32, #tpu.memory_space<vmem_shared>>
      %dma_start3A_104 = tpu.memref_squeeze %dma_start3A_103 : memref<1x2048xi32, #tpu.memory_space<vmem_shared>> -> memref<2048xi32, #tpu.memory_space<vmem_shared>>
      tpu.enqueue_dma source(%dma_start3A_104 : memref<2048xi32, #tpu.memory_space<vmem_shared>>) target(%dma_start3A_101 : memref<2048xi32, #tpu.memory_space<vmem>>) target_semaphore(%arg13 : memref<!tpu.dma_semaphore, #tpu.memory_space<semaphore_mem>>)
      %dma_start3A_105 = arith.constant 3 : i32
      %dma_start3A_106 = arith.constant 6144 : i32
      %dma_start3A_107 = tpu.memref_slice %arg7[%dma_start3A_106] : memref<32768xi32, #tpu.memory_space<vmem>> -> memref<2048xi32, #tpu.memory_space<vmem>>
      %dma_start3A_108 = arith.constant 0 : i32
      %dma_start3A_109 = tpu.memref_slice %arg10[%dma_start3A_105, %dma_start3A_108] : memref<16x2048xi32, #tpu.memory_space<vmem_shared>> -> memref<1x2048xi32, #tpu.memory_space<vmem_shared>>
      %dma_start3A_110 = tpu.memref_squeeze %dma_start3A_109 : memref<1x2048xi32, #tpu.memory_space<vmem_shared>> -> memref<2048xi32, #tpu.memory_space<vmem_shared>>
      %dma_start3A_111 = arith.constant 6144 : i32
      %dma_start3A_112 = tpu.memref_slice %arg7[%dma_start3A_111] : memref<32768xi32, #tpu.memory_space<vmem>> -> memref<2048xi32, #tpu.memory_space<vmem>>
      %dma_start3A_113 = arith.constant 0 : i32
      %dma_start3A_114 = tpu.memref_slice %arg10[%dma_start3A_105, %dma_start3A_113] : memref<16x2048xi32, #tpu.memory_space<vmem_shared>> -> memref<1x2048xi32, #tpu.memory_space<vmem_shared>>
      %dma_start3A_115 = tpu.memref_squeeze %dma_start3A_114 : memref<1x2048xi32, #tpu.memory_space<vmem_shared>> -> memref<2048xi32, #tpu.memory_space<vmem_shared>>
      tpu.enqueue_dma source(%dma_start3A_115 : memref<2048xi32, #tpu.memory_space<vmem_shared>>) target(%dma_start3A_112 : memref<2048xi32, #tpu.memory_space<vmem>>) target_semaphore(%arg13 : memref<!tpu.dma_semaphore, #tpu.memory_space<semaphore_mem>>)
      %dma_start3A_116 = arith.constant 4 : i32
      %dma_start3A_117 = arith.constant 8192 : i32
      %dma_start3A_118 = tpu.memref_slice %arg7[%dma_start3A_117] : memref<32768xi32, #tpu.memory_space<vmem>> -> memref<2048xi32, #tpu.memory_space<vmem>>
      %dma_start3A_119 = arith.constant 0 : i32
      %dma_start3A_120 = tpu.memref_slice %arg10[%dma_start3A_116, %dma_start3A_119] : memref<16x2048xi32, #tpu.memory_space<vmem_shared>> -> memref<1x2048xi32, #tpu.memory_space<vmem_shared>>
      %dma_start3A_121 = tpu.memref_squeeze %dma_start3A_120 : memref<1x2048xi32, #tpu.memory_space<vmem_shared>> -> memref<2048xi32, #tpu.memory_space<vmem_shared>>
      %dma_start3A_122 = arith.constant 8192 : i32
      %dma_start3A_123 = tpu.memref_slice %arg7[%dma_start3A_122] : memref<32768xi32, #tpu.memory_space<vmem>> -> memref<2048xi32, #tpu.memory_space<vmem>>
      %dma_start3A_124 = arith.constant 0 : i32
      %dma_start3A_125 = tpu.memref_slice %arg10[%dma_start3A_116, %dma_start3A_124] : memref<16x2048xi32, #tpu.memory_space<vmem_shared>> -> memref<1x2048xi32, #tpu.memory_space<vmem_shared>>
      %dma_start3A_126 = tpu.memref_squeeze %dma_start3A_125 : memref<1x2048xi32, #tpu.memory_space<vmem_shared>> -> memref<2048xi32, #tpu.memory_space<vmem_shared>>
      tpu.enqueue_dma source(%dma_start3A_126 : memref<2048xi32, #tpu.memory_space<vmem_shared>>) target(%dma_start3A_123 : memref<2048xi32, #tpu.memory_space<vmem>>) target_semaphore(%arg13 : memref<!tpu.dma_semaphore, #tpu.memory_space<semaphore_mem>>)
      %dma_start3A_127 = arith.constant 5 : i32
      %dma_start3A_128 = arith.constant 10240 : i32
      %dma_start3A_129 = tpu.memref_slice %arg7[%dma_start3A_128] : memref<32768xi32, #tpu.memory_space<vmem>> -> memref<2048xi32, #tpu.memory_space<vmem>>
      %dma_start3A_130 = arith.constant 0 : i32
      %dma_start3A_131 = tpu.memref_slice %arg10[%dma_start3A_127, %dma_start3A_130] : memref<16x2048xi32, #tpu.memory_space<vmem_shared>> -> memref<1x2048xi32, #tpu.memory_space<vmem_shared>>
      %dma_start3A_132 = tpu.memref_squeeze %dma_start3A_131 : memref<1x2048xi32, #tpu.memory_space<vmem_shared>> -> memref<2048xi32, #tpu.memory_space<vmem_shared>>
      %dma_start3A_133 = arith.constant 10240 : i32
      %dma_start3A_134 = tpu.memref_slice %arg7[%dma_start3A_133] : memref<32768xi32, #tpu.memory_space<vmem>> -> memref<2048xi32, #tpu.memory_space<vmem>>
      %dma_start3A_135 = arith.constant 0 : i32
      %dma_start3A_136 = tpu.memref_slice %arg10[%dma_start3A_127, %dma_start3A_135] : memref<16x2048xi32, #tpu.memory_space<vmem_shared>> -> memref<1x2048xi32, #tpu.memory_space<vmem_shared>>
      %dma_start3A_137 = tpu.memref_squeeze %dma_start3A_136 : memref<1x2048xi32, #tpu.memory_space<vmem_shared>> -> memref<2048xi32, #tpu.memory_space<vmem_shared>>
      tpu.enqueue_dma source(%dma_start3A_137 : memref<2048xi32, #tpu.memory_space<vmem_shared>>) target(%dma_start3A_134 : memref<2048xi32, #tpu.memory_space<vmem>>) target_semaphore(%arg13 : memref<!tpu.dma_semaphore, #tpu.memory_space<semaphore_mem>>)
      %dma_start3A_138 = arith.constant 6 : i32
      %dma_start3A_139 = arith.constant 12288 : i32
      %dma_start3A_140 = tpu.memref_slice %arg7[%dma_start3A_139] : memref<32768xi32, #tpu.memory_space<vmem>> -> memref<2048xi32, #tpu.memory_space<vmem>>
      %dma_start3A_141 = arith.constant 0 : i32
      %dma_start3A_142 = tpu.memref_slice %arg10[%dma_start3A_138, %dma_start3A_141] : memref<16x2048xi32, #tpu.memory_space<vmem_shared>> -> memref<1x2048xi32, #tpu.memory_space<vmem_shared>>
      %dma_start3A_143 = tpu.memref_squeeze %dma_start3A_142 : memref<1x2048xi32, #tpu.memory_space<vmem_shared>> -> memref<2048xi32, #tpu.memory_space<vmem_shared>>
      %dma_start3A_144 = arith.constant 12288 : i32
      %dma_start3A_145 = tpu.memref_slice %arg7[%dma_start3A_144] : memref<32768xi32, #tpu.memory_space<vmem>> -> memref<2048xi32, #tpu.memory_space<vmem>>
      %dma_start3A_146 = arith.constant 0 : i32
      %dma_start3A_147 = tpu.memref_slice %arg10[%dma_start3A_138, %dma_start3A_146] : memref<16x2048xi32, #tpu.memory_space<vmem_shared>> -> memref<1x2048xi32, #tpu.memory_space<vmem_shared>>
      %dma_start3A_148 = tpu.memref_squeeze %dma_start3A_147 : memref<1x2048xi32, #tpu.memory_space<vmem_shared>> -> memref<2048xi32, #tpu.memory_space<vmem_shared>>
      tpu.enqueue_dma source(%dma_start3A_148 : memref<2048xi32, #tpu.memory_space<vmem_shared>>) target(%dma_start3A_145 : memref<2048xi32, #tpu.memory_space<vmem>>) target_semaphore(%arg13 : memref<!tpu.dma_semaphore, #tpu.memory_space<semaphore_mem>>)
      %dma_start3A_149 = arith.constant 7 : i32
      %dma_start3A_150 = arith.constant 14336 : i32
      %dma_start3A_151 = tpu.memref_slice %arg7[%dma_start3A_150] : memref<32768xi32, #tpu.memory_space<vmem>> -> memref<2048xi32, #tpu.memory_space<vmem>>
      %dma_start3A_152 = arith.constant 0 : i32
      %dma_start3A_153 = tpu.memref_slice %arg10[%dma_start3A_149, %dma_start3A_152] : memref<16x2048xi32, #tpu.memory_space<vmem_shared>> -> memref<1x2048xi32, #tpu.memory_space<vmem_shared>>
      %dma_start3A_154 = tpu.memref_squeeze %dma_start3A_153 : memref<1x2048xi32, #tpu.memory_space<vmem_shared>> -> memref<2048xi32, #tpu.memory_space<vmem_shared>>
      %dma_start3A_155 = arith.constant 14336 : i32
      %dma_start3A_156 = tpu.memref_slice %arg7[%dma_start3A_155] : memref<32768xi32, #tpu.memory_space<vmem>> -> memref<2048xi32, #tpu.memory_space<vmem>>
      %dma_start3A_157 = arith.constant 0 : i32
      %dma_start3A_158 = tpu.memref_slice %arg10[%dma_start3A_149, %dma_start3A_157] : memref<16x2048xi32, #tpu.memory_space<vmem_shared>> -> memref<1x2048xi32, #tpu.memory_space<vmem_shared>>
      %dma_start3A_159 = tpu.memref_squeeze %dma_start3A_158 : memref<1x2048xi32, #tpu.memory_space<vmem_shared>> -> memref<2048xi32, #tpu.memory_space<vmem_shared>>
      tpu.enqueue_dma source(%dma_start3A_159 : memref<2048xi32, #tpu.memory_space<vmem_shared>>) target(%dma_start3A_156 : memref<2048xi32, #tpu.memory_space<vmem>>) target_semaphore(%arg13 : memref<!tpu.dma_semaphore, #tpu.memory_space<semaphore_mem>>)
      %dma_start3A_160 = arith.constant 8 : i32
      %dma_start3A_161 = arith.constant 16384 : i32
      %dma_start3A_162 = tpu.memref_slice %arg7[%dma_start3A_161] : memref<32768xi32, #tpu.memory_space<vmem>> -> memref<2048xi32, #tpu.memory_space<vmem>>
      %dma_start3A_163 = arith.constant 0 : i32
      %dma_start3A_164 = tpu.memref_slice %arg10[%dma_start3A_160, %dma_start3A_163] : memref<16x2048xi32, #tpu.memory_space<vmem_shared>> -> memref<1x2048xi32, #tpu.memory_space<vmem_shared>>
      %dma_start3A_165 = tpu.memref_squeeze %dma_start3A_164 : memref<1x2048xi32, #tpu.memory_space<vmem_shared>> -> memref<2048xi32, #tpu.memory_space<vmem_shared>>
      %dma_start3A_166 = arith.constant 16384 : i32
      %dma_start3A_167 = tpu.memref_slice %arg7[%dma_start3A_166] : memref<32768xi32, #tpu.memory_space<vmem>> -> memref<2048xi32, #tpu.memory_space<vmem>>
      %dma_start3A_168 = arith.constant 0 : i32
      %dma_start3A_169 = tpu.memref_slice %arg10[%dma_start3A_160, %dma_start3A_168] : memref<16x2048xi32, #tpu.memory_space<vmem_shared>> -> memref<1x2048xi32, #tpu.memory_space<vmem_shared>>
      %dma_start3A_170 = tpu.memref_squeeze %dma_start3A_169 : memref<1x2048xi32, #tpu.memory_space<vmem_shared>> -> memref<2048xi32, #tpu.memory_space<vmem_shared>>
      tpu.enqueue_dma source(%dma_start3A_170 : memref<2048xi32, #tpu.memory_space<vmem_shared>>) target(%dma_start3A_167 : memref<2048xi32, #tpu.memory_space<vmem>>) target_semaphore(%arg13 : memref<!tpu.dma_semaphore, #tpu.memory_space<semaphore_mem>>)
      %dma_start3A_171 = arith.constant 9 : i32
      %dma_start3A_172 = arith.constant 18432 : i32
      %dma_start3A_173 = tpu.memref_slice %arg7[%dma_start3A_172] : memref<32768xi32, #tpu.memory_space<vmem>> -> memref<2048xi32, #tpu.memory_space<vmem>>
      %dma_start3A_174 = arith.constant 0 : i32
      %dma_start3A_175 = tpu.memref_slice %arg10[%dma_start3A_171, %dma_start3A_174] : memref<16x2048xi32, #tpu.memory_space<vmem_shared>> -> memref<1x2048xi32, #tpu.memory_space<vmem_shared>>
      %dma_start3A_176 = tpu.memref_squeeze %dma_start3A_175 : memref<1x2048xi32, #tpu.memory_space<vmem_shared>> -> memref<2048xi32, #tpu.memory_space<vmem_shared>>
      %dma_start3A_177 = arith.constant 18432 : i32
      %dma_start3A_178 = tpu.memref_slice %arg7[%dma_start3A_177] : memref<32768xi32, #tpu.memory_space<vmem>> -> memref<2048xi32, #tpu.memory_space<vmem>>
      %dma_start3A_179 = arith.constant 0 : i32
      %dma_start3A_180 = tpu.memref_slice %arg10[%dma_start3A_171, %dma_start3A_179] : memref<16x2048xi32, #tpu.memory_space<vmem_shared>> -> memref<1x2048xi32, #tpu.memory_space<vmem_shared>>
      %dma_start3A_181 = tpu.memref_squeeze %dma_start3A_180 : memref<1x2048xi32, #tpu.memory_space<vmem_shared>> -> memref<2048xi32, #tpu.memory_space<vmem_shared>>
      tpu.enqueue_dma source(%dma_start3A_181 : memref<2048xi32, #tpu.memory_space<vmem_shared>>) target(%dma_start3A_178 : memref<2048xi32, #tpu.memory_space<vmem>>) target_semaphore(%arg13 : memref<!tpu.dma_semaphore, #tpu.memory_space<semaphore_mem>>)
      %dma_start3A_182 = arith.constant 10 : i32
      %dma_start3A_183 = arith.constant 20480 : i32
      %dma_start3A_184 = tpu.memref_slice %arg7[%dma_start3A_183] : memref<32768xi32, #tpu.memory_space<vmem>> -> memref<2048xi32, #tpu.memory_space<vmem>>
      %dma_start3A_185 = arith.constant 0 : i32
      %dma_start3A_186 = tpu.memref_slice %arg10[%dma_start3A_182, %dma_start3A_185] : memref<16x2048xi32, #tpu.memory_space<vmem_shared>> -> memref<1x2048xi32, #tpu.memory_space<vmem_shared>>
      %dma_start3A_187 = tpu.memref_squeeze %dma_start3A_186 : memref<1x2048xi32, #tpu.memory_space<vmem_shared>> -> memref<2048xi32, #tpu.memory_space<vmem_shared>>
      %dma_start3A_188 = arith.constant 20480 : i32
      %dma_start3A_189 = tpu.memref_slice %arg7[%dma_start3A_188] : memref<32768xi32, #tpu.memory_space<vmem>> -> memref<2048xi32, #tpu.memory_space<vmem>>
      %dma_start3A_190 = arith.constant 0 : i32
      %dma_start3A_191 = tpu.memref_slice %arg10[%dma_start3A_182, %dma_start3A_190] : memref<16x2048xi32, #tpu.memory_space<vmem_shared>> -> memref<1x2048xi32, #tpu.memory_space<vmem_shared>>
      %dma_start3A_192 = tpu.memref_squeeze %dma_start3A_191 : memref<1x2048xi32, #tpu.memory_space<vmem_shared>> -> memref<2048xi32, #tpu.memory_space<vmem_shared>>
      tpu.enqueue_dma source(%dma_start3A_192 : memref<2048xi32, #tpu.memory_space<vmem_shared>>) target(%dma_start3A_189 : memref<2048xi32, #tpu.memory_space<vmem>>) target_semaphore(%arg13 : memref<!tpu.dma_semaphore, #tpu.memory_space<semaphore_mem>>)
      %dma_start3A_193 = arith.constant 11 : i32
      %dma_start3A_194 = arith.constant 22528 : i32
      %dma_start3A_195 = tpu.memref_slice %arg7[%dma_start3A_194] : memref<32768xi32, #tpu.memory_space<vmem>> -> memref<2048xi32, #tpu.memory_space<vmem>>
      %dma_start3A_196 = arith.constant 0 : i32
      %dma_start3A_197 = tpu.memref_slice %arg10[%dma_start3A_193, %dma_start3A_196] : memref<16x2048xi32, #tpu.memory_space<vmem_shared>> -> memref<1x2048xi32, #tpu.memory_space<vmem_shared>>
      %dma_start3A_198 = tpu.memref_squeeze %dma_start3A_197 : memref<1x2048xi32, #tpu.memory_space<vmem_shared>> -> memref<2048xi32, #tpu.memory_space<vmem_shared>>
      %dma_start3A_199 = arith.constant 22528 : i32
      %dma_start3A_200 = tpu.memref_slice %arg7[%dma_start3A_199] : memref<32768xi32, #tpu.memory_space<vmem>> -> memref<2048xi32, #tpu.memory_space<vmem>>
      %dma_start3A_201 = arith.constant 0 : i32
      %dma_start3A_202 = tpu.memref_slice %arg10[%dma_start3A_193, %dma_start3A_201] : memref<16x2048xi32, #tpu.memory_space<vmem_shared>> -> memref<1x2048xi32, #tpu.memory_space<vmem_shared>>
      %dma_start3A_203 = tpu.memref_squeeze %dma_start3A_202 : memref<1x2048xi32, #tpu.memory_space<vmem_shared>> -> memref<2048xi32, #tpu.memory_space<vmem_shared>>
      tpu.enqueue_dma source(%dma_start3A_203 : memref<2048xi32, #tpu.memory_space<vmem_shared>>) target(%dma_start3A_200 : memref<2048xi32, #tpu.memory_space<vmem>>) target_semaphore(%arg13 : memref<!tpu.dma_semaphore, #tpu.memory_space<semaphore_mem>>)
      %dma_start3A_204 = arith.constant 12 : i32
      %dma_start3A_205 = arith.constant 24576 : i32
      %dma_start3A_206 = tpu.memref_slice %arg7[%dma_start3A_205] : memref<32768xi32, #tpu.memory_space<vmem>> -> memref<2048xi32, #tpu.memory_space<vmem>>
      %dma_start3A_207 = arith.constant 0 : i32
      %dma_start3A_208 = tpu.memref_slice %arg10[%dma_start3A_204, %dma_start3A_207] : memref<16x2048xi32, #tpu.memory_space<vmem_shared>> -> memref<1x2048xi32, #tpu.memory_space<vmem_shared>>
      %dma_start3A_209 = tpu.memref_squeeze %dma_start3A_208 : memref<1x2048xi32, #tpu.memory_space<vmem_shared>> -> memref<2048xi32, #tpu.memory_space<vmem_shared>>
      %dma_start3A_210 = arith.constant 24576 : i32
      %dma_start3A_211 = tpu.memref_slice %arg7[%dma_start3A_210] : memref<32768xi32, #tpu.memory_space<vmem>> -> memref<2048xi32, #tpu.memory_space<vmem>>
      %dma_start3A_212 = arith.constant 0 : i32
      %dma_start3A_213 = tpu.memref_slice %arg10[%dma_start3A_204, %dma_start3A_212] : memref<16x2048xi32, #tpu.memory_space<vmem_shared>> -> memref<1x2048xi32, #tpu.memory_space<vmem_shared>>
      %dma_start3A_214 = tpu.memref_squeeze %dma_start3A_213 : memref<1x2048xi32, #tpu.memory_space<vmem_shared>> -> memref<2048xi32, #tpu.memory_space<vmem_shared>>
      tpu.enqueue_dma source(%dma_start3A_214 : memref<2048xi32, #tpu.memory_space<vmem_shared>>) target(%dma_start3A_211 : memref<2048xi32, #tpu.memory_space<vmem>>) target_semaphore(%arg13 : memref<!tpu.dma_semaphore, #tpu.memory_space<semaphore_mem>>)
      %dma_start3A_215 = arith.constant 13 : i32
      %dma_start3A_216 = arith.constant 26624 : i32
      %dma_start3A_217 = tpu.memref_slice %arg7[%dma_start3A_216] : memref<32768xi32, #tpu.memory_space<vmem>> -> memref<2048xi32, #tpu.memory_space<vmem>>
      %dma_start3A_218 = arith.constant 0 : i32
      %dma_start3A_219 = tpu.memref_slice %arg10[%dma_start3A_215, %dma_start3A_218] : memref<16x2048xi32, #tpu.memory_space<vmem_shared>> -> memref<1x2048xi32, #tpu.memory_space<vmem_shared>>
      %dma_start3A_220 = tpu.memref_squeeze %dma_start3A_219 : memref<1x2048xi32, #tpu.memory_space<vmem_shared>> -> memref<2048xi32, #tpu.memory_space<vmem_shared>>
      %dma_start3A_221 = arith.constant 26624 : i32
      %dma_start3A_222 = tpu.memref_slice %arg7[%dma_start3A_221] : memref<32768xi32, #tpu.memory_space<vmem>> -> memref<2048xi32, #tpu.memory_space<vmem>>
      %dma_start3A_223 = arith.constant 0 : i32
      %dma_start3A_224 = tpu.memref_slice %arg10[%dma_start3A_215, %dma_start3A_223] : memref<16x2048xi32, #tpu.memory_space<vmem_shared>> -> memref<1x2048xi32, #tpu.memory_space<vmem_shared>>
      %dma_start3A_225 = tpu.memref_squeeze %dma_start3A_224 : memref<1x2048xi32, #tpu.memory_space<vmem_shared>> -> memref<2048xi32, #tpu.memory_space<vmem_shared>>
      tpu.enqueue_dma source(%dma_start3A_225 : memref<2048xi32, #tpu.memory_space<vmem_shared>>) target(%dma_start3A_222 : memref<2048xi32, #tpu.memory_space<vmem>>) target_semaphore(%arg13 : memref<!tpu.dma_semaphore, #tpu.memory_space<semaphore_mem>>)
      %dma_start3A_226 = arith.constant 14 : i32
      %dma_start3A_227 = arith.constant 28672 : i32
      %dma_start3A_228 = tpu.memref_slice %arg7[%dma_start3A_227] : memref<32768xi32, #tpu.memory_space<vmem>> -> memref<2048xi32, #tpu.memory_space<vmem>>
      %dma_start3A_229 = arith.constant 0 : i32
      %dma_start3A_230 = tpu.memref_slice %arg10[%dma_start3A_226, %dma_start3A_229] : memref<16x2048xi32, #tpu.memory_space<vmem_shared>> -> memref<1x2048xi32, #tpu.memory_space<vmem_shared>>
      %dma_start3A_231 = tpu.memref_squeeze %dma_start3A_230 : memref<1x2048xi32, #tpu.memory_space<vmem_shared>> -> memref<2048xi32, #tpu.memory_space<vmem_shared>>
      %dma_start3A_232 = arith.constant 28672 : i32
      %dma_start3A_233 = tpu.memref_slice %arg7[%dma_start3A_232] : memref<32768xi32, #tpu.memory_space<vmem>> -> memref<2048xi32, #tpu.memory_space<vmem>>
      %dma_start3A_234 = arith.constant 0 : i32
      %dma_start3A_235 = tpu.memref_slice %arg10[%dma_start3A_226, %dma_start3A_234] : memref<16x2048xi32, #tpu.memory_space<vmem_shared>> -> memref<1x2048xi32, #tpu.memory_space<vmem_shared>>
      %dma_start3A_236 = tpu.memref_squeeze %dma_start3A_235 : memref<1x2048xi32, #tpu.memory_space<vmem_shared>> -> memref<2048xi32, #tpu.memory_space<vmem_shared>>
      tpu.enqueue_dma source(%dma_start3A_236 : memref<2048xi32, #tpu.memory_space<vmem_shared>>) target(%dma_start3A_233 : memref<2048xi32, #tpu.memory_space<vmem>>) target_semaphore(%arg13 : memref<!tpu.dma_semaphore, #tpu.memory_space<semaphore_mem>>)
      %dma_start3A_237 = arith.constant 15 : i32
      %dma_start3A_238 = arith.constant 30720 : i32
      %dma_start3A_239 = tpu.memref_slice %arg7[%dma_start3A_238] : memref<32768xi32, #tpu.memory_space<vmem>> -> memref<2048xi32, #tpu.memory_space<vmem>>
      %dma_start3A_240 = arith.constant 0 : i32
      %dma_start3A_241 = tpu.memref_slice %arg10[%dma_start3A_237, %dma_start3A_240] : memref<16x2048xi32, #tpu.memory_space<vmem_shared>> -> memref<1x2048xi32, #tpu.memory_space<vmem_shared>>
      %dma_start3A_242 = tpu.memref_squeeze %dma_start3A_241 : memref<1x2048xi32, #tpu.memory_space<vmem_shared>> -> memref<2048xi32, #tpu.memory_space<vmem_shared>>
      %dma_start3A_243 = arith.constant 30720 : i32
      %dma_start3A_244 = tpu.memref_slice %arg7[%dma_start3A_243] : memref<32768xi32, #tpu.memory_space<vmem>> -> memref<2048xi32, #tpu.memory_space<vmem>>
      %dma_start3A_245 = arith.constant 0 : i32
      %dma_start3A_246 = tpu.memref_slice %arg10[%dma_start3A_237, %dma_start3A_245] : memref<16x2048xi32, #tpu.memory_space<vmem_shared>> -> memref<1x2048xi32, #tpu.memory_space<vmem_shared>>
      %dma_start3A_247 = tpu.memref_squeeze %dma_start3A_246 : memref<1x2048xi32, #tpu.memory_space<vmem_shared>> -> memref<2048xi32, #tpu.memory_space<vmem_shared>>
      tpu.enqueue_dma source(%dma_start3A_247 : memref<2048xi32, #tpu.memory_space<vmem_shared>>) target(%dma_start3A_244 : memref<2048xi32, #tpu.memory_space<vmem>>) target_semaphore(%arg13 : memref<!tpu.dma_semaphore, #tpu.memory_space<semaphore_mem>>)
      %dma_wait3A = arith.constant 0 : i32
      %dma_wait3A_248 = arith.constant 0 : i32
      %dma_wait3A_249 = tpu.memref_slice %arg7[%dma_wait3A_248] : memref<32768xi32, #tpu.memory_space<vmem>> -> memref<2048xi32, #tpu.memory_space<vmem>>
      %dma_wait3A_250 = arith.constant 0 : i32
      %dma_wait3A_251 = tpu.memref_slice %arg10[%dma_wait3A, %dma_wait3A_250] : memref<16x2048xi32, #tpu.memory_space<vmem_shared>> -> memref<1x2048xi32, #tpu.memory_space<vmem_shared>>
      %dma_wait3A_252 = tpu.memref_squeeze %dma_wait3A_251 : memref<1x2048xi32, #tpu.memory_space<vmem_shared>> -> memref<2048xi32, #tpu.memory_space<vmem_shared>>
      %dma_wait3A_253 = arith.constant 0 : i32
      %dma_wait3A_254 = tpu.memref_slice %arg7[%dma_wait3A_253] : memref<32768xi32, #tpu.memory_space<vmem>> -> memref<2048xi32, #tpu.memory_space<vmem>>
      %dma_wait3A_255 = arith.constant 0 : i32
      %dma_wait3A_256 = tpu.memref_slice %arg10[%dma_wait3A, %dma_wait3A_255] : memref<16x2048xi32, #tpu.memory_space<vmem_shared>> -> memref<1x2048xi32, #tpu.memory_space<vmem_shared>>
      %dma_wait3A_257 = tpu.memref_squeeze %dma_wait3A_256 : memref<1x2048xi32, #tpu.memory_space<vmem_shared>> -> memref<2048xi32, #tpu.memory_space<vmem_shared>>
      tpu.wait_dma2 semaphore(%arg13 : memref<!tpu.dma_semaphore, #tpu.memory_space<semaphore_mem>>) src(%dma_wait3A_257 : memref<2048xi32, #tpu.memory_space<vmem_shared>>) dst(%dma_wait3A_254 : memref<2048xi32, #tpu.memory_space<vmem>>)
      %dma_wait3A_258 = arith.constant 1 : i32
      %dma_wait3A_259 = arith.constant 2048 : i32
      %dma_wait3A_260 = tpu.memref_slice %arg7[%dma_wait3A_259] : memref<32768xi32, #tpu.memory_space<vmem>> -> memref<2048xi32, #tpu.memory_space<vmem>>
      %dma_wait3A_261 = arith.constant 0 : i32
      %dma_wait3A_262 = tpu.memref_slice %arg10[%dma_wait3A_258, %dma_wait3A_261] : memref<16x2048xi32, #tpu.memory_space<vmem_shared>> -> memref<1x2048xi32, #tpu.memory_space<vmem_shared>>
      %dma_wait3A_263 = tpu.memref_squeeze %dma_wait3A_262 : memref<1x2048xi32, #tpu.memory_space<vmem_shared>> -> memref<2048xi32, #tpu.memory_space<vmem_shared>>
      %dma_wait3A_264 = arith.constant 2048 : i32
      %dma_wait3A_265 = tpu.memref_slice %arg7[%dma_wait3A_264] : memref<32768xi32, #tpu.memory_space<vmem>> -> memref<2048xi32, #tpu.memory_space<vmem>>
      %dma_wait3A_266 = arith.constant 0 : i32
      %dma_wait3A_267 = tpu.memref_slice %arg10[%dma_wait3A_258, %dma_wait3A_266] : memref<16x2048xi32, #tpu.memory_space<vmem_shared>> -> memref<1x2048xi32, #tpu.memory_space<vmem_shared>>
      %dma_wait3A_268 = tpu.memref_squeeze %dma_wait3A_267 : memref<1x2048xi32, #tpu.memory_space<vmem_shared>> -> memref<2048xi32, #tpu.memory_space<vmem_shared>>
      tpu.wait_dma2 semaphore(%arg13 : memref<!tpu.dma_semaphore, #tpu.memory_space<semaphore_mem>>) src(%dma_wait3A_268 : memref<2048xi32, #tpu.memory_space<vmem_shared>>) dst(%dma_wait3A_265 : memref<2048xi32, #tpu.memory_space<vmem>>)
      %dma_wait3A_269 = arith.constant 2 : i32
      %dma_wait3A_270 = arith.constant 4096 : i32
      %dma_wait3A_271 = tpu.memref_slice %arg7[%dma_wait3A_270] : memref<32768xi32, #tpu.memory_space<vmem>> -> memref<2048xi32, #tpu.memory_space<vmem>>
      %dma_wait3A_272 = arith.constant 0 : i32
      %dma_wait3A_273 = tpu.memref_slice %arg10[%dma_wait3A_269, %dma_wait3A_272] : memref<16x2048xi32, #tpu.memory_space<vmem_shared>> -> memref<1x2048xi32, #tpu.memory_space<vmem_shared>>
      %dma_wait3A_274 = tpu.memref_squeeze %dma_wait3A_273 : memref<1x2048xi32, #tpu.memory_space<vmem_shared>> -> memref<2048xi32, #tpu.memory_space<vmem_shared>>
      %dma_wait3A_275 = arith.constant 4096 : i32
      %dma_wait3A_276 = tpu.memref_slice %arg7[%dma_wait3A_275] : memref<32768xi32, #tpu.memory_space<vmem>> -> memref<2048xi32, #tpu.memory_space<vmem>>
      %dma_wait3A_277 = arith.constant 0 : i32
      %dma_wait3A_278 = tpu.memref_slice %arg10[%dma_wait3A_269, %dma_wait3A_277] : memref<16x2048xi32, #tpu.memory_space<vmem_shared>> -> memref<1x2048xi32, #tpu.memory_space<vmem_shared>>
      %dma_wait3A_279 = tpu.memref_squeeze %dma_wait3A_278 : memref<1x2048xi32, #tpu.memory_space<vmem_shared>> -> memref<2048xi32, #tpu.memory_space<vmem_shared>>
      tpu.wait_dma2 semaphore(%arg13 : memref<!tpu.dma_semaphore, #tpu.memory_space<semaphore_mem>>) src(%dma_wait3A_279 : memref<2048xi32, #tpu.memory_space<vmem_shared>>) dst(%dma_wait3A_276 : memref<2048xi32, #tpu.memory_space<vmem>>)
      %dma_wait3A_280 = arith.constant 3 : i32
      %dma_wait3A_281 = arith.constant 6144 : i32
      %dma_wait3A_282 = tpu.memref_slice %arg7[%dma_wait3A_281] : memref<32768xi32, #tpu.memory_space<vmem>> -> memref<2048xi32, #tpu.memory_space<vmem>>
      %dma_wait3A_283 = arith.constant 0 : i32
      %dma_wait3A_284 = tpu.memref_slice %arg10[%dma_wait3A_280, %dma_wait3A_283] : memref<16x2048xi32, #tpu.memory_space<vmem_shared>> -> memref<1x2048xi32, #tpu.memory_space<vmem_shared>>
      %dma_wait3A_285 = tpu.memref_squeeze %dma_wait3A_284 : memref<1x2048xi32, #tpu.memory_space<vmem_shared>> -> memref<2048xi32, #tpu.memory_space<vmem_shared>>
      %dma_wait3A_286 = arith.constant 6144 : i32
      %dma_wait3A_287 = tpu.memref_slice %arg7[%dma_wait3A_286] : memref<32768xi32, #tpu.memory_space<vmem>> -> memref<2048xi32, #tpu.memory_space<vmem>>
      %dma_wait3A_288 = arith.constant 0 : i32
      %dma_wait3A_289 = tpu.memref_slice %arg10[%dma_wait3A_280, %dma_wait3A_288] : memref<16x2048xi32, #tpu.memory_space<vmem_shared>> -> memref<1x2048xi32, #tpu.memory_space<vmem_shared>>
      %dma_wait3A_290 = tpu.memref_squeeze %dma_wait3A_289 : memref<1x2048xi32, #tpu.memory_space<vmem_shared>> -> memref<2048xi32, #tpu.memory_space<vmem_shared>>
      tpu.wait_dma2 semaphore(%arg13 : memref<!tpu.dma_semaphore, #tpu.memory_space<semaphore_mem>>) src(%dma_wait3A_290 : memref<2048xi32, #tpu.memory_space<vmem_shared>>) dst(%dma_wait3A_287 : memref<2048xi32, #tpu.memory_space<vmem>>)
      %dma_wait3A_291 = arith.constant 4 : i32
      %dma_wait3A_292 = arith.constant 8192 : i32
      %dma_wait3A_293 = tpu.memref_slice %arg7[%dma_wait3A_292] : memref<32768xi32, #tpu.memory_space<vmem>> -> memref<2048xi32, #tpu.memory_space<vmem>>
      %dma_wait3A_294 = arith.constant 0 : i32
      %dma_wait3A_295 = tpu.memref_slice %arg10[%dma_wait3A_291, %dma_wait3A_294] : memref<16x2048xi32, #tpu.memory_space<vmem_shared>> -> memref<1x2048xi32, #tpu.memory_space<vmem_shared>>
      %dma_wait3A_296 = tpu.memref_squeeze %dma_wait3A_295 : memref<1x2048xi32, #tpu.memory_space<vmem_shared>> -> memref<2048xi32, #tpu.memory_space<vmem_shared>>
      %dma_wait3A_297 = arith.constant 8192 : i32
      %dma_wait3A_298 = tpu.memref_slice %arg7[%dma_wait3A_297] : memref<32768xi32, #tpu.memory_space<vmem>> -> memref<2048xi32, #tpu.memory_space<vmem>>
      %dma_wait3A_299 = arith.constant 0 : i32
      %dma_wait3A_300 = tpu.memref_slice %arg10[%dma_wait3A_291, %dma_wait3A_299] : memref<16x2048xi32, #tpu.memory_space<vmem_shared>> -> memref<1x2048xi32, #tpu.memory_space<vmem_shared>>
      %dma_wait3A_301 = tpu.memref_squeeze %dma_wait3A_300 : memref<1x2048xi32, #tpu.memory_space<vmem_shared>> -> memref<2048xi32, #tpu.memory_space<vmem_shared>>
      tpu.wait_dma2 semaphore(%arg13 : memref<!tpu.dma_semaphore, #tpu.memory_space<semaphore_mem>>) src(%dma_wait3A_301 : memref<2048xi32, #tpu.memory_space<vmem_shared>>) dst(%dma_wait3A_298 : memref<2048xi32, #tpu.memory_space<vmem>>)
      %dma_wait3A_302 = arith.constant 5 : i32
      %dma_wait3A_303 = arith.constant 10240 : i32
      %dma_wait3A_304 = tpu.memref_slice %arg7[%dma_wait3A_303] : memref<32768xi32, #tpu.memory_space<vmem>> -> memref<2048xi32, #tpu.memory_space<vmem>>
      %dma_wait3A_305 = arith.constant 0 : i32
      %dma_wait3A_306 = tpu.memref_slice %arg10[%dma_wait3A_302, %dma_wait3A_305] : memref<16x2048xi32, #tpu.memory_space<vmem_shared>> -> memref<1x2048xi32, #tpu.memory_space<vmem_shared>>
      %dma_wait3A_307 = tpu.memref_squeeze %dma_wait3A_306 : memref<1x2048xi32, #tpu.memory_space<vmem_shared>> -> memref<2048xi32, #tpu.memory_space<vmem_shared>>
      %dma_wait3A_308 = arith.constant 10240 : i32
      %dma_wait3A_309 = tpu.memref_slice %arg7[%dma_wait3A_308] : memref<32768xi32, #tpu.memory_space<vmem>> -> memref<2048xi32, #tpu.memory_space<vmem>>
      %dma_wait3A_310 = arith.constant 0 : i32
      %dma_wait3A_311 = tpu.memref_slice %arg10[%dma_wait3A_302, %dma_wait3A_310] : memref<16x2048xi32, #tpu.memory_space<vmem_shared>> -> memref<1x2048xi32, #tpu.memory_space<vmem_shared>>
      %dma_wait3A_312 = tpu.memref_squeeze %dma_wait3A_311 : memref<1x2048xi32, #tpu.memory_space<vmem_shared>> -> memref<2048xi32, #tpu.memory_space<vmem_shared>>
      tpu.wait_dma2 semaphore(%arg13 : memref<!tpu.dma_semaphore, #tpu.memory_space<semaphore_mem>>) src(%dma_wait3A_312 : memref<2048xi32, #tpu.memory_space<vmem_shared>>) dst(%dma_wait3A_309 : memref<2048xi32, #tpu.memory_space<vmem>>)
      %dma_wait3A_313 = arith.constant 6 : i32
      %dma_wait3A_314 = arith.constant 12288 : i32
      %dma_wait3A_315 = tpu.memref_slice %arg7[%dma_wait3A_314] : memref<32768xi32, #tpu.memory_space<vmem>> -> memref<2048xi32, #tpu.memory_space<vmem>>
      %dma_wait3A_316 = arith.constant 0 : i32
      %dma_wait3A_317 = tpu.memref_slice %arg10[%dma_wait3A_313, %dma_wait3A_316] : memref<16x2048xi32, #tpu.memory_space<vmem_shared>> -> memref<1x2048xi32, #tpu.memory_space<vmem_shared>>
      %dma_wait3A_318 = tpu.memref_squeeze %dma_wait3A_317 : memref<1x2048xi32, #tpu.memory_space<vmem_shared>> -> memref<2048xi32, #tpu.memory_space<vmem_shared>>
      %dma_wait3A_319 = arith.constant 12288 : i32
      %dma_wait3A_320 = tpu.memref_slice %arg7[%dma_wait3A_319] : memref<32768xi32, #tpu.memory_space<vmem>> -> memref<2048xi32, #tpu.memory_space<vmem>>
      %dma_wait3A_321 = arith.constant 0 : i32
      %dma_wait3A_322 = tpu.memref_slice %arg10[%dma_wait3A_313, %dma_wait3A_321] : memref<16x2048xi32, #tpu.memory_space<vmem_shared>> -> memref<1x2048xi32, #tpu.memory_space<vmem_shared>>
      %dma_wait3A_323 = tpu.memref_squeeze %dma_wait3A_322 : memref<1x2048xi32, #tpu.memory_space<vmem_shared>> -> memref<2048xi32, #tpu.memory_space<vmem_shared>>
      tpu.wait_dma2 semaphore(%arg13 : memref<!tpu.dma_semaphore, #tpu.memory_space<semaphore_mem>>) src(%dma_wait3A_323 : memref<2048xi32, #tpu.memory_space<vmem_shared>>) dst(%dma_wait3A_320 : memref<2048xi32, #tpu.memory_space<vmem>>)
      %dma_wait3A_324 = arith.constant 7 : i32
      %dma_wait3A_325 = arith.constant 14336 : i32
      %dma_wait3A_326 = tpu.memref_slice %arg7[%dma_wait3A_325] : memref<32768xi32, #tpu.memory_space<vmem>> -> memref<2048xi32, #tpu.memory_space<vmem>>
      %dma_wait3A_327 = arith.constant 0 : i32
      %dma_wait3A_328 = tpu.memref_slice %arg10[%dma_wait3A_324, %dma_wait3A_327] : memref<16x2048xi32, #tpu.memory_space<vmem_shared>> -> memref<1x2048xi32, #tpu.memory_space<vmem_shared>>
      %dma_wait3A_329 = tpu.memref_squeeze %dma_wait3A_328 : memref<1x2048xi32, #tpu.memory_space<vmem_shared>> -> memref<2048xi32, #tpu.memory_space<vmem_shared>>
      %dma_wait3A_330 = arith.constant 14336 : i32
      %dma_wait3A_331 = tpu.memref_slice %arg7[%dma_wait3A_330] : memref<32768xi32, #tpu.memory_space<vmem>> -> memref<2048xi32, #tpu.memory_space<vmem>>
      %dma_wait3A_332 = arith.constant 0 : i32
      %dma_wait3A_333 = tpu.memref_slice %arg10[%dma_wait3A_324, %dma_wait3A_332] : memref<16x2048xi32, #tpu.memory_space<vmem_shared>> -> memref<1x2048xi32, #tpu.memory_space<vmem_shared>>
      %dma_wait3A_334 = tpu.memref_squeeze %dma_wait3A_333 : memref<1x2048xi32, #tpu.memory_space<vmem_shared>> -> memref<2048xi32, #tpu.memory_space<vmem_shared>>
      tpu.wait_dma2 semaphore(%arg13 : memref<!tpu.dma_semaphore, #tpu.memory_space<semaphore_mem>>) src(%dma_wait3A_334 : memref<2048xi32, #tpu.memory_space<vmem_shared>>) dst(%dma_wait3A_331 : memref<2048xi32, #tpu.memory_space<vmem>>)
      %dma_wait3A_335 = arith.constant 8 : i32
      %dma_wait3A_336 = arith.constant 16384 : i32
      %dma_wait3A_337 = tpu.memref_slice %arg7[%dma_wait3A_336] : memref<32768xi32, #tpu.memory_space<vmem>> -> memref<2048xi32, #tpu.memory_space<vmem>>
      %dma_wait3A_338 = arith.constant 0 : i32
      %dma_wait3A_339 = tpu.memref_slice %arg10[%dma_wait3A_335, %dma_wait3A_338] : memref<16x2048xi32, #tpu.memory_space<vmem_shared>> -> memref<1x2048xi32, #tpu.memory_space<vmem_shared>>
      %dma_wait3A_340 = tpu.memref_squeeze %dma_wait3A_339 : memref<1x2048xi32, #tpu.memory_space<vmem_shared>> -> memref<2048xi32, #tpu.memory_space<vmem_shared>>
      %dma_wait3A_341 = arith.constant 16384 : i32
      %dma_wait3A_342 = tpu.memref_slice %arg7[%dma_wait3A_341] : memref<32768xi32, #tpu.memory_space<vmem>> -> memref<2048xi32, #tpu.memory_space<vmem>>
      %dma_wait3A_343 = arith.constant 0 : i32
      %dma_wait3A_344 = tpu.memref_slice %arg10[%dma_wait3A_335, %dma_wait3A_343] : memref<16x2048xi32, #tpu.memory_space<vmem_shared>> -> memref<1x2048xi32, #tpu.memory_space<vmem_shared>>
      %dma_wait3A_345 = tpu.memref_squeeze %dma_wait3A_344 : memref<1x2048xi32, #tpu.memory_space<vmem_shared>> -> memref<2048xi32, #tpu.memory_space<vmem_shared>>
      tpu.wait_dma2 semaphore(%arg13 : memref<!tpu.dma_semaphore, #tpu.memory_space<semaphore_mem>>) src(%dma_wait3A_345 : memref<2048xi32, #tpu.memory_space<vmem_shared>>) dst(%dma_wait3A_342 : memref<2048xi32, #tpu.memory_space<vmem>>)
      %dma_wait3A_346 = arith.constant 9 : i32
      %dma_wait3A_347 = arith.constant 18432 : i32
      %dma_wait3A_348 = tpu.memref_slice %arg7[%dma_wait3A_347] : memref<32768xi32, #tpu.memory_space<vmem>> -> memref<2048xi32, #tpu.memory_space<vmem>>
      %dma_wait3A_349 = arith.constant 0 : i32
      %dma_wait3A_350 = tpu.memref_slice %arg10[%dma_wait3A_346, %dma_wait3A_349] : memref<16x2048xi32, #tpu.memory_space<vmem_shared>> -> memref<1x2048xi32, #tpu.memory_space<vmem_shared>>
      %dma_wait3A_351 = tpu.memref_squeeze %dma_wait3A_350 : memref<1x2048xi32, #tpu.memory_space<vmem_shared>> -> memref<2048xi32, #tpu.memory_space<vmem_shared>>
      %dma_wait3A_352 = arith.constant 18432 : i32
      %dma_wait3A_353 = tpu.memref_slice %arg7[%dma_wait3A_352] : memref<32768xi32, #tpu.memory_space<vmem>> -> memref<2048xi32, #tpu.memory_space<vmem>>
      %dma_wait3A_354 = arith.constant 0 : i32
      %dma_wait3A_355 = tpu.memref_slice %arg10[%dma_wait3A_346, %dma_wait3A_354] : memref<16x2048xi32, #tpu.memory_space<vmem_shared>> -> memref<1x2048xi32, #tpu.memory_space<vmem_shared>>
      %dma_wait3A_356 = tpu.memref_squeeze %dma_wait3A_355 : memref<1x2048xi32, #tpu.memory_space<vmem_shared>> -> memref<2048xi32, #tpu.memory_space<vmem_shared>>
      tpu.wait_dma2 semaphore(%arg13 : memref<!tpu.dma_semaphore, #tpu.memory_space<semaphore_mem>>) src(%dma_wait3A_356 : memref<2048xi32, #tpu.memory_space<vmem_shared>>) dst(%dma_wait3A_353 : memref<2048xi32, #tpu.memory_space<vmem>>)
      %dma_wait3A_357 = arith.constant 10 : i32
      %dma_wait3A_358 = arith.constant 20480 : i32
      %dma_wait3A_359 = tpu.memref_slice %arg7[%dma_wait3A_358] : memref<32768xi32, #tpu.memory_space<vmem>> -> memref<2048xi32, #tpu.memory_space<vmem>>
      %dma_wait3A_360 = arith.constant 0 : i32
      %dma_wait3A_361 = tpu.memref_slice %arg10[%dma_wait3A_357, %dma_wait3A_360] : memref<16x2048xi32, #tpu.memory_space<vmem_shared>> -> memref<1x2048xi32, #tpu.memory_space<vmem_shared>>
      %dma_wait3A_362 = tpu.memref_squeeze %dma_wait3A_361 : memref<1x2048xi32, #tpu.memory_space<vmem_shared>> -> memref<2048xi32, #tpu.memory_space<vmem_shared>>
      %dma_wait3A_363 = arith.constant 20480 : i32
      %dma_wait3A_364 = tpu.memref_slice %arg7[%dma_wait3A_363] : memref<32768xi32, #tpu.memory_space<vmem>> -> memref<2048xi32, #tpu.memory_space<vmem>>
      %dma_wait3A_365 = arith.constant 0 : i32
      %dma_wait3A_366 = tpu.memref_slice %arg10[%dma_wait3A_357, %dma_wait3A_365] : memref<16x2048xi32, #tpu.memory_space<vmem_shared>> -> memref<1x2048xi32, #tpu.memory_space<vmem_shared>>
      %dma_wait3A_367 = tpu.memref_squeeze %dma_wait3A_366 : memref<1x2048xi32, #tpu.memory_space<vmem_shared>> -> memref<2048xi32, #tpu.memory_space<vmem_shared>>
      tpu.wait_dma2 semaphore(%arg13 : memref<!tpu.dma_semaphore, #tpu.memory_space<semaphore_mem>>) src(%dma_wait3A_367 : memref<2048xi32, #tpu.memory_space<vmem_shared>>) dst(%dma_wait3A_364 : memref<2048xi32, #tpu.memory_space<vmem>>)
      %dma_wait3A_368 = arith.constant 11 : i32
      %dma_wait3A_369 = arith.constant 22528 : i32
      %dma_wait3A_370 = tpu.memref_slice %arg7[%dma_wait3A_369] : memref<32768xi32, #tpu.memory_space<vmem>> -> memref<2048xi32, #tpu.memory_space<vmem>>
      %dma_wait3A_371 = arith.constant 0 : i32
      %dma_wait3A_372 = tpu.memref_slice %arg10[%dma_wait3A_368, %dma_wait3A_371] : memref<16x2048xi32, #tpu.memory_space<vmem_shared>> -> memref<1x2048xi32, #tpu.memory_space<vmem_shared>>
      %dma_wait3A_373 = tpu.memref_squeeze %dma_wait3A_372 : memref<1x2048xi32, #tpu.memory_space<vmem_shared>> -> memref<2048xi32, #tpu.memory_space<vmem_shared>>
      %dma_wait3A_374 = arith.constant 22528 : i32
      %dma_wait3A_375 = tpu.memref_slice %arg7[%dma_wait3A_374] : memref<32768xi32, #tpu.memory_space<vmem>> -> memref<2048xi32, #tpu.memory_space<vmem>>
      %dma_wait3A_376 = arith.constant 0 : i32
      %dma_wait3A_377 = tpu.memref_slice %arg10[%dma_wait3A_368, %dma_wait3A_376] : memref<16x2048xi32, #tpu.memory_space<vmem_shared>> -> memref<1x2048xi32, #tpu.memory_space<vmem_shared>>
      %dma_wait3A_378 = tpu.memref_squeeze %dma_wait3A_377 : memref<1x2048xi32, #tpu.memory_space<vmem_shared>> -> memref<2048xi32, #tpu.memory_space<vmem_shared>>
      tpu.wait_dma2 semaphore(%arg13 : memref<!tpu.dma_semaphore, #tpu.memory_space<semaphore_mem>>) src(%dma_wait3A_378 : memref<2048xi32, #tpu.memory_space<vmem_shared>>) dst(%dma_wait3A_375 : memref<2048xi32, #tpu.memory_space<vmem>>)
      %dma_wait3A_379 = arith.constant 12 : i32
      %dma_wait3A_380 = arith.constant 24576 : i32
      %dma_wait3A_381 = tpu.memref_slice %arg7[%dma_wait3A_380] : memref<32768xi32, #tpu.memory_space<vmem>> -> memref<2048xi32, #tpu.memory_space<vmem>>
      %dma_wait3A_382 = arith.constant 0 : i32
      %dma_wait3A_383 = tpu.memref_slice %arg10[%dma_wait3A_379, %dma_wait3A_382] : memref<16x2048xi32, #tpu.memory_space<vmem_shared>> -> memref<1x2048xi32, #tpu.memory_space<vmem_shared>>
      %dma_wait3A_384 = tpu.memref_squeeze %dma_wait3A_383 : memref<1x2048xi32, #tpu.memory_space<vmem_shared>> -> memref<2048xi32, #tpu.memory_space<vmem_shared>>
      %dma_wait3A_385 = arith.constant 24576 : i32
      %dma_wait3A_386 = tpu.memref_slice %arg7[%dma_wait3A_385] : memref<32768xi32, #tpu.memory_space<vmem>> -> memref<2048xi32, #tpu.memory_space<vmem>>
      %dma_wait3A_387 = arith.constant 0 : i32
      %dma_wait3A_388 = tpu.memref_slice %arg10[%dma_wait3A_379, %dma_wait3A_387] : memref<16x2048xi32, #tpu.memory_space<vmem_shared>> -> memref<1x2048xi32, #tpu.memory_space<vmem_shared>>
      %dma_wait3A_389 = tpu.memref_squeeze %dma_wait3A_388 : memref<1x2048xi32, #tpu.memory_space<vmem_shared>> -> memref<2048xi32, #tpu.memory_space<vmem_shared>>
      tpu.wait_dma2 semaphore(%arg13 : memref<!tpu.dma_semaphore, #tpu.memory_space<semaphore_mem>>) src(%dma_wait3A_389 : memref<2048xi32, #tpu.memory_space<vmem_shared>>) dst(%dma_wait3A_386 : memref<2048xi32, #tpu.memory_space<vmem>>)
      %dma_wait3A_390 = arith.constant 13 : i32
      %dma_wait3A_391 = arith.constant 26624 : i32
      %dma_wait3A_392 = tpu.memref_slice %arg7[%dma_wait3A_391] : memref<32768xi32, #tpu.memory_space<vmem>> -> memref<2048xi32, #tpu.memory_space<vmem>>
      %dma_wait3A_393 = arith.constant 0 : i32
      %dma_wait3A_394 = tpu.memref_slice %arg10[%dma_wait3A_390, %dma_wait3A_393] : memref<16x2048xi32, #tpu.memory_space<vmem_shared>> -> memref<1x2048xi32, #tpu.memory_space<vmem_shared>>
      %dma_wait3A_395 = tpu.memref_squeeze %dma_wait3A_394 : memref<1x2048xi32, #tpu.memory_space<vmem_shared>> -> memref<2048xi32, #tpu.memory_space<vmem_shared>>
      %dma_wait3A_396 = arith.constant 26624 : i32
      %dma_wait3A_397 = tpu.memref_slice %arg7[%dma_wait3A_396] : memref<32768xi32, #tpu.memory_space<vmem>> -> memref<2048xi32, #tpu.memory_space<vmem>>
      %dma_wait3A_398 = arith.constant 0 : i32
      %dma_wait3A_399 = tpu.memref_slice %arg10[%dma_wait3A_390, %dma_wait3A_398] : memref<16x2048xi32, #tpu.memory_space<vmem_shared>> -> memref<1x2048xi32, #tpu.memory_space<vmem_shared>>
      %dma_wait3A_400 = tpu.memref_squeeze %dma_wait3A_399 : memref<1x2048xi32, #tpu.memory_space<vmem_shared>> -> memref<2048xi32, #tpu.memory_space<vmem_shared>>
      tpu.wait_dma2 semaphore(%arg13 : memref<!tpu.dma_semaphore, #tpu.memory_space<semaphore_mem>>) src(%dma_wait3A_400 : memref<2048xi32, #tpu.memory_space<vmem_shared>>) dst(%dma_wait3A_397 : memref<2048xi32, #tpu.memory_space<vmem>>)
      %dma_wait3A_401 = arith.constant 14 : i32
      %dma_wait3A_402 = arith.constant 28672 : i32
      %dma_wait3A_403 = tpu.memref_slice %arg7[%dma_wait3A_402] : memref<32768xi32, #tpu.memory_space<vmem>> -> memref<2048xi32, #tpu.memory_space<vmem>>
      %dma_wait3A_404 = arith.constant 0 : i32
      %dma_wait3A_405 = tpu.memref_slice %arg10[%dma_wait3A_401, %dma_wait3A_404] : memref<16x2048xi32, #tpu.memory_space<vmem_shared>> -> memref<1x2048xi32, #tpu.memory_space<vmem_shared>>
      %dma_wait3A_406 = tpu.memref_squeeze %dma_wait3A_405 : memref<1x2048xi32, #tpu.memory_space<vmem_shared>> -> memref<2048xi32, #tpu.memory_space<vmem_shared>>
      %dma_wait3A_407 = arith.constant 28672 : i32
      %dma_wait3A_408 = tpu.memref_slice %arg7[%dma_wait3A_407] : memref<32768xi32, #tpu.memory_space<vmem>> -> memref<2048xi32, #tpu.memory_space<vmem>>
      %dma_wait3A_409 = arith.constant 0 : i32
      %dma_wait3A_410 = tpu.memref_slice %arg10[%dma_wait3A_401, %dma_wait3A_409] : memref<16x2048xi32, #tpu.memory_space<vmem_shared>> -> memref<1x2048xi32, #tpu.memory_space<vmem_shared>>
      %dma_wait3A_411 = tpu.memref_squeeze %dma_wait3A_410 : memref<1x2048xi32, #tpu.memory_space<vmem_shared>> -> memref<2048xi32, #tpu.memory_space<vmem_shared>>
      tpu.wait_dma2 semaphore(%arg13 : memref<!tpu.dma_semaphore, #tpu.memory_space<semaphore_mem>>) src(%dma_wait3A_411 : memref<2048xi32, #tpu.memory_space<vmem_shared>>) dst(%dma_wait3A_408 : memref<2048xi32, #tpu.memory_space<vmem>>)
      %dma_wait3A_412 = arith.constant 15 : i32
      %dma_wait3A_413 = arith.constant 30720 : i32
      %dma_wait3A_414 = tpu.memref_slice %arg7[%dma_wait3A_413] : memref<32768xi32, #tpu.memory_space<vmem>> -> memref<2048xi32, #tpu.memory_space<vmem>>
      %dma_wait3A_415 = arith.constant 0 : i32
      %dma_wait3A_416 = tpu.memref_slice %arg10[%dma_wait3A_412, %dma_wait3A_415] : memref<16x2048xi32, #tpu.memory_space<vmem_shared>> -> memref<1x2048xi32, #tpu.memory_space<vmem_shared>>
      %dma_wait3A_417 = tpu.memref_squeeze %dma_wait3A_416 : memref<1x2048xi32, #tpu.memory_space<vmem_shared>> -> memref<2048xi32, #tpu.memory_space<vmem_shared>>
      %dma_wait3A_418 = arith.constant 30720 : i32
      %dma_wait3A_419 = tpu.memref_slice %arg7[%dma_wait3A_418] : memref<32768xi32, #tpu.memory_space<vmem>> -> memref<2048xi32, #tpu.memory_space<vmem>>
      %dma_wait3A_420 = arith.constant 0 : i32
      %dma_wait3A_421 = tpu.memref_slice %arg10[%dma_wait3A_412, %dma_wait3A_420] : memref<16x2048xi32, #tpu.memory_space<vmem_shared>> -> memref<1x2048xi32, #tpu.memory_space<vmem_shared>>
      %dma_wait3A_422 = tpu.memref_squeeze %dma_wait3A_421 : memref<1x2048xi32, #tpu.memory_space<vmem_shared>> -> memref<2048xi32, #tpu.memory_space<vmem_shared>>
      tpu.wait_dma2 semaphore(%arg13 : memref<!tpu.dma_semaphore, #tpu.memory_space<semaphore_mem>>) src(%dma_wait3A_422 : memref<2048xi32, #tpu.memory_space<vmem_shared>>) dst(%dma_wait3A_419 : memref<2048xi32, #tpu.memory_space<vmem>>)
      %parallel_loop3A_423 = arith.constant 0 : i32
      %parallel_loop3A_424 = arith.constant 32 : i32
      %parallel_loop3A_425 = arith.constant 1 : i32
      %parallel_loop3A_426 = arith.constant 0 : i32
      %parallel_loop3A_427 = arith.constant 0 : i32
      %parallel_loop3A_428 = arith.constant 0 : i32
      %parallel_loop3A_429:3 = scf.for %parallel_loop3A_442 = %parallel_loop3A_423 to %parallel_loop3A_424 step %parallel_loop3A_425 iter_args(%parallel_loop3A_443 = %parallel_loop3A_426, %parallel_loop3A_444 = %parallel_loop3A_427, %parallel_loop3A_445 = %parallel_loop3A_428) -> (i32, i32, i32)  : i32 {
        %parallel_loop3A_446 = arith.constant 16 : i32
        %parallel_loop3A_447 = arith.muli %parallel_loop3A_446, %parallel_loop3A_442 : i32
        %parallel_loop3A_448 = arith.index_cast %parallel_loop3A_447 : i32 to index
        %parallel_loop3A_449 = tpu.vector_load %arg7[%parallel_loop3A_448] {strides = array<i32>} : memref<32768xi32, #tpu.memory_space<vmem>>, vector<16xi32>,
        %parallel_loop3A_450 = arith.constant 16 : i32
        %parallel_loop3A_451 = arith.muli %parallel_loop3A_450, %parallel_loop3A_442 : i32
        %parallel_loop3A_452 = arith.constant 2048 : i32
        %parallel_loop3A_453 = arith.addi %parallel_loop3A_452, %parallel_loop3A_451 : i32
        %parallel_loop3A_454 = arith.index_cast %parallel_loop3A_453 : i32 to index
        %parallel_loop3A_455 = tpu.vector_load %arg7[%parallel_loop3A_454] {strides = array<i32>} : memref<32768xi32, #tpu.memory_space<vmem>>, vector<16xi32>,
        %parallel_loop3A_456 = arith.addi %parallel_loop3A_449, %parallel_loop3A_455 : vector<16xi32>
        %parallel_loop3A_457 = arith.constant 16 : i32
        %parallel_loop3A_458 = arith.muli %parallel_loop3A_457, %parallel_loop3A_442 : i32
        %parallel_loop3A_459 = arith.constant 4096 : i32
        %parallel_loop3A_460 = arith.addi %parallel_loop3A_459, %parallel_loop3A_458 : i32
        %parallel_loop3A_461 = arith.index_cast %parallel_loop3A_460 : i32 to index
        %parallel_loop3A_462 = tpu.vector_load %arg7[%parallel_loop3A_461] {strides = array<i32>} : memref<32768xi32, #tpu.memory_space<vmem>>, vector<16xi32>,
        %parallel_loop3A_463 = arith.addi %parallel_loop3A_456, %parallel_loop3A_462 : vector<16xi32>
        %parallel_loop3A_464 = arith.constant 16 : i32
        %parallel_loop3A_465 = arith.muli %parallel_loop3A_464, %parallel_loop3A_442 : i32
        %parallel_loop3A_466 = arith.constant 6144 : i32
        %parallel_loop3A_467 = arith.addi %parallel_loop3A_466, %parallel_loop3A_465 : i32
        %parallel_loop3A_468 = arith.index_cast %parallel_loop3A_467 : i32 to index
        %parallel_loop3A_469 = tpu.vector_load %arg7[%parallel_loop3A_468] {strides = array<i32>} : memref<32768xi32, #tpu.memory_space<vmem>>, vector<16xi32>,
        %parallel_loop3A_470 = arith.addi %parallel_loop3A_463, %parallel_loop3A_469 : vector<16xi32>
        %parallel_loop3A_471 = arith.constant 16 : i32
        %parallel_loop3A_472 = arith.muli %parallel_loop3A_471, %parallel_loop3A_442 : i32
        %parallel_loop3A_473 = arith.constant 8192 : i32
        %parallel_loop3A_474 = arith.addi %parallel_loop3A_473, %parallel_loop3A_472 : i32
        %parallel_loop3A_475 = arith.index_cast %parallel_loop3A_474 : i32 to index
        %parallel_loop3A_476 = tpu.vector_load %arg7[%parallel_loop3A_475] {strides = array<i32>} : memref<32768xi32, #tpu.memory_space<vmem>>, vector<16xi32>,
        %parallel_loop3A_477 = arith.addi %parallel_loop3A_470, %parallel_loop3A_476 : vector<16xi32>
        %parallel_loop3A_478 = arith.constant 16 : i32
        %parallel_loop3A_479 = arith.muli %parallel_loop3A_478, %parallel_loop3A_442 : i32
        %parallel_loop3A_480 = arith.constant 10240 : i32
        %parallel_loop3A_481 = arith.addi %parallel_loop3A_480, %parallel_loop3A_479 : i32
        %parallel_loop3A_482 = arith.index_cast %parallel_loop3A_481 : i32 to index
        %parallel_loop3A_483 = tpu.vector_load %arg7[%parallel_loop3A_482] {strides = array<i32>} : memref<32768xi32, #tpu.memory_space<vmem>>, vector<16xi32>,
        %parallel_loop3A_484 = arith.addi %parallel_loop3A_477, %parallel_loop3A_483 : vector<16xi32>
        %parallel_loop3A_485 = arith.constant 16 : i32
        %parallel_loop3A_486 = arith.muli %parallel_loop3A_485, %parallel_loop3A_442 : i32
        %parallel_loop3A_487 = arith.constant 12288 : i32
        %parallel_loop3A_488 = arith.addi %parallel_loop3A_487, %parallel_loop3A_486 : i32
        %parallel_loop3A_489 = arith.index_cast %parallel_loop3A_488 : i32 to index
        %parallel_loop3A_490 = tpu.vector_load %arg7[%parallel_loop3A_489] {strides = array<i32>} : memref<32768xi32, #tpu.memory_space<vmem>>, vector<16xi32>,
        %parallel_loop3A_491 = arith.addi %parallel_loop3A_484, %parallel_loop3A_490 : vector<16xi32>
        %parallel_loop3A_492 = arith.constant 16 : i32
        %parallel_loop3A_493 = arith.muli %parallel_loop3A_492, %parallel_loop3A_442 : i32
        %parallel_loop3A_494 = arith.constant 14336 : i32
        %parallel_loop3A_495 = arith.addi %parallel_loop3A_494, %parallel_loop3A_493 : i32
        %parallel_loop3A_496 = arith.index_cast %parallel_loop3A_495 : i32 to index
        %parallel_loop3A_497 = tpu.vector_load %arg7[%parallel_loop3A_496] {strides = array<i32>} : memref<32768xi32, #tpu.memory_space<vmem>>, vector<16xi32>,
        %parallel_loop3A_498 = arith.addi %parallel_loop3A_491, %parallel_loop3A_497 : vector<16xi32>
        %parallel_loop3A_499 = arith.constant 16 : i32
        %parallel_loop3A_500 = arith.muli %parallel_loop3A_499, %parallel_loop3A_442 : i32
        %parallel_loop3A_501 = arith.constant 16384 : i32
        %parallel_loop3A_502 = arith.addi %parallel_loop3A_501, %parallel_loop3A_500 : i32
        %parallel_loop3A_503 = arith.index_cast %parallel_loop3A_502 : i32 to index
        %parallel_loop3A_504 = tpu.vector_load %arg7[%parallel_loop3A_503] {strides = array<i32>} : memref<32768xi32, #tpu.memory_space<vmem>>, vector<16xi32>,
        %parallel_loop3A_505 = arith.addi %parallel_loop3A_498, %parallel_loop3A_504 : vector<16xi32>
        %parallel_loop3A_506 = arith.constant 16 : i32
        %parallel_loop3A_507 = arith.muli %parallel_loop3A_506, %parallel_loop3A_442 : i32
        %parallel_loop3A_508 = arith.constant 18432 : i32
        %parallel_loop3A_509 = arith.addi %parallel_loop3A_508, %parallel_loop3A_507 : i32
        %parallel_loop3A_510 = arith.index_cast %parallel_loop3A_509 : i32 to index
        %parallel_loop3A_511 = tpu.vector_load %arg7[%parallel_loop3A_510] {strides = array<i32>} : memref<32768xi32, #tpu.memory_space<vmem>>, vector<16xi32>,
        %parallel_loop3A_512 = arith.addi %parallel_loop3A_505, %parallel_loop3A_511 : vector<16xi32>
        %parallel_loop3A_513 = arith.constant 16 : i32
        %parallel_loop3A_514 = arith.muli %parallel_loop3A_513, %parallel_loop3A_442 : i32
        %parallel_loop3A_515 = arith.constant 20480 : i32
        %parallel_loop3A_516 = arith.addi %parallel_loop3A_515, %parallel_loop3A_514 : i32
        %parallel_loop3A_517 = arith.index_cast %parallel_loop3A_516 : i32 to index
        %parallel_loop3A_518 = tpu.vector_load %arg7[%parallel_loop3A_517] {strides = array<i32>} : memref<32768xi32, #tpu.memory_space<vmem>>, vector<16xi32>,
        %parallel_loop3A_519 = arith.addi %parallel_loop3A_512, %parallel_loop3A_518 : vector<16xi32>
        %parallel_loop3A_520 = arith.constant 16 : i32
        %parallel_loop3A_521 = arith.muli %parallel_loop3A_520, %parallel_loop3A_442 : i32
        %parallel_loop3A_522 = arith.constant 22528 : i32
        %parallel_loop3A_523 = arith.addi %parallel_loop3A_522, %parallel_loop3A_521 : i32
        %parallel_loop3A_524 = arith.index_cast %parallel_loop3A_523 : i32 to index
        %parallel_loop3A_525 = tpu.vector_load %arg7[%parallel_loop3A_524] {strides = array<i32>} : memref<32768xi32, #tpu.memory_space<vmem>>, vector<16xi32>,
        %parallel_loop3A_526 = arith.addi %parallel_loop3A_519, %parallel_loop3A_525 : vector<16xi32>
        %parallel_loop3A_527 = arith.constant 16 : i32
        %parallel_loop3A_528 = arith.muli %parallel_loop3A_527, %parallel_loop3A_442 : i32
        %parallel_loop3A_529 = arith.constant 24576 : i32
        %parallel_loop3A_530 = arith.addi %parallel_loop3A_529, %parallel_loop3A_528 : i32
        %parallel_loop3A_531 = arith.index_cast %parallel_loop3A_530 : i32 to index
        %parallel_loop3A_532 = tpu.vector_load %arg7[%parallel_loop3A_531] {strides = array<i32>} : memref<32768xi32, #tpu.memory_space<vmem>>, vector<16xi32>,
        %parallel_loop3A_533 = arith.addi %parallel_loop3A_526, %parallel_loop3A_532 : vector<16xi32>
        %parallel_loop3A_534 = arith.constant 16 : i32
        %parallel_loop3A_535 = arith.muli %parallel_loop3A_534, %parallel_loop3A_442 : i32
        %parallel_loop3A_536 = arith.constant 26624 : i32
        %parallel_loop3A_537 = arith.addi %parallel_loop3A_536, %parallel_loop3A_535 : i32
        %parallel_loop3A_538 = arith.index_cast %parallel_loop3A_537 : i32 to index
        %parallel_loop3A_539 = tpu.vector_load %arg7[%parallel_loop3A_538] {strides = array<i32>} : memref<32768xi32, #tpu.memory_space<vmem>>, vector<16xi32>,
        %parallel_loop3A_540 = arith.addi %parallel_loop3A_533, %parallel_loop3A_539 : vector<16xi32>
        %parallel_loop3A_541 = arith.constant 16 : i32
        %parallel_loop3A_542 = arith.muli %parallel_loop3A_541, %parallel_loop3A_442 : i32
        %parallel_loop3A_543 = arith.constant 28672 : i32
        %parallel_loop3A_544 = arith.addi %parallel_loop3A_543, %parallel_loop3A_542 : i32
        %parallel_loop3A_545 = arith.index_cast %parallel_loop3A_544 : i32 to index
        %parallel_loop3A_546 = tpu.vector_load %arg7[%parallel_loop3A_545] {strides = array<i32>} : memref<32768xi32, #tpu.memory_space<vmem>>, vector<16xi32>,
        %parallel_loop3A_547 = arith.addi %parallel_loop3A_540, %parallel_loop3A_546 : vector<16xi32>
        %parallel_loop3A_548 = arith.constant 16 : i32
        %parallel_loop3A_549 = arith.muli %parallel_loop3A_548, %parallel_loop3A_442 : i32
        %parallel_loop3A_550 = arith.constant 30720 : i32
        %parallel_loop3A_551 = arith.addi %parallel_loop3A_550, %parallel_loop3A_549 : i32
        %parallel_loop3A_552 = arith.index_cast %parallel_loop3A_551 : i32 to index
        %parallel_loop3A_553 = tpu.vector_load %arg7[%parallel_loop3A_552] {strides = array<i32>} : memref<32768xi32, #tpu.memory_space<vmem>>, vector<16xi32>,
        %parallel_loop3A_554 = arith.addi %parallel_loop3A_547, %parallel_loop3A_553 : vector<16xi32>
        %parallel_loop3A_555 = arith.constant true
        %parallel_loop3A_556 = vector.broadcast %parallel_loop3A_555 : i1 to vector<16xi1>
        %parallel_loop3A_557 = tpu.scan <sum>, %parallel_loop3A_554 masked %parallel_loop3A_556 : vector<16xi32>, vector<16xi1> -> vector<16xi32>
        %parallel_loop3A_558 = vector.broadcast %parallel_loop3A_443 : i32 to vector<16xi32>
        %parallel_loop3A_559 = arith.addi %parallel_loop3A_557, %parallel_loop3A_558 : vector<16xi32>
        %parallel_loop3A_560 = arith.cmpi sle, %parallel_loop3A_559, %sub3A_43 : vector<16xi32>
        %parallel_loop3A_561 = arith.extui %parallel_loop3A_560 : vector<16xi1> to vector<16xi32>
        %parallel_loop3A_562 = arith.constant true
        %parallel_loop3A_563 = vector.broadcast %parallel_loop3A_562 : i1 to vector<16xi1>
        %parallel_loop3A_564 = tpu.scan <sum>, %parallel_loop3A_561 masked %parallel_loop3A_563 : vector<16xi32>, vector<16xi1> -> vector<16xi32>
        %parallel_loop3A_565 = vector.extract %parallel_loop3A_564[15] : i32 from vector<16xi32>
        %parallel_loop3A_566 = arith.constant 0 : i32
        %parallel_loop3A_567 = vector.broadcast %parallel_loop3A_566 : i32 to vector<16xi32>
        %parallel_loop3A_568 = arith.select %parallel_loop3A_560, %parallel_loop3A_554, %parallel_loop3A_567 : vector<16xi1>, vector<16xi32>
        %parallel_loop3A_569 = arith.constant true
        %parallel_loop3A_570 = vector.broadcast %parallel_loop3A_569 : i1 to vector<16xi1>
        %parallel_loop3A_571 = tpu.scan <sum>, %parallel_loop3A_568 masked %parallel_loop3A_570 : vector<16xi32>, vector<16xi1> -> vector<16xi32>
        %parallel_loop3A_572 = vector.extract %parallel_loop3A_571[15] : i32 from vector<16xi32>
        %parallel_loop3A_573 = arith.constant true
        %parallel_loop3A_574 = vector.broadcast %parallel_loop3A_573 : i1 to vector<16xi1>
        %parallel_loop3A_575 = tpu.scan <sum>, %parallel_loop3A_554 masked %parallel_loop3A_574 : vector<16xi32>, vector<16xi1> -> vector<16xi32>
        %parallel_loop3A_576 = vector.extract %parallel_loop3A_575[15] : i32 from vector<16xi32>
        %parallel_loop3A_577 = arith.addi %parallel_loop3A_443, %parallel_loop3A_576 : i32
        %parallel_loop3A_578 = arith.addi %parallel_loop3A_444, %parallel_loop3A_565 : i32
        %parallel_loop3A_579 = arith.addi %parallel_loop3A_445, %parallel_loop3A_572 : i32
        scf.yield %parallel_loop3A_577, %parallel_loop3A_578, %parallel_loop3A_579 : i32, i32, i32
      } {sc.loop_unroll_factor = 4 : i64, sc.parallel_access}
      %broadcast_in_dim3A_430 = arith.constant 0 : i32
      %broadcast_in_dim3A_431 = vector.broadcast %broadcast_in_dim3A_430 : i32 to vector<16xi32>
      %add3A_432 = vector.broadcast %parallel_loop3A_429#1 : i32 to vector<16xi32>
      %add3A_433 = arith.addi %broadcast_in_dim3A_431, %add3A_432 : vector<16xi32>
      %swap3A_434 = arith.constant 0 : index
      %swap3A_435 = tpu.vector_load %arg8[%swap3A_434] {strides = array<i32>} : memref<16xi32, #tpu.memory_space<vmem>>, vector<16xi32>,
      tpu.vector_store %arg8[%swap3A_434], %add3A_433 {strides = array<i32>} : memref<16xi32, #tpu.memory_space<vmem>>, vector<16xi32>,
      %broadcast_in_dim3A_436 = arith.constant 0 : i32
      %broadcast_in_dim3A_437 = vector.broadcast %broadcast_in_dim3A_436 : i32 to vector<16xi32>
      %add3A_438 = vector.broadcast %parallel_loop3A_429#2 : i32 to vector<16xi32>
      %add3A_439 = arith.addi %broadcast_in_dim3A_437, %add3A_438 : vector<16xi32>
      %swap3A_440 = arith.constant 0 : index
      %swap3A_441 = tpu.vector_load %arg9[%swap3A_440] {strides = array<i32>} : memref<16xi32, #tpu.memory_space<vmem>>, vector<16xi32>,
      tpu.vector_store %arg9[%swap3A_440], %add3A_439 {strides = array<i32>} : memref<16xi32, #tpu.memory_space<vmem>>, vector<16xi32>,
      "tpu.region"() ({
        %run_scoped3A = tpu.sem_alloc : memref<!tpu.dma_semaphore, #tpu.memory_space<semaphore_mem>>
        tpu.enqueue_dma source(%arg8 : memref<16xi32, #tpu.memory_space<vmem>>) target(%arg11 : memref<16xi32, #tpu.memory_space<vmem_shared>>) target_semaphore(%run_scoped3A : memref<!tpu.dma_semaphore, #tpu.memory_space<semaphore_mem>>)
        tpu.wait_dma2 semaphore(%run_scoped3A : memref<!tpu.dma_semaphore, #tpu.memory_space<semaphore_mem>>) src(%arg8 : memref<16xi32, #tpu.memory_space<vmem>>) dst(%arg11 : memref<16xi32, #tpu.memory_space<vmem_shared>>)
        tpu.yield
      }) : () -> ()
      "tpu.region"() ({
        %run_scoped3A = tpu.sem_alloc : memref<!tpu.dma_semaphore, #tpu.memory_space<semaphore_mem>>
        tpu.enqueue_dma source(%arg9 : memref<16xi32, #tpu.memory_space<vmem>>) target(%arg12 : memref<16xi32, #tpu.memory_space<vmem_shared>>) target_semaphore(%run_scoped3A : memref<!tpu.dma_semaphore, #tpu.memory_space<semaphore_mem>>)
        tpu.wait_dma2 semaphore(%run_scoped3A : memref<!tpu.dma_semaphore, #tpu.memory_space<semaphore_mem>>) src(%arg9 : memref<16xi32, #tpu.memory_space<vmem>>) dst(%arg12 : memref<16xi32, #tpu.memory_space<vmem_shared>>)
        tpu.yield
      }) : () -> ()
    } else {
    }
    %barrier3A_59 = arith.constant 0 : index
    tpu.barrier barrier_id(%barrier3A_59)
    "tpu.region"() ({
      %run_scoped3A = tpu.sem_alloc : memref<!tpu.dma_semaphore, #tpu.memory_space<semaphore_mem>>
      tpu.enqueue_dma source(%arg11 : memref<16xi32, #tpu.memory_space<vmem_shared>>) target(%arg8 : memref<16xi32, #tpu.memory_space<vmem>>) target_semaphore(%run_scoped3A : memref<!tpu.dma_semaphore, #tpu.memory_space<semaphore_mem>>)
      tpu.wait_dma2 semaphore(%run_scoped3A : memref<!tpu.dma_semaphore, #tpu.memory_space<semaphore_mem>>) src(%arg11 : memref<16xi32, #tpu.memory_space<vmem_shared>>) dst(%arg8 : memref<16xi32, #tpu.memory_space<vmem>>)
      tpu.yield
    }) : () -> ()
    "tpu.region"() ({
      %run_scoped3A = tpu.sem_alloc : memref<!tpu.dma_semaphore, #tpu.memory_space<semaphore_mem>>
      tpu.enqueue_dma source(%arg12 : memref<16xi32, #tpu.memory_space<vmem_shared>>) target(%arg9 : memref<16xi32, #tpu.memory_space<vmem>>) target_semaphore(%run_scoped3A : memref<!tpu.dma_semaphore, #tpu.memory_space<semaphore_mem>>)
      tpu.wait_dma2 semaphore(%run_scoped3A : memref<!tpu.dma_semaphore, #tpu.memory_space<semaphore_mem>>) src(%arg12 : memref<16xi32, #tpu.memory_space<vmem_shared>>) dst(%arg9 : memref<16xi32, #tpu.memory_space<vmem>>)
      tpu.yield
    }) : () -> ()
    %get3A_60 = arith.constant 0 : index
    %get3A_61 = tpu.vector_load %arg8[%get3A_60] {strides = array<i32>} : memref<16xi32, #tpu.memory_space<vmem>>, vector<16xi32>,
    %get3A_62 = arith.constant 0 : index
    %get3A_63 = tpu.vector_load %arg9[%get3A_62] {strides = array<i32>} : memref<16xi32, #tpu.memory_space<vmem>>, vector<16xi32>,
    %sub3A_64 = arith.subi %sub3A_43, %get3A_63 : vector<16xi32>
    %shift_left3A = arith.constant 9 : i32
    %shift_left3A_65 = vector.broadcast %shift_left3A : i32 to vector<16xi32>
    %shift_left3A_66 = arith.shli %add3A, %shift_left3A_65 : vector<16xi32>
    %or3A = arith.ori %shift_left3A_66, %get3A_61 : vector<16xi32>
    %swap3A = arith.constant 0 : index
    %swap3A_67 = tpu.vector_load %arg8[%swap3A] {strides = array<i32>} : memref<16xi32, #tpu.memory_space<vmem>>, vector<16xi32>,
    tpu.vector_store %arg8[%swap3A], %or3A {strides = array<i32>} : memref<16xi32, #tpu.memory_space<vmem>>, vector<16xi32>,
    %eq3A_68 = arith.constant 0 : i32
    %eq3A_69 = arith.cmpi eq, %arg1, %eq3A_68 : i32
    %convert_element_type3A_70 = arith.extui %eq3A_69 : i1 to i32
    %cond3A_71 = arith.constant 0 : i32
    %cond3A_72 = arith.cmpi ne, %convert_element_type3A_70, %cond3A_71 : i32
    scf.if %cond3A_72 {
      "tpu.region"() ({
        %run_scoped3A = tpu.sem_alloc : memref<!tpu.dma_semaphore, #tpu.memory_space<semaphore_mem>>
        %dma_start3A = arith.constant 0 : i32
        %dma_start3A_73 = tpu.memref_slice %arg4[%arg0, %dma_start3A] : memref<2x16xi32, #tpu.memory_space<hbm>> -> memref<1x16xi32, #tpu.memory_space<hbm>>
        %dma_start3A_74 = tpu.memref_squeeze %dma_start3A_73 : memref<1x16xi32, #tpu.memory_space<hbm>> -> memref<16xi32, #tpu.memory_space<hbm>>
        %dma_start3A_75 = arith.constant 0 : i32
        %dma_start3A_76 = tpu.memref_slice %arg4[%arg0, %dma_start3A_75] : memref<2x16xi32, #tpu.memory_space<hbm>> -> memref<1x16xi32, #tpu.memory_space<hbm>>
        %dma_start3A_77 = tpu.memref_squeeze %dma_start3A_76 : memref<1x16xi32, #tpu.memory_space<hbm>> -> memref<16xi32, #tpu.memory_space<hbm>>
        tpu.enqueue_dma source(%arg8 : memref<16xi32, #tpu.memory_space<vmem>>) target(%dma_start3A_77 : memref<16xi32, #tpu.memory_space<hbm>>) target_semaphore(%run_scoped3A : memref<!tpu.dma_semaphore, #tpu.memory_space<semaphore_mem>>)
        %dma_wait3A = arith.constant 0 : i32
        %dma_wait3A_78 = tpu.memref_slice %arg4[%arg0, %dma_wait3A] : memref<2x16xi32, #tpu.memory_space<hbm>> -> memref<1x16xi32, #tpu.memory_space<hbm>>
        %dma_wait3A_79 = tpu.memref_squeeze %dma_wait3A_78 : memref<1x16xi32, #tpu.memory_space<hbm>> -> memref<16xi32, #tpu.memory_space<hbm>>
        %dma_wait3A_80 = arith.constant 0 : i32
        %dma_wait3A_81 = tpu.memref_slice %arg4[%arg0, %dma_wait3A_80] : memref<2x16xi32, #tpu.memory_space<hbm>> -> memref<1x16xi32, #tpu.memory_space<hbm>>
        %dma_wait3A_82 = tpu.memref_squeeze %dma_wait3A_81 : memref<1x16xi32, #tpu.memory_space<hbm>> -> memref<16xi32, #tpu.memory_space<hbm>>
        tpu.wait_dma2 semaphore(%run_scoped3A : memref<!tpu.dma_semaphore, #tpu.memory_space<semaphore_mem>>) src(%arg8 : memref<16xi32, #tpu.memory_space<vmem>>) dst(%dma_wait3A_82 : memref<16xi32, #tpu.memory_space<hbm>>)
        tpu.yield
      }) : () -> ()
    } else {
    }
    return
  }
}

module attributes {stable_mosaic.version = 14 : i64} {
  func.func @_tc_mlp_kernel(%arg0: i32, %arg1: memref<2x16xi32, #tpu.memory_space<smem>>, %arg2: memref<256x4096xf32, #tpu.memory_space<vmem>>, %arg3: memref<256x4096xf32, #tpu.memory_space<vmem>>, %arg4: memref<1x256xf32, #tpu.memory_space<vmem>>, %arg5: memref<4096x256xf32, #tpu.memory_space<vmem>>, %arg6: memref<1x4096xf32, #tpu.memory_space<vmem>>, %arg7: memref<256x4096xf32, #tpu.memory_space<vmem>>, %arg8: memref<4096x256xf32, #tpu.memory_space<vmem>>, %arg9: memref<256x4096xf32, #tpu.memory_space<vmem>>, %arg10: memref<256x4096xf32, #tpu.memory_space<vmem>>, %arg11: memref<4096x256xf32, #tpu.memory_space<vmem>>) attributes {dimension_semantics = [#tpu.dimension_semantics<arbitrary>], iteration_bounds = array<i64: 8>, scalar_prefetch = 0 : i64, scratch_operands = 2 : i64, tpu.core_type = #tpu.core_type<tc>, window_params = [{transform_indices = @transform_0, window_bounds = array<i64: 2, 16>}, {transform_indices = @transform_1, window_bounds = array<i64: 256, 4096>}, {pipeline_mode = #tpu.pipeline_mode<synchronous>, transform_indices = @transform_2, window_bounds = array<i64: 256, 4096>}, {pipeline_mode = #tpu.pipeline_mode<synchronous>, transform_indices = @transform_3, window_bounds = array<i64: 1, 256>}, {pipeline_mode = #tpu.pipeline_mode<synchronous>, transform_indices = @transform_4, window_bounds = array<i64: 4096, 256>}, {pipeline_mode = #tpu.pipeline_mode<synchronous>, transform_indices = @transform_5, window_bounds = array<i64: 1, 4096>}, {pipeline_mode = #tpu.pipeline_mode<synchronous>, transform_indices = @transform_6, window_bounds = array<i64: 256, 4096>}, {pipeline_mode = #tpu.pipeline_mode<synchronous>, transform_indices = @transform_7, window_bounds = array<i64: 4096, 256>}, {transform_indices = @transform_8, window_bounds = array<i64: 256, 4096>}]} {
    %eq3A = arith.constant 0 : i32
    %eq3A_0 = arith.cmpi eq, %arg0, %eq3A : i32
    %convert_element_type3A = arith.extui %eq3A_0 : i1 to i32
    %cond3A = arith.constant 0 : i32
    %cond3A_1 = arith.cmpi ne, %convert_element_type3A, %cond3A : i32
    scf.if %cond3A_1 {
      %get3A_39 = arith.constant 0 : index
      %get3A_40 = arith.constant 0 : index
      %get3A_41 = vector.load %arg7[%get3A_39, %get3A_40] : memref<256x4096xf32, #tpu.memory_space<vmem>>, vector<256x4096xf32>
      %abs3A = math.absf %get3A_41 : vector<256x4096xf32>
      %bitcast_convert_type3A = tpu.bitcast %abs3A : vector<256x4096xf32> -> vector<256x4096xi32>
      %get3A_42 = arith.constant 0 : index
      %get3A_43 = arith.constant 0 : index
      %get3A_44 = vector.load %arg8[%get3A_42, %get3A_43] : memref<4096x256xf32, #tpu.memory_space<vmem>>, vector<4096x256xf32>
      %abs3A_45 = math.absf %get3A_44 : vector<4096x256xf32>
      %bitcast_convert_type3A_46 = tpu.bitcast %abs3A_45 : vector<4096x256xf32> -> vector<4096x256xi32>
      %get3A_47 = arith.constant 0 : index
      %get3A_48 = arith.constant 0 : index
      %get3A_49 = vector.load %arg3[%get3A_47, %get3A_48] : memref<256x4096xf32, #tpu.memory_space<vmem>>, vector<256x4096xf32>
      %get3A_50 = arith.constant 0 : index
      %get3A_51 = arith.constant 0 : index
      %get3A_52 = memref.load %arg1[%get3A_50, %get3A_51] : memref<2x16xi32, #tpu.memory_space<smem>>
      %ge3A = vector.broadcast %get3A_52 : i32 to vector<256x4096xi32>
      %ge3A_53 = arith.cmpi sge, %bitcast_convert_type3A, %ge3A : vector<256x4096xi32>
      %convert_element_type3A_54 = arith.extui %ge3A_53 : vector<256x4096xi1> to vector<256x4096xi32>
      %convert_element_type3A_55 = arith.sitofp %convert_element_type3A_54 : vector<256x4096xi32> to vector<256x4096xf32>
      %mul3A_56 = arith.mulf %get3A_49, %convert_element_type3A_55 : vector<256x4096xf32>
      %swap3A_57 = arith.constant 0 : index
      %swap3A_58 = arith.constant 0 : index
      %swap3A_59 = vector.load %arg10[%swap3A_57, %swap3A_58] : memref<256x4096xf32, #tpu.memory_space<vmem>>, vector<256x4096xf32>
      tpu.vector_store %arg10[%swap3A_57, %swap3A_58], %mul3A_56 {strides = array<i32>} : memref<256x4096xf32, #tpu.memory_space<vmem>>, vector<256x4096xf32>,
      %get3A_60 = arith.constant 0 : index
      %get3A_61 = arith.constant 0 : index
      %get3A_62 = vector.load %arg5[%get3A_60, %get3A_61] : memref<4096x256xf32, #tpu.memory_space<vmem>>, vector<4096x256xf32>
      %get3A_63 = arith.constant 1 : index
      %get3A_64 = arith.constant 0 : index
      %get3A_65 = memref.load %arg1[%get3A_63, %get3A_64] : memref<2x16xi32, #tpu.memory_space<smem>>
      %ge3A_66 = vector.broadcast %get3A_65 : i32 to vector<4096x256xi32>
      %ge3A_67 = arith.cmpi sge, %bitcast_convert_type3A_46, %ge3A_66 : vector<4096x256xi32>
      %convert_element_type3A_68 = arith.extui %ge3A_67 : vector<4096x256xi1> to vector<4096x256xi32>
      %convert_element_type3A_69 = arith.sitofp %convert_element_type3A_68 : vector<4096x256xi32> to vector<4096x256xf32>
      %mul3A_70 = arith.mulf %get3A_62, %convert_element_type3A_69 : vector<4096x256xf32>
      %swap3A_71 = arith.constant 0 : index
      %swap3A_72 = arith.constant 0 : index
      %swap3A_73 = vector.load %arg11[%swap3A_71, %swap3A_72] : memref<4096x256xf32, #tpu.memory_space<vmem>>, vector<4096x256xf32>
      tpu.vector_store %arg11[%swap3A_71, %swap3A_72], %mul3A_70 {strides = array<i32>} : memref<4096x256xf32, #tpu.memory_space<vmem>>, vector<4096x256xf32>,
    } else {
    }
    %get3A = arith.constant 0 : index
    %get3A_2 = arith.constant 0 : index
    %get3A_3 = vector.load %arg2[%get3A, %get3A_2] : memref<256x4096xf32, #tpu.memory_space<vmem>>, vector<256x4096xf32>
    %get3A_4 = arith.constant 0 : index
    %get3A_5 = arith.constant 0 : index
    %get3A_6 = vector.load %arg10[%get3A_4, %get3A_5] : memref<256x4096xf32, #tpu.memory_space<vmem>>, vector<256x4096xf32>
    %dot_general3A = arith.constant dense<0.000000e+00> : vector<256x256xf32>
    %dot_general3A_7 = tpu.matmul %get3A_3, %get3A_6, %dot_general3A {dimension_numbers = #tpu.dot_dimension_numbers<[1], [1], [0], [0], [0, 0, 1, 0], [], []>, transpose_lhs_hint = false} : vector<256x4096xf32>, vector<256x4096xf32>, vector<256x256xf32> -> vector<256x256xf32>
    %get3A_8 = arith.constant 0 : index
    %get3A_9 = arith.constant 0 : index
    %get3A_10 = vector.load %arg4[%get3A_8, %get3A_9] : memref<1x256xf32, #tpu.memory_space<vmem>>, vector<1x256xf32>
    %add3A = vector.broadcast %get3A_10 : vector<1x256xf32> to vector<256x256xf32>
    %add3A_11 = arith.addf %dot_general3A_7, %add3A : vector<256x256xf32>
    %integer_pow3A = arith.mulf %add3A_11, %add3A_11 : vector<256x256xf32>
    %integer_pow3A_12 = arith.mulf %add3A_11, %integer_pow3A : vector<256x256xf32>
    %mul3A = arith.constant 4.471500e-02 : f32
    %mul3A_13 = vector.broadcast %mul3A : f32 to vector<256x256xf32>
    %mul3A_14 = arith.mulf %mul3A_13, %integer_pow3A_12 : vector<256x256xf32>
    %add3A_15 = arith.addf %add3A_11, %mul3A_14 : vector<256x256xf32>
    %mul3A_16 = arith.constant 0.797884583 : f32
    %mul3A_17 = vector.broadcast %mul3A_16 : f32 to vector<256x256xf32>
    %mul3A_18 = arith.mulf %mul3A_17, %add3A_15 : vector<256x256xf32>
    %tanh3A = math.tanh %mul3A_18 : vector<256x256xf32>
    %add3A_19 = arith.constant 1.000000e+00 : f32
    %add3A_20 = vector.broadcast %add3A_19 : f32 to vector<256x256xf32>
    %add3A_21 = arith.addf %add3A_20, %tanh3A : vector<256x256xf32>
    %mul3A_22 = arith.constant 5.000000e-01 : f32
    %mul3A_23 = vector.broadcast %mul3A_22 : f32 to vector<256x256xf32>
    %mul3A_24 = arith.mulf %mul3A_23, %add3A_21 : vector<256x256xf32>
    %mul3A_25 = arith.mulf %add3A_11, %mul3A_24 : vector<256x256xf32>
    %get3A_26 = arith.constant 0 : index
    %get3A_27 = arith.constant 0 : index
    %get3A_28 = vector.load %arg11[%get3A_26, %get3A_27] : memref<4096x256xf32, #tpu.memory_space<vmem>>, vector<4096x256xf32>
    %dot_general3A_29 = arith.constant dense<0.000000e+00> : vector<256x4096xf32>
    %dot_general3A_30 = tpu.matmul %mul3A_25, %get3A_28, %dot_general3A_29 {dimension_numbers = #tpu.dot_dimension_numbers<[1], [1], [0], [0], [0, 0, 1, 0], [], []>, transpose_lhs_hint = false} : vector<256x256xf32>, vector<4096x256xf32>, vector<256x4096xf32> -> vector<256x4096xf32>
    %get3A_31 = arith.constant 0 : index
    %get3A_32 = arith.constant 0 : index
    %get3A_33 = vector.load %arg6[%get3A_31, %get3A_32] : memref<1x4096xf32, #tpu.memory_space<vmem>>, vector<1x4096xf32>
    %add3A_34 = vector.broadcast %get3A_33 : vector<1x4096xf32> to vector<256x4096xf32>
    %add3A_35 = arith.addf %dot_general3A_30, %add3A_34 : vector<256x4096xf32>
    %add3A_36 = arith.addf %add3A_35, %get3A_3 : vector<256x4096xf32>
    %swap3A = arith.constant 0 : index
    %swap3A_37 = arith.constant 0 : index
    %swap3A_38 = vector.load %arg9[%swap3A, %swap3A_37] : memref<256x4096xf32, #tpu.memory_space<vmem>>, vector<256x4096xf32>
    tpu.vector_store %arg9[%swap3A, %swap3A_37], %add3A_36 {strides = array<i32>} : memref<256x4096xf32, #tpu.memory_space<vmem>>, vector<256x4096xf32>,
    return
  }
  func.func @transform_0(%arg0: i32) -> (i32, i32) {
    %c0_i32 = arith.constant 0 : i32
    %c0_i32_0 = arith.constant 0 : i32
    %c0_i32_1 = arith.constant 0 : i32
    return %c0_i32, %c0_i32_0 : i32, i32
  }
  func.func @transform_1(%arg0: i32) -> (i32, i32) {
    %c0_i32 = arith.constant 0 : i32
    %c0_i32_0 = arith.constant 0 : i32
    return %arg0, %c0_i32 : i32, i32
  }
  func.func @transform_2(%arg0: i32) -> (i32, i32) {
    %c0_i32 = arith.constant 0 : i32
    %c0_i32_0 = arith.constant 0 : i32
    %c0_i32_1 = arith.constant 0 : i32
    return %c0_i32, %c0_i32_0 : i32, i32
  }
  func.func @transform_3(%arg0: i32) -> (i32, i32) {
    %c0_i32 = arith.constant 0 : i32
    %c0_i32_0 = arith.constant 0 : i32
    %c0_i32_1 = arith.constant 0 : i32
    return %c0_i32, %c0_i32_0 : i32, i32
  }
  func.func @transform_4(%arg0: i32) -> (i32, i32) {
    %c0_i32 = arith.constant 0 : i32
    %c0_i32_0 = arith.constant 0 : i32
    %c0_i32_1 = arith.constant 0 : i32
    return %c0_i32, %c0_i32_0 : i32, i32
  }
  func.func @transform_5(%arg0: i32) -> (i32, i32) {
    %c0_i32 = arith.constant 0 : i32
    %c0_i32_0 = arith.constant 0 : i32
    %c0_i32_1 = arith.constant 0 : i32
    return %c0_i32, %c0_i32_0 : i32, i32
  }
  func.func @transform_6(%arg0: i32) -> (i32, i32) {
    %c0_i32 = arith.constant 0 : i32
    %c0_i32_0 = arith.constant 0 : i32
    %c0_i32_1 = arith.constant 0 : i32
    return %c0_i32, %c0_i32_0 : i32, i32
  }
  func.func @transform_7(%arg0: i32) -> (i32, i32) {
    %c0_i32 = arith.constant 0 : i32
    %c0_i32_0 = arith.constant 0 : i32
    %c0_i32_1 = arith.constant 0 : i32
    return %c0_i32, %c0_i32_0 : i32, i32
  }
  func.func @transform_8(%arg0: i32) -> (i32, i32) {
    %c0_i32 = arith.constant 0 : i32
    %c0_i32_0 = arith.constant 0 : i32
    return %arg0, %c0_i32 : i32, i32
  }
}

</mosaic_0001>

<sc_bundles>
// kernel: kernel.4.cloned.1.call-start
scs
__scs_entry_jumppad:
0x0: {  	(pc) =	sbr.rel $0x88, $3  }
0x1: {  	(tag) =	ssettag $0x0;
	lr =	simm.s32 $0x1  }
0x2: {  	[smem:$0x3F9A] =	sst lr;
	_ =	strace $0xD0000000  }
0x3: {  	_ = 	snop  }
0x4: {  	_ = 	snop  }
0x5: {  	_ = 	snop  }
0x6: {  	_ = 	snop  }
0x7: {  	_ = 	snop  }
__scs_overlays_trampoline_lowered:
0x8: {  	[smem:$0x3FA9] =	sst s0  }
0x9: {  	[smem:$0x3FAA] =	sst s1  }
0xa: {  	[smem:$0x3FAB] =	sst s2  }
0xb: {  	[smem:$0x3FAC] =	sst s3  }
0xc: {  	[smem:$0x3FAD] =	sst s4  }
0xd: {  	[smem:$0x3FAE] =	sst s5  }
0xe: {  	[smem:$0x3FAF] =	sst s6  }
0xf: {  	[smem:$0x3FB0] =	sst s7  }
0x10: {  	[smem:$0x3FB1] =	sst s8  }
0x11: {  	[smem:$0x3FB2] =	sst s9;
	s0 =	simm.s32 @!p0 $0x0  }
0x12: {  	s1 =	sld [smem:$0x3F98];
	s0 =	simm.s32 @p0 $0x1  }
0x13: {  	[smem:$0x3FB3] =	sst s0;
	s0 =	simm.s32 @!p1 $0x0  }
0x14: {  	s2 =	sld [smem:$0x3F97];
	s0 =	simm.s32 @p1 $0x1  }
0x15: {  	[smem:$0x3FB4] =	sst s0;
	s0 =	simm.s32 @!p2 $0x0  }
0x16: {  	s3 =	sld [smem:$0x3FDB];
	s0 =	simm.s32 @p2 $0x1  }
0x17: {  	s4 =	simm.s32 $0x1BF5;
	[smem:$0x3FB6] =	sst s0  }
0x18: {  	s0 =	sld [smem:$0x3F99];
	_ =	swait.ge [sflag:s4], $0x0  }
0x19: {  	s7 =	sld [smem:$0x3F9A]  }
0x1a: {  	s8 =	sadd.s32 $0xFFFFE003, lr  }
0x1b: {  	s9 =	sadd.s32 $0xFFFFFEF7, lr;
	s5 =	simm.s32 $0xFFFFFFFF;
	p2 =	slt.u32 s8, $0xFFFFF086  }
0x1c: {  	p1 =	slt.u32 s9, $0xF7A;
	s5 =	simm.s32 @!p2 $0x0  }
0x1d: {  	s5 =	simm.s32 @p1 $0x1;
	p0 =	seq.s32 s7, s2  }
0x1e: {  	s7 =	smul.u32 @!p0 $0xF7A, s2;
	p2 =	seq.s32 @!p0 s5, $0x0  }
0x1f: {  	s9 =	smul.u32 $0xF7A, s1;
	s8 =	simm.s32 @!p0 $0x1BF5;
	p2 =	por !p2, p0  }
0x20: {  	[sflag:s8] =	ssyncset.s32 @!p0 $0xFFFFF086;
	s6 =	sadd.s32 @!p0 s3, s7;
	s7 =	simm.s32 @!p0 $0x108  }
0x21: {  	s3 =	sadd.s32 s3, s9;
	s6 =	sadd.s32 @!p0 $0x88, s6;
	s7 =	simm.s32 @p2 $0x1082  }
0x22: {  	[simem:s7], [sflag:s8] =	dma.local @!p0 [hbm:s6], $0xF7A  }
0x23: {  	s9 =	sor.u32 $0xD0000000, s2;
	s6 =	simm.s32 $0x108;
	_ =	swait.ge @!p0 [sflag:s8], $0x0  }
0x24: {  	s3 =	sadd.s32 $0x88, s3;
	s6 =	simm.s32 @!p1 $0x1082;
	[sflag:s4] =	ssyncset.s32 $0xFFFFF086  }
0x25: {  	[simem:s6], [sflag:s4] =	dma.local [hbm:s3], $0xF7A  }
0x26: {  	[smem:$0x3F9A] =	sst s1;
	(tag) =	ssettag s2;
	_ =	strace s9  }
0x27: {  	s1 =	sld [smem:$0x3FAA]  }
0x28: {  	s2 =	sld [smem:$0x3FAB]  }
0x29: {  	s4 =	sld [smem:$0x3FAD]  }
0x2a: {  	p0 =	seq.s32 s5, $0x0;
	s5 =	sld [smem:$0x3FAE]  }
0x2b: {  	s6 =	sld [smem:$0x3FAF]  }
0x2c: {  	s7 =	sld [smem:$0x3FB0]  }
0x2d: {  	s3 =	simm.s32 $0x108;
	s8 =	sld [smem:$0x3FB1]  }
0x2e: {  	s3 =	simm.s32 @!p0 $0x1082;
	s9 =	sld [smem:$0x3FB2]  }
0x2f: {  	lr =	sadd.s32 s0, s3;
	s0 =	sld [smem:$0x3FA9]  }
0x30: {  	s3 =	sld [smem:$0x3FAC]  }
0x31: {  	[smem:$0x3FB5] =	sst s10  }
0x32: {  	s10 =	sld [smem:$0x3FB3];
	_ =	sdelay $0x3  }
0x33: {  	p0 =	seq.s32 s10, $0x1;
	s10 =	sld [smem:$0x3FB5];
	_ =	sdelay $0x3  }
0x34: {  	[smem:$0x3FB5] =	sst s10  }
0x35: {  	s10 =	sld [smem:$0x3FB4];
	_ =	sdelay $0x3  }
0x36: {  	p1 =	seq.s32 s10, $0x1;
	s10 =	sld [smem:$0x3FB5];
	_ =	sdelay $0x3  }
0x37: {  	[smem:$0x3FB5] =	sst s10  }
0x38: {  	s10 =	sld [smem:$0x3FB6]  }
0x39: {  	_ = 	snop;
	(pc) =	sbr.ind lr, $3  }
0x3a: {  	_ = 	snop  }
0x3b: {  	_ = 	snop  }
0x3c: {  	p2 =	seq.s32 s10, $0x1;
	s10 =	sld [smem:$0x3FB5]  }
0x3d: {  	_ =	shalt  }
0x3e: {  	_ =	shalt  }
0x3f: {  	_ =	shalt  }
0x40: {  	_ =	shalt  }
0x41: {  	_ =	shalt  }
0x42: {  	_ =	shalt  }
0x43: {  	_ =	shalt  }
0x44: {  	_ =	shalt  }
0x45: {  	_ =	shalt  }
0x46: {  	_ =	shalt  }
0x47: {  	_ =	shalt  }
0x48: {  	_ =	shalt  }
0x49: {  	_ =	shalt  }
0x4a: {  	_ =	shalt  }
0x4b: {  	_ =	shalt  }
0x4c: {  	_ =	shalt  }
0x4d: {  	_ =	shalt  }
0x4e: {  	_ =	shalt  }
0x4f: {  	_ =	shalt  }
0x50: {  	_ =	shalt  }
0x51: {  	_ =	shalt  }
0x52: {  	_ =	shalt  }
0x53: {  	_ =	shalt  }
0x54: {  	_ =	shalt  }
0x55: {  	_ =	shalt  }
0x56: {  	_ =	shalt  }
0x57: {  	_ =	shalt  }
0x58: {  	_ =	shalt  }
0x59: {  	_ =	shalt  }
0x5a: {  	_ =	shalt  }
0x5b: {  	_ =	shalt  }
0x5c: {  	_ =	shalt  }
0x5d: {  	_ =	shalt  }
0x5e: {  	_ =	shalt  }
0x5f: {  	_ =	shalt  }
0x60: {  	_ =	shalt  }
0x61: {  	_ =	shalt  }
0x62: {  	_ =	shalt  }
0x63: {  	_ =	shalt  }
0x64: {  	_ =	shalt  }
0x65: {  	_ =	shalt  }
0x66: {  	_ =	shalt  }
0x67: {  	_ =	shalt  }
0x68: {  	_ =	shalt  }
0x69: {  	_ =	shalt  }
0x6a: {  	_ =	shalt  }
0x6b: {  	_ =	shalt  }
0x6c: {  	_ =	shalt  }
0x6d: {  	_ =	shalt  }
0x6e: {  	_ =	shalt  }
0x6f: {  	_ =	shalt  }
0x70: {  	_ =	shalt  }
0x71: {  	_ =	shalt  }
0x72: {  	_ =	shalt  }
0x73: {  	_ =	shalt  }
0x74: {  	_ =	shalt  }
0x75: {  	_ =	shalt  }
0x76: {  	_ =	shalt  }
0x77: {  	_ =	shalt  }
0x78: {  	_ =	shalt  }
0x79: {  	_ =	shalt  }
0x7a: {  	_ =	shalt  }
0x7b: {  	_ =	shalt  }
0x7c: {  	_ =	shalt  }
0x7d: {  	_ =	shalt  }
0x7e: {  	_ =	shalt  }
0x7f: {  	_ =	shalt  }
0x80: {  	_ =	shalt  }
0x81: {  	_ =	shalt  }
0x82: {  	_ =	shalt  }
0x83: {  	_ =	shalt  }
0x84: {  	_ =	shalt  }
0x85: {  	_ =	shalt  }
0x86: {  	_ =	shalt  }
0x87: {  	_ =	shalt  }
.Lfunc_end0:
.L_simem_size_0:
called_computation_lowered:
.L_overlay_start_0:
0x88: {  	s2 =	sld [smem:$0x3FD9]  }
0x89: {  	s3 =	sld [smem:$0x3FFE];
	_ =	sdelay $0x1  }
0x8a: {  	s1 =	srdreg.scid  }
0x8b: {  	s0 =	sand.u32 $0x1, s1  }
0x8c: {  	s17 =	sshll.u32 s0, $0xA;
	s2 =	sadd.s32 s3, s2  }
0x8d: {  	s2 =	sadd.s32 s2, s17  }
0x8e: {  	[smem:$0x3FC1] =	sst s2  }
0x8f: {  	_ = 	snop  }
0x90: {  	s2 =	sld [smem:$0x3FD0];
	(tm) =	ssettm $0x1  }
0x91: {  	s18 =	sld [smem:$0x3FFB];
	_ =	sdelay $0x3  }
0x92: {  	_ =	strace s18  }
0x93: {  	s3 =	sld [smem:$0x3FFC];
	_ =	sdelay $0x3  }
0x94: {  	_ =	strace s3  }
0x95: {  	s3 =	sld [smem:$0x3FFD];
	_ =	sdelay $0x3  }
0x96: {  	_ =	strace s3  }
0x97: {  	_ =	strace $0x8FFFFFFF  }
0x98: {  	s19 =	sld [smem:$0x3FDB];
	_ =	sdelay $0x1  }
0x99: {  	s4 =	simm.s32 $_scs_section_size  }
0x9a: {  	s5 =	simm.s32 $_size__tile_overlayer_lowered;
	s6 =	simm.s32 $_tile_overlayer_lowered  }
0x9b: {  	s22 =	simm.s32 $0x1BFF;
	s21 =	sshll.u32 s6, $0x1;
	s3 =	sadd.s32 s4, s19  }
0x9c: {  	s7 =	simm.s32 $0x0;
	s20 =	sshll.u32 s5, $0x1;
	s5 =	sadd.s32 s21, s3  }
0x9d: {  	[timem:s7], [sflag:s22] =	dma.local [hbm:s5], s20  }
0x9e: {  	_ =	swait.ge [sflag:s22], s20  }
0x9f: {  	s4 =	ssub.s32 $0x0, s20;
	[sflag:s22] =	ssyncset.done $0x0  }
0xa0: {  	[sflag:s22] =	ssyncadd.s32 s4;
	_ =	sdelay $0x1  }
0xa1: {  	s23 =	simm.s32 $0x1B8B  }
0xa2: {  	_ =	swait.ge [sflag:s23], $0x1  }
0xa3: {  	[sflag:s23] =	ssyncset.done $0x0  }
0xa4: {  	s25 =	simm.s32 $0x1B8E;
	s24 =	sld [smem:$0x3FFE];
	[sflag:s23] =	ssyncadd.s32 $0xFFFFFFFF  }
0xa5: {  	s26 =	simm.s32 $execute0_lowered;
	[smem:$0x3FD2] =	sst s25  }
0xa6: {  	s5 =	sshll.u32 s26, $0x1;
	_ =	strace $0x80000046;
	[dreg:$0x1] =	wrdreg $0xFFFFFFFF  }
0xa7: {  	s28 =	simm.s32 $_size_execute0_lowered;
	s3 =	sadd.s32 s3, s5;
	[dreg:$0x0] =	wrdreg $0x0  }
0xa8: {  	s5 =	sshll.u32 s28, $0x1;
	[dreg:$0x2] =	wrdreg s3  }
0xa9: {  	[dreg:$0x3] =	wrdreg s5  }
0xaa: {  	[dreg:$0x4] =	wrdreg $0xC0  }
0xab: {  	_ =	task [dreg:s7], $0x5FFFF  }
0xac: {  	[dreg:$0x1] =	wrdreg $0xFFFFFFFF  }
0xad: {  	[dreg:$0x0] =	wrdreg $0x60  }
0xae: {  	[dreg:$0x2] =	wrdreg s2  }
0xaf: {  	[dreg:$0x3] =	wrdreg s24  }
0xb0: {  	[dreg:$0x4] =	wrdreg $0x189000  }
0xb1: {  	[dreg:$0x5] =	wrdreg $0x191000  }
0xb2: {  	[dreg:$0x6] =	wrdreg $0x191080  }
0xb3: {  	[dreg:$0x7] =	wrdreg $0x9  }
0xb4: {  	_ =	task.clear_ibuf [dreg:s7], $0x8FFFF;
	_ =	strace $0x90000046  }
0xb5: {  	s29 =	simm.s32 $0x9;
	_ =	strace $0x80000048  }
0xb6: {  	_ =	swait.ge [sflag:s29], $0x1  }
0xb7: {  	[sflag:s29] =	ssyncadd.s32 $0xFFFFFFFF  }
0xb8: {  	_ =	strace $0x90000048  }
0xb9: {  	_ =	sfence  }
0xba: {  	s30 =	sld [smem:$0x0];
	_ =	sdelay $0x2  }
0xbb: {  	s31 =	sshll.u32 s1, $0xD;
	s1 =	sshrl.u32 s1, $0x2  }
0xbc: {  	s3 =	sand.u32 $0x4000, s31;
	s1 =	sadd.s32 s1, s30  }
0xbd: {  	s0 =	sor.u32 s3, s0;
	s1 =	sshll.u32 s1, $0x11  }
0xbe: {  	s0 =	sor.u32 s1, s0  }
0xbf: {  	s0 =	sadd.s32 $0x8F2B, s0  }
0xc0: {  	[sflag:s0] =	ssyncadd.remote.s32 $0x1  }
0xc1: {  	_ =	sfence.sel $0xFFFF  }
0xc2: {  	[dreg:$0x0] =	wrdreg $0xFFFFFFFF;
	(pc) =	sbr.abs _section_cstart, $3  }
0xc3: {  	[dreg:$0x1] =	wrdreg $0xFFFFFFFF  }
0xc4: {  	_ =	task.clear_ibuf [dreg:s7], $0x2FFFF;
	_ =	strace $0x9FFFFFFF  }
0xc5: {  	(tm) =	ssettm $0x7FFFFFFF  }
tec
execute0_lowered:
.L_overlay_start_1:
0x0: {  	(tag) =	ssettag $0x1  }
0x1: {  	s0 =	rddreg [dreg:$0x0]  }
0x2: {  	s1 =	rddreg [dreg:$0x1]  }
0x3: {  	s10 =	rddreg [dreg:$0x2]  }
0x4: {  	s2 =	rddreg [dreg:$0x3]  }
0x5: {  	s3 =	rddreg [dreg:$0x4];
	s5 =	simm.s32 $0x0;
	s4 =	srdreg.scid  }
0x6: {  	s8 =	stileid.u32;
	s28 =	simm.s32 $0x400;
	s30 =	simm.s32 $0x1  }
0x7: {  	s31 =	simm.s32 $0x18800;
	[smem:$0x7FF] =	sst s5;
	s4 =	sand.u32 $0x1, s4  }
0x8: {  	s6 =	sadd.s32 $0x1200, s1;
	s29 =	sshll.u32 s8, $0xB;
	s11 =	sshll.u32 s8, $0x7  }
0x9: {  	s12 =	sshll.u32 s8, $0xD;
	s20 =	sadd.s32 $0x80, s10;
	s21 =	sadd.s32 $0x100, s10  }
0xa: {  	s22 =	sadd.s32 $0x180, s10;
	s23 =	sadd.s32 $0x200, s10;
	s24 =	sadd.s32 $0x280, s10  }
0xb: {  	s25 =	sadd.s32 $0x300, s10;
	s13 =	sadd.s32 $0x4000, s10;
	s14 =	sadd.s32 $0x4080, s10  }
0xc: {  	s15 =	sadd.s32 $0x4100, s10;
	_ =	strace $0x80000047;
	[dreg:$0x6] =	wrdreg s20  }
0xd: {  	s16 =	sadd.s32 $0x4180, s10;
	s17 =	sadd.s32 $0x4200, s10;
	[dreg:$0x7] =	wrdreg s21  }
0xe: {  	s18 =	sadd.s32 $0x4280, s10;
	s19 =	sadd.s32 $0x4300, s10;
	[dreg:$0x8] =	wrdreg s22  }
0xf: {  	s26 =	ssub.s32 $0x2, s4;
	s7 =	sshll.u32 s4, $0x4;
	[dreg:$0x9] =	wrdreg s23  }
0x10: {  	p0 =	seq.s32 s4, $0x1;
	s5 =	sand.u32 $0x380, s11;
	[dreg:$0xa] =	wrdreg s24  }
0x11: {  	[dreg:$0xb] =	wrdreg s25;
	s20 =	sadd.s32 $0x4380, s10;
	s24 =	simm.s32 $0x2  }
0x12: {  	s25 =	simm.s32 $0x10000;
	s9 =	sshrl.u32 s26, $0x1;
	s1 =	sadd.s32 s7, s1  }
0x13: {  	s0 =	smov.u32 @p0 s6;
	p0 =	sne.s32 s8, $0x0;
	s7 =	ssub.s32 s26, s9  }
.Ltmp0:
0x14: {  	s9 =	sand.u32 $0x4000, s29;
	s26 =	sadd.s32 $0x380, s10;
	(pc) =	sbr.rel .LBB2_1-.Ltmp0, $4  }
0x15: {  	s1 =	sadd.s32 $0x21200, s1;
	s0 =	sadd.s32 s0, s12;
	[dreg:$0xc] =	wrdreg s26  }
0x16: {  	s4 =	sadd.s32 s9, s10;
	[dreg:$0xd] =	wrdreg s1;
	s29 =	smax.u32 s7, $0x1  }
0x17: {  	[dreg:$0xf] =	wrdreg s0;
	s26 =	simm.s32 $0x80;
	s0 =	simm.s32 $0x18880  }
0x18: {  	v0 =	vimm.s32 $0x0;
	v1 =	vimm.s32 $0x1;
	s5 =	sadd.s32 s5, s4;
	[dreg:$0xe] =	wrdreg s29;
	s4 =	simm.s32 $0x0  }
.LBB2_24:
0x19: {  	v28 =	vadd.s32 v39, v28;
	v29 =	vadd.s32 v37, v29  }
0x1a: {  	v28 =	vadd.s32 v40, v28;
	v29 =	vadd.s32 v35, v29  }
0x1b: {  	v28 =	vadd.s32 v38, v28;
	v29 =	vadd.s32 v34, v29  }
0x1c: {  	v28 =	vadd.s32 v41, v28;
	v29 =	vadd.s32 v33, v29  }
0x1d: {  	v28 =	vadd.s32 v43, v28;
	v29 =	vadd.s32 v32, v29  }
0x1e: {  	v49 =	vadd.s32 v31, v42;
	v11 =	vadd.s32 v11, v28;
	v5 =	vadd.s32 v5, v29  }
0x1f: {  	v50 =	vld [tilespmem:s1+$0x18000];
	v6 =	vadd.s32 v6, v49;
	v11 =	vadd.s32 v27, v11;
	v5 =	vadd.s32 v26, v5  }
0x20: {  	v51 =	vld [tilespmem:s29+$0xFFFFFFE0];
	v6 =	vadd.s32 v25, v6;
	v11 =	vadd.s32 v24, v11;
	v5 =	vadd.s32 v23, v5  }
0x21: {  	v6 =	vadd.s32 v17, v6;
	v11 =	vadd.s32 v22, v11;
	v5 =	vadd.s32 v21, v5  }
0x22: {  	v52 =	vld [tilespmem:s29+$0xFFFFFFF0];
	v6 =	vadd.s32 v19, v6;
	v11 =	vadd.s32 v18, v11;
	v5 =	vadd.s32 v16, v5  }
0x23: {  	v6 =	vadd.s32 v15, v6;
	v11 =	vadd.s32 v14, v11;
	v5 =	vadd.s32 v13, v5  }
0x24: {  	v6 =	vadd.s32 v12, v6;
	v11 =	vadd.s32 v50, v11;
	v5 =	vadd.s32 v10, v5  }
0x25: {  	v6 =	vadd.s32 v9, v6;
	v5 =	vadd.s32 v51, v5;
	(xrf0) =	vadd.scan.msk.s32 $0xffff, v11  }
0x26: {  	v6 =	vadd.s32 v7, v6;
	(xrf0) =	vadd.scan.msk.s32 $0xffff, v5  }
0x27: {  	v6 =	vadd.s32 v52, v6  }
0x28: {  	(xrf0) =	vadd.scan.msk.s32 $0xffff, v6;
	_ =	sdelay $0x2  }
0x29: {  	v53, _, _ =	vpop (xrf0)  }
0x2a: {  	(v2sf) =	vpush v53, $0xF;
	v54, _, _ =	vpop (xrf0)  }
0x2b: {  	(v2sf) =	vpush v54, $0xF  }
0x2c: {  	v55, _, _ =	vpop (xrf0)  }
0x2d: {  	(v2sf) =	vpush v55, $0xF;
	_ =	sdelay $0x3  }
0x2e: {  	v56 =	vld [tilespmem:s29+$0x0];
	_ =	sdelay $0x1  }
0x2f: {  	v57 =	vadd.s32 v20, v36  }
0x30: {  	v8 =	vadd.s32 v8, v57  }
0x31: {  	v4 =	vadd.s32 v4, v8  }
0x32: {  	s1 =	spop (v2sf);
	v4 =	vadd.s32 v56, v4  }
0x33: {  	s6 =	spop (v2sf);
	(xrf0) =	vadd.scan.msk.s32 $0xffff, v4  }
0x34: {  	s11 =	spop (v2sf)  }
0x35: {  	v7 =	vadd.s32 s21, v53;
	s12 =	spop (v2sf)  }
0x36: {  	vm0 =	vle.s32 v7, v2;
	s12 =	sadd.s32 s21, s12;
	s23 =	spop (v2sf)  }
0x37: {  	v7 =	vsel vm0, $0x1, v0;
	v58 =	vadd.s32 s12, v54;
	s12 =	sadd.s32 s12, s23  }
0x38: {  	v59 =	vnsel vm0, $0x0, v11;
	(xrf0) =	vadd.scan.msk.s32 $0xffff, v7;
	s29 =	spop (v2sf);
	vm14 =	vle.s32 v58, v2;
	v60 =	vadd.s32 s12, v55  }
0x39: {  	v61, _, _ =	vpop (xrf0);
	(xrf0) =	vadd.scan.msk.s32 $0xffff, v59;
	s12 =	sadd.s32 s12, s29;
	v8 =	vsel vm14, $0x1, v0;
	vm1 =	vle.s32 v60, v2  }
0x3a: {  	v63 =	vadd.s32 s12, v61;
	v6 =	vnsel vm1, $0x0, v6;
	(xrf0) =	vadd.scan.msk.s32 $0xffff, v8  }
0x3b: {  	v5 =	vnsel vm14, $0x0, v5;
	v62 =	vsel vm1, $0x1, v0;
	vm15 =	vle.s32 v63, v2;
	(xrf0) =	vadd.scan.msk.s32 $0xffff, v6  }
0x3c: {  	v2 =	vsel vm15, $0x1, v0;
	(xrf0) =	vadd.scan.msk.s32 $0xffff, v62  }
0x3d: {  	(xrf0) =	vadd.scan.msk.s32 $0xffff, v5  }
0x3e: {  	(v2sf) =	vpush v61, $0xF;
	v4 =	vnsel vm15, $0x0, v4;
	v5, _, _ =	vpop (xrf0);
	(xrf0) =	vadd.scan.msk.s32 $0xffff, v2  }
0x3f: {  	(v2sf) =	vpush v5, $0xF;
	v2, _, _ =	vpop (xrf0);
	(xrf0) =	vadd.scan.msk.s32 $0xffff, v4  }
0x40: {  	(v2sf) =	vpush v2, $0xF;
	v2, _, _ =	vpop (xrf0)  }
0x41: {  	(v2sf) =	vpush v2, $0xF;
	v2, _, _ =	vpop (xrf0)  }
0x42: {  	v4, _, _ =	vpop (xrf0);
	(v2sf) =	vpush v2, $0xF  }
0x43: {  	v2, _, _ =	vpop (xrf0);
	(v2sf) =	vpush v4, $0xF  }
0x44: {  	(v2sf) =	vpush v2, $0xF;
	v2, _, _ =	vpop (xrf0)  }
0x45: {  	(v2sf) =	vpush v2, $0xF;
	v2, _, _ =	vpop (xrf0)  }
0x46: {  	(v2sf) =	vpush v2, $0xF;
	_ =	sdelay $0x6  }
0x47: {  	s21 =	spop (v2sf)  }
0x48: {  	s12 =	spop (v2sf)  }
0x49: {  	s22 =	spop (v2sf)  }
0x4a: {  	s1 =	sadd.s32 s1, s7;
	s23 =	sadd.s32 s10, s9;
	s29 =	spop (v2sf)  }
0x4b: {  	s1 =	sadd.s32 s8, s1;
	s6 =	sadd.s32 s6, s23;
	s10 =	spop (v2sf)  }
0x4c: {  	s1 =	sadd.s32 s11, s1;
	s6 =	sadd.s32 s6, s12;
	s12 =	spop (v2sf)  }
0x4d: {  	s1 =	sadd.s32 s1, s22;
	s6 =	sadd.s32 s29, s6;
	s22 =	spop (v2sf)  }
0x4e: {  	s6 =	sadd.s32 s12, s6;
	s1 =	sadd.s32 s22, s1;
	s23 =	spop (v2sf)  }
0x4f: {  	s1 =	sadd.s32 s10, s1;
	s6 =	sadd.s32 s23, s6;
	s29 =	spop (v2sf)  }
0x50: {  	s1 =	sadd.s32 s29, s1;
	v2 =	vmov s6  }
0x51: {  	[tilespmem:$0x18800] =	vst v2;
	v2 =	vmov s1  }
0x52: {  	[tilespmem:$0x18880] =	vst v2  }
0x53: {  	[spmem:s2] =	stream.linear.scatter [tilespmem:s31], [sflag:$0x2], $0x80, $0x38;
	[tilespmem:$0x19110] =	vst v63  }
0x54: {  	_ =	swait.ge [sflag:s24], $0x80  }
0x55: {  	[sflag:s24] =	ssyncset.done $0x0  }
0x56: {  	[sflag:s24] =	ssyncadd.s32 $0xFFFFFF80  }
0x57: {  	[spmem:s3] =	stream.linear.scatter [tilespmem:s0], [sflag:$0x2], $0x80, $0x38;
	[tilespmem:$0x19110] =	vst v63  }
0x58: {  	_ =	swait.ge [sflag:s24], $0x80  }
0x59: {  	[sflag:s24] =	ssyncset.done $0x0  }
0x5a: {  	[sflag:s24] =	ssyncadd.s32 $0xFFFFFF80  }
.LBB2_25:
0x5b: {  	[bflag:$0x0] =	sbarrier.arrive $0xFFFF  }
0x5c: {  	[tilespmem:s31], [sflag:$0x2] =	stream.linear.gather [spmem:s2], $0x80, $0x38;
	[tilespmem:$0x19110] =	vst v63  }
0x5d: {  	_ =	swait.ge [sflag:s24], $0x80  }
0x5e: {  	[sflag:s24] =	ssyncset.done $0x0  }
0x5f: {  	[sflag:s24] =	ssyncadd.s32 $0xFFFFFF80  }
0x60: {  	[tilespmem:s0], [sflag:$0x2] =	stream.linear.gather [spmem:s3], $0x80, $0x38;
	[tilespmem:$0x19110] =	vst v63  }
0x61: {  	_ =	swait.ge [sflag:s24], $0x80  }
0x62: {  	[sflag:s24] =	ssyncset.done $0x0  }
0x63: {  	[sflag:s24] =	ssyncadd.s32 $0xFFFFFF80  }
0x64: {  	v2 =	vld [tilespmem:$0x18800];
	_ =	sdelay $0x3  }
0x65: {  	v3 =	vshll.u32 v3, $0x9  }
0x66: {  	v2 =	vor.u32 v3, v2  }
0x67: {  	s1 =	simm.s32 @!p0 $0x0;
	s6 =	simm.s32 @!p0 $0x18800;
	s7 =	rddreg [dreg:$0xd];
	[tilespmem:$0x18800] =	vst v2  }
0x68: {  	[hbm4b:s7+s1] =	stream.linear.scatter @!p0 [tilespmem:s6], [sflag:$0x2], $0x80, $0x38;
	[tilespmem:$0x19110] =	vst v63  }
0x69: {  	s1 =	simm.s32 @!p0 $0x2  }
0x6a: {  	_ =	swait.ge @!p0 [sflag:s1], $0x80  }
0x6b: {  	s4 =	sadd.s32 $0x1, s4;
	s29 =	rddreg [dreg:$0xe]  }
0x6c: {  	p1 =	sne.s32 s4, s29  }
.Ltmp1:
0x6d: {  	_ = 	snop;
	(pc) =	sbr.rel @!p1 .LBB2_26-.Ltmp1, $3  }
0x6e: {  	_ =	sdelay $0x1  }
0x6f: {  	[sflag:s1] =	ssyncset.done @!p0 $0x0  }
0x70: {  	[sflag:s1] =	ssyncadd.s32 @!p0 $0xFFFFFF80  }
.LBB2_1:
0x71: {  	s1 =	simm.s32 $0x0;
	s6 =	rddreg [dreg:$0xf]  }
0x72: {  	[tilespmem:s1], [sflag:$0x2] =	stream.linear.gather [hbm4b:s6+s1], $0x10000, $0x38;
	[tilespmem:$0x19110] =	vst v63  }
0x73: {  	_ =	swait.ge [sflag:s24], $0x10000  }
0x74: {  	[sflag:s24] =	ssyncset.done $0x0  }
0x75: {  	s6 =	simm.s32 $0x10040;
	[sflag:s24] =	ssyncadd.s32 $0xFFFF0000  }
0x76: {  	[tilespmem:s6+$0xFFFFFFC0] =	vst v0  }
0x77: {  	[tilespmem:s6+$0x30] =	vst v0  }
0x78: {  	[tilespmem:s6+$0x20] =	vst v0  }
0x79: {  	[tilespmem:s6+$0x10] =	vst v0  }
0x7a: {  	[tilespmem:s6+$0x0] =	vst v0  }
0x7b: {  	[tilespmem:s6+$0xFFFFFFF0] =	vst v0  }
0x7c: {  	s7 =	simm.s32 $0x0;
	[tilespmem:s6+$0xFFFFFFE0] =	vst v0  }
.LBB2_2:
0x7d: {  	s7 =	sadd.s32 $0x8, s7;
	[tilespmem:s6+$0xFFFFFFD0] =	vst v0;
	s6 =	sadd.s32 $0x80, s6;
	s1 =	simm.s32 $0x40  }
0x7e: {  	[tilespmem:s6+$0xFFFFFFC0] =	vst v0;
	p1 =	slt.u32 s7, $0x78  }
0x7f: {  	[tilespmem:s6+$0x30] =	vst v0  }
.Ltmp2:
0x80: {  	[tilespmem:s6+$0x20] =	vst v0;
	(pc) =	sbr.rel @p1 .LBB2_2-.Ltmp2, $4  }
0x81: {  	[tilespmem:s6+$0x10] =	vst v0  }
0x82: {  	[tilespmem:s6+$0x0] =	vst v0  }
0x83: {  	[tilespmem:s6+$0xFFFFFFF0] =	vst v0  }
0x84: {  	[tilespmem:s6+$0xFFFFFFE0] =	vst v0  }
0x85: {  	[tilespmem:s6+$0xFFFFFFD0] =	vst v0  }
0x86: {  	v2 =	vld [tilespmem:s1+$0x30]  }
0x87: {  	v3 =	vld [tilespmem:s1+$0xFFFFFFD0]  }
0x88: {  	v4 =	vld [tilespmem:s1+$0xFFFFFFE0]  }
0x89: {  	v5 =	vld [tilespmem:s1+$0xFFFFFFF0]  }
0x8a: {  	v6 =	vld [tilespmem:s1+$0x0]  }
0x8b: {  	v2 =	vand.u32 $0x7FFFFFFF, v2  }
0x8c: {  	v3 =	vand.u32 $0x7FFFFFFF, v3;
	v2 =	vshrl.u32 v2, $0x14  }
0x8d: {  	v7 =	vld [tilespmem:s1+$0x10];
	v4 =	vand.u32 $0x7FFFFFFF, v4;
	v3 =	vshrl.u32 v3, $0x14  }
0x8e: {  	v8 =	vld [tilespmem:s1+$0x20];
	v5 =	vand.u32 $0x7FFFFFFF, v5;
	v4 =	vshrl.u32 v4, $0x14  }
0x8f: {  	v9 =	vld [tilespmem:s1+$0xFFFFFFC0];
	v6 =	vand.u32 $0x7FFFFFFF, v6;
	v5 =	vshrl.u32 v5, $0x14  }
0x90: {  	v6 =	vshrl.u32 v6, $0x14  }
0x91: {  	[tilespmem:v2+s25+$0x0] =	vst.idx.add.s32.msk $0xffff, v1  }
0x92: {  	[tilespmem:v3+s25+$0x0] =	vst.idx.add.s32.msk $0xffff, v1  }
0x93: {  	[tilespmem:v4+s25+$0x0] =	vst.idx.add.s32.msk $0xffff, v1  }
0x94: {  	v2 =	vand.u32 $0x7FFFFFFF, v7;
	v3 =	vand.u32 $0x7FFFFFFF, v8;
	v4 =	vand.u32 $0x7FFFFFFF, v9;
	[tilespmem:v5+s25+$0x0] =	vst.idx.add.s32.msk $0xffff, v1  }
0x95: {  	s6 =	simm.s32 $0xC0;
	s1 =	simm.s32 $0x0;
	[tilespmem:v6+s25+$0x0] =	vst.idx.add.s32.msk $0xffff, v1;
	v2 =	vshrl.u32 v2, $0x14;
	v3 =	vshrl.u32 v3, $0x14;
	v4 =	vshrl.u32 v4, $0x14  }
.LBB2_4:
0x96: {  	v5 =	vld [tilespmem:s6+$0x30];
	s1 =	sadd.s32 $0x8, s1  }
0x97: {  	v6 =	vld [tilespmem:s6+$0xFFFFFFD0];
	p1 =	slt.u32 s1, $0xFF8  }
0x98: {  	v7 =	vld [tilespmem:s6+$0xFFFFFFE0]  }
0x99: {  	v8 =	vld [tilespmem:s6+$0xFFFFFFF0]  }
0x9a: {  	v9 =	vld [tilespmem:s6+$0x0]  }
0x9b: {  	v10 =	vld [tilespmem:s6+$0x10];
	v5 =	vand.u32 $0x7FFFFFFF, v5  }
0x9c: {  	v6 =	vand.u32 $0x7FFFFFFF, v6;
	v11 =	vld [tilespmem:s6+$0x20];
	v5 =	vshrl.u32 v5, $0x14  }
0x9d: {  	v12 =	vld [tilespmem:s6+$0xFFFFFFC0];
	v6 =	vshrl.u32 v6, $0x14;
	v7 =	vand.u32 $0x7FFFFFFF, v7  }
0x9e: {  	v7 =	vshrl.u32 v7, $0x14;
	v8 =	vand.u32 $0x7FFFFFFF, v8;
	[tilespmem:v4+s25+$0x0] =	vst.idx.add.s32.msk $0xffff, v1  }
0x9f: {  	v8 =	vshrl.u32 v8, $0x14;
	v4 =	vand.u32 $0x7FFFFFFF, v9;
	[tilespmem:v2+s25+$0x0] =	vst.idx.add.s32.msk $0xffff, v1  }
0xa0: {  	v9 =	vshrl.u32 v4, $0x14;
	v2 =	vand.u32 $0x7FFFFFFF, v10;
	[tilespmem:v3+s25+$0x0] =	vst.idx.add.s32.msk $0xffff, v1  }
.Ltmp3:
0xa1: {  	v2 =	vshrl.u32 v2, $0x14;
	v3 =	vand.u32 $0x7FFFFFFF, v11;
	[tilespmem:v5+s25+$0x0] =	vst.idx.add.s32.msk $0xffff, v1;
	(pc) =	sbr.rel @p1 .LBB2_4-.Ltmp3, $4  }
0xa2: {  	v4 =	vand.u32 $0x7FFFFFFF, v12;
	[tilespmem:v6+s25+$0x0] =	vst.idx.add.s32.msk $0xffff, v1;
	v3 =	vshrl.u32 v3, $0x14  }
0xa3: {  	v4 =	vshrl.u32 v4, $0x14;
	[tilespmem:v7+s25+$0x0] =	vst.idx.add.s32.msk $0xffff, v1  }
0xa4: {  	[tilespmem:v8+s25+$0x0] =	vst.idx.add.s32.msk $0xffff, v1  }
0xa5: {  	s6 =	sadd.s32 $0x80, s6;
	[tilespmem:v9+s25+$0x0] =	vst.idx.add.s32.msk $0xffff, v1  }
0xa6: {  	_ =	sdelay $0x3  }
0xa7: {  	[tilespmem:v4+s25+$0x0] =	vst.idx.add.s32.msk $0xffff, v1  }
0xa8: {  	[tilespmem:v2+s25+$0x0] =	vst.idx.add.s32.msk $0xffff, v1  }
0xa9: {  	[tilespmem:v3+s25+$0x0] =	vst.idx.add.s32.msk $0xffff, v1  }
0xaa: {  	[spmem:s5] =	stream.strided.scatter [tilespmem:s25], [sflag:$0x2], $0x800, s28, s26, $0x38;
	[tilespmem:$0x19110] =	vst v63  }
.Ltmp4:
0xab: {  	_ =	swait.ge [sflag:s24], $0x800;
	(pc) =	sbr.rel @p0 .LBB2_9-.Ltmp4, $3  }
0xac: {  	[sflag:s24] =	ssyncset.done $0x0  }
0xad: {  	[sflag:s24] =	ssyncadd.s32 $0xFFFFF800  }
0xae: {  	[bflag:$0x0] =	sbarrier.arrive $0xFFFF;
	_ =	sdelay $0x1  }
0xaf: {  	s1 =	rddreg [dreg:$0x2];
	s6 =	simm.s32 $0x10800  }
0xb0: {  	[tilespmem:s6], [sflag:$0x1] =	stream.strided.gather [spmem:s1], $0x800, s28, s26, $0x38;
	[tilespmem:$0x19110] =	vst v63  }
0xb1: {  	s8 =	rddreg [dreg:$0x6];
	s9 =	simm.s32 $0x11000  }
0xb2: {  	[tilespmem:s9], [sflag:$0x1] =	stream.strided.gather [spmem:s8], $0x800, s28, s26, $0x38;
	[tilespmem:$0x19110] =	vst v63  }
0xb3: {  	s10 =	rddreg [dreg:$0x7];
	s11 =	simm.s32 $0x11800  }
0xb4: {  	[tilespmem:s11], [sflag:$0x1] =	stream.strided.gather [spmem:s10], $0x800, s28, s26, $0x38;
	[tilespmem:$0x19110] =	vst v63  }
0xb5: {  	s12 =	rddreg [dreg:$0x8];
	s21 =	simm.s32 $0x12000  }
0xb6: {  	[tilespmem:s21], [sflag:$0x1] =	stream.strided.gather [spmem:s12], $0x800, s28, s26, $0x38;
	[tilespmem:$0x19110] =	vst v63  }
0xb7: {  	s22 =	rddreg [dreg:$0x9];
	s23 =	simm.s32 $0x12800  }
0xb8: {  	[tilespmem:s23], [sflag:$0x1] =	stream.strided.gather [spmem:s22], $0x800, s28, s26, $0x38;
	[tilespmem:$0x19110] =	vst v63  }
0xb9: {  	s7 =	rddreg [dreg:$0xa];
	s8 =	simm.s32 $0x13000  }
0xba: {  	[tilespmem:s8], [sflag:$0x1] =	stream.strided.gather [spmem:s7], $0x800, s28, s26, $0x38;
	[tilespmem:$0x19110] =	vst v63  }
0xbb: {  	s9 =	rddreg [dreg:$0xb];
	s10 =	simm.s32 $0x13800  }
0xbc: {  	[tilespmem:s10], [sflag:$0x1] =	stream.strided.gather [spmem:s9], $0x800, s28, s26, $0x38;
	[tilespmem:$0x19110] =	vst v63  }
0xbd: {  	s11 =	rddreg [dreg:$0xc];
	s12 =	simm.s32 $0x14000  }
0xbe: {  	[tilespmem:s12], [sflag:$0x1] =	stream.strided.gather [spmem:s11], $0x800, s28, s26, $0x38;
	[tilespmem:$0x19110] =	vst v63  }
0xbf: {  	s21 =	simm.s32 $0x14800  }
0xc0: {  	[tilespmem:s21], [sflag:$0x1] =	stream.strided.gather [spmem:s13], $0x800, s28, s26, $0x38;
	[tilespmem:$0x19110] =	vst v63  }
0xc1: {  	s22 =	simm.s32 $0x15000  }
0xc2: {  	[tilespmem:s22], [sflag:$0x1] =	stream.strided.gather [spmem:s14], $0x800, s28, s26, $0x38;
	[tilespmem:$0x19110] =	vst v63  }
0xc3: {  	s23 =	simm.s32 $0x15800  }
0xc4: {  	[tilespmem:s23], [sflag:$0x1] =	stream.strided.gather [spmem:s15], $0x800, s28, s26, $0x38;
	[tilespmem:$0x19110] =	vst v63  }
0xc5: {  	s6 =	simm.s32 $0x16000  }
0xc6: {  	[tilespmem:s6], [sflag:$0x1] =	stream.strided.gather [spmem:s16], $0x800, s28, s26, $0x38;
	[tilespmem:$0x19110] =	vst v63  }
0xc7: {  	s7 =	simm.s32 $0x16800  }
0xc8: {  	[tilespmem:s7], [sflag:$0x1] =	stream.strided.gather [spmem:s17], $0x800, s28, s26, $0x38;
	[tilespmem:$0x19110] =	vst v63  }
0xc9: {  	s8 =	simm.s32 $0x17000  }
0xca: {  	[tilespmem:s8], [sflag:$0x1] =	stream.strided.gather [spmem:s18], $0x800, s28, s26, $0x38;
	[tilespmem:$0x19110] =	vst v63  }
0xcb: {  	s9 =	simm.s32 $0x17800  }
0xcc: {  	[tilespmem:s9], [sflag:$0x1] =	stream.strided.gather [spmem:s19], $0x800, s28, s26, $0x38;
	[tilespmem:$0x19110] =	vst v63  }
0xcd: {  	s10 =	simm.s32 $0x18000  }
0xce: {  	[tilespmem:s10], [sflag:$0x1] =	stream.strided.gather [spmem:s20], $0x800, s28, s26, $0x38;
	[tilespmem:$0x19110] =	vst v63  }
0xcf: {  	_ =	swait.ge [sflag:s30], $0x800  }
0xd0: {  	[sflag:s30] =	ssyncset.done $0x0  }
0xd1: {  	[sflag:s30] =	ssyncadd.s32 $0xFFFFF800  }
0xd2: {  	_ =	swait.ge [sflag:s30], $0x800  }
0xd3: {  	[sflag:s30] =	ssyncset.done $0x0  }
0xd4: {  	[sflag:s30] =	ssyncadd.s32 $0xFFFFF800  }
0xd5: {  	_ =	swait.ge [sflag:s30], $0x800  }
0xd6: {  	[sflag:s30] =	ssyncset.done $0x0  }
0xd7: {  	[sflag:s30] =	ssyncadd.s32 $0xFFFFF800  }
0xd8: {  	_ =	swait.ge [sflag:s30], $0x800  }
0xd9: {  	[sflag:s30] =	ssyncset.done $0x0  }
0xda: {  	[sflag:s30] =	ssyncadd.s32 $0xFFFFF800  }
0xdb: {  	_ =	swait.ge [sflag:s30], $0x800  }
0xdc: {  	[sflag:s30] =	ssyncset.done $0x0  }
0xdd: {  	[sflag:s30] =	ssyncadd.s32 $0xFFFFF800  }
0xde: {  	_ =	swait.ge [sflag:s30], $0x800  }
0xdf: {  	[sflag:s30] =	ssyncset.done $0x0  }
0xe0: {  	[sflag:s30] =	ssyncadd.s32 $0xFFFFF800  }
0xe1: {  	_ =	swait.ge [sflag:s30], $0x800  }
0xe2: {  	[sflag:s30] =	ssyncset.done $0x0  }
0xe3: {  	[sflag:s30] =	ssyncadd.s32 $0xFFFFF800  }
0xe4: {  	_ =	swait.ge [sflag:s30], $0x800  }
0xe5: {  	[sflag:s30] =	ssyncset.done $0x0  }
0xe6: {  	[sflag:s30] =	ssyncadd.s32 $0xFFFFF800  }
0xe7: {  	_ =	swait.ge [sflag:s30], $0x800  }
0xe8: {  	[sflag:s30] =	ssyncset.done $0x0  }
0xe9: {  	[sflag:s30] =	ssyncadd.s32 $0xFFFFF800  }
0xea: {  	_ =	swait.ge [sflag:s30], $0x800  }
0xeb: {  	[sflag:s30] =	ssyncset.done $0x0  }
0xec: {  	[sflag:s30] =	ssyncadd.s32 $0xFFFFF800  }
0xed: {  	_ =	swait.ge [sflag:s30], $0x800  }
0xee: {  	[sflag:s30] =	ssyncset.done $0x0  }
0xef: {  	[sflag:s30] =	ssyncadd.s32 $0xFFFFF800  }
0xf0: {  	_ =	swait.ge [sflag:s30], $0x800  }
0xf1: {  	[sflag:s30] =	ssyncset.done $0x0  }
0xf2: {  	[sflag:s30] =	ssyncadd.s32 $0xFFFFF800  }
0xf3: {  	_ =	swait.ge [sflag:s30], $0x800  }
0xf4: {  	[sflag:s30] =	ssyncset.done $0x0  }
0xf5: {  	[sflag:s30] =	ssyncadd.s32 $0xFFFFF800  }
0xf6: {  	_ =	swait.ge [sflag:s30], $0x800  }
0xf7: {  	[sflag:s30] =	ssyncset.done $0x0  }
0xf8: {  	[sflag:s30] =	ssyncadd.s32 $0xFFFFF800  }
0xf9: {  	_ =	swait.ge [sflag:s30], $0x800  }
0xfa: {  	[sflag:s30] =	ssyncset.done $0x0  }
0xfb: {  	[sflag:s30] =	ssyncadd.s32 $0xFFFFF800  }
0xfc: {  	_ =	swait.ge [sflag:s30], $0x800  }
0xfd: {  	[sflag:s30] =	ssyncset.done $0x0  }
0xfe: {  	s11 =	simm.s32 $0x0;
	s7 =	simm.s32 $0x18030;
	[sflag:s30] =	ssyncadd.s32 $0xFFFFF800  }
0xff: {  	s8 =	sand.u32 $0x7C0, s11;
	v2 =	vld [tilespmem:s7+$0xFFFFC7E0]  }
0x100: {  	v3 =	vld [tilespmem:s8+$0x11000]  }
0x101: {  	v4 =	vld [tilespmem:s8+$0x11800]  }
0x102: {  	v5 =	vld [tilespmem:s8+$0x12000]  }
0x103: {  	v6 =	vld [tilespmem:s8+$0x15000]  }
0x104: {  	v11 =	vld [tilespmem:s7+$0xFFFFBFF0]  }
0x105: {  	v20 =	vld [tilespmem:s7+$0xFFFFF800]  }
0x106: {  	v19 =	vld [tilespmem:s7+$0xFFFFF000]  }
0x107: {  	v15 =	vld [tilespmem:s7+$0xFFFFF7F0]  }
0x108: {  	v16 =	vld [tilespmem:s7+$0xFFFFEFF0]  }
0x109: {  	v7 =	vld [tilespmem:s7+$0xFFFFF7E0]  }
0x10a: {  	v17 =	vld [tilespmem:s7+$0xFFFFE7F0]  }
0x10b: {  	v8 =	vld [tilespmem:s7+$0xFFFFEFE0]  }
0x10c: {  	v10 =	vld [tilespmem:s8+$0x17800]  }
0x10d: {  	v25 =	vld [tilespmem:s7+$0xFFFFDFF0]  }
0x10e: {  	v12 =	vld [tilespmem:s7+$0xFFFFE7E0]  }
0x10f: {  	v21 =	vld [tilespmem:s7+$0xFFFFE000]  }
0x110: {  	v23 =	vld [tilespmem:s7+$0xFFFFD800]  }
0x111: {  	v24 =	vld [tilespmem:s7+$0xFFFFC800]  }
0x112: {  	v18 =	vld [tilespmem:s7+$0xFFFFC000]  }
0x113: {  	v13 =	vld [tilespmem:s8+$0x17000]  }
0x114: {  	v22 =	vld [tilespmem:s7+$0xFFFFE800]  }
0x115: {  	v14 =	vld [tilespmem:s7+$0xFFFFD7F0]  }
0x116: {  	v29 =	vld [tilespmem:s7+$0xFFFFDFE0]  }
0x117: {  	v30 =	vld [tilespmem:s7+$0xFFFFB800]  }
0x118: {  	v31 =	vld [tilespmem:s7+$0xFFFFB000]  }
0x119: {  	v32 =	vld [tilespmem:s7+$0xFFFFA800]  }
0x11a: {  	v33 =	vld [tilespmem:s7+$0xFFFF8800]  }
0x11b: {  	v35 =	vld [tilespmem:s7+$0xFFFFA000]  }
0x11c: {  	v34 =	vld [tilespmem:s8+$0x16800]  }
0x11d: {  	v36 =	vld [tilespmem:s7+$0xFFFFCFF0]  }
0x11e: {  	v37 =	vld [tilespmem:s7+$0xFFFFD7E0]  }
0x11f: {  	v38 =	vld [tilespmem:s8+$0x16000]  }
0x120: {  	v39 =	vld [tilespmem:s7+$0xFFFFC7F0]  }
0x121: {  	v40 =	vld [tilespmem:s7+$0xFFFFCFE0]  }
0x122: {  	v41 =	vld [tilespmem:s8+$0x15800]  }
0x123: {  	v42 =	vld [tilespmem:s7+$0xFFFFD000]  }
0x124: {  	v43 =	vld [tilespmem:s7+$0xFFFFB7F0]  }
0x125: {  	v9 =	vld [tilespmem:s7+$0xFFFFBFE0]  }
0x126: {  	v26 =	vld [tilespmem:s7+$0xFFFFB7E0]  }
0x127: {  	v27 =	vld [tilespmem:s7+$0xFFFFAFE0]  }
0x128: {  	v28 =	vld [tilespmem:s7+$0xFFFFA7E0]  }
0x129: {  	v46 =	vld [tilespmem:s7+$0xFFFF9FE0]  }
0x12a: {  	v53 =	vld [tilespmem:s7+$0xFFFF8FE0]  }
0x12b: {  	v54 =	vld [tilespmem:s7+$0xFFFF87D0]  }
0x12c: {  	v55 =	vld [tilespmem:s7+$0xFFFF87E0]  }
0x12d: {  	v56 =	vld [tilespmem:s7+$0xFFFF97E0]  }
0x12e: {  	v57 =	vld [tilespmem:s8+$0x12800]  }
0x12f: {  	v58 =	vld [tilespmem:s8+$0x13000]  }
0x130: {  	v60 =	vld [tilespmem:s8+$0x13800];
	v3 =	vadd.s32 v54, v3  }
0x131: {  	v61 =	vld [tilespmem:s8+$0x14000];
	v3 =	vadd.s32 v4, v3;
	v4 =	vadd.s32 v55, v53  }
0x132: {  	v3 =	vadd.s32 v5, v3;
	v4 =	vadd.s32 v56, v4;
	v5 =	vld [tilespmem:s8+$0x14800]  }
0x133: {  	v44 =	vld [tilespmem:s7+$0xFFFF9800];
	v62 =	vadd.s32 v57, v3;
	v4 =	vadd.s32 v46, v4  }
0x134: {  	v45 =	vld [tilespmem:s7+$0xFFFF9000];
	v63 =	vadd.s32 v58, v62;
	v4 =	vadd.s32 v28, v4  }
0x135: {  	v47 =	vld [tilespmem:s7+$0xFFFFAFF0];
	v46 =	vadd.s32 v60, v63;
	v4 =	vadd.s32 v27, v4  }
0x136: {  	v51 =	vld [tilespmem:s7+$0xFFFF8FF0];
	v46 =	vadd.s32 v61, v46;
	v4 =	vadd.s32 v26, v4  }
0x137: {  	v52 =	vld [tilespmem:s7+$0xFFFF87F0];
	v5 =	vadd.s32 v5, v46;
	v4 =	vadd.s32 v9, v4  }
0x138: {  	v50 =	vld [tilespmem:s7+$0xFFFF97F0];
	v5 =	vadd.s32 v6, v5;
	v2 =	vadd.s32 v2, v4  }
0x139: {  	v49 =	vld [tilespmem:s7+$0xFFFF9FF0];
	v5 =	vadd.s32 v41, v5;
	v2 =	vadd.s32 v40, v2  }
0x13a: {  	v48 =	vld [tilespmem:s7+$0xFFFFA7F0];
	v5 =	vadd.s32 v38, v5;
	v2 =	vadd.s32 v37, v2  }
0x13b: {  	s29 =	simm.s32 $0x18070;
	v54 =	vld [tilespmem:s8+$0x18000];
	v33 =	vadd.s32 v33, v45;
	v5 =	vadd.s32 v34, v5;
	v2 =	vadd.s32 v29, v2  }
0x13c: {  	v45 =	vld [tilespmem:s29+$0xFFFFB800];
	v5 =	vadd.s32 v13, v5;
	v6 =	vadd.s32 v12, v2;
	v12 =	vadd.s32 v52, v51  }
0x13d: {  	v55 =	vld [tilespmem:s7+$0xFFFFFFE0];
	v5 =	vadd.s32 v10, v5;
	v8 =	vadd.s32 v8, v6;
	v10 =	vadd.s32 v50, v12  }
0x13e: {  	s12 =	simm.s32 $0x40;
	v56 =	vld [tilespmem:s7+$0x0];
	v7 =	vadd.s32 v7, v8;
	v8 =	vadd.s32 v49, v10  }
0x13f: {  	s1 =	sand.u32 $0x7C0, s12;
	v3 =	vld [tilespmem:s29+$0xFFFFC7E0];
	v8 =	vadd.s32 v48, v8  }
0x140: {  	v28 =	vld [tilespmem:s1+$0x11000];
	v10 =	vadd.s32 v47, v8  }
0x141: {  	v27 =	vld [tilespmem:s1+$0x11800];
	v12 =	vadd.s32 v43, v10  }
0x142: {  	v26 =	vld [tilespmem:s1+$0x12000];
	v12 =	vadd.s32 v11, v12  }
0x143: {  	v61 =	vld [tilespmem:s29+$0xFFFF8800];
	v13 =	vadd.s32 v39, v12  }
0x144: {  	v9 =	vld [tilespmem:s1+$0x15000];
	v58 =	vadd.s32 v36, v13  }
0x145: {  	v29 =	vld [tilespmem:s7+$0xFFFFFFF0];
	v34 =	vadd.s32 v14, v58  }
0x146: {  	v46 =	vld [tilespmem:s29+$0xFFFFA800];
	v57 =	vadd.s32 v54, v5;
	v25 =	vadd.s32 v25, v34  }
0x147: {  	v4 =	vld [tilespmem:s29+$0xFFFFBFF0];
	v37 =	vadd.s32 v55, v7;
	(xrf0) =	vadd.scan.msk.s32 $0xffff, v57;
	v17 =	vadd.s32 v17, v25;
	v25 =	vadd.s32 v44, v33  }
0x148: {  	v41 =	vld [tilespmem:s29+$0xFFFFD800];
	(xrf0) =	vadd.scan.msk.s32 $0xffff, v37;
	v16 =	vadd.s32 v16, v17;
	v17 =	vadd.s32 v35, v25  }
0x149: {  	v38 =	vld [tilespmem:s29+$0xFFFFD000];
	v15 =	vadd.s32 v15, v16;
	v16 =	vadd.s32 v32, v17  }
0x14a: {  	v2 =	vld [tilespmem:s29+$0xFFFFF800];
	v29 =	vadd.s32 v29, v15;
	v16 =	vadd.s32 v31, v16  }
0x14b: {  	v51 =	vld [tilespmem:s29+$0xFFFFA7F0];
	(xrf0) =	vadd.scan.msk.s32 $0xffff, v29;
	v25 =	vadd.s32 v30, v16  }
0x14c: {  	v6 =	vld [tilespmem:s29+$0xFFFFF000];
	v25 =	vadd.s32 v18, v25  }
0x14d: {  	v50 =	vld [tilespmem:s29+$0xFFFFAFF0];
	v59, _, _ =	vpop (xrf0);
	v24 =	vadd.s32 v24, v25  }
0x14e: {  	v5 =	vld [tilespmem:s29+$0xFFFFF7F0];
	(v2sf) =	vpush v59, $0xF;
	v60, _, _ =	vpop (xrf0);
	v24 =	vadd.s32 v42, v24  }
0x14f: {  	v54 =	vld [tilespmem:s29+$0xFFFF9800];
	(v2sf) =	vpush v60, $0xF  }
0x150: {  	v7 =	vld [tilespmem:s29+$0xFFFFEFF0];
	v23 =	vadd.s32 v23, v24  }
0x151: {  	v48 =	vld [tilespmem:s29+$0xFFFFA000];
	v21 =	vadd.s32 v21, v23;
	v24, _, _ =	vpop (xrf0)  }
0x152: {  	v8 =	vld [tilespmem:s29+$0xFFFFF7E0];
	v21 =	vadd.s32 v22, v21;
	(v2sf) =	vpush v24, $0xF  }
0x153: {  	v47 =	vld [tilespmem:s29+$0xFFFF9FF0];
	v21 =	vadd.s32 v19, v21  }
0x154: {  	v10 =	vld [tilespmem:s29+$0xFFFFE7F0];
	v22 =	vadd.s32 s11, v59;
	v21 =	vadd.s32 v20, v21  }
0x155: {  	v43 =	vld [tilespmem:s29+$0xFFFFC800];
	vm0 =	vlt.s32 v22, $0xE6667;
	v62 =	vadd.s32 v56, v21  }
0x156: {  	v11 =	vld [tilespmem:s29+$0xFFFFEFE0];
	v23 =	vsel vm0, $0x1, v0;
	(xrf0) =	vadd.scan.msk.s32 $0xffff, v62  }
0x157: {  	v12 =	vld [tilespmem:s1+$0x17800];
	(xrf0) =	vadd.scan.msk.s32 $0xffff, v23  }
0x158: {  	v13 =	vld [tilespmem:s29+$0xFFFFDFF0]  }
0x159: {  	v14 =	vld [tilespmem:s29+$0xFFFFE7E0]  }
0x15a: {  	v34 =	vld [tilespmem:s29+$0xFFFFE000]  }
0x15b: {  	v44 =	vld [tilespmem:s29+$0xFFFFC000]  }
0x15c: {  	v33 =	vld [tilespmem:s29+$0xFFFFA7E0];
	v63, _, _ =	vpop (xrf0)  }
0x15d: {  	v35 =	vld [tilespmem:s29+$0xFFFF9FE0];
	s21 =	spop (v2sf);
	(v2sf) =	vpush v63, $0xF;
	v52, _, _ =	vpop (xrf0)  }
0x15e: {  	v17 =	vld [tilespmem:s29+$0xFFFFE800];
	s6 =	sadd.s32 $0x0, s21;
	s22 =	spop (v2sf);
	(v2sf) =	vpush v52, $0xF  }
0x15f: {  	v32 =	vld [tilespmem:s29+$0xFFFFAFE0];
	v25 =	vadd.s32 s6, v60;
	s6 =	sadd.s32 s6, s22  }
0x160: {  	v15 =	vld [tilespmem:s1+$0x17000];
	v30 =	vnsel vm0, $0x0, v57;
	vm14 =	vlt.s32 v25, $0xE6667;
	v25 =	vadd.s32 s6, v24  }
0x161: {  	v31 =	vld [tilespmem:s29+$0xFFFFB7E0];
	(xrf0) =	vadd.scan.msk.s32 $0xffff, v30;
	v30 =	vsel vm14, $0x1, v0;
	vm1 =	vlt.s32 v25, $0xE6667;
	s23 =	spop (v2sf)  }
0x162: {  	v16 =	vld [tilespmem:s29+$0xFFFFD7F0];
	v29 =	vnsel vm1, $0x0, v29;
	(xrf0) =	vadd.scan.msk.s32 $0xffff, v30;
	s6 =	sadd.s32 s6, s23  }
0x163: {  	v18 =	vld [tilespmem:s29+$0xFFFFDFE0];
	v30 =	vsel vm1, $0x1, v0;
	(xrf0) =	vadd.scan.msk.s32 $0xffff, v29;
	v39 =	vadd.s32 s6, v63  }
0x164: {  	v42 =	vld [tilespmem:s29+$0xFFFFB000];
	v37 =	vnsel vm14, $0x0, v37;
	(xrf0) =	vadd.scan.msk.s32 $0xffff, v30;
	vm15 =	vlt.s32 v39, $0xE6667  }
0x165: {  	v19 =	vld [tilespmem:s1+$0x16800];
	(xrf0) =	vadd.scan.msk.s32 $0xffff, v37;
	v59 =	vsel vm15, $0x1, v0  }
0x166: {  	v22 =	vld [tilespmem:s1+$0x16000];
	v36 =	vnsel vm15, $0x0, v62;
	(xrf0) =	vadd.scan.msk.s32 $0xffff, v59  }
0x167: {  	v20 =	vld [tilespmem:s29+$0xFFFFCFF0];
	v53, _, _ =	vpop (xrf0);
	(xrf0) =	vadd.scan.msk.s32 $0xffff, v36  }
0x168: {  	v56 =	vld [tilespmem:s29+$0xFFFF9000];
	(v2sf) =	vpush v53, $0xF;
	v55, _, _ =	vpop (xrf0)  }
0x169: {  	v21 =	vld [tilespmem:s29+$0xFFFFD7E0];
	(v2sf) =	vpush v55, $0xF;
	v57, _, _ =	vpop (xrf0)  }
0x16a: {  	v23 =	vld [tilespmem:s29+$0xFFFFC7F0];
	v58, _, _ =	vpop (xrf0);
	(v2sf) =	vpush v57, $0xF  }
0x16b: {  	v24 =	vld [tilespmem:s29+$0xFFFFCFE0];
	(v2sf) =	vpush v58, $0xF;
	v55, _, _ =	vpop (xrf0)  }
0x16c: {  	v25 =	vld [tilespmem:s1+$0x15800];
	s8 =	spop (v2sf);
	(v2sf) =	vpush v55, $0xF;
	v57, _, _ =	vpop (xrf0)  }
0x16d: {  	v60 =	vadd.s32 v61, v56;
	v61 =	vld [tilespmem:s29+$0xFFFF97F0];
	s9 =	spop (v2sf);
	(v2sf) =	vpush v57, $0xF;
	v59, _, _ =	vpop (xrf0)  }
0x16e: {  	v56 =	vld [tilespmem:s29+$0xFFFF87E0];
	(v2sf) =	vpush v59, $0xF  }
0x16f: {  	v29 =	vld [tilespmem:s29+$0xFFFFB7F0]  }
0x170: {  	v52 =	vld [tilespmem:s29+$0xFFFF87F0];
	v62 =	vadd.s32 v54, v60  }
0x171: {  	v63 =	vld [tilespmem:s29+$0xFFFF8FF0];
	v37 =	vadd.s32 v48, v62  }
0x172: {  	v54 =	vld [tilespmem:s29+$0xFFFF87D0];
	v37 =	vadd.s32 v46, v37  }
0x173: {  	v30 =	vld [tilespmem:s29+$0xFFFFBFE0];
	v37 =	vadd.s32 v42, v37  }
0x174: {  	v53 =	vld [tilespmem:s29+$0xFFFF8FE0];
	v37 =	vadd.s32 v45, v37  }
0x175: {  	v58 =	vld [tilespmem:s29+$0xFFFF97E0];
	v37 =	vadd.s32 v44, v37  }
0x176: {  	v36 =	vadd.s32 v52, v63;
	v43 =	vadd.s32 v43, v37;
	v37 =	vld [tilespmem:s1+$0x12800]  }
0x177: {  	s22 =	simm.s32 $0x4;
	v61 =	vadd.s32 v61, v36;
	v28 =	vadd.s32 v54, v28;
	v60 =	vadd.s32 v38, v43;
	v38 =	vld [tilespmem:s1+$0x13000];
	s10 =	spop (v2sf)  }
0x178: {  	s23 =	simm.s32 $0x180B0;
	v36 =	vld [tilespmem:s1+$0x13800];
	v62 =	vadd.s32 v47, v61;
	v27 =	vadd.s32 v27, v28;
	s21 =	sadd.s32 s6, s8;
	v39 =	vadd.s32 v41, v60;
	s12 =	spop (v2sf)  }
0x179: {  	v28 =	vadd.s32 v56, v53;
	v63 =	vadd.s32 v51, v62;
	s6 =	simm.s32 $0x80;
	s11 =	sadd.s32 $0x0, s9;
	v34 =	vadd.s32 v34, v39;
	v39 =	vld [tilespmem:s1+$0x14000];
	s8 =	spop (v2sf)  }
0x17a: {  	v26 =	vadd.s32 v26, v27;
	v27 =	vadd.s32 v58, v28;
	v40 =	vadd.s32 v50, v63;
	v41 =	vld [tilespmem:s1+$0x14800];
	s7 =	sadd.s32 $0x0, s10;
	s9 =	sadd.s32 s12, s11;
	s10 =	spop (v2sf)  }
.LBB2_7:
0x17b: {  	s11 =	sand.u32 $0x7C0, s6;
	v42 =	vld [tilespmem:s23+$0xFFFFC7E0];
	s22 =	sadd.s32 $0x4, s22;
	v26 =	vadd.s32 v37, v26;
	v28 =	vadd.s32 v35, v27;
	s12 =	spop (v2sf)  }
0x17c: {  	s9 =	sadd.s32 s10, s9;
	v27 =	vld [tilespmem:s11+$0x11000];
	v26 =	vadd.s32 v38, v26;
	v33 =	vadd.s32 v33, v28;
	s7 =	sadd.s32 s12, s7;
	s10 =	spop (v2sf)  }
0x17d: {  	v28 =	vld [tilespmem:s11+$0x11800];
	v35 =	vadd.s32 v36, v26;
	v32 =	vadd.s32 v32, v33;
	s7 =	sadd.s32 s8, s7;
	s8 =	sadd.s32 s10, s9;
	s9 =	spop (v2sf)  }
0x17e: {  	v17 =	vadd.s32 v17, v34;
	p1 =	slt.u32 s22, $0x7C;
	v26 =	vld [tilespmem:s11+$0x12000];
	v33 =	vadd.s32 v39, v35;
	v31 =	vadd.s32 v31, v32;
	s7 =	sadd.s32 s9, s7  }
0x17f: {  	v29 =	vadd.s32 v29, v40;
	v32 =	vld [tilespmem:s11+$0x15000];
	v33 =	vadd.s32 v41, v33;
	v30 =	vadd.s32 v30, v31  }
0x180: {  	v29 =	vadd.s32 v4, v29;
	v9 =	vadd.s32 v9, v33;
	v30 =	vadd.s32 v3, v30;
	v4 =	vld [tilespmem:s23+$0xFFFFBFF0];
	v3 =	vmovc v42  }
0x181: {  	v23 =	vadd.s32 v23, v29;
	v9 =	vadd.s32 v25, v9;
	v25 =	vld [tilespmem:s1+$0x18000];
	v24 =	vadd.s32 v24, v30;
	s1 =	smov.u32 s11  }
0x182: {  	v20 =	vadd.s32 v20, v23;
	v29 =	vadd.s32 v22, v9;
	v21 =	vadd.s32 v21, v24;
	v22 =	vld [tilespmem:s29+$0xFFFFFFE0]  }
0x183: {  	v16 =	vadd.s32 v16, v20;
	v23 =	vadd.s32 v19, v29;
	v18 =	vadd.s32 v18, v21;
	v19 =	vld [tilespmem:s29+$0xFFFFFFF0]  }
0x184: {  	v13 =	vadd.s32 v13, v16;
	v15 =	vadd.s32 v15, v23;
	v14 =	vadd.s32 v14, v18;
	v16 =	vld [tilespmem:s29+$0x0];
	v9 =	vmovc v32;
	s29 =	smov.u32 s23  }
0x185: {  	v10 =	vadd.s32 v10, v13;
	v18 =	vld [tilespmem:s23+$0xFFFFF800];
	v12 =	vadd.s32 v12, v15;
	v11 =	vadd.s32 v11, v14  }
0x186: {  	v7 =	vadd.s32 v7, v10;
	v13 =	vld [tilespmem:s23+$0xFFFFF000];
	v15 =	vadd.s32 v25, v12;
	v8 =	vadd.s32 v8, v11  }
0x187: {  	v6 =	vadd.s32 v6, v17;
	v25 =	vadd.s32 v22, v8;
	v8 =	vadd.s32 v5, v7;
	v5 =	vld [tilespmem:s23+$0xFFFFF7F0];
	(xrf0) =	vadd.scan.msk.s32 $0xffff, v15  }
0x188: {  	v6 =	vadd.s32 v2, v6;
	v7 =	vld [tilespmem:s23+$0xFFFFEFF0];
	v29 =	vadd.s32 v19, v8;
	(xrf0) =	vadd.scan.msk.s32 $0xffff, v25  }
0x189: {  	v8 =	vld [tilespmem:s23+$0xFFFFF7E0];
	v30 =	vadd.s32 v16, v6;
	(xrf0) =	vadd.scan.msk.s32 $0xffff, v29  }
0x18a: {  	v10 =	vld [tilespmem:s23+$0xFFFFE7F0];
	(xrf0) =	vadd.scan.msk.s32 $0xffff, v30;
	v2 =	vmov v18  }
0x18b: {  	v11 =	vld [tilespmem:s23+$0xFFFFEFE0];
	v6 =	vmov v13  }
0x18c: {  	v12 =	vld [tilespmem:s1+$0x17800]  }
0x18d: {  	v13 =	vld [tilespmem:s23+$0xFFFFDFF0];
	v16, _, _ =	vpop (xrf0)  }
0x18e: {  	v14 =	vld [tilespmem:s23+$0xFFFFE7E0];
	v17 =	vadd.s32 s21, v16;
	(v2sf) =	vpush v16, $0xF;
	v23, _, _ =	vpop (xrf0)  }
0x18f: {  	v34 =	vld [tilespmem:s23+$0xFFFFE000];
	vm0 =	vlt.s32 v17, $0xE6667;
	(v2sf) =	vpush v23, $0xF;
	v24, _, _ =	vpop (xrf0)  }
0x190: {  	v36 =	vld [tilespmem:s23+$0xFFFFD800];
	v16 =	vsel vm0, $0x1, v0;
	v15 =	vnsel vm0, $0x0, v15;
	(v2sf) =	vpush v24, $0xF;
	v31, _, _ =	vpop (xrf0)  }
0x191: {  	v37 =	vld [tilespmem:s23+$0xFFFFC800];
	(xrf0) =	vadd.scan.msk.s32 $0xffff, v16;
	(v2sf) =	vpush v31, $0xF  }
0x192: {  	v38 =	vld [tilespmem:s23+$0xFFFFC000];
	(xrf0) =	vadd.scan.msk.s32 $0xffff, v15  }
0x193: {  	v15 =	vld [tilespmem:s1+$0x17000]  }
0x194: {  	v17 =	vld [tilespmem:s23+$0xFFFFE800]  }
0x195: {  	v16 =	vld [tilespmem:s23+$0xFFFFD7F0]  }
0x196: {  	v18 =	vld [tilespmem:s23+$0xFFFFDFE0]  }
0x197: {  	v39 =	vld [tilespmem:s23+$0xFFFFB800];
	v19, _, _ =	vpop (xrf0)  }
0x198: {  	v40 =	vld [tilespmem:s23+$0xFFFFB000];
	(v2sf) =	vpush v19, $0xF;
	v19, _, _ =	vpop (xrf0)  }
0x199: {  	v41 =	vld [tilespmem:s23+$0xFFFFA800];
	(v2sf) =	vpush v19, $0xF  }
0x19a: {  	v42 =	vld [tilespmem:s23+$0xFFFF8800]  }
0x19b: {  	v43 =	vld [tilespmem:s23+$0xFFFFA000]  }
0x19c: {  	v19 =	vld [tilespmem:s1+$0x16800]  }
0x19d: {  	v20 =	vld [tilespmem:s23+$0xFFFFCFF0];
	s9 =	spop (v2sf)  }
0x19e: {  	v21 =	vld [tilespmem:s23+$0xFFFFD7E0];
	s9 =	sadd.s32 s21, s9;
	s10 =	spop (v2sf)  }
0x19f: {  	v22 =	vld [tilespmem:s1+$0x16000];
	v32 =	vadd.s32 s9, v23;
	s9 =	sadd.s32 s9, s10;
	s10 =	spop (v2sf)  }
0x1a0: {  	v23 =	vld [tilespmem:s23+$0xFFFFC7F0];
	vm0 =	vlt.s32 v32, $0xE6667;
	v32 =	vadd.s32 s9, v24;
	s9 =	sadd.s32 s9, s10;
	s10 =	spop (v2sf)  }
0x1a1: {  	v24 =	vld [tilespmem:s23+$0xFFFFCFE0];
	v33 =	vsel vm0, $0x1, v0;
	v35 =	vnsel vm0, $0x0, v25;
	vm0 =	vlt.s32 v32, $0xE6667;
	s21 =	sadd.s32 s9, s10  }
0x1a2: {  	v31 =	vadd.s32 s9, v31;
	v25 =	vld [tilespmem:s1+$0x15800];
	v32 =	vsel vm0, $0x1, v0;
	v29 =	vnsel vm0, $0x0, v29;
	(xrf0) =	vadd.scan.msk.s32 $0xffff, v33  }
0x1a3: {  	vm0 =	vlt.s32 v31, $0xE6667;
	v44 =	vld [tilespmem:s23+$0xFFFFD000];
	(xrf0) =	vadd.scan.msk.s32 $0xffff, v29  }
0x1a4: {  	v33 =	vsel vm0, $0x1, v0;
	v45 =	vnsel vm0, $0x0, v30;
	v29 =	vld [tilespmem:s23+$0xFFFFB7F0];
	(xrf0) =	vadd.scan.msk.s32 $0xffff, v32  }
0x1a5: {  	v30 =	vld [tilespmem:s23+$0xFFFFBFE0];
	(xrf0) =	vadd.scan.msk.s32 $0xffff, v35  }
0x1a6: {  	v31 =	vld [tilespmem:s23+$0xFFFFB7E0];
	(xrf0) =	vadd.scan.msk.s32 $0xffff, v33  }
0x1a7: {  	v32 =	vld [tilespmem:s23+$0xFFFFAFE0];
	s9 =	spop (v2sf);
	(xrf0) =	vadd.scan.msk.s32 $0xffff, v45  }
0x1a8: {  	v45 =	vld [tilespmem:s23+$0xFFFF9800];
	s10 =	spop (v2sf);
	v33, _, _ =	vpop (xrf0)  }
0x1a9: {  	v46 =	vld [tilespmem:s23+$0xFFFF9000];
	(v2sf) =	vpush v33, $0xF;
	v35, _, _ =	vpop (xrf0)  }
0x1aa: {  	v33 =	vld [tilespmem:s23+$0xFFFFA7E0];
	v47, _, _ =	vpop (xrf0);
	(v2sf) =	vpush v35, $0xF  }
0x1ab: {  	v35 =	vld [tilespmem:s23+$0xFFFF9FE0];
	v48, _, _ =	vpop (xrf0);
	(v2sf) =	vpush v47, $0xF  }
0x1ac: {  	v47 =	vld [tilespmem:s23+$0xFFFFAFF0];
	(v2sf) =	vpush v48, $0xF;
	v48, _, _ =	vpop (xrf0)  }
0x1ad: {  	v49 =	vld [tilespmem:s23+$0xFFFFA7F0];
	(v2sf) =	vpush v48, $0xF;
	v48, _, _ =	vpop (xrf0)  }
0x1ae: {  	v50 =	vld [tilespmem:s23+$0xFFFF9FF0];
	v42 =	vadd.s32 v42, v46;
	(v2sf) =	vpush v48, $0xF  }
0x1af: {  	v46 =	vld [tilespmem:s23+$0xFFFF97F0];
	v42 =	vadd.s32 v45, v42  }
0x1b0: {  	v45 =	vld [tilespmem:s23+$0xFFFF8FF0];
	v42 =	vadd.s32 v43, v42  }
0x1b1: {  	v43 =	vld [tilespmem:s23+$0xFFFF87F0];
	v41 =	vadd.s32 v41, v42  }
0x1b2: {  	v42 =	vld [tilespmem:s23+$0xFFFF8FE0];
	v40 =	vadd.s32 v40, v41  }
0x1b3: {  	v41 =	vld [tilespmem:s23+$0xFFFF87D0];
	v39 =	vadd.s32 v39, v40  }
0x1b4: {  	v40 =	vld [tilespmem:s23+$0xFFFF87E0];
	v38 =	vadd.s32 v38, v39  }
0x1b5: {  	v48 =	vld [tilespmem:s23+$0xFFFF97E0];
	v38 =	vadd.s32 v37, v38  }
.Ltmp5:
0x1b6: {  	v37 =	vld [tilespmem:s1+$0x12800];
	v39 =	vadd.s32 v43, v45;
	v43 =	vadd.s32 v44, v38;
	(pc) =	sbr.rel @p1 .LBB2_7-.Ltmp5, $4  }
0x1b7: {  	v38 =	vld [tilespmem:s1+$0x13000];
	v39 =	vadd.s32 v46, v39;
	v43 =	vadd.s32 v36, v43  }
0x1b8: {  	s8 =	sadd.s32 s8, s9;
	v27 =	vadd.s32 v41, v27;
	v36 =	vld [tilespmem:s1+$0x13800];
	v41 =	vadd.s32 v50, v39;
	v34 =	vadd.s32 v34, v43;
	s9 =	spop (v2sf)  }
0x1b9: {  	s23 =	sadd.s32 $0x40, s23;
	v27 =	vadd.s32 v28, v27;
	v39 =	vld [tilespmem:s1+$0x14000];
	v28 =	vadd.s32 v40, v42;
	v40 =	vadd.s32 v49, v41;
	s9 =	sadd.s32 s9, s8;
	s8 =	spop (v2sf)  }
0x1ba: {  	s6 =	sadd.s32 $0x40, s6;
	s7 =	sadd.s32 s7, s10;
	v26 =	vadd.s32 v26, v27;
	v41 =	vld [tilespmem:s1+$0x14800];
	v27 =	vadd.s32 v48, v28;
	v40 =	vadd.s32 v47, v40;
	s10 =	spop (v2sf)  }
0x1bb: {  	v26 =	vadd.s32 v37, v26;
	v27 =	vadd.s32 v35, v27  }
0x1bc: {  	v26 =	vadd.s32 v38, v26;
	v27 =	vadd.s32 v33, v27  }
0x1bd: {  	v26 =	vadd.s32 v36, v26;
	v27 =	vadd.s32 v32, v27  }
0x1be: {  	v26 =	vadd.s32 v39, v26;
	v27 =	vadd.s32 v31, v27  }
0x1bf: {  	v26 =	vadd.s32 v41, v26;
	v27 =	vadd.s32 v30, v27  }
0x1c0: {  	v9 =	vadd.s32 v9, v26;
	v3 =	vadd.s32 v3, v27  }
0x1c1: {  	v48 =	vadd.s32 v29, v40;
	v49 =	vld [tilespmem:s1+$0x18000];
	v9 =	vadd.s32 v25, v9;
	v3 =	vadd.s32 v24, v3  }
0x1c2: {  	v50 =	vld [tilespmem:s29+$0xFFFFFFE0];
	v4 =	vadd.s32 v4, v48;
	v9 =	vadd.s32 v22, v9;
	v3 =	vadd.s32 v21, v3  }
0x1c3: {  	v4 =	vadd.s32 v23, v4;
	v9 =	vadd.s32 v19, v9;
	v3 =	vadd.s32 v18, v3  }
0x1c4: {  	v4 =	vadd.s32 v20, v4;
	v9 =	vadd.s32 v15, v9;
	v3 =	vadd.s32 v14, v3  }
0x1c5: {  	v51 =	vld [tilespmem:s29+$0xFFFFFFF0];
	v4 =	vadd.s32 v16, v4;
	v9 =	vadd.s32 v12, v9;
	v3 =	vadd.s32 v11, v3  }
0x1c6: {  	v4 =	vadd.s32 v13, v4;
	v9 =	vadd.s32 v49, v9;
	v3 =	vadd.s32 v8, v3  }
0x1c7: {  	v4 =	vadd.s32 v10, v4;
	v3 =	vadd.s32 v50, v3;
	(xrf0) =	vadd.scan.msk.s32 $0xffff, v9  }
0x1c8: {  	v4 =	vadd.s32 v7, v4;
	(xrf0) =	vadd.scan.msk.s32 $0xffff, v3  }
0x1c9: {  	v4 =	vadd.s32 v5, v4  }
0x1ca: {  	v4 =	vadd.s32 v51, v4  }
0x1cb: {  	(xrf0) =	vadd.scan.msk.s32 $0xffff, v4;
	_ =	sdelay $0x1  }
0x1cc: {  	v52, _, _ =	vpop (xrf0)  }
0x1cd: {  	(v2sf) =	vpush v52, $0xF;
	v53, _, _ =	vpop (xrf0)  }
0x1ce: {  	(v2sf) =	vpush v53, $0xF;
	_ =	sdelay $0x1  }
0x1cf: {  	v54, _, _ =	vpop (xrf0)  }
0x1d0: {  	(v2sf) =	vpush v54, $0xF;
	_ =	sdelay $0x3  }
0x1d1: {  	v55 =	vld [tilespmem:s29+$0x0];
	_ =	sdelay $0x1  }
0x1d2: {  	v56 =	vadd.s32 v17, v34  }
0x1d3: {  	v6 =	vadd.s32 v6, v56  }
0x1d4: {  	s1 =	spop (v2sf);
	v2 =	vadd.s32 v2, v6  }
0x1d5: {  	s6 =	spop (v2sf);
	v2 =	vadd.s32 v55, v2  }
0x1d6: {  	s11 =	spop (v2sf);
	(xrf0) =	vadd.scan.msk.s32 $0xffff, v2  }
0x1d7: {  	v5 =	vadd.s32 s21, v52;
	s12 =	spop (v2sf)  }
0x1d8: {  	vm0 =	vlt.s32 v5, $0xE6667;
	s12 =	sadd.s32 s21, s12;
	s23 =	spop (v2sf)  }
0x1d9: {  	v5 =	vsel vm0, $0x1, v0;
	v57 =	vadd.s32 s12, v53;
	s12 =	sadd.s32 s12, s23  }
0x1da: {  	v58 =	vnsel vm0, $0x0, v9;
	(xrf0) =	vadd.scan.msk.s32 $0xffff, v5;
	vm14 =	vlt.s32 v57, $0xE6667;
	v59 =	vadd.s32 s12, v54  }
0x1db: {  	(xrf0) =	vadd.scan.msk.s32 $0xffff, v58;
	s29 =	spop (v2sf);
	v6 =	vsel vm14, $0x1, v0;
	vm1 =	vlt.s32 v59, $0xE6667  }
0x1dc: {  	v60, _, _ =	vpop (xrf0);
	s12 =	sadd.s32 s12, s29;
	v4 =	vnsel vm1, $0x0, v4;
	(xrf0) =	vadd.scan.msk.s32 $0xffff, v6  }
0x1dd: {  	v62 =	vadd.s32 s12, v60;
	v3 =	vnsel vm14, $0x0, v3;
	v61 =	vsel vm1, $0x1, v0;
	(xrf0) =	vadd.scan.msk.s32 $0xffff, v4  }
0x1de: {  	vm15 =	vlt.s32 v62, $0xE6667;
	(xrf0) =	vadd.scan.msk.s32 $0xffff, v61  }
0x1df: {  	v63 =	vsel vm15, $0x1, v0;
	v2 =	vnsel vm15, $0x0, v2;
	(xrf0) =	vadd.scan.msk.s32 $0xffff, v3  }
0x1e0: {  	(v2sf) =	vpush v60, $0xF;
	v3, _, _ =	vpop (xrf0);
	(xrf0) =	vadd.scan.msk.s32 $0xffff, v63  }
0x1e1: {  	(v2sf) =	vpush v3, $0xF;
	v3, _, _ =	vpop (xrf0);
	(xrf0) =	vadd.scan.msk.s32 $0xffff, v2  }
0x1e2: {  	(v2sf) =	vpush v3, $0xF;
	v2, _, _ =	vpop (xrf0)  }
0x1e3: {  	(v2sf) =	vpush v2, $0xF;
	v2, _, _ =	vpop (xrf0)  }
0x1e4: {  	v3, _, _ =	vpop (xrf0);
	(v2sf) =	vpush v2, $0xF  }
0x1e5: {  	v2, _, _ =	vpop (xrf0);
	(v2sf) =	vpush v3, $0xF  }
0x1e6: {  	(v2sf) =	vpush v2, $0xF;
	v2, _, _ =	vpop (xrf0)  }
0x1e7: {  	(v2sf) =	vpush v2, $0xF;
	v2, _, _ =	vpop (xrf0)  }
0x1e8: {  	(v2sf) =	vpush v2, $0xF;
	_ =	sdelay $0x6  }
0x1e9: {  	s21 =	spop (v2sf)  }
0x1ea: {  	s12 =	spop (v2sf)  }
0x1eb: {  	s22 =	spop (v2sf)  }
0x1ec: {  	s1 =	sadd.s32 s1, s7;
	s23 =	sadd.s32 s10, s9;
	s29 =	spop (v2sf)  }
0x1ed: {  	s1 =	sadd.s32 s8, s1;
	s6 =	sadd.s32 s6, s23;
	s10 =	spop (v2sf)  }
0x1ee: {  	s1 =	sadd.s32 s11, s1;
	s6 =	sadd.s32 s6, s12;
	s12 =	spop (v2sf)  }
0x1ef: {  	s1 =	sadd.s32 s1, s22;
	s6 =	sadd.s32 s29, s6;
	s22 =	spop (v2sf)  }
0x1f0: {  	s6 =	sadd.s32 s12, s6;
	s1 =	sadd.s32 s22, s1;
	s23 =	spop (v2sf)  }
0x1f1: {  	s1 =	sadd.s32 s10, s1;
	s6 =	sadd.s32 s23, s6;
	s29 =	spop (v2sf)  }
0x1f2: {  	s1 =	sadd.s32 s29, s1;
	v2 =	vmov s6  }
0x1f3: {  	[tilespmem:$0x18800] =	vst v2;
	v2 =	vmov s1  }
0x1f4: {  	[tilespmem:$0x18880] =	vst v2  }
0x1f5: {  	[spmem:s2] =	stream.linear.scatter [tilespmem:s31], [sflag:$0x2], $0x80, $0x38;
	[tilespmem:$0x19110] =	vst v63  }
0x1f6: {  	_ =	swait.ge [sflag:s24], $0x80  }
0x1f7: {  	[sflag:s24] =	ssyncset.done $0x0  }
0x1f8: {  	[sflag:s24] =	ssyncadd.s32 $0xFFFFFF80  }
0x1f9: {  	[spmem:s3] =	stream.linear.scatter [tilespmem:s0], [sflag:$0x2], $0x80, $0x38;
	[tilespmem:$0x19110] =	vst v63  }
0x1fa: {  	_ =	swait.ge [sflag:s24], $0x80  }
0x1fb: {  	[sflag:s24] =	ssyncset.done $0x0  }
0x1fc: {  	[sflag:s24] =	ssyncadd.s32 $0xFFFFFF80  }
.LBB2_9:
0x1fd: {  	[bflag:$0x0] =	sbarrier.arrive $0xFFFF  }
0x1fe: {  	[tilespmem:s31], [sflag:$0x2] =	stream.linear.gather [spmem:s2], $0x80, $0x38;
	[tilespmem:$0x19110] =	vst v63  }
0x1ff: {  	_ =	swait.ge [sflag:s24], $0x80  }
0x200: {  	[sflag:s24] =	ssyncset.done $0x0  }
0x201: {  	[sflag:s24] =	ssyncadd.s32 $0xFFFFFF80  }
0x202: {  	[tilespmem:s0], [sflag:$0x2] =	stream.linear.gather [spmem:s3], $0x80, $0x38;
	[tilespmem:$0x19110] =	vst v63  }
0x203: {  	_ =	swait.ge [sflag:s24], $0x80  }
0x204: {  	[sflag:s24] =	ssyncset.done $0x0  }
0x205: {  	[sflag:s24] =	ssyncadd.s32 $0xFFFFFF80  }
0x206: {  	s1 =	simm.s32 $0x10040;
	v3 =	vld [tilespmem:$0x18800]  }
0x207: {  	v2 =	vld [tilespmem:$0x18880];
	[tilespmem:s1+$0xFFFFFFC0] =	vst v0  }
0x208: {  	[tilespmem:s1+$0x30] =	vst v0  }
0x209: {  	[tilespmem:s1+$0x20] =	vst v0  }
0x20a: {  	[tilespmem:s1+$0x10] =	vst v0  }
0x20b: {  	[tilespmem:s1+$0x0] =	vst v0  }
0x20c: {  	[tilespmem:s1+$0xFFFFFFF0] =	vst v0  }
0x20d: {  	s6 =	simm.s32 $0x0;
	[tilespmem:s1+$0xFFFFFFE0] =	vst v0  }
.LBB2_10:
0x20e: {  	s6 =	sadd.s32 $0x8, s6;
	[tilespmem:s1+$0xFFFFFFD0] =	vst v0;
	s1 =	sadd.s32 $0x80, s1  }
0x20f: {  	[tilespmem:s1+$0xFFFFFFC0] =	vst v0;
	p1 =	slt.u32 s6, $0x78  }
0x210: {  	[tilespmem:s1+$0x30] =	vst v0  }
.Ltmp6:
0x211: {  	[tilespmem:s1+$0x20] =	vst v0;
	(pc) =	sbr.rel @p1 .LBB2_10-.Ltmp6, $4  }
0x212: {  	[tilespmem:s1+$0x10] =	vst v0  }
0x213: {  	[tilespmem:s1+$0x0] =	vst v0  }
0x214: {  	[tilespmem:s1+$0xFFFFFFF0] =	vst v0  }
0x215: {  	[tilespmem:s1+$0xFFFFFFE0] =	vst v0  }
0x216: {  	[tilespmem:s1+$0xFFFFFFD0] =	vst v0;
	s6 =	simm.s32 $0x40  }
0x217: {  	v4 =	vld [tilespmem:s6+$0xFFFFFFC0]  }
0x218: {  	v5 =	vld [tilespmem:s6+$0x10]  }
0x219: {  	v6 =	vld [tilespmem:s6+$0x30]  }
0x21a: {  	v7 =	vld [tilespmem:s6+$0xFFFFFFF0]  }
0x21b: {  	v11 =	vld [tilespmem:s6+$0x0];
	_ =	sdelay $0x1  }
0x21c: {  	v4 =	vand.u32 $0x7FFFFFFF, v4;
	v5 =	vand.u32 $0x7FFFFFFF, v5  }
0x21d: {  	v10 =	vand.u32 $0x7FFFFFFF, v6;
	v8 =	vshrl.u32 v4, $0x9;
	v4 =	vshrl.u32 v4, $0x14  }
0x21e: {  	v7 =	vand.u32 $0x7FFFFFFF, v7;
	v9 =	vshrl.u32 v5, $0x14;
	vm2 =	veq.s32 v4, v3;
	v4 =	vld [tilespmem:s6+$0xFFFFFFD0]  }
0x21f: {  	v11 =	vand.u32 $0x7FFFFFFF, v11;
	v6 =	vand.u32 $0x7FF, v8;
	vm3 =	veq.s32 v9, v3;
	v9 =	vld [tilespmem:s6+$0x20]  }
0x220: {  	v5 =	vshrl.u32 v5, $0x9;
	v12 =	vshrl.u32 v10, $0x9;
	v13 =	vshrl.u32 v7, $0x14  }
0x221: {  	v8 =	vshrl.u32 v10, $0x14;
	v10 =	vshrl.u32 v7, $0x9;
	v7 =	vand.u32 $0x7FF, v5  }
0x222: {  	s1 =	simm.s32 $0x0;
	vm1 =	veq.s32 v13, v3;
	v5 =	vand.u32 $0x7FF, v12;
	vm0 =	veq.s32 v8, v3;
	v8 =	vld [tilespmem:s6+$0xFFFFFFE0];
	s6 =	simm.s32 $0xC0  }
.LBB2_12:
0x223: {  	v12 =	vld [tilespmem:s6+$0x30];
	s1 =	sadd.s32 $0x8, s1;
	v10 =	vand.u32 $0x7FF, v10;
	v13 =	vshrl.u32 v11, $0x9  }
0x224: {  	v4 =	vand.u32 $0x7FFFFFFF, v4;
	p1 =	slt.u32 s1, $0xFF8;
	[tilespmem:v6+s25+$0x0] =	vst.idx.add.s32.msk vm2, v1;
	v6 =	vshrl.u32 v11, $0x14;
	v9 =	vand.u32 $0x7FFFFFFF, v9  }
0x225: {  	v11 =	vld [tilespmem:s6+$0xFFFFFFC0];
	vm4 =	veq.s32 v6, v3;
	v6 =	vand.u32 $0x7FF, v13;
	v13 =	vshrl.u32 v9, $0x14  }
0x226: {  	v14 =	vshrl.u32 v4, $0x9;
	v15 =	vshrl.u32 v4, $0x14;
	[tilespmem:v7+s25+$0x0] =	vst.idx.add.s32.msk vm3, v1;
	vm2 =	veq.s32 v13, v3  }
0x227: {  	v9 =	vshrl.u32 v9, $0x9;
	v13 =	vand.u32 $0x7FF, v14;
	v7 =	vld [tilespmem:s6+$0x10];
	v8 =	vand.u32 $0x7FFFFFFF, v8  }
0x228: {  	v9 =	vand.u32 $0x7FF, v9;
	v4 =	vld [tilespmem:s6+$0xFFFFFFD0];
	v14 =	vshrl.u32 v8, $0x9;
	v8 =	vshrl.u32 v8, $0x14  }
0x229: {  	vm5 =	veq.s32 v15, v3;
	vm6 =	veq.s32 v8, v3;
	[tilespmem:v10+s25+$0x0] =	vst.idx.add.s32.msk vm1, v1  }
0x22a: {  	v10 =	vand.u32 $0x7FF, v14;
	v8 =	vld [tilespmem:s6+$0xFFFFFFF0]  }
0x22b: {  	v11 =	vand.u32 $0x7FFFFFFF, v11;
	[tilespmem:v5+s25+$0x0] =	vst.idx.add.s32.msk vm0, v1  }
0x22c: {  	v5 =	vshrl.u32 v11, $0x9;
	v14 =	vld [tilespmem:s6+$0x0];
	v7 =	vand.u32 $0x7FFFFFFF, v7  }
0x22d: {  	v12 =	vand.u32 $0x7FFFFFFF, v12;
	v11 =	vshrl.u32 v11, $0x14;
	v15 =	vshrl.u32 v7, $0x14;
	[tilespmem:v9+s25+$0x0] =	vst.idx.add.s32.msk vm2, v1  }
.Ltmp7:
0x22e: {  	v16 =	vshrl.u32 v12, $0x9;
	vm2 =	veq.s32 v11, v3;
	v7 =	vshrl.u32 v7, $0x9;
	[tilespmem:v6+s25+$0x0] =	vst.idx.add.s32.msk vm4, v1;
	(pc) =	sbr.rel @p1 .LBB2_12-.Ltmp7, $4  }
0x22f: {  	v6 =	vand.u32 $0x7FF, v5;
	v5 =	vand.u32 $0x7FFFFFFF, v8;
	v9 =	vld [tilespmem:s6+$0x20]  }
0x230: {  	vm3 =	veq.s32 v15, v3;
	v8 =	vshrl.u32 v12, $0x14;
	v11 =	vshrl.u32 v5, $0x14;
	[tilespmem:v10+s25+$0x0] =	vst.idx.add.s32.msk vm6, v1  }
0x231: {  	v7 =	vand.u32 $0x7FF, v7;
	v10 =	vshrl.u32 v5, $0x9;
	vm0 =	veq.s32 v8, v3;
	[tilespmem:v13+s25+$0x0] =	vst.idx.add.s32.msk vm5, v1  }
0x232: {  	v5 =	vand.u32 $0x7FF, v16;
	vm1 =	veq.s32 v11, v3;
	v11 =	vand.u32 $0x7FFFFFFF, v14;
	v8 =	vld [tilespmem:s6+$0xFFFFFFE0];
	s6 =	sadd.s32 $0x80, s6  }
0x233: {  	v10 =	vand.u32 $0x7FF, v10  }
0x234: {  	v12 =	vshrl.u32 v11, $0x9;
	v58 =	vshrl.u32 v11, $0x14;
	v4 =	vand.u32 $0x7FFFFFFF, v4  }
0x235: {  	v9 =	vand.u32 $0x7FFFFFFF, v9;
	vm4 =	veq.s32 v58, v3;
	v60 =	vand.u32 $0x7FF, v12  }
0x236: {  	v62 =	vshrl.u32 v4, $0x14;
	v4 =	vshrl.u32 v4, $0x9;
	v59 =	vshrl.u32 v9, $0x14  }
0x237: {  	v9 =	vshrl.u32 v9, $0x9;
	vm15 =	veq.s32 v62, v3;
	v8 =	vand.u32 $0x7FFFFFFF, v8  }
0x238: {  	[tilespmem:v6+s25+$0x0] =	vst.idx.add.s32.msk vm2, v1;
	v4 =	vand.u32 $0x7FF, v4;
	vm5 =	veq.s32 v59, v3;
	v61 =	vshrl.u32 v8, $0x14  }
0x239: {  	[tilespmem:v7+s25+$0x0] =	vst.idx.add.s32.msk vm3, v1;
	v9 =	vand.u32 $0x7FF, v9;
	v8 =	vshrl.u32 v8, $0x9;
	vm14 =	veq.s32 v61, v3  }
0x23a: {  	[tilespmem:v5+s25+$0x0] =	vst.idx.add.s32.msk vm0, v1;
	v63 =	vand.u32 $0x7FF, v8  }
0x23b: {  	[tilespmem:v10+s25+$0x0] =	vst.idx.add.s32.msk vm1, v1  }
0x23c: {  	[tilespmem:v60+s25+$0x0] =	vst.idx.add.s32.msk vm4, v1  }
0x23d: {  	[tilespmem:v4+s25+$0x0] =	vst.idx.add.s32.msk vm15, v1  }
0x23e: {  	[tilespmem:v9+s25+$0x0] =	vst.idx.add.s32.msk vm5, v1  }
0x23f: {  	[tilespmem:v63+s25+$0x0] =	vst.idx.add.s32.msk vm14, v1  }
0x240: {  	[spmem:s5] =	stream.strided.scatter [tilespmem:s25], [sflag:$0x2], $0x800, s28, s26, $0x38;
	[tilespmem:$0x19110] =	vst v63  }
.Ltmp8:
0x241: {  	_ =	swait.ge [sflag:s24], $0x800;
	(pc) =	sbr.rel @p0 .LBB2_17-.Ltmp8, $4  }
0x242: {  	[sflag:s24] =	ssyncset.done $0x0  }
0x243: {  	[sflag:s24] =	ssyncadd.s32 $0xFFFFF800  }
0x244: {  	[bflag:$0x0] =	sbarrier.arrive $0xFFFF  }
0x245: {  	v2 =	vsub.s32 $0xE6666, v2  }
0x246: {  	s1 =	rddreg [dreg:$0x2];
	s6 =	simm.s32 $0x10800  }
0x247: {  	[tilespmem:s6], [sflag:$0x1] =	stream.strided.gather [spmem:s1], $0x800, s28, s26, $0x38;
	[tilespmem:$0x19110] =	vst v63  }
0x248: {  	s8 =	rddreg [dreg:$0x6];
	s9 =	simm.s32 $0x11000  }
0x249: {  	[tilespmem:s9], [sflag:$0x1] =	stream.strided.gather [spmem:s8], $0x800, s28, s26, $0x38;
	[tilespmem:$0x19110] =	vst v63  }
0x24a: {  	s10 =	rddreg [dreg:$0x7];
	s11 =	simm.s32 $0x11800  }
0x24b: {  	[tilespmem:s11], [sflag:$0x1] =	stream.strided.gather [spmem:s10], $0x800, s28, s26, $0x38;
	[tilespmem:$0x19110] =	vst v63  }
0x24c: {  	s12 =	rddreg [dreg:$0x8];
	s21 =	simm.s32 $0x12000  }
0x24d: {  	[tilespmem:s21], [sflag:$0x1] =	stream.strided.gather [spmem:s12], $0x800, s28, s26, $0x38;
	[tilespmem:$0x19110] =	vst v63  }
0x24e: {  	s22 =	rddreg [dreg:$0x9];
	s23 =	simm.s32 $0x12800  }
0x24f: {  	[tilespmem:s23], [sflag:$0x1] =	stream.strided.gather [spmem:s22], $0x800, s28, s26, $0x38;
	[tilespmem:$0x19110] =	vst v63  }
0x250: {  	s7 =	rddreg [dreg:$0xa];
	s8 =	simm.s32 $0x13000  }
0x251: {  	[tilespmem:s8], [sflag:$0x1] =	stream.strided.gather [spmem:s7], $0x800, s28, s26, $0x38;
	[tilespmem:$0x19110] =	vst v63  }
0x252: {  	s9 =	rddreg [dreg:$0xb];
	s10 =	simm.s32 $0x13800  }
0x253: {  	[tilespmem:s10], [sflag:$0x1] =	stream.strided.gather [spmem:s9], $0x800, s28, s26, $0x38;
	[tilespmem:$0x19110] =	vst v63  }
0x254: {  	s11 =	rddreg [dreg:$0xc];
	s12 =	simm.s32 $0x14000  }
0x255: {  	[tilespmem:s12], [sflag:$0x1] =	stream.strided.gather [spmem:s11], $0x800, s28, s26, $0x38;
	[tilespmem:$0x19110] =	vst v63  }
0x256: {  	s21 =	simm.s32 $0x14800  }
0x257: {  	[tilespmem:s21], [sflag:$0x1] =	stream.strided.gather [spmem:s13], $0x800, s28, s26, $0x38;
	[tilespmem:$0x19110] =	vst v63  }
0x258: {  	s22 =	simm.s32 $0x15000  }
0x259: {  	[tilespmem:s22], [sflag:$0x1] =	stream.strided.gather [spmem:s14], $0x800, s28, s26, $0x38;
	[tilespmem:$0x19110] =	vst v63  }
0x25a: {  	s23 =	simm.s32 $0x15800  }
0x25b: {  	[tilespmem:s23], [sflag:$0x1] =	stream.strided.gather [spmem:s15], $0x800, s28, s26, $0x38;
	[tilespmem:$0x19110] =	vst v63  }
0x25c: {  	s6 =	simm.s32 $0x16000  }
0x25d: {  	[tilespmem:s6], [sflag:$0x1] =	stream.strided.gather [spmem:s16], $0x800, s28, s26, $0x38;
	[tilespmem:$0x19110] =	vst v63  }
0x25e: {  	s7 =	simm.s32 $0x16800  }
0x25f: {  	[tilespmem:s7], [sflag:$0x1] =	stream.strided.gather [spmem:s17], $0x800, s28, s26, $0x38;
	[tilespmem:$0x19110] =	vst v63  }
0x260: {  	s8 =	simm.s32 $0x17000  }
0x261: {  	[tilespmem:s8], [sflag:$0x1] =	stream.strided.gather [spmem:s18], $0x800, s28, s26, $0x38;
	[tilespmem:$0x19110] =	vst v63  }
0x262: {  	s9 =	simm.s32 $0x17800  }
0x263: {  	[tilespmem:s9], [sflag:$0x1] =	stream.strided.gather [spmem:s19], $0x800, s28, s26, $0x38;
	[tilespmem:$0x19110] =	vst v63  }
0x264: {  	s10 =	simm.s32 $0x18000  }
0x265: {  	[tilespmem:s10], [sflag:$0x1] =	stream.strided.gather [spmem:s20], $0x800, s28, s26, $0x38;
	[tilespmem:$0x19110] =	vst v63  }
0x266: {  	_ =	swait.ge [sflag:s30], $0x800  }
0x267: {  	[sflag:s30] =	ssyncset.done $0x0  }
0x268: {  	[sflag:s30] =	ssyncadd.s32 $0xFFFFF800  }
0x269: {  	_ =	swait.ge [sflag:s30], $0x800  }
0x26a: {  	[sflag:s30] =	ssyncset.done $0x0  }
0x26b: {  	[sflag:s30] =	ssyncadd.s32 $0xFFFFF800  }
0x26c: {  	_ =	swait.ge [sflag:s30], $0x800  }
0x26d: {  	[sflag:s30] =	ssyncset.done $0x0  }
0x26e: {  	[sflag:s30] =	ssyncadd.s32 $0xFFFFF800  }
0x26f: {  	_ =	swait.ge [sflag:s30], $0x800  }
0x270: {  	[sflag:s30] =	ssyncset.done $0x0  }
0x271: {  	[sflag:s30] =	ssyncadd.s32 $0xFFFFF800  }
0x272: {  	_ =	swait.ge [sflag:s30], $0x800  }
0x273: {  	[sflag:s30] =	ssyncset.done $0x0  }
0x274: {  	[sflag:s30] =	ssyncadd.s32 $0xFFFFF800  }
0x275: {  	_ =	swait.ge [sflag:s30], $0x800  }
0x276: {  	[sflag:s30] =	ssyncset.done $0x0  }
0x277: {  	[sflag:s30] =	ssyncadd.s32 $0xFFFFF800  }
0x278: {  	_ =	swait.ge [sflag:s30], $0x800  }
0x279: {  	[sflag:s30] =	ssyncset.done $0x0  }
0x27a: {  	[sflag:s30] =	ssyncadd.s32 $0xFFFFF800  }
0x27b: {  	_ =	swait.ge [sflag:s30], $0x800  }
0x27c: {  	[sflag:s30] =	ssyncset.done $0x0  }
0x27d: {  	[sflag:s30] =	ssyncadd.s32 $0xFFFFF800  }
0x27e: {  	_ =	swait.ge [sflag:s30], $0x800  }
0x27f: {  	[sflag:s30] =	ssyncset.done $0x0  }
0x280: {  	[sflag:s30] =	ssyncadd.s32 $0xFFFFF800  }
0x281: {  	_ =	swait.ge [sflag:s30], $0x800  }
0x282: {  	[sflag:s30] =	ssyncset.done $0x0  }
0x283: {  	[sflag:s30] =	ssyncadd.s32 $0xFFFFF800  }
0x284: {  	_ =	swait.ge [sflag:s30], $0x800  }
0x285: {  	[sflag:s30] =	ssyncset.done $0x0  }
0x286: {  	[sflag:s30] =	ssyncadd.s32 $0xFFFFF800  }
0x287: {  	_ =	swait.ge [sflag:s30], $0x800  }
0x288: {  	[sflag:s30] =	ssyncset.done $0x0  }
0x289: {  	[sflag:s30] =	ssyncadd.s32 $0xFFFFF800  }
0x28a: {  	_ =	swait.ge [sflag:s30], $0x800  }
0x28b: {  	[sflag:s30] =	ssyncset.done $0x0  }
0x28c: {  	[sflag:s30] =	ssyncadd.s32 $0xFFFFF800  }
0x28d: {  	_ =	swait.ge [sflag:s30], $0x800  }
0x28e: {  	[sflag:s30] =	ssyncset.done $0x0  }
0x28f: {  	[sflag:s30] =	ssyncadd.s32 $0xFFFFF800  }
0x290: {  	_ =	swait.ge [sflag:s30], $0x800  }
0x291: {  	[sflag:s30] =	ssyncset.done $0x0  }
0x292: {  	[sflag:s30] =	ssyncadd.s32 $0xFFFFF800  }
0x293: {  	_ =	swait.ge [sflag:s30], $0x800  }
0x294: {  	[sflag:s30] =	ssyncset.done $0x0  }
0x295: {  	s11 =	simm.s32 $0x0;
	s7 =	simm.s32 $0x18030;
	[sflag:s30] =	ssyncadd.s32 $0xFFFFF800  }
0x296: {  	s8 =	sand.u32 $0x7C0, s11;
	v4 =	vld [tilespmem:s7+$0xFFFFC7E0]  }
0x297: {  	v5 =	vld [tilespmem:s8+$0x11000]  }
0x298: {  	v6 =	vld [tilespmem:s8+$0x11800]  }
0x299: {  	v7 =	vld [tilespmem:s8+$0x12000]  }
0x29a: {  	v8 =	vld [tilespmem:s8+$0x15000]  }
0x29b: {  	v13 =	vld [tilespmem:s7+$0xFFFFBFF0]  }
0x29c: {  	v22 =	vld [tilespmem:s7+$0xFFFFF800]  }
0x29d: {  	v21 =	vld [tilespmem:s7+$0xFFFFF000]  }
0x29e: {  	v17 =	vld [tilespmem:s7+$0xFFFFF7F0]  }
0x29f: {  	v18 =	vld [tilespmem:s7+$0xFFFFEFF0]  }
0x2a0: {  	v9 =	vld [tilespmem:s7+$0xFFFFF7E0]  }
0x2a1: {  	v19 =	vld [tilespmem:s7+$0xFFFFE7F0]  }
0x2a2: {  	v10 =	vld [tilespmem:s7+$0xFFFFEFE0]  }
0x2a3: {  	v12 =	vld [tilespmem:s8+$0x17800]  }
0x2a4: {  	v27 =	vld [tilespmem:s7+$0xFFFFDFF0]  }
0x2a5: {  	v14 =	vld [tilespmem:s7+$0xFFFFE7E0]  }
0x2a6: {  	v23 =	vld [tilespmem:s7+$0xFFFFE000]  }
0x2a7: {  	v25 =	vld [tilespmem:s7+$0xFFFFD800]  }
0x2a8: {  	v26 =	vld [tilespmem:s7+$0xFFFFC800]  }
0x2a9: {  	v20 =	vld [tilespmem:s7+$0xFFFFC000]  }
0x2aa: {  	v15 =	vld [tilespmem:s8+$0x17000]  }
0x2ab: {  	v24 =	vld [tilespmem:s7+$0xFFFFE800]  }
0x2ac: {  	v16 =	vld [tilespmem:s7+$0xFFFFD7F0]  }
0x2ad: {  	v31 =	vld [tilespmem:s7+$0xFFFFDFE0]  }
0x2ae: {  	v32 =	vld [tilespmem:s7+$0xFFFFB800]  }
0x2af: {  	v33 =	vld [tilespmem:s7+$0xFFFFB000]  }
0x2b0: {  	v34 =	vld [tilespmem:s7+$0xFFFFA800]  }
0x2b1: {  	v35 =	vld [tilespmem:s7+$0xFFFF8800]  }
0x2b2: {  	v37 =	vld [tilespmem:s7+$0xFFFFA000]  }
0x2b3: {  	v36 =	vld [tilespmem:s8+$0x16800]  }
0x2b4: {  	v38 =	vld [tilespmem:s7+$0xFFFFCFF0]  }
0x2b5: {  	v39 =	vld [tilespmem:s7+$0xFFFFD7E0]  }
0x2b6: {  	v40 =	vld [tilespmem:s8+$0x16000]  }
0x2b7: {  	v41 =	vld [tilespmem:s7+$0xFFFFC7F0]  }
0x2b8: {  	v42 =	vld [tilespmem:s7+$0xFFFFCFE0]  }
0x2b9: {  	v43 =	vld [tilespmem:s8+$0x15800]  }
0x2ba: {  	v44 =	vld [tilespmem:s7+$0xFFFFD000]  }
0x2bb: {  	v45 =	vld [tilespmem:s7+$0xFFFFB7F0]  }
0x2bc: {  	v11 =	vld [tilespmem:s7+$0xFFFFBFE0]  }
0x2bd: {  	v28 =	vld [tilespmem:s7+$0xFFFFB7E0]  }
0x2be: {  	v29 =	vld [tilespmem:s7+$0xFFFFAFE0]  }
0x2bf: {  	v30 =	vld [tilespmem:s7+$0xFFFFA7E0]  }
0x2c0: {  	v48 =	vld [tilespmem:s7+$0xFFFF9FE0]  }
0x2c1: {  	v55 =	vld [tilespmem:s7+$0xFFFF8FE0]  }
0x2c2: {  	v56 =	vld [tilespmem:s7+$0xFFFF87D0]  }
0x2c3: {  	v57 =	vld [tilespmem:s7+$0xFFFF87E0]  }
0x2c4: {  	v58 =	vld [tilespmem:s7+$0xFFFF97E0]  }
0x2c5: {  	v59 =	vld [tilespmem:s8+$0x12800]  }
0x2c6: {  	v60 =	vld [tilespmem:s8+$0x13000]  }
0x2c7: {  	v61 =	vld [tilespmem:s8+$0x13800];
	v5 =	vadd.s32 v56, v5  }
0x2c8: {  	v62 =	vld [tilespmem:s8+$0x14000];
	v5 =	vadd.s32 v6, v5;
	v6 =	vadd.s32 v57, v55  }
0x2c9: {  	v5 =	vadd.s32 v7, v5;
	v6 =	vadd.s32 v58, v6;
	v7 =	vld [tilespmem:s8+$0x14800]  }
0x2ca: {  	v46 =	vld [tilespmem:s7+$0xFFFF9800];
	v63 =	vadd.s32 v59, v5;
	v6 =	vadd.s32 v48, v6  }
0x2cb: {  	v47 =	vld [tilespmem:s7+$0xFFFF9000];
	v59 =	vadd.s32 v60, v63;
	v6 =	vadd.s32 v30, v6  }
0x2cc: {  	v49 =	vld [tilespmem:s7+$0xFFFFAFF0];
	v48 =	vadd.s32 v61, v59;
	v6 =	vadd.s32 v29, v6  }
0x2cd: {  	v53 =	vld [tilespmem:s7+$0xFFFF8FF0];
	v48 =	vadd.s32 v62, v48;
	v6 =	vadd.s32 v28, v6  }
0x2ce: {  	v54 =	vld [tilespmem:s7+$0xFFFF87F0];
	v7 =	vadd.s32 v7, v48;
	v6 =	vadd.s32 v11, v6  }
0x2cf: {  	v52 =	vld [tilespmem:s7+$0xFFFF97F0];
	v7 =	vadd.s32 v8, v7;
	v4 =	vadd.s32 v4, v6  }
0x2d0: {  	v51 =	vld [tilespmem:s7+$0xFFFF9FF0];
	v7 =	vadd.s32 v43, v7;
	v4 =	vadd.s32 v42, v4  }
0x2d1: {  	s29 =	simm.s32 $0x18070;
	v50 =	vld [tilespmem:s7+$0xFFFFA7F0];
	v7 =	vadd.s32 v40, v7;
	v4 =	vadd.s32 v39, v4  }
0x2d2: {  	s12 =	simm.s32 $0x40;
	v35 =	vadd.s32 v35, v47;
	v47 =	vld [tilespmem:s29+$0xFFFFB800];
	v7 =	vadd.s32 v36, v7;
	v4 =	vadd.s32 v31, v4  }
0x2d3: {  	s1 =	sand.u32 $0x7C0, s12;
	v5 =	vld [tilespmem:s29+$0xFFFFC7E0];
	v7 =	vadd.s32 v15, v7;
	v8 =	vadd.s32 v14, v4;
	v14 =	vadd.s32 v54, v53  }
0x2d4: {  	v30 =	vld [tilespmem:s1+$0x11000];
	v7 =	vadd.s32 v12, v7;
	v10 =	vadd.s32 v10, v8;
	v12 =	vadd.s32 v52, v14  }
0x2d5: {  	v60 =	vld [tilespmem:s8+$0x18000];
	v9 =	vadd.s32 v9, v10;
	v10 =	vadd.s32 v51, v12  }
0x2d6: {  	v29 =	vld [tilespmem:s1+$0x11800];
	v10 =	vadd.s32 v50, v10  }
0x2d7: {  	v61 =	vld [tilespmem:s7+$0xFFFFFFE0];
	v12 =	vadd.s32 v49, v10  }
0x2d8: {  	v28 =	vld [tilespmem:s1+$0x12000];
	v14 =	vadd.s32 v45, v12  }
0x2d9: {  	v62 =	vld [tilespmem:s7+$0x0];
	v14 =	vadd.s32 v13, v14  }
0x2da: {  	v11 =	vld [tilespmem:s1+$0x15000];
	v15 =	vadd.s32 v41, v14  }
0x2db: {  	v48 =	vld [tilespmem:s29+$0xFFFFA800];
	v52 =	vadd.s32 v38, v15  }
0x2dc: {  	v31 =	vld [tilespmem:s7+$0xFFFFFFF0];
	v36 =	vadd.s32 v16, v52  }
0x2dd: {  	v6 =	vld [tilespmem:s29+$0xFFFFBFF0];
	v63 =	vadd.s32 v60, v7;
	v27 =	vadd.s32 v27, v36  }
0x2de: {  	v43 =	vld [tilespmem:s29+$0xFFFFD800];
	v39 =	vadd.s32 v61, v9;
	(xrf0) =	vadd.scan.msk.s32 $0xffff, v63;
	v19 =	vadd.s32 v19, v27;
	v27 =	vadd.s32 v46, v35  }
0x2df: {  	v40 =	vld [tilespmem:s29+$0xFFFFD000];
	(xrf0) =	vadd.scan.msk.s32 $0xffff, v39;
	v18 =	vadd.s32 v18, v19;
	v19 =	vadd.s32 v37, v27  }
0x2e0: {  	v4 =	vld [tilespmem:s29+$0xFFFFF800];
	v17 =	vadd.s32 v17, v18;
	v18 =	vadd.s32 v34, v19  }
0x2e1: {  	v8 =	vld [tilespmem:s29+$0xFFFFF000];
	v31 =	vadd.s32 v31, v17;
	v18 =	vadd.s32 v33, v18  }
0x2e2: {  	v7 =	vld [tilespmem:s29+$0xFFFFF7F0];
	(xrf0) =	vadd.scan.msk.s32 $0xffff, v31;
	v27 =	vadd.s32 v32, v18  }
0x2e3: {  	v51 =	vld [tilespmem:s29+$0xFFFF97F0];
	v27 =	vadd.s32 v20, v27  }
0x2e4: {  	v9 =	vld [tilespmem:s29+$0xFFFFEFF0];
	v53, _, _ =	vpop (xrf0);
	v26 =	vadd.s32 v26, v27  }
0x2e5: {  	v50 =	vld [tilespmem:s29+$0xFFFFA000];
	(v2sf) =	vpush v53, $0xF;
	v54, _, _ =	vpop (xrf0);
	v26 =	vadd.s32 v44, v26  }
0x2e6: {  	v61 =	vld [tilespmem:s29+$0xFFFF9800];
	(v2sf) =	vpush v54, $0xF  }
0x2e7: {  	v10 =	vld [tilespmem:s29+$0xFFFFF7E0];
	v25 =	vadd.s32 v25, v26  }
0x2e8: {  	v49 =	vld [tilespmem:s29+$0xFFFF8800];
	v23 =	vadd.s32 v23, v25;
	v26, _, _ =	vpop (xrf0)  }
0x2e9: {  	v12 =	vld [tilespmem:s29+$0xFFFFE7F0];
	v23 =	vadd.s32 v24, v23;
	(v2sf) =	vpush v26, $0xF  }
0x2ea: {  	v45 =	vld [tilespmem:s29+$0xFFFFC800];
	v23 =	vadd.s32 v21, v23  }
0x2eb: {  	v13 =	vld [tilespmem:s29+$0xFFFFEFE0];
	v24 =	vadd.s32 s11, v53;
	v23 =	vadd.s32 v22, v23  }
0x2ec: {  	v14 =	vld [tilespmem:s1+$0x17800];
	vm0 =	vle.s32 v24, v2;
	v38 =	vadd.s32 v62, v23  }
0x2ed: {  	v15 =	vld [tilespmem:s29+$0xFFFFDFF0];
	v25 =	vsel vm0, $0x1, v0;
	(xrf0) =	vadd.scan.msk.s32 $0xffff, v38  }
0x2ee: {  	v16 =	vld [tilespmem:s29+$0xFFFFE7E0];
	(xrf0) =	vadd.scan.msk.s32 $0xffff, v25  }
0x2ef: {  	v52 =	vld [tilespmem:s29+$0xFFFFAFF0]  }
0x2f0: {  	v36 =	vld [tilespmem:s29+$0xFFFFE000]  }
0x2f1: {  	v46 =	vld [tilespmem:s29+$0xFFFFC000]  }
0x2f2: {  	v35 =	vld [tilespmem:s29+$0xFFFFA7E0]  }
0x2f3: {  	v37 =	vld [tilespmem:s29+$0xFFFF9FE0];
	v58, _, _ =	vpop (xrf0)  }
0x2f4: {  	v19 =	vld [tilespmem:s29+$0xFFFFE800];
	s21 =	spop (v2sf);
	(v2sf) =	vpush v58, $0xF;
	v59, _, _ =	vpop (xrf0)  }
0x2f5: {  	v34 =	vld [tilespmem:s29+$0xFFFFAFE0];
	s6 =	sadd.s32 $0x0, s21;
	s22 =	spop (v2sf);
	(v2sf) =	vpush v59, $0xF  }
0x2f6: {  	v17 =	vld [tilespmem:s1+$0x17000];
	v27 =	vadd.s32 s6, v54;
	s6 =	sadd.s32 s6, s22  }
0x2f7: {  	v33 =	vld [tilespmem:s29+$0xFFFFB7E0];
	v55 =	vnsel vm0, $0x0, v63;
	vm14 =	vle.s32 v27, v2;
	v27 =	vadd.s32 s6, v26  }
0x2f8: {  	v18 =	vld [tilespmem:s29+$0xFFFFD7F0];
	(xrf0) =	vadd.scan.msk.s32 $0xffff, v55;
	v56 =	vsel vm14, $0x1, v0;
	vm1 =	vle.s32 v27, v2;
	s23 =	spop (v2sf)  }
0x2f9: {  	v32 =	vld [tilespmem:s29+$0xFFFFBFE0];
	v31 =	vnsel vm1, $0x0, v31;
	(xrf0) =	vadd.scan.msk.s32 $0xffff, v56;
	s6 =	sadd.s32 s6, s23  }
0x2fa: {  	v20 =	vld [tilespmem:s29+$0xFFFFDFE0];
	v57 =	vsel vm1, $0x1, v0;
	(xrf0) =	vadd.scan.msk.s32 $0xffff, v31;
	v41 =	vadd.s32 s6, v58  }
0x2fb: {  	v44 =	vld [tilespmem:s29+$0xFFFFB000];
	v39 =	vnsel vm14, $0x0, v39;
	(xrf0) =	vadd.scan.msk.s32 $0xffff, v57;
	vm15 =	vle.s32 v41, v2  }
0x2fc: {  	v63 =	vld [tilespmem:s29+$0xFFFF9000];
	(xrf0) =	vadd.scan.msk.s32 $0xffff, v39;
	v58 =	vsel vm15, $0x1, v0  }
0x2fd: {  	v53 =	vld [tilespmem:s29+$0xFFFFA7F0];
	v38 =	vnsel vm15, $0x0, v38;
	(xrf0) =	vadd.scan.msk.s32 $0xffff, v58  }
0x2fe: {  	v21 =	vld [tilespmem:s1+$0x16800];
	v60, _, _ =	vpop (xrf0);
	(xrf0) =	vadd.scan.msk.s32 $0xffff, v38  }
0x2ff: {  	v24 =	vld [tilespmem:s1+$0x16000];
	(v2sf) =	vpush v60, $0xF;
	v62, _, _ =	vpop (xrf0)  }
0x300: {  	v22 =	vld [tilespmem:s29+$0xFFFFCFF0];
	(v2sf) =	vpush v62, $0xF;
	v56, _, _ =	vpop (xrf0)  }
0x301: {  	v23 =	vld [tilespmem:s29+$0xFFFFD7E0];
	v59 =	vadd.s32 v49, v63;
	v57, _, _ =	vpop (xrf0);
	(v2sf) =	vpush v56, $0xF  }
0x302: {  	v25 =	vld [tilespmem:s29+$0xFFFFC7F0];
	(v2sf) =	vpush v57, $0xF;
	v55, _, _ =	vpop (xrf0)  }
0x303: {  	v54 =	vld [tilespmem:s29+$0xFFFF87D0];
	s8 =	spop (v2sf);
	(v2sf) =	vpush v55, $0xF;
	v57, _, _ =	vpop (xrf0)  }
0x304: {  	v26 =	vld [tilespmem:s29+$0xFFFFCFE0];
	v60 =	vadd.s32 v61, v59;
	s9 =	spop (v2sf);
	(v2sf) =	vpush v57, $0xF;
	v59, _, _ =	vpop (xrf0)  }
0x305: {  	v27 =	vld [tilespmem:s1+$0x15800];
	(v2sf) =	vpush v59, $0xF  }
0x306: {  	v31 =	vld [tilespmem:s29+$0xFFFFB7F0]  }
0x307: {  	v61 =	vld [tilespmem:s29+$0xFFFF8FF0]  }
0x308: {  	v39 =	vadd.s32 v50, v60;
	v62 =	vld [tilespmem:s29+$0xFFFF87F0]  }
0x309: {  	v49 =	vld [tilespmem:s29+$0xFFFF9FF0];
	v39 =	vadd.s32 v48, v39  }
0x30a: {  	v63 =	vld [tilespmem:s29+$0xFFFF8FE0];
	v39 =	vadd.s32 v44, v39  }
0x30b: {  	v39 =	vadd.s32 v47, v39;
	v56 =	vld [tilespmem:s29+$0xFFFF87E0]  }
0x30c: {  	v39 =	vadd.s32 v46, v39;
	v58 =	vld [tilespmem:s29+$0xFFFF97E0]  }
0x30d: {  	v45 =	vadd.s32 v45, v39;
	v39 =	vld [tilespmem:s1+$0x12800];
	v38 =	vadd.s32 v62, v61  }
0x30e: {  	s22 =	simm.s32 $0x4;
	v30 =	vadd.s32 v54, v30;
	v60 =	vadd.s32 v40, v45;
	v40 =	vld [tilespmem:s1+$0x13000];
	v61 =	vadd.s32 v51, v38;
	s10 =	spop (v2sf)  }
0x30f: {  	v29 =	vadd.s32 v29, v30;
	s23 =	simm.s32 $0x180B0;
	v41 =	vadd.s32 v43, v60;
	v38 =	vld [tilespmem:s1+$0x13800];
	v62 =	vadd.s32 v49, v61;
	s21 =	sadd.s32 s6, s8;
	s12 =	spop (v2sf)  }
0x310: {  	v36 =	vadd.s32 v36, v41;
	v41 =	vld [tilespmem:s1+$0x14000];
	v30 =	vadd.s32 v56, v63;
	v63 =	vadd.s32 v53, v62;
	s6 =	simm.s32 $0x80;
	s11 =	sadd.s32 $0x0, s9;
	s8 =	spop (v2sf)  }
0x311: {  	v28 =	vadd.s32 v28, v29;
	v43 =	vld [tilespmem:s1+$0x14800];
	v29 =	vadd.s32 v58, v30;
	v42 =	vadd.s32 v52, v63;
	s7 =	sadd.s32 $0x0, s10;
	s9 =	sadd.s32 s12, s11;
	s10 =	spop (v2sf)  }
.LBB2_15:
0x312: {  	s11 =	sand.u32 $0x7C0, s6;
	v44 =	vld [tilespmem:s23+$0xFFFFC7E0];
	s22 =	sadd.s32 $0x4, s22;
	v28 =	vadd.s32 v39, v28;
	v30 =	vadd.s32 v37, v29;
	s12 =	spop (v2sf)  }
0x313: {  	s9 =	sadd.s32 s10, s9;
	v29 =	vld [tilespmem:s11+$0x11000];
	v28 =	vadd.s32 v40, v28;
	v35 =	vadd.s32 v35, v30;
	s7 =	sadd.s32 s12, s7;
	s10 =	spop (v2sf)  }
0x314: {  	v30 =	vld [tilespmem:s11+$0x11800];
	v37 =	vadd.s32 v38, v28;
	v34 =	vadd.s32 v34, v35;
	s7 =	sadd.s32 s8, s7;
	s8 =	sadd.s32 s10, s9;
	s9 =	spop (v2sf)  }
0x315: {  	v19 =	vadd.s32 v19, v36;
	p1 =	slt.u32 s22, $0x7C;
	v28 =	vld [tilespmem:s11+$0x12000];
	v35 =	vadd.s32 v41, v37;
	v33 =	vadd.s32 v33, v34;
	s7 =	sadd.s32 s9, s7  }
0x316: {  	v31 =	vadd.s32 v31, v42;
	v34 =	vld [tilespmem:s11+$0x15000];
	v35 =	vadd.s32 v43, v35;
	v32 =	vadd.s32 v32, v33  }
0x317: {  	v31 =	vadd.s32 v6, v31;
	v11 =	vadd.s32 v11, v35;
	v32 =	vadd.s32 v5, v32;
	v6 =	vld [tilespmem:s23+$0xFFFFBFF0];
	v5 =	vmovc v44  }
0x318: {  	v25 =	vadd.s32 v25, v31;
	v11 =	vadd.s32 v27, v11;
	v27 =	vld [tilespmem:s1+$0x18000];
	v26 =	vadd.s32 v26, v32;
	s1 =	smov.u32 s11  }
0x319: {  	v22 =	vadd.s32 v22, v25;
	v31 =	vadd.s32 v24, v11;
	v23 =	vadd.s32 v23, v26;
	v24 =	vld [tilespmem:s29+$0xFFFFFFE0]  }
0x31a: {  	v18 =	vadd.s32 v18, v22;
	v25 =	vadd.s32 v21, v31;
	v20 =	vadd.s32 v20, v23;
	v21 =	vld [tilespmem:s29+$0xFFFFFFF0]  }
0x31b: {  	v15 =	vadd.s32 v15, v18;
	v17 =	vadd.s32 v17, v25;
	v16 =	vadd.s32 v16, v20;
	v18 =	vld [tilespmem:s29+$0x0];
	v11 =	vmovc v34;
	s29 =	smov.u32 s23  }
0x31c: {  	v12 =	vadd.s32 v12, v15;
	v20 =	vld [tilespmem:s23+$0xFFFFF800];
	v14 =	vadd.s32 v14, v17;
	v13 =	vadd.s32 v13, v16  }
0x31d: {  	v9 =	vadd.s32 v9, v12;
	v15 =	vld [tilespmem:s23+$0xFFFFF000];
	v17 =	vadd.s32 v27, v14;
	v10 =	vadd.s32 v10, v13  }
0x31e: {  	v8 =	vadd.s32 v8, v19;
	v27 =	vadd.s32 v24, v10;
	v10 =	vadd.s32 v7, v9;
	v7 =	vld [tilespmem:s23+$0xFFFFF7F0];
	(xrf0) =	vadd.scan.msk.s32 $0xffff, v17  }
0x31f: {  	v8 =	vadd.s32 v4, v8;
	v9 =	vld [tilespmem:s23+$0xFFFFEFF0];
	v31 =	vadd.s32 v21, v10;
	(xrf0) =	vadd.scan.msk.s32 $0xffff, v27  }
0x320: {  	v10 =	vld [tilespmem:s23+$0xFFFFF7E0];
	v32 =	vadd.s32 v18, v8;
	(xrf0) =	vadd.scan.msk.s32 $0xffff, v31  }
0x321: {  	v12 =	vld [tilespmem:s23+$0xFFFFE7F0];
	(xrf0) =	vadd.scan.msk.s32 $0xffff, v32;
	v4 =	vmov v20  }
0x322: {  	v13 =	vld [tilespmem:s23+$0xFFFFEFE0];
	v8 =	vmov v15  }
0x323: {  	v14 =	vld [tilespmem:s1+$0x17800]  }
0x324: {  	v15 =	vld [tilespmem:s23+$0xFFFFDFF0];
	v18, _, _ =	vpop (xrf0)  }
0x325: {  	v16 =	vld [tilespmem:s23+$0xFFFFE7E0];
	v19 =	vadd.s32 s21, v18;
	(v2sf) =	vpush v18, $0xF;
	v25, _, _ =	vpop (xrf0)  }
0x326: {  	v36 =	vld [tilespmem:s23+$0xFFFFE000];
	vm0 =	vle.s32 v19, v2;
	(v2sf) =	vpush v25, $0xF;
	v26, _, _ =	vpop (xrf0)  }
0x327: {  	v38 =	vld [tilespmem:s23+$0xFFFFD800];
	v18 =	vsel vm0, $0x1, v0;
	v17 =	vnsel vm0, $0x0, v17;
	(v2sf) =	vpush v26, $0xF;
	v33, _, _ =	vpop (xrf0)  }
0x328: {  	v39 =	vld [tilespmem:s23+$0xFFFFC800];
	(xrf0) =	vadd.scan.msk.s32 $0xffff, v18;
	(v2sf) =	vpush v33, $0xF  }
0x329: {  	v40 =	vld [tilespmem:s23+$0xFFFFC000];
	(xrf0) =	vadd.scan.msk.s32 $0xffff, v17  }
0x32a: {  	v17 =	vld [tilespmem:s1+$0x17000]  }
0x32b: {  	v19 =	vld [tilespmem:s23+$0xFFFFE800]  }
0x32c: {  	v18 =	vld [tilespmem:s23+$0xFFFFD7F0]  }
0x32d: {  	v20 =	vld [tilespmem:s23+$0xFFFFDFE0]  }
0x32e: {  	v41 =	vld [tilespmem:s23+$0xFFFFB800];
	v21, _, _ =	vpop (xrf0)  }
0x32f: {  	v42 =	vld [tilespmem:s23+$0xFFFFB000];
	(v2sf) =	vpush v21, $0xF;
	v21, _, _ =	vpop (xrf0)  }
0x330: {  	v43 =	vld [tilespmem:s23+$0xFFFFA800];
	(v2sf) =	vpush v21, $0xF  }
0x331: {  	v44 =	vld [tilespmem:s23+$0xFFFF8800]  }
0x332: {  	v45 =	vld [tilespmem:s23+$0xFFFFA000]  }
0x333: {  	v21 =	vld [tilespmem:s1+$0x16800]  }
0x334: {  	v22 =	vld [tilespmem:s23+$0xFFFFCFF0];
	s9 =	spop (v2sf)  }
0x335: {  	v23 =	vld [tilespmem:s23+$0xFFFFD7E0];
	s9 =	sadd.s32 s21, s9;
	s10 =	spop (v2sf)  }
0x336: {  	v24 =	vld [tilespmem:s1+$0x16000];
	v34 =	vadd.s32 s9, v25;
	s9 =	sadd.s32 s9, s10;
	s10 =	spop (v2sf)  }
0x337: {  	v25 =	vld [tilespmem:s23+$0xFFFFC7F0];
	vm0 =	vle.s32 v34, v2;
	v34 =	vadd.s32 s9, v26;
	s9 =	sadd.s32 s9, s10;
	s10 =	spop (v2sf)  }
0x338: {  	v26 =	vld [tilespmem:s23+$0xFFFFCFE0];
	v35 =	vsel vm0, $0x1, v0;
	v37 =	vnsel vm0, $0x0, v27;
	vm0 =	vle.s32 v34, v2;
	s21 =	sadd.s32 s9, s10  }
0x339: {  	v33 =	vadd.s32 s9, v33;
	v27 =	vld [tilespmem:s1+$0x15800];
	v34 =	vsel vm0, $0x1, v0;
	v31 =	vnsel vm0, $0x0, v31;
	(xrf0) =	vadd.scan.msk.s32 $0xffff, v35  }
0x33a: {  	vm0 =	vle.s32 v33, v2;
	v46 =	vld [tilespmem:s23+$0xFFFFD000];
	(xrf0) =	vadd.scan.msk.s32 $0xffff, v31  }
0x33b: {  	v35 =	vsel vm0, $0x1, v0;
	v47 =	vnsel vm0, $0x0, v32;
	v31 =	vld [tilespmem:s23+$0xFFFFB7F0];
	(xrf0) =	vadd.scan.msk.s32 $0xffff, v34  }
0x33c: {  	v32 =	vld [tilespmem:s23+$0xFFFFBFE0];
	(xrf0) =	vadd.scan.msk.s32 $0xffff, v37  }
0x33d: {  	v33 =	vld [tilespmem:s23+$0xFFFFB7E0];
	(xrf0) =	vadd.scan.msk.s32 $0xffff, v35  }
0x33e: {  	v34 =	vld [tilespmem:s23+$0xFFFFAFE0];
	s9 =	spop (v2sf);
	(xrf0) =	vadd.scan.msk.s32 $0xffff, v47  }
0x33f: {  	v47 =	vld [tilespmem:s23+$0xFFFF9800];
	s10 =	spop (v2sf);
	v35, _, _ =	vpop (xrf0)  }
0x340: {  	v48 =	vld [tilespmem:s23+$0xFFFF9000];
	(v2sf) =	vpush v35, $0xF;
	v37, _, _ =	vpop (xrf0)  }
0x341: {  	v35 =	vld [tilespmem:s23+$0xFFFFA7E0];
	v49, _, _ =	vpop (xrf0);
	(v2sf) =	vpush v37, $0xF  }
0x342: {  	v37 =	vld [tilespmem:s23+$0xFFFF9FE0];
	v50, _, _ =	vpop (xrf0);
	(v2sf) =	vpush v49, $0xF  }
0x343: {  	v49 =	vld [tilespmem:s23+$0xFFFFAFF0];
	(v2sf) =	vpush v50, $0xF;
	v50, _, _ =	vpop (xrf0)  }
0x344: {  	v51 =	vld [tilespmem:s23+$0xFFFFA7F0];
	(v2sf) =	vpush v50, $0xF;
	v50, _, _ =	vpop (xrf0)  }
0x345: {  	v52 =	vld [tilespmem:s23+$0xFFFF9FF0];
	v44 =	vadd.s32 v44, v48;
	(v2sf) =	vpush v50, $0xF  }
0x346: {  	v48 =	vld [tilespmem:s23+$0xFFFF97F0];
	v44 =	vadd.s32 v47, v44  }
0x347: {  	v47 =	vld [tilespmem:s23+$0xFFFF8FF0];
	v44 =	vadd.s32 v45, v44  }
0x348: {  	v45 =	vld [tilespmem:s23+$0xFFFF87F0];
	v43 =	vadd.s32 v43, v44  }
0x349: {  	v44 =	vld [tilespmem:s23+$0xFFFF8FE0];
	v42 =	vadd.s32 v42, v43  }
0x34a: {  	v43 =	vld [tilespmem:s23+$0xFFFF87D0];
	v41 =	vadd.s32 v41, v42  }
0x34b: {  	v42 =	vld [tilespmem:s23+$0xFFFF87E0];
	v40 =	vadd.s32 v40, v41  }
0x34c: {  	v50 =	vld [tilespmem:s23+$0xFFFF97E0];
	v40 =	vadd.s32 v39, v40  }
.Ltmp9:
0x34d: {  	v39 =	vld [tilespmem:s1+$0x12800];
	v41 =	vadd.s32 v45, v47;
	v45 =	vadd.s32 v46, v40;
	(pc) =	sbr.rel @p1 .LBB2_15-.Ltmp9, $4  }
0x34e: {  	v40 =	vld [tilespmem:s1+$0x13000];
	v41 =	vadd.s32 v48, v41;
	v45 =	vadd.s32 v38, v45  }
0x34f: {  	s8 =	sadd.s32 s8, s9;
	v29 =	vadd.s32 v43, v29;
	v38 =	vld [tilespmem:s1+$0x13800];
	v43 =	vadd.s32 v52, v41;
	v36 =	vadd.s32 v36, v45;
	s9 =	spop (v2sf)  }
0x350: {  	s23 =	sadd.s32 $0x40, s23;
	v29 =	vadd.s32 v30, v29;
	v41 =	vld [tilespmem:s1+$0x14000];
	v30 =	vadd.s32 v42, v44;
	v42 =	vadd.s32 v51, v43;
	s9 =	sadd.s32 s9, s8;
	s8 =	spop (v2sf)  }
0x351: {  	s6 =	sadd.s32 $0x40, s6;
	s7 =	sadd.s32 s7, s10;
	v28 =	vadd.s32 v28, v29;
	v43 =	vld [tilespmem:s1+$0x14800];
	v29 =	vadd.s32 v50, v30;
	v42 =	vadd.s32 v49, v42;
	s10 =	spop (v2sf)  }
0x352: {  	v28 =	vadd.s32 v39, v28;
	v29 =	vadd.s32 v37, v29  }
0x353: {  	v28 =	vadd.s32 v40, v28;
	v29 =	vadd.s32 v35, v29  }
0x354: {  	v28 =	vadd.s32 v38, v28;
	v29 =	vadd.s32 v34, v29  }
0x355: {  	v28 =	vadd.s32 v41, v28;
	v29 =	vadd.s32 v33, v29  }
0x356: {  	v28 =	vadd.s32 v43, v28;
	v29 =	vadd.s32 v32, v29  }
0x357: {  	v11 =	vadd.s32 v11, v28;
	v5 =	vadd.s32 v5, v29  }
0x358: {  	v48 =	vadd.s32 v31, v42;
	v49 =	vld [tilespmem:s1+$0x18000];
	v11 =	vadd.s32 v27, v11;
	v5 =	vadd.s32 v26, v5  }
0x359: {  	v50 =	vld [tilespmem:s29+$0xFFFFFFE0];
	v6 =	vadd.s32 v6, v48;
	v11 =	vadd.s32 v24, v11;
	v5 =	vadd.s32 v23, v5  }
0x35a: {  	v6 =	vadd.s32 v25, v6;
	v11 =	vadd.s32 v21, v11;
	v5 =	vadd.s32 v20, v5  }
0x35b: {  	v6 =	vadd.s32 v22, v6;
	v11 =	vadd.s32 v17, v11;
	v5 =	vadd.s32 v16, v5  }
0x35c: {  	v51 =	vld [tilespmem:s29+$0xFFFFFFF0];
	v6 =	vadd.s32 v18, v6;
	v11 =	vadd.s32 v14, v11;
	v5 =	vadd.s32 v13, v5  }
0x35d: {  	v6 =	vadd.s32 v15, v6;
	v11 =	vadd.s32 v49, v11;
	v5 =	vadd.s32 v10, v5  }
0x35e: {  	v6 =	vadd.s32 v12, v6;
	v5 =	vadd.s32 v50, v5;
	(xrf0) =	vadd.scan.msk.s32 $0xffff, v11  }
0x35f: {  	v6 =	vadd.s32 v9, v6;
	(xrf0) =	vadd.scan.msk.s32 $0xffff, v5  }
0x360: {  	v6 =	vadd.s32 v7, v6  }
0x361: {  	v6 =	vadd.s32 v51, v6  }
0x362: {  	(xrf0) =	vadd.scan.msk.s32 $0xffff, v6;
	_ =	sdelay $0x1  }
0x363: {  	v52, _, _ =	vpop (xrf0)  }
0x364: {  	(v2sf) =	vpush v52, $0xF;
	v53, _, _ =	vpop (xrf0)  }
0x365: {  	(v2sf) =	vpush v53, $0xF;
	_ =	sdelay $0x1  }
0x366: {  	v54, _, _ =	vpop (xrf0)  }
0x367: {  	(v2sf) =	vpush v54, $0xF;
	_ =	sdelay $0x3  }
0x368: {  	v55 =	vld [tilespmem:s29+$0x0];
	_ =	sdelay $0x1  }
0x369: {  	v56 =	vadd.s32 v19, v36  }
0x36a: {  	v8 =	vadd.s32 v8, v56  }
0x36b: {  	s1 =	spop (v2sf);
	v4 =	vadd.s32 v4, v8  }
0x36c: {  	s6 =	spop (v2sf);
	v4 =	vadd.s32 v55, v4  }
0x36d: {  	s11 =	spop (v2sf);
	(xrf0) =	vadd.scan.msk.s32 $0xffff, v4  }
0x36e: {  	v7 =	vadd.s32 s21, v52;
	s12 =	spop (v2sf)  }
0x36f: {  	vm0 =	vle.s32 v7, v2;
	s12 =	sadd.s32 s21, s12;
	s23 =	spop (v2sf)  }
0x370: {  	v7 =	vsel vm0, $0x1, v0;
	v57 =	vadd.s32 s12, v53;
	s12 =	sadd.s32 s12, s23  }
0x371: {  	v58 =	vnsel vm0, $0x0, v11;
	(xrf0) =	vadd.scan.msk.s32 $0xffff, v7;
	vm14 =	vle.s32 v57, v2;
	v59 =	vadd.s32 s12, v54  }
0x372: {  	(xrf0) =	vadd.scan.msk.s32 $0xffff, v58;
	s29 =	spop (v2sf);
	v8 =	vsel vm14, $0x1, v0;
	vm1 =	vle.s32 v59, v2  }
0x373: {  	v60, _, _ =	vpop (xrf0);
	s12 =	sadd.s32 s12, s29;
	v6 =	vnsel vm1, $0x0, v6;
	(xrf0) =	vadd.scan.msk.s32 $0xffff, v8  }
0x374: {  	v62 =	vadd.s32 s12, v60;
	v5 =	vnsel vm14, $0x0, v5;
	v61 =	vsel vm1, $0x1, v0;
	(xrf0) =	vadd.scan.msk.s32 $0xffff, v6  }
0x375: {  	vm15 =	vle.s32 v62, v2;
	(xrf0) =	vadd.scan.msk.s32 $0xffff, v61  }
0x376: {  	v63 =	vsel vm15, $0x1, v0;
	v4 =	vnsel vm15, $0x0, v4;
	(xrf0) =	vadd.scan.msk.s32 $0xffff, v5  }
0x377: {  	(v2sf) =	vpush v60, $0xF;
	v5, _, _ =	vpop (xrf0);
	(xrf0) =	vadd.scan.msk.s32 $0xffff, v63  }
0x378: {  	(v2sf) =	vpush v5, $0xF;
	v5, _, _ =	vpop (xrf0);
	(xrf0) =	vadd.scan.msk.s32 $0xffff, v4  }
0x379: {  	(v2sf) =	vpush v5, $0xF;
	v4, _, _ =	vpop (xrf0)  }
0x37a: {  	(v2sf) =	vpush v4, $0xF;
	v4, _, _ =	vpop (xrf0)  }
0x37b: {  	v5, _, _ =	vpop (xrf0);
	(v2sf) =	vpush v4, $0xF  }
0x37c: {  	v4, _, _ =	vpop (xrf0);
	(v2sf) =	vpush v5, $0xF  }
0x37d: {  	(v2sf) =	vpush v4, $0xF;
	v4, _, _ =	vpop (xrf0)  }
0x37e: {  	(v2sf) =	vpush v4, $0xF;
	v4, _, _ =	vpop (xrf0)  }
0x37f: {  	(v2sf) =	vpush v4, $0xF;
	_ =	sdelay $0x6  }
0x380: {  	s21 =	spop (v2sf)  }
0x381: {  	s12 =	spop (v2sf)  }
0x382: {  	s22 =	spop (v2sf)  }
0x383: {  	s1 =	sadd.s32 s1, s7;
	s23 =	sadd.s32 s10, s9;
	s29 =	spop (v2sf)  }
0x384: {  	s1 =	sadd.s32 s8, s1;
	s6 =	sadd.s32 s6, s23;
	s10 =	spop (v2sf)  }
0x385: {  	s1 =	sadd.s32 s11, s1;
	s6 =	sadd.s32 s6, s12;
	s12 =	spop (v2sf)  }
0x386: {  	s1 =	sadd.s32 s1, s22;
	s6 =	sadd.s32 s29, s6;
	s22 =	spop (v2sf)  }
0x387: {  	s6 =	sadd.s32 s12, s6;
	s1 =	sadd.s32 s22, s1;
	s23 =	spop (v2sf)  }
0x388: {  	s1 =	sadd.s32 s10, s1;
	s6 =	sadd.s32 s23, s6;
	s29 =	spop (v2sf)  }
0x389: {  	s1 =	sadd.s32 s29, s1;
	v4 =	vmov s6  }
0x38a: {  	[tilespmem:$0x18800] =	vst v4;
	v4 =	vmov s1  }
0x38b: {  	[tilespmem:$0x18880] =	vst v4  }
0x38c: {  	[spmem:s2] =	stream.linear.scatter [tilespmem:s31], [sflag:$0x2], $0x80, $0x38;
	[tilespmem:$0x19110] =	vst v63  }
0x38d: {  	_ =	swait.ge [sflag:s24], $0x80  }
0x38e: {  	[sflag:s24] =	ssyncset.done $0x0  }
0x38f: {  	[sflag:s24] =	ssyncadd.s32 $0xFFFFFF80  }
0x390: {  	[spmem:s3] =	stream.linear.scatter [tilespmem:s0], [sflag:$0x2], $0x80, $0x38;
	[tilespmem:$0x19110] =	vst v63  }
0x391: {  	_ =	swait.ge [sflag:s24], $0x80  }
0x392: {  	[sflag:s24] =	ssyncset.done $0x0  }
0x393: {  	[sflag:s24] =	ssyncadd.s32 $0xFFFFFF80  }
.LBB2_17:
0x394: {  	[bflag:$0x0] =	sbarrier.arrive $0xFFFF  }
0x395: {  	[tilespmem:s31], [sflag:$0x2] =	stream.linear.gather [spmem:s2], $0x80, $0x38;
	[tilespmem:$0x19110] =	vst v63  }
0x396: {  	_ =	swait.ge [sflag:s24], $0x80  }
0x397: {  	[sflag:s24] =	ssyncset.done $0x0  }
0x398: {  	[sflag:s24] =	ssyncadd.s32 $0xFFFFFF80  }
0x399: {  	[tilespmem:s0], [sflag:$0x2] =	stream.linear.gather [spmem:s3], $0x80, $0x38;
	[tilespmem:$0x19110] =	vst v63  }
0x39a: {  	_ =	swait.ge [sflag:s24], $0x80  }
0x39b: {  	[sflag:s24] =	ssyncset.done $0x0  }
0x39c: {  	[sflag:s24] =	ssyncadd.s32 $0xFFFFFF80  }
0x39d: {  	s1 =	simm.s32 $0x10040;
	v4 =	vld [tilespmem:$0x18800]  }
0x39e: {  	v17 =	vld [tilespmem:$0x18880];
	[tilespmem:s1+$0xFFFFFFC0] =	vst v0  }
0x39f: {  	[tilespmem:s1+$0x30] =	vst v0  }
0x3a0: {  	[tilespmem:s1+$0x20] =	vst v0  }
0x3a1: {  	[tilespmem:s1+$0x10] =	vst v0  }
0x3a2: {  	[tilespmem:s1+$0x0] =	vst v0  }
0x3a3: {  	[tilespmem:s1+$0xFFFFFFF0] =	vst v0  }
0x3a4: {  	s6 =	simm.s32 $0x0;
	[tilespmem:s1+$0xFFFFFFE0] =	vst v0  }
.LBB2_18:
0x3a5: {  	s6 =	sadd.s32 $0x8, s6;
	[tilespmem:s1+$0xFFFFFFD0] =	vst v0;
	s1 =	sadd.s32 $0x80, s1  }
0x3a6: {  	[tilespmem:s1+$0xFFFFFFC0] =	vst v0;
	p1 =	slt.u32 s6, $0x78  }
0x3a7: {  	[tilespmem:s1+$0x30] =	vst v0  }
.Ltmp10:
0x3a8: {  	[tilespmem:s1+$0x20] =	vst v0;
	(pc) =	sbr.rel @p1 .LBB2_18-.Ltmp10, $4  }
0x3a9: {  	[tilespmem:s1+$0x10] =	vst v0  }
0x3aa: {  	[tilespmem:s1+$0x0] =	vst v0  }
0x3ab: {  	[tilespmem:s1+$0xFFFFFFF0] =	vst v0  }
0x3ac: {  	[tilespmem:s1+$0xFFFFFFE0] =	vst v0  }
0x3ad: {  	[tilespmem:s1+$0xFFFFFFD0] =	vst v0;
	s29 =	simm.s32 $0x40  }
0x3ae: {  	v5 =	vld [tilespmem:s29+$0x30]  }
0x3af: {  	v6 =	vld [tilespmem:s29+$0xFFFFFFD0]  }
0x3b0: {  	v7 =	vld [tilespmem:s29+$0xFFFFFFE0]  }
0x3b1: {  	v8 =	vld [tilespmem:s29+$0xFFFFFFF0]  }
0x3b2: {  	v9 =	vld [tilespmem:s29+$0x0]  }
0x3b3: {  	v10 =	vld [tilespmem:s29+$0x10];
	_ =	sdelay $0x1  }
0x3b4: {  	v3 =	vshll.u32 v3, $0xB  }
0x3b5: {  	v3 =	vadd.s32 v3, v4  }
0x3b6: {  	v12 =	vld [tilespmem:s29+$0xFFFFFFC0];
	v5 =	vand.u32 $0x7FFFFFFF, v5;
	v4 =	vand.u32 $0x7FFFFFFF, v6;
	v7 =	vand.u32 $0x7FFFFFFF, v7  }
0x3b7: {  	v6 =	vld [tilespmem:s29+$0x20];
	v14 =	vand.u32 $0x7FFFFFFF, v8;
	v15 =	vand.u32 $0x7FFFFFFF, v9;
	v8 =	vand.u32 $0x7FFFFFFF, v10  }
0x3b8: {  	v11 =	vshrl.u32 v5, $0x9;
	v13 =	vshrl.u32 v4, $0x9;
	v5 =	vand.u32 $0x1FF, v5  }
0x3b9: {  	v63 =	vshrl.u32 v14, $0x9;
	v9 =	vshrl.u32 v15, $0x9;
	vm4 =	veq.s32 v11, v3  }
0x3ba: {  	v11 =	vshrl.u32 v7, $0x9;
	vm0 =	veq.s32 v13, v3;
	vm2 =	veq.s32 v63, v3  }
0x3bb: {  	vm3 =	veq.s32 v9, v3;
	v7 =	vand.u32 $0x1FF, v7;
	vm1 =	veq.s32 v11, v3  }
0x3bc: {  	v11 =	vshrl.u32 v8, $0x9;
	v10 =	vand.u32 $0x7FFFFFFF, v6;
	v6 =	vand.u32 $0x7FFFFFFF, v12  }
0x3bd: {  	vm8 =	veq.s32 v11, v3;
	v9 =	vshrl.u32 v10, $0x9;
	v12 =	vshrl.u32 v6, $0x9  }
0x3be: {  	vm7 =	veq.s32 v9, v3;
	vm5 =	veq.s32 v12, v3;
	v9 =	vand.u32 $0x1FF, v6  }
0x3bf: {  	s1 =	simm.s32 $0x0;
	s6 =	simm.s32 $0xC0;
	v6 =	vand.u32 $0x1FF, v4;
	v4 =	vand.u32 $0x1FF, v15;
	[tilespmem:v5+s25+$0x0] =	vst.idx.add.s32.msk vm4, v1;
	v5 =	vand.u32 $0x1FF, v14  }
.LBB2_20:
0x3c0: {  	v11 =	vld [tilespmem:s6+$0x30];
	s1 =	sadd.s32 $0x8, s1;
	v12 =	vand.u32 $0x1FF, v8;
	v13 =	vand.u32 $0x1FF, v10;
	vm6 =	vmmov vm8  }
0x3c1: {  	vm4 =	vmmov vm7;
	v8 =	vld [tilespmem:s6+$0xFFFFFFD0];
	p1 =	slt.u32 s1, $0xFF8  }
0x3c2: {  	v10 =	vld [tilespmem:s6+$0xFFFFFFE0]  }
0x3c3: {  	v14 =	vld [tilespmem:s6+$0xFFFFFFF0]  }
0x3c4: {  	v15 =	vld [tilespmem:s6+$0x0]  }
0x3c5: {  	v16 =	vld [tilespmem:s6+$0x10];
	v11 =	vand.u32 $0x7FFFFFFF, v11  }
0x3c6: {  	v18 =	vand.u32 $0x7FFFFFFF, v8;
	v19 =	vld [tilespmem:s6+$0x20];
	v8 =	vshrl.u32 v11, $0x9  }
0x3c7: {  	v20 =	vld [tilespmem:s6+$0xFFFFFFC0];
	v21 =	vshrl.u32 v18, $0x9;
	v22 =	vand.u32 $0x7FFFFFFF, v10;
	vm9 =	veq.s32 v8, v3  }
0x3c8: {  	v11 =	vand.u32 $0x1FF, v11;
	v10 =	vshrl.u32 v22, $0x9;
	v14 =	vand.u32 $0x7FFFFFFF, v14;
	[tilespmem:v9+s25+$0x0] =	vst.idx.add.s32.msk vm5, v1  }
0x3c9: {  	v9 =	vshrl.u32 v14, $0x9;
	v15 =	vand.u32 $0x7FFFFFFF, v15;
	[tilespmem:v6+s25+$0x0] =	vst.idx.add.s32.msk vm0, v1;
	vm0 =	veq.s32 v21, v3  }
0x3ca: {  	v6 =	vshrl.u32 v15, $0x9;
	v8 =	vand.u32 $0x7FFFFFFF, v16;
	[tilespmem:v7+s25+$0x0] =	vst.idx.add.s32.msk vm1, v1;
	vm1 =	veq.s32 v10, v3  }
.Ltmp11:
0x3cb: {  	v7 =	vshrl.u32 v8, $0x9;
	v10 =	vand.u32 $0x7FFFFFFF, v19;
	[tilespmem:v5+s25+$0x0] =	vst.idx.add.s32.msk vm2, v1;
	vm2 =	veq.s32 v9, v3;
	(pc) =	sbr.rel @p1 .LBB2_20-.Ltmp11, $4  }
0x3cc: {  	v5 =	vand.u32 $0x7FFFFFFF, v20;
	v9 =	vshrl.u32 v10, $0x9;
	[tilespmem:v4+s25+$0x0] =	vst.idx.add.s32.msk vm3, v1;
	vm3 =	veq.s32 v6, v3  }
0x3cd: {  	vm8 =	veq.s32 v7, v3;
	v4 =	vshrl.u32 v5, $0x9;
	vm7 =	veq.s32 v9, v3;
	[tilespmem:v11+s25+$0x0] =	vst.idx.add.s32.msk vm9, v1  }
0x3ce: {  	v6 =	vand.u32 $0x1FF, v18;
	v9 =	vand.u32 $0x1FF, v5;
	vm5 =	veq.s32 v4, v3;
	[tilespmem:v12+s25+$0x0] =	vst.idx.add.s32.msk vm6, v1  }
0x3cf: {  	s6 =	sadd.s32 $0x80, s6;
	v7 =	vand.u32 $0x1FF, v22;
	v5 =	vand.u32 $0x1FF, v14;
	v4 =	vand.u32 $0x1FF, v15;
	[tilespmem:v13+s25+$0x0] =	vst.idx.add.s32.msk vm4, v1  }
0x3d0: {  	_ =	sdelay $0x4  }
0x3d1: {  	v8 =	vand.u32 $0x1FF, v8;
	[tilespmem:v9+s25+$0x0] =	vst.idx.add.s32.msk vm5, v1  }
0x3d2: {  	v63 =	vand.u32 $0x1FF, v10;
	[tilespmem:v6+s25+$0x0] =	vst.idx.add.s32.msk vm0, v1  }
0x3d3: {  	[tilespmem:v7+s25+$0x0] =	vst.idx.add.s32.msk vm1, v1  }
0x3d4: {  	[tilespmem:v5+s25+$0x0] =	vst.idx.add.s32.msk vm2, v1  }
0x3d5: {  	[tilespmem:v4+s25+$0x0] =	vst.idx.add.s32.msk vm3, v1  }
0x3d6: {  	[tilespmem:v8+s25+$0x0] =	vst.idx.add.s32.msk vm8, v1  }
0x3d7: {  	[tilespmem:v63+s25+$0x0] =	vst.idx.add.s32.msk vm7, v1  }
0x3d8: {  	[spmem:s5] =	stream.strided.scatter [tilespmem:s25], [sflag:$0x2], $0x800, s28, s26, $0x38;
	[tilespmem:$0x19110] =	vst v63  }
.Ltmp12:
0x3d9: {  	_ =	swait.ge [sflag:s24], $0x800;
	(pc) =	sbr.rel @p0 .LBB2_25-.Ltmp12, $4  }
0x3da: {  	[sflag:s24] =	ssyncset.done $0x0  }
0x3db: {  	[sflag:s24] =	ssyncadd.s32 $0xFFFFF800  }
0x3dc: {  	[bflag:$0x0] =	sbarrier.arrive $0xFFFF  }
0x3dd: {  	vm4 =	vmmov vm8;
	vm6 =	vmmov vm7  }
0x3de: {  	s1 =	rddreg [dreg:$0x2];
	s6 =	simm.s32 $0x10800  }
0x3df: {  	[tilespmem:s6], [sflag:$0x1] =	stream.strided.gather [spmem:s1], $0x800, s28, s26, $0x38;
	[tilespmem:$0x19110] =	vst v63  }
0x3e0: {  	s8 =	rddreg [dreg:$0x6];
	s9 =	simm.s32 $0x11000  }
0x3e1: {  	[tilespmem:s9], [sflag:$0x1] =	stream.strided.gather [spmem:s8], $0x800, s28, s26, $0x38;
	[tilespmem:$0x19110] =	vst v63  }
0x3e2: {  	s10 =	rddreg [dreg:$0x7];
	s11 =	simm.s32 $0x11800  }
0x3e3: {  	[tilespmem:s11], [sflag:$0x1] =	stream.strided.gather [spmem:s10], $0x800, s28, s26, $0x38;
	[tilespmem:$0x19110] =	vst v63  }
0x3e4: {  	s12 =	rddreg [dreg:$0x8];
	s21 =	simm.s32 $0x12000  }
0x3e5: {  	[tilespmem:s21], [sflag:$0x1] =	stream.strided.gather [spmem:s12], $0x800, s28, s26, $0x38;
	[tilespmem:$0x19110] =	vst v63  }
0x3e6: {  	s22 =	rddreg [dreg:$0x9];
	s23 =	simm.s32 $0x12800  }
0x3e7: {  	[tilespmem:s23], [sflag:$0x1] =	stream.strided.gather [spmem:s22], $0x800, s28, s26, $0x38;
	[tilespmem:$0x19110] =	vst v63  }
0x3e8: {  	s7 =	rddreg [dreg:$0xa];
	s8 =	simm.s32 $0x13000  }
0x3e9: {  	[tilespmem:s8], [sflag:$0x1] =	stream.strided.gather [spmem:s7], $0x800, s28, s26, $0x38;
	[tilespmem:$0x19110] =	vst v63  }
0x3ea: {  	s9 =	rddreg [dreg:$0xb];
	s10 =	simm.s32 $0x13800  }
0x3eb: {  	[tilespmem:s10], [sflag:$0x1] =	stream.strided.gather [spmem:s9], $0x800, s28, s26, $0x38;
	[tilespmem:$0x19110] =	vst v63  }
0x3ec: {  	s11 =	rddreg [dreg:$0xc];
	s12 =	simm.s32 $0x14000  }
0x3ed: {  	[tilespmem:s12], [sflag:$0x1] =	stream.strided.gather [spmem:s11], $0x800, s28, s26, $0x38;
	[tilespmem:$0x19110] =	vst v63  }
0x3ee: {  	s21 =	simm.s32 $0x14800  }
0x3ef: {  	[tilespmem:s21], [sflag:$0x1] =	stream.strided.gather [spmem:s13], $0x800, s28, s26, $0x38;
	[tilespmem:$0x19110] =	vst v63  }
0x3f0: {  	s22 =	simm.s32 $0x15000  }
0x3f1: {  	[tilespmem:s22], [sflag:$0x1] =	stream.strided.gather [spmem:s14], $0x800, s28, s26, $0x38;
	[tilespmem:$0x19110] =	vst v63  }
0x3f2: {  	s23 =	simm.s32 $0x15800  }
0x3f3: {  	[tilespmem:s23], [sflag:$0x1] =	stream.strided.gather [spmem:s15], $0x800, s28, s26, $0x38;
	[tilespmem:$0x19110] =	vst v63  }
0x3f4: {  	s6 =	simm.s32 $0x16000  }
0x3f5: {  	[tilespmem:s6], [sflag:$0x1] =	stream.strided.gather [spmem:s16], $0x800, s28, s26, $0x38;
	[tilespmem:$0x19110] =	vst v63  }
0x3f6: {  	s7 =	simm.s32 $0x16800  }
0x3f7: {  	[tilespmem:s7], [sflag:$0x1] =	stream.strided.gather [spmem:s17], $0x800, s28, s26, $0x38;
	[tilespmem:$0x19110] =	vst v63  }
0x3f8: {  	s8 =	simm.s32 $0x17000  }
0x3f9: {  	[tilespmem:s8], [sflag:$0x1] =	stream.strided.gather [spmem:s18], $0x800, s28, s26, $0x38;
	[tilespmem:$0x19110] =	vst v63  }
0x3fa: {  	s9 =	simm.s32 $0x17800  }
0x3fb: {  	[tilespmem:s9], [sflag:$0x1] =	stream.strided.gather [spmem:s19], $0x800, s28, s26, $0x38;
	[tilespmem:$0x19110] =	vst v63  }
0x3fc: {  	s10 =	simm.s32 $0x18000  }
0x3fd: {  	[tilespmem:s10], [sflag:$0x1] =	stream.strided.gather [spmem:s20], $0x800, s28, s26, $0x38;
	[tilespmem:$0x19110] =	vst v63  }
0x3fe: {  	_ =	swait.ge [sflag:s30], $0x800  }
0x3ff: {  	[sflag:s30] =	ssyncset.done $0x0  }
0x400: {  	[sflag:s30] =	ssyncadd.s32 $0xFFFFF800  }
0x401: {  	_ =	swait.ge [sflag:s30], $0x800  }
0x402: {  	[sflag:s30] =	ssyncset.done $0x0  }
0x403: {  	[sflag:s30] =	ssyncadd.s32 $0xFFFFF800  }
0x404: {  	_ =	swait.ge [sflag:s30], $0x800  }
0x405: {  	[sflag:s30] =	ssyncset.done $0x0  }
0x406: {  	[sflag:s30] =	ssyncadd.s32 $0xFFFFF800  }
0x407: {  	_ =	swait.ge [sflag:s30], $0x800  }
0x408: {  	[sflag:s30] =	ssyncset.done $0x0  }
0x409: {  	[sflag:s30] =	ssyncadd.s32 $0xFFFFF800  }
0x40a: {  	_ =	swait.ge [sflag:s30], $0x800  }
0x40b: {  	[sflag:s30] =	ssyncset.done $0x0  }
0x40c: {  	[sflag:s30] =	ssyncadd.s32 $0xFFFFF800  }
0x40d: {  	_ =	swait.ge [sflag:s30], $0x800  }
0x40e: {  	[sflag:s30] =	ssyncset.done $0x0  }
0x40f: {  	[sflag:s30] =	ssyncadd.s32 $0xFFFFF800  }
0x410: {  	_ =	swait.ge [sflag:s30], $0x800  }
0x411: {  	[sflag:s30] =	ssyncset.done $0x0  }
0x412: {  	[sflag:s30] =	ssyncadd.s32 $0xFFFFF800  }
0x413: {  	_ =	swait.ge [sflag:s30], $0x800  }
0x414: {  	[sflag:s30] =	ssyncset.done $0x0  }
0x415: {  	[sflag:s30] =	ssyncadd.s32 $0xFFFFF800  }
0x416: {  	_ =	swait.ge [sflag:s30], $0x800  }
0x417: {  	[sflag:s30] =	ssyncset.done $0x0  }
0x418: {  	[sflag:s30] =	ssyncadd.s32 $0xFFFFF800  }
0x419: {  	_ =	swait.ge [sflag:s30], $0x800  }
0x41a: {  	[sflag:s30] =	ssyncset.done $0x0  }
0x41b: {  	[sflag:s30] =	ssyncadd.s32 $0xFFFFF800  }
0x41c: {  	_ =	swait.ge [sflag:s30], $0x800  }
0x41d: {  	[sflag:s30] =	ssyncset.done $0x0  }
0x41e: {  	[sflag:s30] =	ssyncadd.s32 $0xFFFFF800  }
0x41f: {  	_ =	swait.ge [sflag:s30], $0x800  }
0x420: {  	[sflag:s30] =	ssyncset.done $0x0  }
0x421: {  	[sflag:s30] =	ssyncadd.s32 $0xFFFFF800  }
0x422: {  	_ =	swait.ge [sflag:s30], $0x800  }
0x423: {  	[sflag:s30] =	ssyncset.done $0x0  }
0x424: {  	[sflag:s30] =	ssyncadd.s32 $0xFFFFF800  }
0x425: {  	_ =	swait.ge [sflag:s30], $0x800  }
0x426: {  	[sflag:s30] =	ssyncset.done $0x0  }
0x427: {  	[sflag:s30] =	ssyncadd.s32 $0xFFFFF800  }
0x428: {  	_ =	swait.ge [sflag:s30], $0x800  }
0x429: {  	[sflag:s30] =	ssyncset.done $0x0  }
0x42a: {  	[sflag:s30] =	ssyncadd.s32 $0xFFFFF800  }
0x42b: {  	_ =	swait.ge [sflag:s30], $0x800  }
0x42c: {  	[sflag:s30] =	ssyncset.done $0x0  }
0x42d: {  	s11 =	simm.s32 $0x0;
	s7 =	simm.s32 $0x18030;
	[sflag:s30] =	ssyncadd.s32 $0xFFFFF800  }
0x42e: {  	s8 =	sand.u32 $0x1C0, s11;
	v4 =	vld [tilespmem:s7+$0xFFFFC7E0]  }
0x42f: {  	v5 =	vld [tilespmem:s8+$0x11000]  }
0x430: {  	v6 =	vld [tilespmem:s8+$0x11800]  }
0x431: {  	v7 =	vld [tilespmem:s8+$0x12000]  }
0x432: {  	v8 =	vld [tilespmem:s8+$0x15000]  }
0x433: {  	v13 =	vld [tilespmem:s7+$0xFFFFBFF0]  }
0x434: {  	v23 =	vld [tilespmem:s7+$0xFFFFF800]  }
0x435: {  	v22 =	vld [tilespmem:s7+$0xFFFFF000]  }
0x436: {  	v18 =	vld [tilespmem:s7+$0xFFFFF7F0]  }
0x437: {  	v19 =	vld [tilespmem:s7+$0xFFFFEFF0]  }
0x438: {  	v9 =	vld [tilespmem:s7+$0xFFFFF7E0]  }
0x439: {  	v20 =	vld [tilespmem:s7+$0xFFFFE7F0]  }
0x43a: {  	v10 =	vld [tilespmem:s7+$0xFFFFEFE0]  }
0x43b: {  	v12 =	vld [tilespmem:s8+$0x17800]  }
0x43c: {  	v31 =	vld [tilespmem:s7+$0xFFFFDFF0]  }
0x43d: {  	v14 =	vld [tilespmem:s7+$0xFFFFE7E0]  }
0x43e: {  	v24 =	vld [tilespmem:s7+$0xFFFFE000]  }
0x43f: {  	v26 =	vld [tilespmem:s7+$0xFFFFD800]  }
0x440: {  	v27 =	vld [tilespmem:s7+$0xFFFFC800]  }
0x441: {  	v21 =	vld [tilespmem:s7+$0xFFFFC000]  }
0x442: {  	v15 =	vld [tilespmem:s8+$0x17000]  }
0x443: {  	v25 =	vld [tilespmem:s7+$0xFFFFE800]  }
0x444: {  	v16 =	vld [tilespmem:s7+$0xFFFFD7F0]  }
0x445: {  	v32 =	vld [tilespmem:s7+$0xFFFFDFE0]  }
0x446: {  	v33 =	vld [tilespmem:s7+$0xFFFFB800]  }
0x447: {  	v34 =	vld [tilespmem:s7+$0xFFFFB000]  }
0x448: {  	v35 =	vld [tilespmem:s7+$0xFFFFA800]  }
0x449: {  	v37 =	vld [tilespmem:s7+$0xFFFF8800]  }
0x44a: {  	v38 =	vld [tilespmem:s7+$0xFFFFA000]  }
0x44b: {  	v36 =	vld [tilespmem:s8+$0x16800]  }
0x44c: {  	v39 =	vld [tilespmem:s7+$0xFFFFCFF0]  }
0x44d: {  	v40 =	vld [tilespmem:s7+$0xFFFFD7E0]  }
0x44e: {  	v41 =	vld [tilespmem:s8+$0x16000]  }
0x44f: {  	v42 =	vld [tilespmem:s7+$0xFFFFC7F0]  }
0x450: {  	v43 =	vld [tilespmem:s7+$0xFFFFCFE0]  }
0x451: {  	v44 =	vld [tilespmem:s8+$0x15800]  }
0x452: {  	v45 =	vld [tilespmem:s7+$0xFFFFD000]  }
0x453: {  	v11 =	vld [tilespmem:s7+$0xFFFFBFE0]  }
0x454: {  	v28 =	vld [tilespmem:s7+$0xFFFFB7E0]  }
0x455: {  	v29 =	vld [tilespmem:s7+$0xFFFFAFE0]  }
0x456: {  	v30 =	vld [tilespmem:s7+$0xFFFFA7E0]  }
0x457: {  	v49 =	vld [tilespmem:s7+$0xFFFF9FE0]  }
0x458: {  	v56 =	vld [tilespmem:s7+$0xFFFF8FE0]  }
0x459: {  	v57 =	vld [tilespmem:s7+$0xFFFF87D0]  }
0x45a: {  	v58 =	vld [tilespmem:s7+$0xFFFF87E0]  }
0x45b: {  	v59 =	vld [tilespmem:s7+$0xFFFF97E0]  }
0x45c: {  	v60 =	vld [tilespmem:s8+$0x12800]  }
0x45d: {  	v61 =	vld [tilespmem:s8+$0x13000]  }
0x45e: {  	v5 =	vadd.s32 v57, v5;
	v57 =	vld [tilespmem:s8+$0x13800]  }
0x45f: {  	v62 =	vld [tilespmem:s8+$0x14000];
	v5 =	vadd.s32 v6, v5;
	v6 =	vadd.s32 v58, v56  }
0x460: {  	v5 =	vadd.s32 v7, v5;
	v6 =	vadd.s32 v59, v6;
	v7 =	vld [tilespmem:s8+$0x14800]  }
0x461: {  	v46 =	vld [tilespmem:s7+$0xFFFFB7F0];
	v63 =	vadd.s32 v60, v5;
	v6 =	vadd.s32 v49, v6  }
0x462: {  	v47 =	vld [tilespmem:s7+$0xFFFF9800];
	v59 =	vadd.s32 v61, v63;
	v6 =	vadd.s32 v30, v6  }
0x463: {  	v48 =	vld [tilespmem:s7+$0xFFFF9000];
	v49 =	vadd.s32 v57, v59;
	v6 =	vadd.s32 v29, v6  }
0x464: {  	v54 =	vld [tilespmem:s7+$0xFFFF8FF0];
	v49 =	vadd.s32 v62, v49;
	v6 =	vadd.s32 v28, v6  }
0x465: {  	v55 =	vld [tilespmem:s7+$0xFFFF87F0];
	v7 =	vadd.s32 v7, v49;
	v6 =	vadd.s32 v11, v6  }
0x466: {  	v53 =	vld [tilespmem:s7+$0xFFFF97F0];
	v7 =	vadd.s32 v8, v7;
	v4 =	vadd.s32 v4, v6  }
0x467: {  	v52 =	vld [tilespmem:s7+$0xFFFF9FF0];
	v7 =	vadd.s32 v44, v7;
	v4 =	vadd.s32 v43, v4  }
0x468: {  	v2 =	vsub.s32 v2, v17;
	v51 =	vld [tilespmem:s7+$0xFFFFA7F0];
	v7 =	vadd.s32 v41, v7;
	v4 =	vadd.s32 v40, v4  }
0x469: {  	s29 =	simm.s32 $0x18070;
	v50 =	vld [tilespmem:s7+$0xFFFFAFF0];
	v37 =	vadd.s32 v37, v48;
	v7 =	vadd.s32 v36, v7;
	v4 =	vadd.s32 v32, v4  }
0x46a: {  	v17 =	vld [tilespmem:s29+$0xFFFFCFF0];
	v7 =	vadd.s32 v15, v7;
	v8 =	vadd.s32 v14, v4;
	v14 =	vadd.s32 v55, v54  }
0x46b: {  	v48 =	vld [tilespmem:s29+$0xFFFFA800];
	v7 =	vadd.s32 v12, v7;
	v10 =	vadd.s32 v10, v8;
	v12 =	vadd.s32 v53, v14  }
0x46c: {  	s12 =	simm.s32 $0x40;
	v5 =	vld [tilespmem:s29+$0xFFFFC7E0];
	v9 =	vadd.s32 v9, v10;
	v10 =	vadd.s32 v52, v12  }
0x46d: {  	s1 =	sand.u32 $0x1C0, s12;
	v60 =	vld [tilespmem:s8+$0x18000];
	v10 =	vadd.s32 v51, v10  }
0x46e: {  	v30 =	vld [tilespmem:s1+$0x11000];
	v12 =	vadd.s32 v50, v10  }
0x46f: {  	v61 =	vld [tilespmem:s7+$0xFFFFFFE0];
	v14 =	vadd.s32 v46, v12  }
0x470: {  	v63 =	vld [tilespmem:s7+$0x0];
	v14 =	vadd.s32 v13, v14  }
0x471: {  	v29 =	vld [tilespmem:s1+$0x11800];
	v15 =	vadd.s32 v42, v14  }
0x472: {  	v28 =	vld [tilespmem:s1+$0x12000];
	v53 =	vadd.s32 v39, v15  }
0x473: {  	v62 =	vld [tilespmem:s7+$0xFFFFFFF0];
	v36 =	vadd.s32 v16, v53  }
0x474: {  	v11 =	vld [tilespmem:s1+$0x15000];
	v31 =	vadd.s32 v31, v36  }
0x475: {  	v49 =	vld [tilespmem:s29+$0xFFFF8800];
	v43 =	vadd.s32 v60, v7;
	v20 =	vadd.s32 v20, v31;
	v31 =	vadd.s32 v47, v37  }
0x476: {  	v6 =	vld [tilespmem:s29+$0xFFFFBFF0];
	v40 =	vadd.s32 v61, v9;
	(xrf0) =	vadd.scan.msk.s32 $0xffff, v43;
	v19 =	vadd.s32 v19, v20;
	v20 =	vadd.s32 v38, v31  }
0x477: {  	v44 =	vld [tilespmem:s29+$0xFFFFD800];
	(xrf0) =	vadd.scan.msk.s32 $0xffff, v40;
	v18 =	vadd.s32 v18, v19;
	v19 =	vadd.s32 v35, v20  }
0x478: {  	v41 =	vld [tilespmem:s29+$0xFFFFD000];
	v19 =	vadd.s32 v34, v19  }
0x479: {  	v4 =	vld [tilespmem:s29+$0xFFFFF800];
	v31 =	vadd.s32 v62, v18;
	v56 =	vadd.s32 v33, v19  }
0x47a: {  	v8 =	vld [tilespmem:s29+$0xFFFFF000];
	(xrf0) =	vadd.scan.msk.s32 $0xffff, v31;
	v32 =	vadd.s32 v21, v56  }
0x47b: {  	v7 =	vld [tilespmem:s29+$0xFFFFF7F0];
	v27 =	vadd.s32 v27, v32  }
0x47c: {  	v52 =	vld [tilespmem:s29+$0xFFFFAFF0];
	v54, _, _ =	vpop (xrf0);
	v27 =	vadd.s32 v45, v27  }
0x47d: {  	v9 =	vld [tilespmem:s29+$0xFFFFEFF0];
	(v2sf) =	vpush v54, $0xF;
	v55, _, _ =	vpop (xrf0);
	v26 =	vadd.s32 v26, v27  }
0x47e: {  	v51 =	vld [tilespmem:s29+$0xFFFF9FF0];
	(v2sf) =	vpush v55, $0xF  }
0x47f: {  	v10 =	vld [tilespmem:s29+$0xFFFFF7E0]  }
0x480: {  	v50 =	vld [tilespmem:s29+$0xFFFFA000];
	v24 =	vadd.s32 v24, v26;
	v26, _, _ =	vpop (xrf0)  }
0x481: {  	v12 =	vld [tilespmem:s29+$0xFFFFE7F0];
	v24 =	vadd.s32 v25, v24;
	(v2sf) =	vpush v26, $0xF  }
0x482: {  	v46 =	vld [tilespmem:s29+$0xFFFFC800];
	v24 =	vadd.s32 v22, v24  }
0x483: {  	v13 =	vld [tilespmem:s29+$0xFFFFEFE0];
	v23 =	vadd.s32 v23, v24;
	v24 =	vadd.s32 s11, v54  }
0x484: {  	v14 =	vld [tilespmem:s1+$0x17800];
	v39 =	vadd.s32 v63, v23;
	vm0 =	vle.s32 v24, v2  }
0x485: {  	v15 =	vld [tilespmem:s29+$0xFFFFDFF0];
	(xrf0) =	vadd.scan.msk.s32 $0xffff, v39;
	v25 =	vsel vm0, $0x1, v0  }
0x486: {  	v16 =	vld [tilespmem:s29+$0xFFFFE7E0];
	(xrf0) =	vadd.scan.msk.s32 $0xffff, v25  }
0x487: {  	v53 =	vld [tilespmem:s29+$0xFFFF97F0]  }
0x488: {  	v36 =	vld [tilespmem:s29+$0xFFFFE000]  }
0x489: {  	v47 =	vld [tilespmem:s29+$0xFFFFB800]  }
0x48a: {  	v37 =	vld [tilespmem:s29+$0xFFFF9FE0]  }
0x48b: {  	v38 =	vld [tilespmem:s29+$0xFFFFC000];
	v60, _, _ =	vpop (xrf0)  }
0x48c: {  	v20 =	vld [tilespmem:s29+$0xFFFFE800];
	s21 =	spop (v2sf);
	(v2sf) =	vpush v60, $0xF;
	v61, _, _ =	vpop (xrf0)  }
0x48d: {  	v35 =	vld [tilespmem:s29+$0xFFFFA7E0];
	s6 =	sadd.s32 $0x0, s21;
	s22 =	spop (v2sf);
	(v2sf) =	vpush v61, $0xF  }
0x48e: {  	v18 =	vld [tilespmem:s1+$0x17000];
	v27 =	vadd.s32 s6, v55;
	s6 =	sadd.s32 s6, s22  }
0x48f: {  	v34 =	vld [tilespmem:s29+$0xFFFFAFE0];
	v57 =	vnsel vm0, $0x0, v43;
	vm14 =	vle.s32 v27, v2;
	v27 =	vadd.s32 s6, v26  }
0x490: {  	v19 =	vld [tilespmem:s29+$0xFFFFD7F0];
	(xrf0) =	vadd.scan.msk.s32 $0xffff, v57;
	v58 =	vsel vm14, $0x1, v0;
	vm1 =	vle.s32 v27, v2;
	s23 =	spop (v2sf)  }
0x491: {  	v33 =	vld [tilespmem:s29+$0xFFFFB7E0];
	v31 =	vnsel vm1, $0x0, v31;
	(xrf0) =	vadd.scan.msk.s32 $0xffff, v58;
	s6 =	sadd.s32 s6, s23  }
0x492: {  	v21 =	vld [tilespmem:s29+$0xFFFFDFE0];
	v59 =	vsel vm1, $0x1, v0;
	(xrf0) =	vadd.scan.msk.s32 $0xffff, v31;
	v42 =	vadd.s32 s6, v60  }
0x493: {  	v56 =	vld [tilespmem:s29+$0xFFFF9000];
	v40 =	vnsel vm14, $0x0, v40;
	(xrf0) =	vadd.scan.msk.s32 $0xffff, v59;
	vm15 =	vle.s32 v42, v2  }
0x494: {  	v63 =	vld [tilespmem:s29+$0xFFFF9800];
	(xrf0) =	vadd.scan.msk.s32 $0xffff, v40;
	v59 =	vsel vm15, $0x1, v0  }
0x495: {  	v32 =	vld [tilespmem:s29+$0xFFFFBFE0];
	v39 =	vnsel vm15, $0x0, v39;
	(xrf0) =	vadd.scan.msk.s32 $0xffff, v59  }
0x496: {  	v45 =	vld [tilespmem:s29+$0xFFFFB000];
	v62, _, _ =	vpop (xrf0);
	(xrf0) =	vadd.scan.msk.s32 $0xffff, v39  }
0x497: {  	v22 =	vld [tilespmem:s1+$0x16800];
	(v2sf) =	vpush v62, $0xF;
	v55, _, _ =	vpop (xrf0)  }
0x498: {  	v49 =	vadd.s32 v49, v56;
	v54 =	vld [tilespmem:s29+$0xFFFF8FE0];
	(v2sf) =	vpush v55, $0xF;
	v57, _, _ =	vpop (xrf0)  }
0x499: {  	v23 =	vld [tilespmem:s29+$0xFFFFD7E0];
	v58, _, _ =	vpop (xrf0);
	(v2sf) =	vpush v57, $0xF;
	v60 =	vadd.s32 v63, v49  }
0x49a: {  	v24 =	vld [tilespmem:s1+$0x16000];
	(v2sf) =	vpush v58, $0xF;
	v56, _, _ =	vpop (xrf0)  }
0x49b: {  	v25 =	vld [tilespmem:s29+$0xFFFFC7F0];
	s8 =	spop (v2sf);
	(v2sf) =	vpush v56, $0xF;
	v58, _, _ =	vpop (xrf0)  }
0x49c: {  	v26 =	vld [tilespmem:s29+$0xFFFFCFE0];
	v62 =	vadd.s32 v50, v60;
	s9 =	spop (v2sf);
	(v2sf) =	vpush v58, $0xF;
	v60, _, _ =	vpop (xrf0)  }
0x49d: {  	v27 =	vld [tilespmem:s1+$0x15800];
	(v2sf) =	vpush v60, $0xF  }
0x49e: {  	v31 =	vld [tilespmem:s29+$0xFFFFB7F0]  }
0x49f: {  	v61 =	vld [tilespmem:s29+$0xFFFF8FF0]  }
0x4a0: {  	v63 =	vld [tilespmem:s29+$0xFFFF87F0]  }
0x4a1: {  	v55 =	vld [tilespmem:s29+$0xFFFF87D0];
	v39 =	vadd.s32 v48, v62  }
0x4a2: {  	v57 =	vld [tilespmem:s29+$0xFFFF87E0];
	v39 =	vadd.s32 v45, v39  }
0x4a3: {  	v42 =	vld [tilespmem:s29+$0xFFFFA7F0];
	v39 =	vadd.s32 v47, v39  }
0x4a4: {  	v59 =	vld [tilespmem:s29+$0xFFFF97E0];
	v38 =	vadd.s32 v38, v39  }
0x4a5: {  	v43 =	vadd.s32 v63, v61;
	v39 =	vld [tilespmem:s1+$0x12800];
	v38 =	vadd.s32 v46, v38  }
0x4a6: {  	s22 =	simm.s32 $0x4;
	v40 =	vld [tilespmem:s1+$0x13000];
	v30 =	vadd.s32 v55, v30;
	v61 =	vadd.s32 v53, v43;
	v38 =	vadd.s32 v41, v38;
	s10 =	spop (v2sf)  }
0x4a7: {  	s23 =	simm.s32 $0x180B0;
	v29 =	vadd.s32 v29, v30;
	v63 =	vadd.s32 v51, v61;
	s21 =	sadd.s32 s6, s8;
	v62 =	vadd.s32 v44, v38;
	v38 =	vld [tilespmem:s1+$0x13800];
	s12 =	spop (v2sf)  }
0x4a8: {  	v30 =	vadd.s32 v57, v54;
	v28 =	vadd.s32 v28, v29;
	v42 =	vadd.s32 v42, v63;
	s6 =	simm.s32 $0x80;
	s11 =	sadd.s32 $0x0, s9;
	v41 =	vld [tilespmem:s1+$0x14000];
	s8 =	spop (v2sf)  }
0x4a9: {  	v43 =	vld [tilespmem:s1+$0x14800];
	v29 =	vadd.s32 v59, v30;
	v42 =	vadd.s32 v52, v42;
	s7 =	sadd.s32 $0x0, s10;
	v36 =	vadd.s32 v36, v62;
	s9 =	sadd.s32 s12, s11;
	s10 =	spop (v2sf)  }
.LBB2_23:
0x4aa: {  	s11 =	sand.u32 $0x1C0, s6;
	v44 =	vld [tilespmem:s23+$0xFFFFC7E0];
	s22 =	sadd.s32 $0x4, s22;
	v28 =	vadd.s32 v39, v28;
	v30 =	vadd.s32 v37, v29;
	s12 =	spop (v2sf)  }
0x4ab: {  	s9 =	sadd.s32 s10, s9;
	v29 =	vld [tilespmem:s11+$0x11000];
	v28 =	vadd.s32 v40, v28;
	v35 =	vadd.s32 v35, v30;
	s7 =	sadd.s32 s12, s7;
	s10 =	spop (v2sf)  }
0x4ac: {  	v30 =	vld [tilespmem:s11+$0x11800];
	v37 =	vadd.s32 v38, v28;
	v34 =	vadd.s32 v34, v35;
	s7 =	sadd.s32 s8, s7;
	s8 =	sadd.s32 s10, s9;
	s9 =	spop (v2sf)  }
0x4ad: {  	v20 =	vadd.s32 v20, v36;
	p1 =	slt.u32 s22, $0x1C;
	v28 =	vld [tilespmem:s11+$0x12000];
	v35 =	vadd.s32 v41, v37;
	v33 =	vadd.s32 v33, v34;
	s7 =	sadd.s32 s9, s7  }
0x4ae: {  	v31 =	vadd.s32 v31, v42;
	v34 =	vld [tilespmem:s11+$0x15000];
	v35 =	vadd.s32 v43, v35;
	v32 =	vadd.s32 v32, v33  }
0x4af: {  	v31 =	vadd.s32 v6, v31;
	v11 =	vadd.s32 v11, v35;
	v32 =	vadd.s32 v5, v32;
	v6 =	vld [tilespmem:s23+$0xFFFFBFF0];
	v5 =	vmovc v44  }
0x4b0: {  	v25 =	vadd.s32 v25, v31;
	v11 =	vadd.s32 v27, v11;
	v27 =	vld [tilespmem:s1+$0x18000];
	v26 =	vadd.s32 v26, v32;
	s1 =	smov.u32 s11  }
0x4b1: {  	v17 =	vadd.s32 v17, v25;
	v31 =	vadd.s32 v24, v11;
	v23 =	vadd.s32 v23, v26;
	v24 =	vld [tilespmem:s29+$0xFFFFFFE0]  }
0x4b2: {  	v17 =	vadd.s32 v19, v17;
	v22 =	vadd.s32 v22, v31;
	v21 =	vadd.s32 v21, v23;
	v19 =	vld [tilespmem:s29+$0xFFFFFFF0]  }
0x4b3: {  	v15 =	vadd.s32 v15, v17;
	v18 =	vadd.s32 v18, v22;
	v16 =	vadd.s32 v16, v21;
	v17 =	vld [tilespmem:s29+$0x0];
	v11 =	vmovc v34;
	s29 =	smov.u32 s23  }
0x4b4: {  	v12 =	vadd.s32 v12, v15;
	v21 =	vld [tilespmem:s23+$0xFFFFF800];
	v14 =	vadd.s32 v14, v18;
	v13 =	vadd.s32 v13, v16  }
0x4b5: {  	v9 =	vadd.s32 v9, v12;
	v15 =	vld [tilespmem:s23+$0xFFFFF000];
	v18 =	vadd.s32 v27, v14;
	v10 =	vadd.s32 v10, v13  }
0x4b6: {  	v8 =	vadd.s32 v8, v20;
	v27 =	vadd.s32 v24, v10;
	v10 =	vadd.s32 v7, v9;
	v7 =	vld [tilespmem:s23+$0xFFFFF7F0];
	(xrf0) =	vadd.scan.msk.s32 $0xffff, v18  }
0x4b7: {  	v8 =	vadd.s32 v4, v8;
	v9 =	vld [tilespmem:s23+$0xFFFFEFF0];
	v31 =	vadd.s32 v19, v10;
	(xrf0) =	vadd.scan.msk.s32 $0xffff, v27  }
0x4b8: {  	v10 =	vld [tilespmem:s23+$0xFFFFF7E0];
	v32 =	vadd.s32 v17, v8;
	(xrf0) =	vadd.scan.msk.s32 $0xffff, v31  }
0x4b9: {  	v12 =	vld [tilespmem:s23+$0xFFFFE7F0];
	(xrf0) =	vadd.scan.msk.s32 $0xffff, v32;
	v4 =	vmov v21  }
0x4ba: {  	v13 =	vld [tilespmem:s23+$0xFFFFEFE0];
	v8 =	vmov v15  }
0x4bb: {  	v14 =	vld [tilespmem:s1+$0x17800]  }
0x4bc: {  	v15 =	vld [tilespmem:s23+$0xFFFFDFF0];
	v17, _, _ =	vpop (xrf0)  }
0x4bd: {  	v16 =	vld [tilespmem:s23+$0xFFFFE7E0];
	v19 =	vadd.s32 s21, v17;
	(v2sf) =	vpush v17, $0xF;
	v25, _, _ =	vpop (xrf0)  }
0x4be: {  	v36 =	vld [tilespmem:s23+$0xFFFFE000];
	vm0 =	vle.s32 v19, v2;
	(v2sf) =	vpush v25, $0xF;
	v26, _, _ =	vpop (xrf0)  }
0x4bf: {  	v38 =	vld [tilespmem:s23+$0xFFFFD800];
	v17 =	vsel vm0, $0x1, v0;
	v18 =	vnsel vm0, $0x0, v18;
	(v2sf) =	vpush v26, $0xF;
	v33, _, _ =	vpop (xrf0)  }
0x4c0: {  	v39 =	vld [tilespmem:s23+$0xFFFFC800];
	(xrf0) =	vadd.scan.msk.s32 $0xffff, v17;
	(v2sf) =	vpush v33, $0xF  }
0x4c1: {  	v40 =	vld [tilespmem:s23+$0xFFFFC000];
	(xrf0) =	vadd.scan.msk.s32 $0xffff, v18  }
0x4c2: {  	v18 =	vld [tilespmem:s1+$0x17000]  }
0x4c3: {  	v20 =	vld [tilespmem:s23+$0xFFFFE800]  }
0x4c4: {  	v19 =	vld [tilespmem:s23+$0xFFFFD7F0]  }
0x4c5: {  	v21 =	vld [tilespmem:s23+$0xFFFFDFE0]  }
0x4c6: {  	v41 =	vld [tilespmem:s23+$0xFFFFB800];
	v17, _, _ =	vpop (xrf0)  }
0x4c7: {  	v42 =	vld [tilespmem:s23+$0xFFFFB000];
	(v2sf) =	vpush v17, $0xF;
	v17, _, _ =	vpop (xrf0)  }
0x4c8: {  	v43 =	vld [tilespmem:s23+$0xFFFFA800];
	(v2sf) =	vpush v17, $0xF  }
0x4c9: {  	v44 =	vld [tilespmem:s23+$0xFFFF8800]  }
0x4ca: {  	v45 =	vld [tilespmem:s23+$0xFFFFA000]  }
0x4cb: {  	v22 =	vld [tilespmem:s1+$0x16800]  }
0x4cc: {  	v17 =	vld [tilespmem:s23+$0xFFFFCFF0];
	s9 =	spop (v2sf)  }
0x4cd: {  	v23 =	vld [tilespmem:s23+$0xFFFFD7E0];
	s9 =	sadd.s32 s21, s9;
	s10 =	spop (v2sf)  }
0x4ce: {  	v24 =	vld [tilespmem:s1+$0x16000];
	v34 =	vadd.s32 s9, v25;
	s9 =	sadd.s32 s9, s10;
	s10 =	spop (v2sf)  }
0x4cf: {  	v25 =	vld [tilespmem:s23+$0xFFFFC7F0];
	vm0 =	vle.s32 v34, v2;
	v34 =	vadd.s32 s9, v26;
	s9 =	sadd.s32 s9, s10;
	s10 =	spop (v2sf)  }
0x4d0: {  	v26 =	vld [tilespmem:s23+$0xFFFFCFE0];
	v35 =	vsel vm0, $0x1, v0;
	v37 =	vnsel vm0, $0x0, v27;
	vm0 =	vle.s32 v34, v2;
	s21 =	sadd.s32 s9, s10  }
0x4d1: {  	v33 =	vadd.s32 s9, v33;
	v27 =	vld [tilespmem:s1+$0x15800];
	v34 =	vsel vm0, $0x1, v0;
	v31 =	vnsel vm0, $0x0, v31;
	(xrf0) =	vadd.scan.msk.s32 $0xffff, v35  }
0x4d2: {  	vm0 =	vle.s32 v33, v2;
	v46 =	vld [tilespmem:s23+$0xFFFFD000];
	(xrf0) =	vadd.scan.msk.s32 $0xffff, v31  }
0x4d3: {  	v35 =	vsel vm0, $0x1, v0;
	v47 =	vnsel vm0, $0x0, v32;
	v31 =	vld [tilespmem:s23+$0xFFFFB7F0];
	(xrf0) =	vadd.scan.msk.s32 $0xffff, v34  }
0x4d4: {  	v32 =	vld [tilespmem:s23+$0xFFFFBFE0];
	(xrf0) =	vadd.scan.msk.s32 $0xffff, v37  }
0x4d5: {  	v33 =	vld [tilespmem:s23+$0xFFFFB7E0];
	(xrf0) =	vadd.scan.msk.s32 $0xffff, v35  }
0x4d6: {  	v34 =	vld [tilespmem:s23+$0xFFFFAFE0];
	s9 =	spop (v2sf);
	(xrf0) =	vadd.scan.msk.s32 $0xffff, v47  }
0x4d7: {  	v47 =	vld [tilespmem:s23+$0xFFFF9800];
	s10 =	spop (v2sf);
	v35, _, _ =	vpop (xrf0)  }
0x4d8: {  	v48 =	vld [tilespmem:s23+$0xFFFF9000];
	(v2sf) =	vpush v35, $0xF;
	v37, _, _ =	vpop (xrf0)  }
0x4d9: {  	v35 =	vld [tilespmem:s23+$0xFFFFA7E0];
	v49, _, _ =	vpop (xrf0);
	(v2sf) =	vpush v37, $0xF  }
0x4da: {  	v37 =	vld [tilespmem:s23+$0xFFFF9FE0];
	v50, _, _ =	vpop (xrf0);
	(v2sf) =	vpush v49, $0xF  }
0x4db: {  	v49 =	vld [tilespmem:s23+$0xFFFFAFF0];
	(v2sf) =	vpush v50, $0xF;
	v50, _, _ =	vpop (xrf0)  }
0x4dc: {  	v51 =	vld [tilespmem:s23+$0xFFFFA7F0];
	(v2sf) =	vpush v50, $0xF;
	v50, _, _ =	vpop (xrf0)  }
0x4dd: {  	v52 =	vld [tilespmem:s23+$0xFFFF9FF0];
	v44 =	vadd.s32 v44, v48;
	(v2sf) =	vpush v50, $0xF  }
0x4de: {  	v48 =	vld [tilespmem:s23+$0xFFFF97F0];
	v44 =	vadd.s32 v47, v44  }
0x4df: {  	v47 =	vld [tilespmem:s23+$0xFFFF8FF0];
	v44 =	vadd.s32 v45, v44  }
0x4e0: {  	v45 =	vld [tilespmem:s23+$0xFFFF87F0];
	v43 =	vadd.s32 v43, v44  }
0x4e1: {  	v44 =	vld [tilespmem:s23+$0xFFFF8FE0];
	v42 =	vadd.s32 v42, v43  }
0x4e2: {  	v43 =	vld [tilespmem:s23+$0xFFFF87D0];
	v41 =	vadd.s32 v41, v42  }
0x4e3: {  	v42 =	vld [tilespmem:s23+$0xFFFF87E0];
	v40 =	vadd.s32 v40, v41  }
0x4e4: {  	v50 =	vld [tilespmem:s23+$0xFFFF97E0];
	v40 =	vadd.s32 v39, v40  }
.Ltmp13:
0x4e5: {  	v39 =	vld [tilespmem:s1+$0x12800];
	v41 =	vadd.s32 v45, v47;
	v45 =	vadd.s32 v46, v40;
	(pc) =	sbr.rel @p1 .LBB2_23-.Ltmp13, $4  }
0x4e6: {  	v40 =	vld [tilespmem:s1+$0x13000];
	v41 =	vadd.s32 v48, v41;
	v45 =	vadd.s32 v38, v45  }
0x4e7: {  	s8 =	sadd.s32 s8, s9;
	v29 =	vadd.s32 v43, v29;
	v38 =	vld [tilespmem:s1+$0x13800];
	v43 =	vadd.s32 v52, v41;
	v36 =	vadd.s32 v36, v45;
	s9 =	spop (v2sf)  }
0x4e8: {  	s23 =	sadd.s32 $0x40, s23;
	v29 =	vadd.s32 v30, v29;
	v41 =	vld [tilespmem:s1+$0x14000];
	v30 =	vadd.s32 v42, v44;
	v42 =	vadd.s32 v51, v43;
	s9 =	sadd.s32 s9, s8;
	s8 =	spop (v2sf)  }
0x4e9: {  	s6 =	sadd.s32 $0x40, s6;
	s7 =	sadd.s32 s7, s10;
	v28 =	vadd.s32 v28, v29;
	v43 =	vld [tilespmem:s1+$0x14800];
	v29 =	vadd.s32 v50, v30;
	v42 =	vadd.s32 v49, v42;
	s10 =	spop (v2sf)  }
.Ltmp14:
0x4ea: {  	_ = 	snop;
	(pc) =	sbr.rel .LBB2_24-.Ltmp14, $1  }
0x4eb: {  	_ =	sdelay $0x3  }
.LBB2_26:
0x4ec: {  	_ =	sfence.sel $0x180000  }
0x4ed: {  	[bflag:$0x0] =	sbarrier.arrive $0xFFFF  }
0x4ee: {  	_ =	strace $0x90000047  }
0x4ef: {  	[bflag:$0x2] =	sbarrier.arrive $0xFFFF  }
0x4f0: {  	s0 =	rddreg [dreg:$0x5]  }
0x4f1: {  	s0 =	sadd.s32 @!p0 $0x100000, s0  }
0x4f2: {  	[sflag:s0] =	ssyncadd.tile.s32 @!p0 $0x1;
	_ =	shalt  }
.Lfunc_end2:
_tile_overlayer_lowered:
.L_overlay_start_2:
0x4f3: {  	(tag) =	ssettag $0x2  }
0x4f4: {  	s0 =	rddreg [dreg:$0x0];
	s2 =	stileid.u32  }
0x4f5: {  	s1 =	rddreg [dreg:$0x1];
	p0 =	sne.s32 s2, $0x0  }
0x4f6: {  	s3 =	rddreg [dreg:$0x2];
	[bflag:$0x3] =	sbarrier.arrive $0xFFFF;
	s2 =	simm.s32 @!p0 $0x1C02  }
0x4f7: {  	[timem:s3], [sflag:s2] =	dma.local @!p0 [hbm:s0], s1  }
0x4f8: {  	s0 =	simm.s32 @!p0 $0x2  }
0x4f9: {  	_ =	swait.ge @!p0 [sflag:s0], s1  }
0x4fa: {  	s1 =	ssub.s32 @!p0 $0x0, s1;
	[sflag:s0] =	ssyncset.done @!p0 $0x0  }
0x4fb: {  	[sflag:s0] =	ssyncadd.s32 @!p0 s1  }
0x4fc: {  	[bflag:$0x3] =	sbarrier.arrive $0xFFFF  }
0x4fd: {  	_ =	shalt  }

</sc_bundles>
